<compile_context>
chip_gen: v7x
topology: tpu7x:2x2x1
jax: 0.10.2.dev20260603
libtpu: 0.0.44.dev20260713+nightly
codegen_flags: <defaults>
</compile_context>

<pallas_src>
import functools

import jax
import jax.numpy as jnp
from jax.experimental import pallas as pl
from jax.experimental.pallas import tpu as pltpu
from jax.experimental.pallas import tpu_sc as plsc


def _leaky(v):
    return jnp.where(v >= 0, v, 0.01 * v)


def _matmul_bias(x, w, b, tile):
    n, k = x.shape
    f = w.shape[1]

    def kern(x_ref, w_ref, b_ref, o_ref):
        o_ref[...] = (
            jnp.dot(x_ref[...], w_ref[...], preferred_element_type=jnp.float32)
            + b_ref[...]
        )

    return pl.pallas_call(
        kern,
        grid=(n // tile,),
        in_specs=[
            pl.BlockSpec((tile, k), lambda i: (i, 0)),
            pl.BlockSpec((k, f), lambda i: (0, 0)),
            pl.BlockSpec((1, f), lambda i: (0, 0)),
        ],
        out_specs=pl.BlockSpec((tile, f), lambda i: (i, 0)),
        out_shape=jax.ShapeDtypeStruct((n, f), jnp.float32),
    )(x, w, b.reshape(1, f))


def _sc_gather(x, idx2d, win):
    f = x.shape[1]
    e = idx2d.shape[1]
    mesh = plsc.VectorSubcoreMesh(core_axis_name="core", subcore_axis_name="subcore")

    @functools.partial(
        pl.kernel,
        out_type=jax.ShapeDtypeStruct((e, f), x.dtype),
        mesh=mesh,
        compiler_params=pltpu.CompilerParams(use_tc_tiling_on_sc=False),
    )
    def gk(x_hbm, i_hbm, o_hbm):
        def body(i_vmem, o_vmem):
            pltpu.sync_copy(x_hbm.at[i_vmem.at[0]], o_vmem)

        pltpu.emit_pipeline(
            body,
            grid=(e // win,),
            in_specs=[pl.BlockSpec((1, win), lambda i: (0, i))],
            out_specs=[pl.BlockSpec((win, f), lambda i: (i, 0))],
            core_axis_name=("core", "subcore"),
            dimension_semantics=(pltpu.PARALLEL,),
        )(i_hbm, o_hbm)

    return gk(x, idx2d)


def _edge_mm(x_v, g_ref, nf_ref, wsg_ref, wn_ref, b_v, j):
    xg = jnp.concatenate((x_v, g_ref[j]), axis=1)
    y = jnp.dot(xg, wsg_ref[...], preferred_element_type=jnp.float32)
    y = y + jnp.dot(nf_ref[j], wn_ref[...], preferred_element_type=jnp.float32)
    return y + b_v


def _conv_stats(x, g3, nf3, wsg, wn, bf, ta):
    n, f = x.shape
    f2 = wsg.shape[1]
    m = g3.shape[0]

    def kern(x_ref, g_ref, nf_ref, wsg_ref, wn_ref, b_ref, s1_ref, s2_ref):
        x_v = x_ref[...]
        b_v = b_ref[...]
        p1 = jnp.zeros((8, f2), jnp.float32)
        p2 = jnp.zeros((8, f2), jnp.float32)
        for j in range(m):
            y = _edge_mm(x_v, g_ref, nf_ref, wsg_ref, wn_ref, b_v, j)
            q = y.reshape(ta // 8, 8, f2)
            p1 = p1 + jnp.sum(q, axis=0)
            p2 = p2 + jnp.sum(q * q, axis=0)

        @pl.when(pl.program_id(0) == 0)
        def _():
            s1_ref[...] = jnp.zeros_like(s1_ref)
            s2_ref[...] = jnp.zeros_like(s2_ref)

        s1_ref[...] += p1
        s2_ref[...] += p2

    return pl.pallas_call(
        kern,
        grid=(n // ta,),
        in_specs=[
            pl.BlockSpec((ta, f), lambda i: (i, 0)),
            pl.BlockSpec((m, ta, f), lambda i: (0, i, 0)),
            pl.BlockSpec((m, ta, nf3.shape[2]), lambda i: (0, i, 0)),
            pl.BlockSpec(wsg.shape, lambda i: (0, 0)),
            pl.BlockSpec(wn.shape, lambda i: (0, 0)),
            pl.BlockSpec((1, f2), lambda i: (0, 0)),
        ],
        out_specs=[pl.BlockSpec((8, f2), lambda i: (0, 0))] * 2,
        out_shape=[jax.ShapeDtypeStruct((8, f2), jnp.float32)] * 2,
    )(x, g3, nf3, wsg, wn, bf.reshape(1, f2))


def _conv_reduce(x, g3, nf3, wsg, wn, bf, s1, s2, g1, b1, ta, nm):
    n, f = x.shape
    f2 = wsg.shape[1]
    m = g3.shape[0]

    def kern(x_ref, g_ref, nf_ref, wsg_ref, wn_ref, b_ref,
             s1_ref, s2_ref, g1_ref, b1_ref, s_ref, t1_ref, t2_ref):
        mu = jnp.sum(s1_ref[...], axis=0, keepdims=True) / nm
        var = jnp.sum(s2_ref[...], axis=0, keepdims=True) / nm - mu * mu
        r = g1_ref[...] * jax.lax.rsqrt(var + 1e-5)
        shv = b1_ref[...] - mu * r
        x_v = x_ref[...]
        b_v = b_ref[...]
        s = jnp.zeros((ta, f), jnp.float32)
        for j in range(m):
            y = _edge_mm(x_v, g_ref, nf_ref, wsg_ref, wn_ref, b_v, j)
            z = y * r + shv
            filt = 0.5 + 0.5 * jnp.tanh(0.5 * z[:, :f])
            core = _leaky(z[:, f:])
            s = s + filt * core
        s_ref[...] = s
        q = s.reshape(ta // 8, 8, f)

        @pl.when(pl.program_id(0) == 0)
        def _():
            t1_ref[...] = jnp.zeros_like(t1_ref)
            t2_ref[...] = jnp.zeros_like(t2_ref)

        t1_ref[...] += jnp.sum(q, axis=0)
        t2_ref[...] += jnp.sum(q * q, axis=0)

    return pl.pallas_call(
        kern,
        grid=(n // ta,),
        in_specs=[
            pl.BlockSpec((ta, f), lambda i: (i, 0)),
            pl.BlockSpec((m, ta, f), lambda i: (0, i, 0)),
            pl.BlockSpec((m, ta, nf3.shape[2]), lambda i: (0, i, 0)),
            pl.BlockSpec(wsg.shape, lambda i: (0, 0)),
            pl.BlockSpec(wn.shape, lambda i: (0, 0)),
            pl.BlockSpec((1, f2), lambda i: (0, 0)),
            pl.BlockSpec((8, f2), lambda i: (0, 0)),
            pl.BlockSpec((8, f2), lambda i: (0, 0)),
            pl.BlockSpec((1, f2), lambda i: (0, 0)),
            pl.BlockSpec((1, f2), lambda i: (0, 0)),
        ],
        out_specs=[
            pl.BlockSpec((ta, f), lambda i: (i, 0)),
            pl.BlockSpec((8, f), lambda i: (0, 0)),
            pl.BlockSpec((8, f), lambda i: (0, 0)),
        ],
        out_shape=[
            jax.ShapeDtypeStruct((n, f), jnp.float32),
            jax.ShapeDtypeStruct((8, f), jnp.float32),
            jax.ShapeDtypeStruct((8, f), jnp.float32),
        ],
    )(x, g3, nf3, wsg, wn, bf.reshape(1, f2), s1, s2,
      g1.reshape(1, f2), b1.reshape(1, f2))


def _residual_update(x, s, t1, t2, g2, b2, tile, n_rows):
    n, f = x.shape

    def kern(x_ref, s_ref, t1_ref, t2_ref, g2_ref, b2_ref, o_ref):
        mu = jnp.sum(t1_ref[...], axis=0, keepdims=True) / n_rows
        var = jnp.sum(t2_ref[...], axis=0, keepdims=True) / n_rows - mu * mu
        r = g2_ref[...] * jax.lax.rsqrt(var + 1e-5)
        shv = b2_ref[...] - mu * r
        o_ref[...] = _leaky(x_ref[...] + s_ref[...] * r + shv)

    return pl.pallas_call(
        kern,
        grid=(n // tile,),
        in_specs=[
            pl.BlockSpec((tile, f), lambda i: (i, 0)),
            pl.BlockSpec((tile, f), lambda i: (i, 0)),
            pl.BlockSpec((8, f), lambda i: (0, 0)),
            pl.BlockSpec((8, f), lambda i: (0, 0)),
            pl.BlockSpec((1, f), lambda i: (0, 0)),
            pl.BlockSpec((1, f), lambda i: (0, 0)),
        ],
        out_specs=pl.BlockSpec((tile, f), lambda i: (i, 0)),
        out_shape=jax.ShapeDtypeStruct((n, f), jnp.float32),
    )(x, s, t1, t2, g2.reshape(1, f), b2.reshape(1, f))


def kernel(atom_fea, nbr_fea, nbr_fea_idx, W_emb, b_emb, convs):
    n, orig = atom_fea.shape
    _, m, nbrf = nbr_fea.shape
    f = W_emb.shape[1]
    nm = n * m
    win = 480
    assert nm % win == 0

    nf3 = nbr_fea.transpose(1, 0, 2)
    idx2d = nbr_fea_idx.T.reshape(1, nm).astype(jnp.int32)

    x = _matmul_bias(atom_fea, W_emb, b_emb, 2000)

    ta = 1000
    for (Wf, bf, g1, b1, g2, b2) in convs:
        wsg, wn = Wf[: 2 * f], Wf[2 * f:]
        g3 = _sc_gather(x, idx2d, win).reshape(m, n, f)
        s1, s2 = _conv_stats(x, g3, nf3, wsg, wn, bf, ta)
        s, t1, t2 = _conv_reduce(x, g3, nf3, wsg, wn, bf, s1, s2, g1, b1, ta, nm)
        x = _residual_update(x, s, t1, t2, g2, b2, 2000, n)
    return x

# --- scband reference (transcript-rebuilt; emitter-appended) ---
"""Pipeline reference for scband-crystal-graph-conv-net-33741263078232 (READ-ONLY COPY).

The authoritative reference and input builder live on the scoring server;
editing this copy changes nothing except your own understanding.
"""

import jax, jax.numpy as jnp
import numpy as np

N = 50000
M = 12
ORIG = 92
NBR = 41
F = 64
NCONV = 3


def _leaky(x, s=0.01):
    return jnp.where(x >= 0, x, s * x)


def _bn(x, g, b, eps=1e-5):
    mu = jnp.mean(x, axis=0)
    var = jnp.var(x, axis=0)
    return (x - mu) / jnp.sqrt(var + eps) * g + b


def _conv(x, nbr_fea, nbr_idx, p):
    Wf, bf, g1, b1, g2, b2 = p
    n, m = nbr_idx.shape
    atom_nbr_fea = x[nbr_idx]
    self_fea = jnp.broadcast_to(x[:, None, :], (n, m, x.shape[1]))
    total_nbr_fea = jnp.concatenate([self_fea, atom_nbr_fea, nbr_fea], axis=2)
    total_gated = total_nbr_fea @ Wf + bf
    total_gated = _bn(total_gated.reshape(-1, total_gated.shape[-1]), g1, b1).reshape(n, m, -1)
    nbr_filter, nbr_core = jnp.split(total_gated, 2, axis=2)
    nbr_filter = jax.nn.sigmoid(nbr_filter)
    nbr_core = _leaky(nbr_core)
    nbr_sumed = jnp.sum(nbr_filter * nbr_core, axis=1)
    nbr_sumed = _bn(nbr_sumed, g2, b2)
    return _leaky(x + nbr_sumed)


def setup_inputs(seed: int = 0):
    key = jax.random.key(seed)
    ks = jax.random.split(key, 6)
    atom_fea = jax.random.normal(ks[0], (N, ORIG), dtype=jnp.float32)
    nbr_fea = jax.random.normal(ks[1], (N, M, NBR), dtype=jnp.float32)
    nbr_fea_idx = jax.random.randint(ks[2], (N, M), 0, N)
    W_emb = jax.random.normal(ks[3], (ORIG, F), dtype=jnp.float32) / np.sqrt(ORIG)
    b_emb = jnp.zeros((F,), jnp.float32)
    convs = []
    for i in range(NCONV):
        kk = jax.random.fold_in(key, 100 + i)
        Wf = jax.random.normal(kk, (2 * F + NBR, 2 * F), dtype=jnp.float32) / np.sqrt(2 * F + NBR)
        bf = jnp.zeros((2 * F,), jnp.float32)
        convs.append((Wf, bf, jnp.ones((2 * F,), jnp.float32), jnp.zeros((2 * F,), jnp.float32), jnp.ones((F,), jnp.float32), jnp.zeros((F,), jnp.float32)))
    return {"atom_fea": atom_fea, "nbr_fea": nbr_fea, "nbr_fea_idx": nbr_fea_idx, "W_emb": W_emb, "b_emb": b_emb, "convs": tuple(convs)}


def reference(atom_fea, nbr_fea, nbr_fea_idx, W_emb, b_emb, convs):
    x = atom_fea @ W_emb + b_emb
    for p in convs:
        x = _conv(x, nbr_fea, nbr_fea_idx, p)
    return x

if __name__ == "__main__":
    import jax
    _d = setup_inputs()
    print(jax.jit(kernel)(*tuple(_d.values())))

</pallas_src>

<mosaic_0001>
#map = affine_map<(d0, d1) -> (0, 0)>
module attributes {stable_mosaic.version = 14 : i64} {
  func.func @gk(%arg0: i32, %arg1: i32, %arg2: memref<50000x64xf32, #tpu.memory_space<hbm>>, %arg3: memref<1x600000xi32, #tpu.memory_space<hbm>>, %arg4: memref<600000x64xf32, #tpu.memory_space<hbm>>) attributes {dimension_semantics = [#tpu.dimension_semantics<core_parallel>, #tpu.dimension_semantics<subcore_parallel>], iteration_bounds = array<i64: 2, 16>, scalar_prefetch = 0 : i64, scratch_operands = 0 : i64, tpu.core_type = #tpu.core_type<sc_vector_subcore>, window_params = [{transform_indices = #map}, {transform_indices = #map}, {transform_indices = #map}]} {
    %mul3A = arith.constant 1 : i32
    %mul3A_0 = arith.muli %arg1, %mul3A : i32
    %add3A = arith.constant 0 : i32
    %add3A_1 = arith.addi %add3A, %mul3A_0 : i32
    %mul3A_2 = arith.constant 16 : i32
    %mul3A_3 = arith.muli %arg0, %mul3A_2 : i32
    %add3A_4 = arith.addi %add3A_1, %mul3A_3 : i32
    %lt3A = arith.constant 2 : i32
    %lt3A_5 = arith.cmpi slt, %add3A_4, %lt3A : i32
    %jit3A = arith.constant 40 : i32
    %jit3A_6 = arith.constant 39 : i32
    %select_n3A = arith.select %lt3A_5, %jit3A, %jit3A_6 : i32
    %lt3A_7 = arith.constant 2 : i32
    %lt3A_8 = arith.cmpi slt, %add3A_4, %lt3A_7 : i32
    %mul3A_9 = arith.muli %add3A_4, %select_n3A : i32
    %mul3A_10 = arith.constant 39 : i32
    %mul3A_11 = arith.muli %add3A_4, %mul3A_10 : i32
    %add3A_12 = arith.constant 2 : i32
    %add3A_13 = arith.addi %mul3A_11, %add3A_12 : i32
    %select_n3A_14 = arith.select %lt3A_8, %mul3A_9, %add3A_13 : i32
    %mul3A_15 = arith.constant 1 : i32
    %mul3A_16 = arith.muli %mul3A_15, %select_n3A : i32
    "tpu.region"() ({
      %run_scoped3A = memref.alloca() : memref<2x1x480xi32, #tpu.memory_space<vmem>>
      %run_scoped3A_17 = tpu.sem_alloc : memref<2x!tpu.dma_semaphore, #tpu.memory_space<semaphore_mem>>
      %run_scoped3A_18 = memref.alloca() : memref<2x480x64xf32, #tpu.memory_space<vmem>>
      %run_scoped3A_19 = tpu.sem_alloc : memref<2x!tpu.dma_semaphore, #tpu.memory_space<semaphore_mem>>
      %gt3A = arith.constant 0 : i32
      %gt3A_20 = arith.cmpi sgt, %mul3A_16, %gt3A : i32
      %convert_element_type3A = arith.extui %gt3A_20 : i1 to i32
      %cond3A = arith.constant 0 : i32
      %cond3A_21 = arith.cmpi ne, %convert_element_type3A, %cond3A : i32
      scf.if %cond3A_21 {
        %mul3A_22 = arith.constant 1 : i32
        %mul3A_23 = arith.muli %mul3A_22, %select_n3A : i32
        %sub3A = arith.constant 1 : i32
        %sub3A_24 = arith.subi %mul3A_23, %sub3A : i32
        %eq3A = arith.constant 0 : i32
        %eq3A_25 = arith.cmpi eq, %sub3A_24, %eq3A : i32
        %add3A_26 = arith.constant 0 : i32
        %add3A_27 = arith.addi %add3A_26, %select_n3A_14 : i32
        %select_n3A_28 = arith.constant true
        %select_n3A_29 = arith.constant 0 : i32
        %select_n3A_30 = arith.constant -1 : i32
        %select_n3A_31 = arith.select %select_n3A_28, %select_n3A_30, %select_n3A_29 : i32
        %eq3A_32 = arith.constant -1 : i32
        %eq3A_33 = arith.cmpi eq, %select_n3A_31, %eq3A_32 : i32
        %sub3A_34 = arith.constant 1 : i32
        %sub3A_35 = arith.subi %select_n3A, %sub3A_34 : i32
        %select_n3A_36 = arith.select %eq3A_33, %sub3A_35, %select_n3A_31 : i32
        %add3A_37 = arith.addi %select_n3A_36, %select_n3A_14 : i32
        %select_n3A_38 = arith.constant true
        %select_n3A_39 = arith.constant 0 : i32
        %select_n3A_40 = arith.constant 1 : i32
        %select_n3A_41 = arith.select %select_n3A_38, %select_n3A_40, %select_n3A_39 : i32
        %eq3A_42 = arith.cmpi eq, %select_n3A_41, %select_n3A : i32
        %select_n3A_43 = arith.constant 0 : i32
        %select_n3A_44 = arith.select %eq3A_42, %select_n3A_43, %select_n3A_41 : i32
        %add3A_45 = arith.addi %select_n3A_44, %select_n3A_14 : i32
        %add3A_46 = arith.constant 1 : i32
        %add3A_47 = arith.addi %select_n3A_44, %add3A_46 : i32
        %select_n3A_48 = arith.constant true
        %select_n3A_49 = arith.select %select_n3A_48, %add3A_47, %select_n3A_44 : i32
        %eq3A_50 = arith.cmpi eq, %select_n3A_49, %select_n3A : i32
        %select_n3A_51 = arith.constant 0 : i32
        %select_n3A_52 = arith.select %eq3A_50, %select_n3A_51, %select_n3A_49 : i32
        %add3A_53 = arith.addi %select_n3A_52, %select_n3A_14 : i32
        "tpu.trace_start"() <{level = 10 : i32, message = "ep_initialize_0"}> : () -> ()
        %rem3A = arith.constant 0 : i32
        %rem3A_54 = arith.constant 2 : i32
        %rem3A_55 = arith.remui %rem3A, %rem3A_54 : i32
        %mul3A_56 = arith.constant 480 : i32
        %mul3A_57 = arith.muli %mul3A_56, %add3A_27 : i32
        %dma_start3A = arith.constant 0 : i32
        %dma_start3A_58 = arith.constant 0 : i32
        %dma_start3A_59 = tpu.memref_slice %run_scoped3A[%rem3A_55, %dma_start3A, %dma_start3A_58] : memref<2x1x480xi32, #tpu.memory_space<vmem>> -> memref<1x1x480xi32, #tpu.memory_space<vmem>>
        %dma_start3A_60 = tpu.memref_squeeze %dma_start3A_59 : memref<1x1x480xi32, #tpu.memory_space<vmem>> -> memref<1x480xi32, #tpu.memory_space<vmem>>
        %dma_start3A_61 = arith.constant 0 : i32
        %dma_start3A_62 = tpu.memref_slice %arg3[%dma_start3A_61, %mul3A_57] : memref<1x600000xi32, #tpu.memory_space<hbm>> -> memref<1x480xi32, #tpu.memory_space<hbm>>
        %dma_start3A_63 = tpu.memref_slice %run_scoped3A_17[%rem3A_55] : memref<2x!tpu.dma_semaphore, #tpu.memory_space<semaphore_mem>> -> memref<1x!tpu.dma_semaphore, #tpu.memory_space<semaphore_mem>>
        %dma_start3A_64 = tpu.memref_squeeze %dma_start3A_63 : memref<1x!tpu.dma_semaphore, #tpu.memory_space<semaphore_mem>> -> memref<!tpu.dma_semaphore, #tpu.memory_space<semaphore_mem>>
        %dma_start3A_65 = arith.constant 0 : i32
        %dma_start3A_66 = arith.constant 0 : i32
        %dma_start3A_67 = tpu.memref_slice %run_scoped3A[%rem3A_55, %dma_start3A_65, %dma_start3A_66] : memref<2x1x480xi32, #tpu.memory_space<vmem>> -> memref<1x1x480xi32, #tpu.memory_space<vmem>>
        %dma_start3A_68 = tpu.memref_squeeze %dma_start3A_67 : memref<1x1x480xi32, #tpu.memory_space<vmem>> -> memref<1x480xi32, #tpu.memory_space<vmem>>
        %dma_start3A_69 = arith.constant 0 : i32
        %dma_start3A_70 = tpu.memref_slice %arg3[%dma_start3A_69, %mul3A_57] : memref<1x600000xi32, #tpu.memory_space<hbm>> -> memref<1x480xi32, #tpu.memory_space<hbm>>
        tpu.enqueue_dma source(%dma_start3A_70 : memref<1x480xi32, #tpu.memory_space<hbm>>) target(%dma_start3A_68 : memref<1x480xi32, #tpu.memory_space<vmem>>) target_semaphore(%dma_start3A_64 : memref<!tpu.dma_semaphore, #tpu.memory_space<semaphore_mem>>)
        %add3A_71 = arith.constant 0 : i32
        %add3A_72 = arith.constant 1 : i32
        %add3A_73 = arith.addi %add3A_71, %add3A_72 : i32
        %select_n3A_74 = arith.constant true
        %select_n3A_75 = arith.constant 0 : i32
        %select_n3A_76 = arith.select %select_n3A_74, %add3A_73, %select_n3A_75 : i32
        %while3A = arith.constant 0 : i32
        %while3A_77 = arith.constant 0 : i32
        %while3A_78 = arith.constant 0 : i32
        %while3A_79 = arith.constant 0 : i32
        %while3A_80 = arith.constant 0 : i32
        "tpu.trace_stop"() : () -> ()
        %while3A_81 = arith.subi %mul3A_16, %while3A : i32
        %while3A_82 = arith.addi %while3A, %while3A_81 : i32
        %while3A_83 = arith.constant 1 : i32
        %while3A_84 = arith.divsi %while3A_81, %while3A_83 : i32
        %while3A_85 = arith.muli %while3A_84, %while3A_83 : i32
        %while3A_86 = arith.addi %while3A, %while3A_85 : i32
        %while3A_87 = arith.constant 1 : i32
        %while3A_88:5 = scf.for %while3A_142 = %while3A to %while3A_86 step %while3A_87 iter_args(%while3A_143 = %select_n3A_76, %while3A_144 = %while3A_77, %while3A_145 = %while3A_78, %while3A_146 = %while3A_79, %while3A_147 = %while3A_80) -> (i32, i32, i32, i32, i32)  : i32 {
          %mul3A_148 = arith.constant 1 : i32
          %mul3A_149 = arith.muli %mul3A_148, %select_n3A : i32
          %eq3A_150 = arith.constant 0 : i32
          %eq3A_151 = arith.cmpi eq, %while3A_142, %eq3A_150 : i32
          %sub3A_152 = arith.constant 1 : i32
          %sub3A_153 = arith.subi %mul3A_149, %sub3A_152 : i32
          %eq3A_154 = arith.cmpi eq, %while3A_142, %sub3A_153 : i32
          %add3A_155 = arith.addi %while3A_147, %select_n3A_14 : i32
          %sub3A_156 = arith.constant 1 : i32
          %sub3A_157 = arith.subi %while3A_147, %sub3A_156 : i32
          %select_n3A_158 = arith.constant true
          %select_n3A_159 = arith.select %select_n3A_158, %sub3A_157, %while3A_147 : i32
          %eq3A_160 = arith.constant -1 : i32
          %eq3A_161 = arith.cmpi eq, %select_n3A_159, %eq3A_160 : i32
          %sub3A_162 = arith.constant 1 : i32
          %sub3A_163 = arith.subi %select_n3A, %sub3A_162 : i32
          %select_n3A_164 = arith.select %eq3A_161, %sub3A_163, %select_n3A_159 : i32
          %add3A_165 = arith.addi %select_n3A_164, %select_n3A_14 : i32
          %add3A_166 = arith.constant 1 : i32
          %add3A_167 = arith.addi %while3A_147, %add3A_166 : i32
          %select_n3A_168 = arith.constant true
          %select_n3A_169 = arith.select %select_n3A_168, %add3A_167, %while3A_147 : i32
          %eq3A_170 = arith.cmpi eq, %select_n3A_169, %select_n3A : i32
          %select_n3A_171 = arith.constant 0 : i32
          %select_n3A_172 = arith.select %eq3A_170, %select_n3A_171, %select_n3A_169 : i32
          %add3A_173 = arith.addi %select_n3A_172, %select_n3A_14 : i32
          %add3A_174 = arith.constant 1 : i32
          %add3A_175 = arith.addi %select_n3A_172, %add3A_174 : i32
          %select_n3A_176 = arith.constant true
          %select_n3A_177 = arith.select %select_n3A_176, %add3A_175, %select_n3A_172 : i32
          %eq3A_178 = arith.cmpi eq, %select_n3A_177, %select_n3A : i32
          %select_n3A_179 = arith.constant 0 : i32
          %select_n3A_180 = arith.select %eq3A_178, %select_n3A_179, %select_n3A_177 : i32
          %add3A_181 = arith.addi %select_n3A_180, %select_n3A_14 : i32
          %ne3A = arith.cmpi ne, %add3A_155, %add3A_173 : i32
          %or3A = arith.constant false
          %or3A_182 = arith.ori %or3A, %ne3A : i1
          %sub3A_183 = arith.constant 2 : i32
          %sub3A_184 = arith.subi %mul3A_149, %sub3A_183 : i32
          %add3A_185 = arith.constant 1 : i32
          %add3A_186 = arith.addi %sub3A_184, %add3A_185 : i32
          %ge3A = arith.cmpi sge, %while3A_142, %add3A_186 : i32
          %not3A = arith.constant true
          %not3A_187 = arith.xori %ge3A, %not3A : i1
          %and3A = arith.andi %or3A_182, %not3A_187 : i1
          %convert_element_type3A_188 = arith.extui %and3A : i1 to i32
          %cond3A_189 = arith.constant 0 : i32
          %cond3A_190 = arith.cmpi ne, %convert_element_type3A_188, %cond3A_189 : i32
          scf.if %cond3A_190 {
            "tpu.trace_start"() <{level = 10 : i32, message = "ep_copy_in"}> : () -> ()
            %rem3A_294 = arith.constant 2 : i32
            %rem3A_295 = arith.remui %while3A_143, %rem3A_294 : i32
            %mul3A_296 = arith.constant 480 : i32
            %mul3A_297 = arith.muli %mul3A_296, %add3A_173 : i32
            %dma_start3A_298 = arith.constant 0 : i32
            %dma_start3A_299 = arith.constant 0 : i32
            %dma_start3A_300 = tpu.memref_slice %run_scoped3A[%rem3A_295, %dma_start3A_298, %dma_start3A_299] : memref<2x1x480xi32, #tpu.memory_space<vmem>> -> memref<1x1x480xi32, #tpu.memory_space<vmem>>
            %dma_start3A_301 = tpu.memref_squeeze %dma_start3A_300 : memref<1x1x480xi32, #tpu.memory_space<vmem>> -> memref<1x480xi32, #tpu.memory_space<vmem>>
            %dma_start3A_302 = arith.constant 0 : i32
            %dma_start3A_303 = tpu.memref_slice %arg3[%dma_start3A_302, %mul3A_297] : memref<1x600000xi32, #tpu.memory_space<hbm>> -> memref<1x480xi32, #tpu.memory_space<hbm>>
            %dma_start3A_304 = tpu.memref_slice %run_scoped3A_17[%rem3A_295] : memref<2x!tpu.dma_semaphore, #tpu.memory_space<semaphore_mem>> -> memref<1x!tpu.dma_semaphore, #tpu.memory_space<semaphore_mem>>
            %dma_start3A_305 = tpu.memref_squeeze %dma_start3A_304 : memref<1x!tpu.dma_semaphore, #tpu.memory_space<semaphore_mem>> -> memref<!tpu.dma_semaphore, #tpu.memory_space<semaphore_mem>>
            %dma_start3A_306 = arith.constant 0 : i32
            %dma_start3A_307 = arith.constant 0 : i32
            %dma_start3A_308 = tpu.memref_slice %run_scoped3A[%rem3A_295, %dma_start3A_306, %dma_start3A_307] : memref<2x1x480xi32, #tpu.memory_space<vmem>> -> memref<1x1x480xi32, #tpu.memory_space<vmem>>
            %dma_start3A_309 = tpu.memref_squeeze %dma_start3A_308 : memref<1x1x480xi32, #tpu.memory_space<vmem>> -> memref<1x480xi32, #tpu.memory_space<vmem>>
            %dma_start3A_310 = arith.constant 0 : i32
            %dma_start3A_311 = tpu.memref_slice %arg3[%dma_start3A_310, %mul3A_297] : memref<1x600000xi32, #tpu.memory_space<hbm>> -> memref<1x480xi32, #tpu.memory_space<hbm>>
            tpu.enqueue_dma source(%dma_start3A_311 : memref<1x480xi32, #tpu.memory_space<hbm>>) target(%dma_start3A_309 : memref<1x480xi32, #tpu.memory_space<vmem>>) target_semaphore(%dma_start3A_305 : memref<!tpu.dma_semaphore, #tpu.memory_space<semaphore_mem>>)
            "tpu.trace_stop"() : () -> ()
          } else {
          }
          %and3A_191 = arith.constant true
          %and3A_192 = arith.andi %and3A, %and3A_191 : i1
          %add3A_193 = arith.constant 1 : i32
          %add3A_194 = arith.addi %while3A_143, %add3A_193 : i32
          %select_n3A_195 = arith.select %and3A_192, %add3A_194, %while3A_143 : i32
          %ne3A_196 = arith.cmpi ne, %add3A_155, %add3A_173 : i32
          %or3A_197 = arith.constant false
          %or3A_198 = arith.ori %or3A_197, %ne3A_196 : i1
          %or3A_199 = arith.constant false
          %or3A_200 = arith.ori %or3A_198, %or3A_199 : i1
          %sub3A_201 = arith.constant 2 : i32
          %sub3A_202 = arith.subi %mul3A_149, %sub3A_201 : i32
          %add3A_203 = arith.constant 1 : i32
          %add3A_204 = arith.addi %sub3A_202, %add3A_203 : i32
          %ge3A_205 = arith.cmpi sge, %while3A_142, %add3A_204 : i32
          %not3A_206 = arith.constant true
          %not3A_207 = arith.xori %ge3A_205, %not3A_206 : i1
          %and3A_208 = arith.andi %or3A_200, %not3A_207 : i1
          %ne3A_209 = arith.cmpi ne, %add3A_155, %add3A_165 : i32
          %or3A_210 = arith.constant false
          %or3A_211 = arith.ori %or3A_210, %ne3A_209 : i1
          %or3A_212 = arith.ori %or3A_211, %eq3A_151 : i1
          %convert_element_type3A_213 = arith.extui %or3A_212 : i1 to i32
          %cond3A_214 = arith.constant 0 : i32
          %cond3A_215 = arith.cmpi ne, %convert_element_type3A_213, %cond3A_214 : i32
          scf.if %cond3A_215 {
            "tpu.trace_start"() <{level = 10 : i32, message = "ep_wait_in"}> : () -> ()
            %mul3A_294 = arith.constant 480 : i32
            %mul3A_295 = arith.muli %mul3A_294, %add3A_155 : i32
            %rem3A_296 = arith.constant 2 : i32
            %rem3A_297 = arith.remui %while3A_144, %rem3A_296 : i32
            %dma_wait3A = arith.constant 0 : i32
            %dma_wait3A_298 = arith.constant 0 : i32
            %dma_wait3A_299 = tpu.memref_slice %run_scoped3A[%rem3A_297, %dma_wait3A, %dma_wait3A_298] : memref<2x1x480xi32, #tpu.memory_space<vmem>> -> memref<1x1x480xi32, #tpu.memory_space<vmem>>
            %dma_wait3A_300 = tpu.memref_squeeze %dma_wait3A_299 : memref<1x1x480xi32, #tpu.memory_space<vmem>> -> memref<1x480xi32, #tpu.memory_space<vmem>>
            %dma_wait3A_301 = arith.constant 0 : i32
            %dma_wait3A_302 = tpu.memref_slice %arg3[%dma_wait3A_301, %mul3A_295] : memref<1x600000xi32, #tpu.memory_space<hbm>> -> memref<1x480xi32, #tpu.memory_space<hbm>>
            %dma_wait3A_303 = tpu.memref_slice %run_scoped3A_17[%rem3A_297] : memref<2x!tpu.dma_semaphore, #tpu.memory_space<semaphore_mem>> -> memref<1x!tpu.dma_semaphore, #tpu.memory_space<semaphore_mem>>
            %dma_wait3A_304 = tpu.memref_squeeze %dma_wait3A_303 : memref<1x!tpu.dma_semaphore, #tpu.memory_space<semaphore_mem>> -> memref<!tpu.dma_semaphore, #tpu.memory_space<semaphore_mem>>
            %dma_wait3A_305 = arith.constant 0 : i32
            %dma_wait3A_306 = arith.constant 0 : i32
            %dma_wait3A_307 = tpu.memref_slice %run_scoped3A[%rem3A_297, %dma_wait3A_305, %dma_wait3A_306] : memref<2x1x480xi32, #tpu.memory_space<vmem>> -> memref<1x1x480xi32, #tpu.memory_space<vmem>>
            %dma_wait3A_308 = tpu.memref_squeeze %dma_wait3A_307 : memref<1x1x480xi32, #tpu.memory_space<vmem>> -> memref<1x480xi32, #tpu.memory_space<vmem>>
            %dma_wait3A_309 = arith.constant 0 : i32
            %dma_wait3A_310 = tpu.memref_slice %arg3[%dma_wait3A_309, %mul3A_295] : memref<1x600000xi32, #tpu.memory_space<hbm>> -> memref<1x480xi32, #tpu.memory_space<hbm>>
            tpu.wait_dma2 semaphore(%dma_wait3A_304 : memref<!tpu.dma_semaphore, #tpu.memory_space<semaphore_mem>>) src(%dma_wait3A_310 : memref<1x480xi32, #tpu.memory_space<hbm>>) dst(%dma_wait3A_308 : memref<1x480xi32, #tpu.memory_space<vmem>>)
            "tpu.trace_stop"() : () -> ()
          } else {
          }
          %ne3A_216 = arith.cmpi ne, %add3A_155, %add3A_165 : i32
          %or3A_217 = arith.constant false
          %or3A_218 = arith.ori %or3A_217, %ne3A_216 : i1
          %or3A_219 = arith.constant false
          %or3A_220 = arith.ori %or3A_218, %or3A_219 : i1
          %or3A_221 = arith.ori %or3A_220, %eq3A_151 : i1
          %convert_element_type3A_222 = arith.extui %or3A_221 : i1 to i32
          %cond3A_223 = arith.constant 0 : i32
          %cond3A_224 = arith.cmpi ne, %convert_element_type3A_222, %cond3A_223 : i32
          scf.if %cond3A_224 {
          } else {
          }
          %rem3A_225 = arith.constant 2 : i32
          %rem3A_226 = arith.remui %while3A_144, %rem3A_225 : i32
          %rem3A_227 = arith.constant 2 : i32
          %rem3A_228 = arith.remui %while3A_145, %rem3A_227 : i32
          %run_scoped3A_229 = arith.constant 0 : i32
          "tpu.trace_start"() <{level = 10 : i32, message = "ep_run_kernel"}> : () -> ()
          "tpu.region"() ({
            %run_scoped3A_294 = tpu.sem_alloc : memref<!tpu.dma_semaphore, #tpu.memory_space<semaphore_mem>>
            %dma_start3A_295 = arith.constant 0 : i32
            %dma_start3A_296 = arith.constant 0 : i32
            %dma_start3A_297 = tpu.memref_slice %run_scoped3A_18[%rem3A_228, %dma_start3A_295, %dma_start3A_296] : memref<2x480x64xf32, #tpu.memory_space<vmem>> -> memref<1x480x64xf32, #tpu.memory_space<vmem>>
            %dma_start3A_298 = tpu.memref_squeeze %dma_start3A_297 : memref<1x480x64xf32, #tpu.memory_space<vmem>> -> memref<480x64xf32, #tpu.memory_space<vmem>>
            %dma_start3A_299 = arith.constant 0 : i32
            %dma_start3A_300 = arith.constant 0 : i32
            %dma_start3A_301 = tpu.memref_slice %run_scoped3A[%rem3A_226, %dma_start3A_299, %dma_start3A_300] : memref<2x1x480xi32, #tpu.memory_space<vmem>> -> memref<1x1x480xi32, #tpu.memory_space<vmem>>
            %dma_start3A_302 = tpu.memref_squeeze %dma_start3A_301 : memref<1x1x480xi32, #tpu.memory_space<vmem>> -> memref<1x480xi32, #tpu.memory_space<vmem>>
            %dma_start3A_303 = arith.constant 0 : i32
            %dma_start3A_304 = tpu.memref_slice %dma_start3A_302[%run_scoped3A_229, %dma_start3A_303] : memref<1x480xi32, #tpu.memory_space<vmem>> -> memref<1x480xi32, #tpu.memory_space<vmem>>
            %dma_start3A_305 = tpu.memref_squeeze %dma_start3A_304 : memref<1x480xi32, #tpu.memory_space<vmem>> -> memref<480xi32, #tpu.memory_space<vmem>>
            %dma_start3A_306 = arith.constant 0 : i32
            %dma_start3A_307 = arith.constant 0 : i32
            %dma_start3A_308 = tpu.memref_slice %arg2[%dma_start3A_306, %dma_start3A_307] : memref<50000x64xf32, #tpu.memory_space<hbm>> -> memref<50000x64xf32, #tpu.memory_space<hbm>>
            tpu.enqueue_indirect_dma source(%dma_start3A_308 : memref<50000x64xf32, #tpu.memory_space<hbm>>) target(%dma_start3A_298 : memref<480x64xf32, #tpu.memory_space<vmem>>) offsets(%dma_start3A_305 : memref<480xi32, #tpu.memory_space<vmem>>) semaphore(%run_scoped3A_294 : memref<!tpu.dma_semaphore, #tpu.memory_space<semaphore_mem>>)
            %dma_wait3A = arith.constant 0 : i32
            %dma_wait3A_309 = arith.constant 0 : i32
            %dma_wait3A_310 = tpu.memref_slice %run_scoped3A_18[%rem3A_228, %dma_wait3A, %dma_wait3A_309] : memref<2x480x64xf32, #tpu.memory_space<vmem>> -> memref<1x480x64xf32, #tpu.memory_space<vmem>>
            %dma_wait3A_311 = tpu.memref_squeeze %dma_wait3A_310 : memref<1x480x64xf32, #tpu.memory_space<vmem>> -> memref<480x64xf32, #tpu.memory_space<vmem>>
            %dma_wait3A_312 = arith.constant 0 : i32
            %dma_wait3A_313 = arith.constant 0 : i32
            %dma_wait3A_314 = tpu.memref_slice %run_scoped3A[%rem3A_226, %dma_wait3A_312, %dma_wait3A_313] : memref<2x1x480xi32, #tpu.memory_space<vmem>> -> memref<1x1x480xi32, #tpu.memory_space<vmem>>
            %dma_wait3A_315 = tpu.memref_squeeze %dma_wait3A_314 : memref<1x1x480xi32, #tpu.memory_space<vmem>> -> memref<1x480xi32, #tpu.memory_space<vmem>>
            %dma_wait3A_316 = arith.constant 0 : i32
            %dma_wait3A_317 = tpu.memref_slice %dma_wait3A_315[%run_scoped3A_229, %dma_wait3A_316] : memref<1x480xi32, #tpu.memory_space<vmem>> -> memref<1x480xi32, #tpu.memory_space<vmem>>
            %dma_wait3A_318 = tpu.memref_squeeze %dma_wait3A_317 : memref<1x480xi32, #tpu.memory_space<vmem>> -> memref<480xi32, #tpu.memory_space<vmem>>
            %dma_wait3A_319 = arith.constant 0 : i32
            %dma_wait3A_320 = arith.constant 0 : i32
            %dma_wait3A_321 = tpu.memref_slice %arg2[%dma_wait3A_319, %dma_wait3A_320] : memref<50000x64xf32, #tpu.memory_space<hbm>> -> memref<50000x64xf32, #tpu.memory_space<hbm>>
            tpu.wait_indirect_dma semaphore(%run_scoped3A_294 : memref<!tpu.dma_semaphore, #tpu.memory_space<semaphore_mem>>) src(%dma_wait3A_321 : memref<50000x64xf32, #tpu.memory_space<hbm>>) dst(%dma_wait3A_311 : memref<480x64xf32, #tpu.memory_space<vmem>>)
            tpu.yield
          }) : () -> ()
          "tpu.trace_stop"() : () -> ()
          %ne3A_230 = arith.cmpi ne, %add3A_155, %add3A_173 : i32
          %or3A_231 = arith.constant false
          %or3A_232 = arith.ori %or3A_231, %ne3A_230 : i1
          %or3A_233 = arith.ori %or3A_232, %eq3A_154 : i1
          %convert_element_type3A_234 = arith.extui %or3A_233 : i1 to i32
          %cond3A_235 = arith.constant 0 : i32
          %cond3A_236 = arith.cmpi ne, %convert_element_type3A_234, %cond3A_235 : i32
          scf.if %cond3A_236 {
          } else {
          }
          %and3A_237 = arith.constant false
          %and3A_238 = arith.andi %or3A_233, %and3A_237 : i1
          %ne3A_239 = arith.cmpi ne, %add3A_155, %add3A_173 : i32
          %or3A_240 = arith.constant false
          %or3A_241 = arith.ori %or3A_240, %ne3A_239 : i1
          %or3A_242 = arith.constant false
          %or3A_243 = arith.ori %or3A_241, %or3A_242 : i1
          %or3A_244 = arith.ori %or3A_243, %eq3A_154 : i1
          %convert_element_type3A_245 = arith.extui %or3A_244 : i1 to i32
          %cond3A_246 = arith.constant 0 : i32
          %cond3A_247 = arith.cmpi ne, %convert_element_type3A_245, %cond3A_246 : i32
          scf.if %cond3A_247 {
            "tpu.trace_start"() <{level = 10 : i32, message = "ep_copy_out"}> : () -> ()
            %rem3A_294 = arith.constant 2 : i32
            %rem3A_295 = arith.remui %while3A_145, %rem3A_294 : i32
            %mul3A_296 = arith.constant 480 : i32
            %mul3A_297 = arith.muli %mul3A_296, %add3A_155 : i32
            %dma_start3A_298 = arith.constant 0 : i32
            %dma_start3A_299 = arith.constant 0 : i32
            %dma_start3A_300 = tpu.memref_slice %run_scoped3A_18[%rem3A_295, %dma_start3A_298, %dma_start3A_299] : memref<2x480x64xf32, #tpu.memory_space<vmem>> -> memref<1x480x64xf32, #tpu.memory_space<vmem>>
            %dma_start3A_301 = tpu.memref_squeeze %dma_start3A_300 : memref<1x480x64xf32, #tpu.memory_space<vmem>> -> memref<480x64xf32, #tpu.memory_space<vmem>>
            %dma_start3A_302 = arith.constant 0 : i32
            %dma_start3A_303 = tpu.memref_slice %arg4[%mul3A_297, %dma_start3A_302] : memref<600000x64xf32, #tpu.memory_space<hbm>> -> memref<480x64xf32, #tpu.memory_space<hbm>>
            %dma_start3A_304 = tpu.memref_slice %run_scoped3A_19[%rem3A_295] : memref<2x!tpu.dma_semaphore, #tpu.memory_space<semaphore_mem>> -> memref<1x!tpu.dma_semaphore, #tpu.memory_space<semaphore_mem>>
            %dma_start3A_305 = tpu.memref_squeeze %dma_start3A_304 : memref<1x!tpu.dma_semaphore, #tpu.memory_space<semaphore_mem>> -> memref<!tpu.dma_semaphore, #tpu.memory_space<semaphore_mem>>
            %dma_start3A_306 = arith.constant 0 : i32
            %dma_start3A_307 = tpu.memref_slice %arg4[%mul3A_297, %dma_start3A_306] : memref<600000x64xf32, #tpu.memory_space<hbm>> -> memref<480x64xf32, #tpu.memory_space<hbm>>
            %dma_start3A_308 = arith.constant 0 : i32
            %dma_start3A_309 = arith.constant 0 : i32
            %dma_start3A_310 = tpu.memref_slice %run_scoped3A_18[%rem3A_295, %dma_start3A_308, %dma_start3A_309] : memref<2x480x64xf32, #tpu.memory_space<vmem>> -> memref<1x480x64xf32, #tpu.memory_space<vmem>>
            %dma_start3A_311 = tpu.memref_squeeze %dma_start3A_310 : memref<1x480x64xf32, #tpu.memory_space<vmem>> -> memref<480x64xf32, #tpu.memory_space<vmem>>
            tpu.enqueue_dma source(%dma_start3A_311 : memref<480x64xf32, #tpu.memory_space<vmem>>) target(%dma_start3A_307 : memref<480x64xf32, #tpu.memory_space<hbm>>) target_semaphore(%dma_start3A_305 : memref<!tpu.dma_semaphore, #tpu.memory_space<semaphore_mem>>)
            "tpu.trace_stop"() : () -> ()
          } else {
          }
          %and3A_248 = arith.constant true
          %and3A_249 = arith.andi %or3A_244, %and3A_248 : i1
          %add3A_250 = arith.constant 1 : i32
          %add3A_251 = arith.addi %while3A_145, %add3A_250 : i32
          %select_n3A_252 = arith.select %and3A_249, %add3A_251, %while3A_145 : i32
          %ne3A_253 = arith.cmpi ne, %add3A_155, %add3A_165 : i32
          %or3A_254 = arith.constant false
          %or3A_255 = arith.ori %or3A_254, %ne3A_253 : i1
          %not3A_256 = arith.constant true
          %not3A_257 = arith.xori %eq3A_151, %not3A_256 : i1
          %and3A_258 = arith.andi %or3A_255, %not3A_257 : i1
          %convert_element_type3A_259 = arith.extui %and3A_258 : i1 to i32
          %cond3A_260 = arith.constant 0 : i32
          %cond3A_261 = arith.cmpi ne, %convert_element_type3A_259, %cond3A_260 : i32
          scf.if %cond3A_261 {
          } else {
          }
          %and3A_262 = arith.constant false
          %and3A_263 = arith.andi %and3A_258, %and3A_262 : i1
          %ne3A_264 = arith.cmpi ne, %add3A_155, %add3A_165 : i32
          %or3A_265 = arith.constant false
          %or3A_266 = arith.ori %or3A_265, %ne3A_264 : i1
          %or3A_267 = arith.constant false
          %or3A_268 = arith.ori %or3A_266, %or3A_267 : i1
          %not3A_269 = arith.constant true
          %not3A_270 = arith.xori %eq3A_151, %not3A_269 : i1
          %and3A_271 = arith.andi %or3A_268, %not3A_270 : i1
          %convert_element_type3A_272 = arith.extui %and3A_271 : i1 to i32
          %cond3A_273 = arith.constant 0 : i32
          %cond3A_274 = arith.cmpi ne, %convert_element_type3A_272, %cond3A_273 : i32
          scf.if %cond3A_274 {
            "tpu.trace_start"() <{level = 10 : i32, message = "ep_wait_out"}> : () -> ()
            %rem3A_294 = arith.constant 2 : i32
            %rem3A_295 = arith.remui %while3A_146, %rem3A_294 : i32
            %mul3A_296 = arith.constant 480 : i32
            %mul3A_297 = arith.muli %mul3A_296, %add3A_165 : i32
            %dma_wait3A = arith.constant 0 : i32
            %dma_wait3A_298 = arith.constant 0 : i32
            %dma_wait3A_299 = tpu.memref_slice %run_scoped3A_18[%rem3A_295, %dma_wait3A, %dma_wait3A_298] : memref<2x480x64xf32, #tpu.memory_space<vmem>> -> memref<1x480x64xf32, #tpu.memory_space<vmem>>
            %dma_wait3A_300 = tpu.memref_squeeze %dma_wait3A_299 : memref<1x480x64xf32, #tpu.memory_space<vmem>> -> memref<480x64xf32, #tpu.memory_space<vmem>>
            %dma_wait3A_301 = arith.constant 0 : i32
            %dma_wait3A_302 = tpu.memref_slice %arg4[%mul3A_297, %dma_wait3A_301] : memref<600000x64xf32, #tpu.memory_space<hbm>> -> memref<480x64xf32, #tpu.memory_space<hbm>>
            %dma_wait3A_303 = tpu.memref_slice %run_scoped3A_19[%rem3A_295] : memref<2x!tpu.dma_semaphore, #tpu.memory_space<semaphore_mem>> -> memref<1x!tpu.dma_semaphore, #tpu.memory_space<semaphore_mem>>
            %dma_wait3A_304 = tpu.memref_squeeze %dma_wait3A_303 : memref<1x!tpu.dma_semaphore, #tpu.memory_space<semaphore_mem>> -> memref<!tpu.dma_semaphore, #tpu.memory_space<semaphore_mem>>
            %dma_wait3A_305 = arith.constant 0 : i32
            %dma_wait3A_306 = tpu.memref_slice %arg4[%mul3A_297, %dma_wait3A_305] : memref<600000x64xf32, #tpu.memory_space<hbm>> -> memref<480x64xf32, #tpu.memory_space<hbm>>
            %dma_wait3A_307 = arith.constant 0 : i32
            %dma_wait3A_308 = arith.constant 0 : i32
            %dma_wait3A_309 = tpu.memref_slice %run_scoped3A_18[%rem3A_295, %dma_wait3A_307, %dma_wait3A_308] : memref<2x480x64xf32, #tpu.memory_space<vmem>> -> memref<1x480x64xf32, #tpu.memory_space<vmem>>
            %dma_wait3A_310 = tpu.memref_squeeze %dma_wait3A_309 : memref<1x480x64xf32, #tpu.memory_space<vmem>> -> memref<480x64xf32, #tpu.memory_space<vmem>>
            tpu.wait_dma2 semaphore(%dma_wait3A_304 : memref<!tpu.dma_semaphore, #tpu.memory_space<semaphore_mem>>) src(%dma_wait3A_310 : memref<480x64xf32, #tpu.memory_space<vmem>>) dst(%dma_wait3A_306 : memref<480x64xf32, #tpu.memory_space<hbm>>)
            "tpu.trace_stop"() : () -> ()
          } else {
          }
          %and3A_275 = arith.constant true
          %and3A_276 = arith.andi %and3A_271, %and3A_275 : i1
          %add3A_277 = arith.constant 1 : i32
          %add3A_278 = arith.addi %while3A_146, %add3A_277 : i32
          %select_n3A_279 = arith.select %and3A_276, %add3A_278, %while3A_146 : i32
          %ne3A_280 = arith.cmpi ne, %add3A_155, %add3A_173 : i32
          %or3A_281 = arith.constant false
          %or3A_282 = arith.ori %or3A_281, %ne3A_280 : i1
          %or3A_283 = arith.ori %or3A_282, %eq3A_154 : i1
          %add3A_284 = arith.constant 1 : i32
          %add3A_285 = arith.addi %while3A_144, %add3A_284 : i32
          %select_n3A_286 = arith.select %or3A_283, %add3A_285, %while3A_144 : i32
          %add3A_287 = arith.constant 1 : i32
          %add3A_288 = arith.addi %while3A_147, %add3A_287 : i32
          %select_n3A_289 = arith.constant true
          %select_n3A_290 = arith.select %select_n3A_289, %add3A_288, %while3A_147 : i32
          %eq3A_291 = arith.cmpi eq, %select_n3A_290, %select_n3A : i32
          %select_n3A_292 = arith.constant 0 : i32
          %select_n3A_293 = arith.select %eq3A_291, %select_n3A_292, %select_n3A_290 : i32
          scf.yield %select_n3A_195, %select_n3A_286, %select_n3A_252, %select_n3A_279, %select_n3A_293 : i32, i32, i32, i32, i32
        }
        %while3A_89 = arith.constant 1 : i32
        %while3A_90:5 = scf.for %while3A_142 = %while3A_86 to %while3A_82 step %while3A_89 iter_args(%while3A_143 = %while3A_88#0, %while3A_144 = %while3A_88#1, %while3A_145 = %while3A_88#2, %while3A_146 = %while3A_88#3, %while3A_147 = %while3A_88#4) -> (i32, i32, i32, i32, i32)  : i32 {
          %mul3A_148 = arith.constant 1 : i32
          %mul3A_149 = arith.muli %mul3A_148, %select_n3A : i32
          %eq3A_150 = arith.constant 0 : i32
          %eq3A_151 = arith.cmpi eq, %while3A_142, %eq3A_150 : i32
          %sub3A_152 = arith.constant 1 : i32
          %sub3A_153 = arith.subi %mul3A_149, %sub3A_152 : i32
          %eq3A_154 = arith.cmpi eq, %while3A_142, %sub3A_153 : i32
          %add3A_155 = arith.addi %while3A_147, %select_n3A_14 : i32
          %sub3A_156 = arith.constant 1 : i32
          %sub3A_157 = arith.subi %while3A_147, %sub3A_156 : i32
          %select_n3A_158 = arith.constant true
          %select_n3A_159 = arith.select %select_n3A_158, %sub3A_157, %while3A_147 : i32
          %eq3A_160 = arith.constant -1 : i32
          %eq3A_161 = arith.cmpi eq, %select_n3A_159, %eq3A_160 : i32
          %sub3A_162 = arith.constant 1 : i32
          %sub3A_163 = arith.subi %select_n3A, %sub3A_162 : i32
          %select_n3A_164 = arith.select %eq3A_161, %sub3A_163, %select_n3A_159 : i32
          %add3A_165 = arith.addi %select_n3A_164, %select_n3A_14 : i32
          %add3A_166 = arith.constant 1 : i32
          %add3A_167 = arith.addi %while3A_147, %add3A_166 : i32
          %select_n3A_168 = arith.constant true
          %select_n3A_169 = arith.select %select_n3A_168, %add3A_167, %while3A_147 : i32
          %eq3A_170 = arith.cmpi eq, %select_n3A_169, %select_n3A : i32
          %select_n3A_171 = arith.constant 0 : i32
          %select_n3A_172 = arith.select %eq3A_170, %select_n3A_171, %select_n3A_169 : i32
          %add3A_173 = arith.addi %select_n3A_172, %select_n3A_14 : i32
          %add3A_174 = arith.constant 1 : i32
          %add3A_175 = arith.addi %select_n3A_172, %add3A_174 : i32
          %select_n3A_176 = arith.constant true
          %select_n3A_177 = arith.select %select_n3A_176, %add3A_175, %select_n3A_172 : i32
          %eq3A_178 = arith.cmpi eq, %select_n3A_177, %select_n3A : i32
          %select_n3A_179 = arith.constant 0 : i32
          %select_n3A_180 = arith.select %eq3A_178, %select_n3A_179, %select_n3A_177 : i32
          %add3A_181 = arith.addi %select_n3A_180, %select_n3A_14 : i32
          %ne3A = arith.cmpi ne, %add3A_155, %add3A_173 : i32
          %or3A = arith.constant false
          %or3A_182 = arith.ori %or3A, %ne3A : i1
          %sub3A_183 = arith.constant 2 : i32
          %sub3A_184 = arith.subi %mul3A_149, %sub3A_183 : i32
          %add3A_185 = arith.constant 1 : i32
          %add3A_186 = arith.addi %sub3A_184, %add3A_185 : i32
          %ge3A = arith.cmpi sge, %while3A_142, %add3A_186 : i32
          %not3A = arith.constant true
          %not3A_187 = arith.xori %ge3A, %not3A : i1
          %and3A = arith.andi %or3A_182, %not3A_187 : i1
          %convert_element_type3A_188 = arith.extui %and3A : i1 to i32
          %cond3A_189 = arith.constant 0 : i32
          %cond3A_190 = arith.cmpi ne, %convert_element_type3A_188, %cond3A_189 : i32
          scf.if %cond3A_190 {
            "tpu.trace_start"() <{level = 10 : i32, message = "ep_copy_in"}> : () -> ()
            %rem3A_294 = arith.constant 2 : i32
            %rem3A_295 = arith.remui %while3A_143, %rem3A_294 : i32
            %mul3A_296 = arith.constant 480 : i32
            %mul3A_297 = arith.muli %mul3A_296, %add3A_173 : i32
            %dma_start3A_298 = arith.constant 0 : i32
            %dma_start3A_299 = arith.constant 0 : i32
            %dma_start3A_300 = tpu.memref_slice %run_scoped3A[%rem3A_295, %dma_start3A_298, %dma_start3A_299] : memref<2x1x480xi32, #tpu.memory_space<vmem>> -> memref<1x1x480xi32, #tpu.memory_space<vmem>>
            %dma_start3A_301 = tpu.memref_squeeze %dma_start3A_300 : memref<1x1x480xi32, #tpu.memory_space<vmem>> -> memref<1x480xi32, #tpu.memory_space<vmem>>
            %dma_start3A_302 = arith.constant 0 : i32
            %dma_start3A_303 = tpu.memref_slice %arg3[%dma_start3A_302, %mul3A_297] : memref<1x600000xi32, #tpu.memory_space<hbm>> -> memref<1x480xi32, #tpu.memory_space<hbm>>
            %dma_start3A_304 = tpu.memref_slice %run_scoped3A_17[%rem3A_295] : memref<2x!tpu.dma_semaphore, #tpu.memory_space<semaphore_mem>> -> memref<1x!tpu.dma_semaphore, #tpu.memory_space<semaphore_mem>>
            %dma_start3A_305 = tpu.memref_squeeze %dma_start3A_304 : memref<1x!tpu.dma_semaphore, #tpu.memory_space<semaphore_mem>> -> memref<!tpu.dma_semaphore, #tpu.memory_space<semaphore_mem>>
            %dma_start3A_306 = arith.constant 0 : i32
            %dma_start3A_307 = arith.constant 0 : i32
            %dma_start3A_308 = tpu.memref_slice %run_scoped3A[%rem3A_295, %dma_start3A_306, %dma_start3A_307] : memref<2x1x480xi32, #tpu.memory_space<vmem>> -> memref<1x1x480xi32, #tpu.memory_space<vmem>>
            %dma_start3A_309 = tpu.memref_squeeze %dma_start3A_308 : memref<1x1x480xi32, #tpu.memory_space<vmem>> -> memref<1x480xi32, #tpu.memory_space<vmem>>
            %dma_start3A_310 = arith.constant 0 : i32
            %dma_start3A_311 = tpu.memref_slice %arg3[%dma_start3A_310, %mul3A_297] : memref<1x600000xi32, #tpu.memory_space<hbm>> -> memref<1x480xi32, #tpu.memory_space<hbm>>
            tpu.enqueue_dma source(%dma_start3A_311 : memref<1x480xi32, #tpu.memory_space<hbm>>) target(%dma_start3A_309 : memref<1x480xi32, #tpu.memory_space<vmem>>) target_semaphore(%dma_start3A_305 : memref<!tpu.dma_semaphore, #tpu.memory_space<semaphore_mem>>)
            "tpu.trace_stop"() : () -> ()
          } else {
          }
          %and3A_191 = arith.constant true
          %and3A_192 = arith.andi %and3A, %and3A_191 : i1
          %add3A_193 = arith.constant 1 : i32
          %add3A_194 = arith.addi %while3A_143, %add3A_193 : i32
          %select_n3A_195 = arith.select %and3A_192, %add3A_194, %while3A_143 : i32
          %ne3A_196 = arith.cmpi ne, %add3A_155, %add3A_173 : i32
          %or3A_197 = arith.constant false
          %or3A_198 = arith.ori %or3A_197, %ne3A_196 : i1
          %or3A_199 = arith.constant false
          %or3A_200 = arith.ori %or3A_198, %or3A_199 : i1
          %sub3A_201 = arith.constant 2 : i32
          %sub3A_202 = arith.subi %mul3A_149, %sub3A_201 : i32
          %add3A_203 = arith.constant 1 : i32
          %add3A_204 = arith.addi %sub3A_202, %add3A_203 : i32
          %ge3A_205 = arith.cmpi sge, %while3A_142, %add3A_204 : i32
          %not3A_206 = arith.constant true
          %not3A_207 = arith.xori %ge3A_205, %not3A_206 : i1
          %and3A_208 = arith.andi %or3A_200, %not3A_207 : i1
          %ne3A_209 = arith.cmpi ne, %add3A_155, %add3A_165 : i32
          %or3A_210 = arith.constant false
          %or3A_211 = arith.ori %or3A_210, %ne3A_209 : i1
          %or3A_212 = arith.ori %or3A_211, %eq3A_151 : i1
          %convert_element_type3A_213 = arith.extui %or3A_212 : i1 to i32
          %cond3A_214 = arith.constant 0 : i32
          %cond3A_215 = arith.cmpi ne, %convert_element_type3A_213, %cond3A_214 : i32
          scf.if %cond3A_215 {
            "tpu.trace_start"() <{level = 10 : i32, message = "ep_wait_in"}> : () -> ()
            %mul3A_294 = arith.constant 480 : i32
            %mul3A_295 = arith.muli %mul3A_294, %add3A_155 : i32
            %rem3A_296 = arith.constant 2 : i32
            %rem3A_297 = arith.remui %while3A_144, %rem3A_296 : i32
            %dma_wait3A = arith.constant 0 : i32
            %dma_wait3A_298 = arith.constant 0 : i32
            %dma_wait3A_299 = tpu.memref_slice %run_scoped3A[%rem3A_297, %dma_wait3A, %dma_wait3A_298] : memref<2x1x480xi32, #tpu.memory_space<vmem>> -> memref<1x1x480xi32, #tpu.memory_space<vmem>>
            %dma_wait3A_300 = tpu.memref_squeeze %dma_wait3A_299 : memref<1x1x480xi32, #tpu.memory_space<vmem>> -> memref<1x480xi32, #tpu.memory_space<vmem>>
            %dma_wait3A_301 = arith.constant 0 : i32
            %dma_wait3A_302 = tpu.memref_slice %arg3[%dma_wait3A_301, %mul3A_295] : memref<1x600000xi32, #tpu.memory_space<hbm>> -> memref<1x480xi32, #tpu.memory_space<hbm>>
            %dma_wait3A_303 = tpu.memref_slice %run_scoped3A_17[%rem3A_297] : memref<2x!tpu.dma_semaphore, #tpu.memory_space<semaphore_mem>> -> memref<1x!tpu.dma_semaphore, #tpu.memory_space<semaphore_mem>>
            %dma_wait3A_304 = tpu.memref_squeeze %dma_wait3A_303 : memref<1x!tpu.dma_semaphore, #tpu.memory_space<semaphore_mem>> -> memref<!tpu.dma_semaphore, #tpu.memory_space<semaphore_mem>>
            %dma_wait3A_305 = arith.constant 0 : i32
            %dma_wait3A_306 = arith.constant 0 : i32
            %dma_wait3A_307 = tpu.memref_slice %run_scoped3A[%rem3A_297, %dma_wait3A_305, %dma_wait3A_306] : memref<2x1x480xi32, #tpu.memory_space<vmem>> -> memref<1x1x480xi32, #tpu.memory_space<vmem>>
            %dma_wait3A_308 = tpu.memref_squeeze %dma_wait3A_307 : memref<1x1x480xi32, #tpu.memory_space<vmem>> -> memref<1x480xi32, #tpu.memory_space<vmem>>
            %dma_wait3A_309 = arith.constant 0 : i32
            %dma_wait3A_310 = tpu.memref_slice %arg3[%dma_wait3A_309, %mul3A_295] : memref<1x600000xi32, #tpu.memory_space<hbm>> -> memref<1x480xi32, #tpu.memory_space<hbm>>
            tpu.wait_dma2 semaphore(%dma_wait3A_304 : memref<!tpu.dma_semaphore, #tpu.memory_space<semaphore_mem>>) src(%dma_wait3A_310 : memref<1x480xi32, #tpu.memory_space<hbm>>) dst(%dma_wait3A_308 : memref<1x480xi32, #tpu.memory_space<vmem>>)
            "tpu.trace_stop"() : () -> ()
          } else {
          }
          %ne3A_216 = arith.cmpi ne, %add3A_155, %add3A_165 : i32
          %or3A_217 = arith.constant false
          %or3A_218 = arith.ori %or3A_217, %ne3A_216 : i1
          %or3A_219 = arith.constant false
          %or3A_220 = arith.ori %or3A_218, %or3A_219 : i1
          %or3A_221 = arith.ori %or3A_220, %eq3A_151 : i1
          %convert_element_type3A_222 = arith.extui %or3A_221 : i1 to i32
          %cond3A_223 = arith.constant 0 : i32
          %cond3A_224 = arith.cmpi ne, %convert_element_type3A_222, %cond3A_223 : i32
          scf.if %cond3A_224 {
          } else {
          }
          %rem3A_225 = arith.constant 2 : i32
          %rem3A_226 = arith.remui %while3A_144, %rem3A_225 : i32
          %rem3A_227 = arith.constant 2 : i32
          %rem3A_228 = arith.remui %while3A_145, %rem3A_227 : i32
          %run_scoped3A_229 = arith.constant 0 : i32
          "tpu.trace_start"() <{level = 10 : i32, message = "ep_run_kernel"}> : () -> ()
          "tpu.region"() ({
            %run_scoped3A_294 = tpu.sem_alloc : memref<!tpu.dma_semaphore, #tpu.memory_space<semaphore_mem>>
            %dma_start3A_295 = arith.constant 0 : i32
            %dma_start3A_296 = arith.constant 0 : i32
            %dma_start3A_297 = tpu.memref_slice %run_scoped3A_18[%rem3A_228, %dma_start3A_295, %dma_start3A_296] : memref<2x480x64xf32, #tpu.memory_space<vmem>> -> memref<1x480x64xf32, #tpu.memory_space<vmem>>
            %dma_start3A_298 = tpu.memref_squeeze %dma_start3A_297 : memref<1x480x64xf32, #tpu.memory_space<vmem>> -> memref<480x64xf32, #tpu.memory_space<vmem>>
            %dma_start3A_299 = arith.constant 0 : i32
            %dma_start3A_300 = arith.constant 0 : i32
            %dma_start3A_301 = tpu.memref_slice %run_scoped3A[%rem3A_226, %dma_start3A_299, %dma_start3A_300] : memref<2x1x480xi32, #tpu.memory_space<vmem>> -> memref<1x1x480xi32, #tpu.memory_space<vmem>>
            %dma_start3A_302 = tpu.memref_squeeze %dma_start3A_301 : memref<1x1x480xi32, #tpu.memory_space<vmem>> -> memref<1x480xi32, #tpu.memory_space<vmem>>
            %dma_start3A_303 = arith.constant 0 : i32
            %dma_start3A_304 = tpu.memref_slice %dma_start3A_302[%run_scoped3A_229, %dma_start3A_303] : memref<1x480xi32, #tpu.memory_space<vmem>> -> memref<1x480xi32, #tpu.memory_space<vmem>>
            %dma_start3A_305 = tpu.memref_squeeze %dma_start3A_304 : memref<1x480xi32, #tpu.memory_space<vmem>> -> memref<480xi32, #tpu.memory_space<vmem>>
            %dma_start3A_306 = arith.constant 0 : i32
            %dma_start3A_307 = arith.constant 0 : i32
            %dma_start3A_308 = tpu.memref_slice %arg2[%dma_start3A_306, %dma_start3A_307] : memref<50000x64xf32, #tpu.memory_space<hbm>> -> memref<50000x64xf32, #tpu.memory_space<hbm>>
            tpu.enqueue_indirect_dma source(%dma_start3A_308 : memref<50000x64xf32, #tpu.memory_space<hbm>>) target(%dma_start3A_298 : memref<480x64xf32, #tpu.memory_space<vmem>>) offsets(%dma_start3A_305 : memref<480xi32, #tpu.memory_space<vmem>>) semaphore(%run_scoped3A_294 : memref<!tpu.dma_semaphore, #tpu.memory_space<semaphore_mem>>)
            %dma_wait3A = arith.constant 0 : i32
            %dma_wait3A_309 = arith.constant 0 : i32
            %dma_wait3A_310 = tpu.memref_slice %run_scoped3A_18[%rem3A_228, %dma_wait3A, %dma_wait3A_309] : memref<2x480x64xf32, #tpu.memory_space<vmem>> -> memref<1x480x64xf32, #tpu.memory_space<vmem>>
            %dma_wait3A_311 = tpu.memref_squeeze %dma_wait3A_310 : memref<1x480x64xf32, #tpu.memory_space<vmem>> -> memref<480x64xf32, #tpu.memory_space<vmem>>
            %dma_wait3A_312 = arith.constant 0 : i32
            %dma_wait3A_313 = arith.constant 0 : i32
            %dma_wait3A_314 = tpu.memref_slice %run_scoped3A[%rem3A_226, %dma_wait3A_312, %dma_wait3A_313] : memref<2x1x480xi32, #tpu.memory_space<vmem>> -> memref<1x1x480xi32, #tpu.memory_space<vmem>>
            %dma_wait3A_315 = tpu.memref_squeeze %dma_wait3A_314 : memref<1x1x480xi32, #tpu.memory_space<vmem>> -> memref<1x480xi32, #tpu.memory_space<vmem>>
            %dma_wait3A_316 = arith.constant 0 : i32
            %dma_wait3A_317 = tpu.memref_slice %dma_wait3A_315[%run_scoped3A_229, %dma_wait3A_316] : memref<1x480xi32, #tpu.memory_space<vmem>> -> memref<1x480xi32, #tpu.memory_space<vmem>>
            %dma_wait3A_318 = tpu.memref_squeeze %dma_wait3A_317 : memref<1x480xi32, #tpu.memory_space<vmem>> -> memref<480xi32, #tpu.memory_space<vmem>>
            %dma_wait3A_319 = arith.constant 0 : i32
            %dma_wait3A_320 = arith.constant 0 : i32
            %dma_wait3A_321 = tpu.memref_slice %arg2[%dma_wait3A_319, %dma_wait3A_320] : memref<50000x64xf32, #tpu.memory_space<hbm>> -> memref<50000x64xf32, #tpu.memory_space<hbm>>
            tpu.wait_indirect_dma semaphore(%run_scoped3A_294 : memref<!tpu.dma_semaphore, #tpu.memory_space<semaphore_mem>>) src(%dma_wait3A_321 : memref<50000x64xf32, #tpu.memory_space<hbm>>) dst(%dma_wait3A_311 : memref<480x64xf32, #tpu.memory_space<vmem>>)
            tpu.yield
          }) : () -> ()
          "tpu.trace_stop"() : () -> ()
          %ne3A_230 = arith.cmpi ne, %add3A_155, %add3A_173 : i32
          %or3A_231 = arith.constant false
          %or3A_232 = arith.ori %or3A_231, %ne3A_230 : i1
          %or3A_233 = arith.ori %or3A_232, %eq3A_154 : i1
          %convert_element_type3A_234 = arith.extui %or3A_233 : i1 to i32
          %cond3A_235 = arith.constant 0 : i32
          %cond3A_236 = arith.cmpi ne, %convert_element_type3A_234, %cond3A_235 : i32
          scf.if %cond3A_236 {
          } else {
          }
          %and3A_237 = arith.constant false
          %and3A_238 = arith.andi %or3A_233, %and3A_237 : i1
          %ne3A_239 = arith.cmpi ne, %add3A_155, %add3A_173 : i32
          %or3A_240 = arith.constant false
          %or3A_241 = arith.ori %or3A_240, %ne3A_239 : i1
          %or3A_242 = arith.constant false
          %or3A_243 = arith.ori %or3A_241, %or3A_242 : i1
          %or3A_244 = arith.ori %or3A_243, %eq3A_154 : i1
          %convert_element_type3A_245 = arith.extui %or3A_244 : i1 to i32
          %cond3A_246 = arith.constant 0 : i32
          %cond3A_247 = arith.cmpi ne, %convert_element_type3A_245, %cond3A_246 : i32
          scf.if %cond3A_247 {
            "tpu.trace_start"() <{level = 10 : i32, message = "ep_copy_out"}> : () -> ()
            %rem3A_294 = arith.constant 2 : i32
            %rem3A_295 = arith.remui %while3A_145, %rem3A_294 : i32
            %mul3A_296 = arith.constant 480 : i32
            %mul3A_297 = arith.muli %mul3A_296, %add3A_155 : i32
            %dma_start3A_298 = arith.constant 0 : i32
            %dma_start3A_299 = arith.constant 0 : i32
            %dma_start3A_300 = tpu.memref_slice %run_scoped3A_18[%rem3A_295, %dma_start3A_298, %dma_start3A_299] : memref<2x480x64xf32, #tpu.memory_space<vmem>> -> memref<1x480x64xf32, #tpu.memory_space<vmem>>
            %dma_start3A_301 = tpu.memref_squeeze %dma_start3A_300 : memref<1x480x64xf32, #tpu.memory_space<vmem>> -> memref<480x64xf32, #tpu.memory_space<vmem>>
            %dma_start3A_302 = arith.constant 0 : i32
            %dma_start3A_303 = tpu.memref_slice %arg4[%mul3A_297, %dma_start3A_302] : memref<600000x64xf32, #tpu.memory_space<hbm>> -> memref<480x64xf32, #tpu.memory_space<hbm>>
            %dma_start3A_304 = tpu.memref_slice %run_scoped3A_19[%rem3A_295] : memref<2x!tpu.dma_semaphore, #tpu.memory_space<semaphore_mem>> -> memref<1x!tpu.dma_semaphore, #tpu.memory_space<semaphore_mem>>
            %dma_start3A_305 = tpu.memref_squeeze %dma_start3A_304 : memref<1x!tpu.dma_semaphore, #tpu.memory_space<semaphore_mem>> -> memref<!tpu.dma_semaphore, #tpu.memory_space<semaphore_mem>>
            %dma_start3A_306 = arith.constant 0 : i32
            %dma_start3A_307 = tpu.memref_slice %arg4[%mul3A_297, %dma_start3A_306] : memref<600000x64xf32, #tpu.memory_space<hbm>> -> memref<480x64xf32, #tpu.memory_space<hbm>>
            %dma_start3A_308 = arith.constant 0 : i32
            %dma_start3A_309 = arith.constant 0 : i32
            %dma_start3A_310 = tpu.memref_slice %run_scoped3A_18[%rem3A_295, %dma_start3A_308, %dma_start3A_309] : memref<2x480x64xf32, #tpu.memory_space<vmem>> -> memref<1x480x64xf32, #tpu.memory_space<vmem>>
            %dma_start3A_311 = tpu.memref_squeeze %dma_start3A_310 : memref<1x480x64xf32, #tpu.memory_space<vmem>> -> memref<480x64xf32, #tpu.memory_space<vmem>>
            tpu.enqueue_dma source(%dma_start3A_311 : memref<480x64xf32, #tpu.memory_space<vmem>>) target(%dma_start3A_307 : memref<480x64xf32, #tpu.memory_space<hbm>>) target_semaphore(%dma_start3A_305 : memref<!tpu.dma_semaphore, #tpu.memory_space<semaphore_mem>>)
            "tpu.trace_stop"() : () -> ()
          } else {
          }
          %and3A_248 = arith.constant true
          %and3A_249 = arith.andi %or3A_244, %and3A_248 : i1
          %add3A_250 = arith.constant 1 : i32
          %add3A_251 = arith.addi %while3A_145, %add3A_250 : i32
          %select_n3A_252 = arith.select %and3A_249, %add3A_251, %while3A_145 : i32
          %ne3A_253 = arith.cmpi ne, %add3A_155, %add3A_165 : i32
          %or3A_254 = arith.constant false
          %or3A_255 = arith.ori %or3A_254, %ne3A_253 : i1
          %not3A_256 = arith.constant true
          %not3A_257 = arith.xori %eq3A_151, %not3A_256 : i1
          %and3A_258 = arith.andi %or3A_255, %not3A_257 : i1
          %convert_element_type3A_259 = arith.extui %and3A_258 : i1 to i32
          %cond3A_260 = arith.constant 0 : i32
          %cond3A_261 = arith.cmpi ne, %convert_element_type3A_259, %cond3A_260 : i32
          scf.if %cond3A_261 {
          } else {
          }
          %and3A_262 = arith.constant false
          %and3A_263 = arith.andi %and3A_258, %and3A_262 : i1
          %ne3A_264 = arith.cmpi ne, %add3A_155, %add3A_165 : i32
          %or3A_265 = arith.constant false
          %or3A_266 = arith.ori %or3A_265, %ne3A_264 : i1
          %or3A_267 = arith.constant false
          %or3A_268 = arith.ori %or3A_266, %or3A_267 : i1
          %not3A_269 = arith.constant true
          %not3A_270 = arith.xori %eq3A_151, %not3A_269 : i1
          %and3A_271 = arith.andi %or3A_268, %not3A_270 : i1
          %convert_element_type3A_272 = arith.extui %and3A_271 : i1 to i32
          %cond3A_273 = arith.constant 0 : i32
          %cond3A_274 = arith.cmpi ne, %convert_element_type3A_272, %cond3A_273 : i32
          scf.if %cond3A_274 {
            "tpu.trace_start"() <{level = 10 : i32, message = "ep_wait_out"}> : () -> ()
            %rem3A_294 = arith.constant 2 : i32
            %rem3A_295 = arith.remui %while3A_146, %rem3A_294 : i32
            %mul3A_296 = arith.constant 480 : i32
            %mul3A_297 = arith.muli %mul3A_296, %add3A_165 : i32
            %dma_wait3A = arith.constant 0 : i32
            %dma_wait3A_298 = arith.constant 0 : i32
            %dma_wait3A_299 = tpu.memref_slice %run_scoped3A_18[%rem3A_295, %dma_wait3A, %dma_wait3A_298] : memref<2x480x64xf32, #tpu.memory_space<vmem>> -> memref<1x480x64xf32, #tpu.memory_space<vmem>>
            %dma_wait3A_300 = tpu.memref_squeeze %dma_wait3A_299 : memref<1x480x64xf32, #tpu.memory_space<vmem>> -> memref<480x64xf32, #tpu.memory_space<vmem>>
            %dma_wait3A_301 = arith.constant 0 : i32
            %dma_wait3A_302 = tpu.memref_slice %arg4[%mul3A_297, %dma_wait3A_301] : memref<600000x64xf32, #tpu.memory_space<hbm>> -> memref<480x64xf32, #tpu.memory_space<hbm>>
            %dma_wait3A_303 = tpu.memref_slice %run_scoped3A_19[%rem3A_295] : memref<2x!tpu.dma_semaphore, #tpu.memory_space<semaphore_mem>> -> memref<1x!tpu.dma_semaphore, #tpu.memory_space<semaphore_mem>>
            %dma_wait3A_304 = tpu.memref_squeeze %dma_wait3A_303 : memref<1x!tpu.dma_semaphore, #tpu.memory_space<semaphore_mem>> -> memref<!tpu.dma_semaphore, #tpu.memory_space<semaphore_mem>>
            %dma_wait3A_305 = arith.constant 0 : i32
            %dma_wait3A_306 = tpu.memref_slice %arg4[%mul3A_297, %dma_wait3A_305] : memref<600000x64xf32, #tpu.memory_space<hbm>> -> memref<480x64xf32, #tpu.memory_space<hbm>>
            %dma_wait3A_307 = arith.constant 0 : i32
            %dma_wait3A_308 = arith.constant 0 : i32
            %dma_wait3A_309 = tpu.memref_slice %run_scoped3A_18[%rem3A_295, %dma_wait3A_307, %dma_wait3A_308] : memref<2x480x64xf32, #tpu.memory_space<vmem>> -> memref<1x480x64xf32, #tpu.memory_space<vmem>>
            %dma_wait3A_310 = tpu.memref_squeeze %dma_wait3A_309 : memref<1x480x64xf32, #tpu.memory_space<vmem>> -> memref<480x64xf32, #tpu.memory_space<vmem>>
            tpu.wait_dma2 semaphore(%dma_wait3A_304 : memref<!tpu.dma_semaphore, #tpu.memory_space<semaphore_mem>>) src(%dma_wait3A_310 : memref<480x64xf32, #tpu.memory_space<vmem>>) dst(%dma_wait3A_306 : memref<480x64xf32, #tpu.memory_space<hbm>>)
            "tpu.trace_stop"() : () -> ()
          } else {
          }
          %and3A_275 = arith.constant true
          %and3A_276 = arith.andi %and3A_271, %and3A_275 : i1
          %add3A_277 = arith.constant 1 : i32
          %add3A_278 = arith.addi %while3A_146, %add3A_277 : i32
          %select_n3A_279 = arith.select %and3A_276, %add3A_278, %while3A_146 : i32
          %ne3A_280 = arith.cmpi ne, %add3A_155, %add3A_173 : i32
          %or3A_281 = arith.constant false
          %or3A_282 = arith.ori %or3A_281, %ne3A_280 : i1
          %or3A_283 = arith.ori %or3A_282, %eq3A_154 : i1
          %add3A_284 = arith.constant 1 : i32
          %add3A_285 = arith.addi %while3A_144, %add3A_284 : i32
          %select_n3A_286 = arith.select %or3A_283, %add3A_285, %while3A_144 : i32
          %add3A_287 = arith.constant 1 : i32
          %add3A_288 = arith.addi %while3A_147, %add3A_287 : i32
          %select_n3A_289 = arith.constant true
          %select_n3A_290 = arith.select %select_n3A_289, %add3A_288, %while3A_147 : i32
          %eq3A_291 = arith.cmpi eq, %select_n3A_290, %select_n3A : i32
          %select_n3A_292 = arith.constant 0 : i32
          %select_n3A_293 = arith.select %eq3A_291, %select_n3A_292, %select_n3A_290 : i32
          scf.yield %select_n3A_195, %select_n3A_286, %select_n3A_252, %select_n3A_279, %select_n3A_293 : i32, i32, i32, i32, i32
        }
        %sub3A_91 = arith.constant 1 : i32
        %sub3A_92 = arith.subi %while3A_90#4, %sub3A_91 : i32
        %select_n3A_93 = arith.constant true
        %select_n3A_94 = arith.select %select_n3A_93, %sub3A_92, %while3A_90#4 : i32
        %eq3A_95 = arith.constant -1 : i32
        %eq3A_96 = arith.cmpi eq, %select_n3A_94, %eq3A_95 : i32
        %sub3A_97 = arith.constant 1 : i32
        %sub3A_98 = arith.subi %select_n3A, %sub3A_97 : i32
        %select_n3A_99 = arith.select %eq3A_96, %sub3A_98, %select_n3A_94 : i32
        %sub3A_100 = arith.constant 1 : i32
        %sub3A_101 = arith.subi %mul3A_16, %sub3A_100 : i32
        %mul3A_102 = arith.constant 1 : i32
        %mul3A_103 = arith.muli %mul3A_102, %select_n3A : i32
        %eq3A_104 = arith.constant 0 : i32
        %eq3A_105 = arith.cmpi eq, %sub3A_101, %eq3A_104 : i32
        %sub3A_106 = arith.constant 1 : i32
        %sub3A_107 = arith.subi %mul3A_103, %sub3A_106 : i32
        %eq3A_108 = arith.cmpi eq, %sub3A_101, %sub3A_107 : i32
        %add3A_109 = arith.addi %select_n3A_99, %select_n3A_14 : i32
        %sub3A_110 = arith.constant 1 : i32
        %sub3A_111 = arith.subi %select_n3A_99, %sub3A_110 : i32
        %select_n3A_112 = arith.constant true
        %select_n3A_113 = arith.select %select_n3A_112, %sub3A_111, %select_n3A_99 : i32
        %eq3A_114 = arith.constant -1 : i32
        %eq3A_115 = arith.cmpi eq, %select_n3A_113, %eq3A_114 : i32
        %sub3A_116 = arith.constant 1 : i32
        %sub3A_117 = arith.subi %select_n3A, %sub3A_116 : i32
        %select_n3A_118 = arith.select %eq3A_115, %sub3A_117, %select_n3A_113 : i32
        %add3A_119 = arith.addi %select_n3A_118, %select_n3A_14 : i32
        %add3A_120 = arith.constant 1 : i32
        %add3A_121 = arith.addi %select_n3A_99, %add3A_120 : i32
        %select_n3A_122 = arith.constant true
        %select_n3A_123 = arith.select %select_n3A_122, %add3A_121, %select_n3A_99 : i32
        %eq3A_124 = arith.cmpi eq, %select_n3A_123, %select_n3A : i32
        %select_n3A_125 = arith.constant 0 : i32
        %select_n3A_126 = arith.select %eq3A_124, %select_n3A_125, %select_n3A_123 : i32
        %add3A_127 = arith.addi %select_n3A_126, %select_n3A_14 : i32
        %add3A_128 = arith.constant 1 : i32
        %add3A_129 = arith.addi %select_n3A_126, %add3A_128 : i32
        %select_n3A_130 = arith.constant true
        %select_n3A_131 = arith.select %select_n3A_130, %add3A_129, %select_n3A_126 : i32
        %eq3A_132 = arith.cmpi eq, %select_n3A_131, %select_n3A : i32
        %select_n3A_133 = arith.constant 0 : i32
        %select_n3A_134 = arith.select %eq3A_132, %select_n3A_133, %select_n3A_131 : i32
        %add3A_135 = arith.addi %select_n3A_134, %select_n3A_14 : i32
        %convert_element_type3A_136 = arith.extui %eq3A_108 : i1 to i32
        %cond3A_137 = arith.constant 0 : i32
        %cond3A_138 = arith.cmpi ne, %convert_element_type3A_136, %cond3A_137 : i32
        scf.if %cond3A_138 {
        } else {
        }
        %convert_element_type3A_139 = arith.extui %eq3A_108 : i1 to i32
        %cond3A_140 = arith.constant 0 : i32
        %cond3A_141 = arith.cmpi ne, %convert_element_type3A_139, %cond3A_140 : i32
        scf.if %cond3A_141 {
          "tpu.trace_start"() <{level = 10 : i32, message = "ep_finalize"}> : () -> ()
          %rem3A_142 = arith.constant 2 : i32
          %rem3A_143 = arith.remui %while3A_90#3, %rem3A_142 : i32
          %mul3A_144 = arith.constant 480 : i32
          %mul3A_145 = arith.muli %mul3A_144, %add3A_109 : i32
          %dma_wait3A = arith.constant 0 : i32
          %dma_wait3A_146 = arith.constant 0 : i32
          %dma_wait3A_147 = tpu.memref_slice %run_scoped3A_18[%rem3A_143, %dma_wait3A, %dma_wait3A_146] : memref<2x480x64xf32, #tpu.memory_space<vmem>> -> memref<1x480x64xf32, #tpu.memory_space<vmem>>
          %dma_wait3A_148 = tpu.memref_squeeze %dma_wait3A_147 : memref<1x480x64xf32, #tpu.memory_space<vmem>> -> memref<480x64xf32, #tpu.memory_space<vmem>>
          %dma_wait3A_149 = arith.constant 0 : i32
          %dma_wait3A_150 = tpu.memref_slice %arg4[%mul3A_145, %dma_wait3A_149] : memref<600000x64xf32, #tpu.memory_space<hbm>> -> memref<480x64xf32, #tpu.memory_space<hbm>>
          %dma_wait3A_151 = tpu.memref_slice %run_scoped3A_19[%rem3A_143] : memref<2x!tpu.dma_semaphore, #tpu.memory_space<semaphore_mem>> -> memref<1x!tpu.dma_semaphore, #tpu.memory_space<semaphore_mem>>
          %dma_wait3A_152 = tpu.memref_squeeze %dma_wait3A_151 : memref<1x!tpu.dma_semaphore, #tpu.memory_space<semaphore_mem>> -> memref<!tpu.dma_semaphore, #tpu.memory_space<semaphore_mem>>
          %dma_wait3A_153 = arith.constant 0 : i32
          %dma_wait3A_154 = tpu.memref_slice %arg4[%mul3A_145, %dma_wait3A_153] : memref<600000x64xf32, #tpu.memory_space<hbm>> -> memref<480x64xf32, #tpu.memory_space<hbm>>
          %dma_wait3A_155 = arith.constant 0 : i32
          %dma_wait3A_156 = arith.constant 0 : i32
          %dma_wait3A_157 = tpu.memref_slice %run_scoped3A_18[%rem3A_143, %dma_wait3A_155, %dma_wait3A_156] : memref<2x480x64xf32, #tpu.memory_space<vmem>> -> memref<1x480x64xf32, #tpu.memory_space<vmem>>
          %dma_wait3A_158 = tpu.memref_squeeze %dma_wait3A_157 : memref<1x480x64xf32, #tpu.memory_space<vmem>> -> memref<480x64xf32, #tpu.memory_space<vmem>>
          tpu.wait_dma2 semaphore(%dma_wait3A_152 : memref<!tpu.dma_semaphore, #tpu.memory_space<semaphore_mem>>) src(%dma_wait3A_158 : memref<480x64xf32, #tpu.memory_space<vmem>>) dst(%dma_wait3A_154 : memref<480x64xf32, #tpu.memory_space<hbm>>)
          "tpu.trace_stop"() : () -> ()
        } else {
        }
      } else {
      }
      tpu.yield
    }) : () -> ()
    return
  }
}

#map = affine_map<(d0, d1) -> (0, 0)>
module attributes {stable_mosaic.version = 14 : i64} {
  func.func @gk(%arg0: i32, %arg1: i32, %arg2: memref<50000x64xf32, #tpu.memory_space<hbm>>, %arg3: memref<1x600000xi32, #tpu.memory_space<hbm>>, %arg4: memref<600000x64xf32, #tpu.memory_space<hbm>>) attributes {dimension_semantics = [#tpu.dimension_semantics<core_parallel>, #tpu.dimension_semantics<subcore_parallel>], iteration_bounds = array<i64: 2, 16>, scalar_prefetch = 0 : i64, scratch_operands = 0 : i64, tpu.core_type = #tpu.core_type<sc_vector_subcore>, window_params = [{transform_indices = #map}, {transform_indices = #map}, {transform_indices = #map}]} {
    %mul3A = arith.constant 1 : i32
    %mul3A_0 = arith.muli %arg1, %mul3A : i32
    %add3A = arith.constant 0 : i32
    %add3A_1 = arith.addi %add3A, %mul3A_0 : i32
    %mul3A_2 = arith.constant 16 : i32
    %mul3A_3 = arith.muli %arg0, %mul3A_2 : i32
    %add3A_4 = arith.addi %add3A_1, %mul3A_3 : i32
    %lt3A = arith.constant 2 : i32
    %lt3A_5 = arith.cmpi slt, %add3A_4, %lt3A : i32
    %jit3A = arith.constant 40 : i32
    %jit3A_6 = arith.constant 39 : i32
    %select_n3A = arith.select %lt3A_5, %jit3A, %jit3A_6 : i32
    %lt3A_7 = arith.constant 2 : i32
    %lt3A_8 = arith.cmpi slt, %add3A_4, %lt3A_7 : i32
    %mul3A_9 = arith.muli %add3A_4, %select_n3A : i32
    %mul3A_10 = arith.constant 39 : i32
    %mul3A_11 = arith.muli %add3A_4, %mul3A_10 : i32
    %add3A_12 = arith.constant 2 : i32
    %add3A_13 = arith.addi %mul3A_11, %add3A_12 : i32
    %select_n3A_14 = arith.select %lt3A_8, %mul3A_9, %add3A_13 : i32
    %mul3A_15 = arith.constant 1 : i32
    %mul3A_16 = arith.muli %mul3A_15, %select_n3A : i32
    "tpu.region"() ({
      %run_scoped3A = memref.alloca() : memref<2x1x480xi32, #tpu.memory_space<vmem>>
      %run_scoped3A_17 = tpu.sem_alloc : memref<2x!tpu.dma_semaphore, #tpu.memory_space<semaphore_mem>>
      %run_scoped3A_18 = memref.alloca() : memref<2x480x64xf32, #tpu.memory_space<vmem>>
      %run_scoped3A_19 = tpu.sem_alloc : memref<2x!tpu.dma_semaphore, #tpu.memory_space<semaphore_mem>>
      %gt3A = arith.constant 0 : i32
      %gt3A_20 = arith.cmpi sgt, %mul3A_16, %gt3A : i32
      %convert_element_type3A = arith.extui %gt3A_20 : i1 to i32
      %cond3A = arith.constant 0 : i32
      %cond3A_21 = arith.cmpi ne, %convert_element_type3A, %cond3A : i32
      scf.if %cond3A_21 {
        %mul3A_22 = arith.constant 1 : i32
        %mul3A_23 = arith.muli %mul3A_22, %select_n3A : i32
        %sub3A = arith.constant 1 : i32
        %sub3A_24 = arith.subi %mul3A_23, %sub3A : i32
        %eq3A = arith.constant 0 : i32
        %eq3A_25 = arith.cmpi eq, %sub3A_24, %eq3A : i32
        %add3A_26 = arith.constant 0 : i32
        %add3A_27 = arith.addi %add3A_26, %select_n3A_14 : i32
        %select_n3A_28 = arith.constant true
        %select_n3A_29 = arith.constant 0 : i32
        %select_n3A_30 = arith.constant -1 : i32
        %select_n3A_31 = arith.select %select_n3A_28, %select_n3A_30, %select_n3A_29 : i32
        %eq3A_32 = arith.constant -1 : i32
        %eq3A_33 = arith.cmpi eq, %select_n3A_31, %eq3A_32 : i32
        %sub3A_34 = arith.constant 1 : i32
        %sub3A_35 = arith.subi %select_n3A, %sub3A_34 : i32
        %select_n3A_36 = arith.select %eq3A_33, %sub3A_35, %select_n3A_31 : i32
        %add3A_37 = arith.addi %select_n3A_36, %select_n3A_14 : i32
        %select_n3A_38 = arith.constant true
        %select_n3A_39 = arith.constant 0 : i32
        %select_n3A_40 = arith.constant 1 : i32
        %select_n3A_41 = arith.select %select_n3A_38, %select_n3A_40, %select_n3A_39 : i32
        %eq3A_42 = arith.cmpi eq, %select_n3A_41, %select_n3A : i32
        %select_n3A_43 = arith.constant 0 : i32
        %select_n3A_44 = arith.select %eq3A_42, %select_n3A_43, %select_n3A_41 : i32
        %add3A_45 = arith.addi %select_n3A_44, %select_n3A_14 : i32
        %add3A_46 = arith.constant 1 : i32
        %add3A_47 = arith.addi %select_n3A_44, %add3A_46 : i32
        %select_n3A_48 = arith.constant true
        %select_n3A_49 = arith.select %select_n3A_48, %add3A_47, %select_n3A_44 : i32
        %eq3A_50 = arith.cmpi eq, %select_n3A_49, %select_n3A : i32
        %select_n3A_51 = arith.constant 0 : i32
        %select_n3A_52 = arith.select %eq3A_50, %select_n3A_51, %select_n3A_49 : i32
        %add3A_53 = arith.addi %select_n3A_52, %select_n3A_14 : i32
        "tpu.trace_start"() <{level = 10 : i32, message = "ep_initialize_0"}> : () -> ()
        %rem3A = arith.constant 0 : i32
        %rem3A_54 = arith.constant 2 : i32
        %rem3A_55 = arith.remui %rem3A, %rem3A_54 : i32
        %mul3A_56 = arith.constant 480 : i32
        %mul3A_57 = arith.muli %mul3A_56, %add3A_27 : i32
        %dma_start3A = arith.constant 0 : i32
        %dma_start3A_58 = arith.constant 0 : i32
        %dma_start3A_59 = tpu.memref_slice %run_scoped3A[%rem3A_55, %dma_start3A, %dma_start3A_58] : memref<2x1x480xi32, #tpu.memory_space<vmem>> -> memref<1x1x480xi32, #tpu.memory_space<vmem>>
        %dma_start3A_60 = tpu.memref_squeeze %dma_start3A_59 : memref<1x1x480xi32, #tpu.memory_space<vmem>> -> memref<1x480xi32, #tpu.memory_space<vmem>>
        %dma_start3A_61 = arith.constant 0 : i32
        %dma_start3A_62 = tpu.memref_slice %arg3[%dma_start3A_61, %mul3A_57] : memref<1x600000xi32, #tpu.memory_space<hbm>> -> memref<1x480xi32, #tpu.memory_space<hbm>>
        %dma_start3A_63 = tpu.memref_slice %run_scoped3A_17[%rem3A_55] : memref<2x!tpu.dma_semaphore, #tpu.memory_space<semaphore_mem>> -> memref<1x!tpu.dma_semaphore, #tpu.memory_space<semaphore_mem>>
        %dma_start3A_64 = tpu.memref_squeeze %dma_start3A_63 : memref<1x!tpu.dma_semaphore, #tpu.memory_space<semaphore_mem>> -> memref<!tpu.dma_semaphore, #tpu.memory_space<semaphore_mem>>
        %dma_start3A_65 = arith.constant 0 : i32
        %dma_start3A_66 = arith.constant 0 : i32
        %dma_start3A_67 = tpu.memref_slice %run_scoped3A[%rem3A_55, %dma_start3A_65, %dma_start3A_66] : memref<2x1x480xi32, #tpu.memory_space<vmem>> -> memref<1x1x480xi32, #tpu.memory_space<vmem>>
        %dma_start3A_68 = tpu.memref_squeeze %dma_start3A_67 : memref<1x1x480xi32, #tpu.memory_space<vmem>> -> memref<1x480xi32, #tpu.memory_space<vmem>>
        %dma_start3A_69 = arith.constant 0 : i32
        %dma_start3A_70 = tpu.memref_slice %arg3[%dma_start3A_69, %mul3A_57] : memref<1x600000xi32, #tpu.memory_space<hbm>> -> memref<1x480xi32, #tpu.memory_space<hbm>>
        tpu.enqueue_dma source(%dma_start3A_70 : memref<1x480xi32, #tpu.memory_space<hbm>>) target(%dma_start3A_68 : memref<1x480xi32, #tpu.memory_space<vmem>>) target_semaphore(%dma_start3A_64 : memref<!tpu.dma_semaphore, #tpu.memory_space<semaphore_mem>>)
        %add3A_71 = arith.constant 0 : i32
        %add3A_72 = arith.constant 1 : i32
        %add3A_73 = arith.addi %add3A_71, %add3A_72 : i32
        %select_n3A_74 = arith.constant true
        %select_n3A_75 = arith.constant 0 : i32
        %select_n3A_76 = arith.select %select_n3A_74, %add3A_73, %select_n3A_75 : i32
        %while3A = arith.constant 0 : i32
        %while3A_77 = arith.constant 0 : i32
        %while3A_78 = arith.constant 0 : i32
        %while3A_79 = arith.constant 0 : i32
        %while3A_80 = arith.constant 0 : i32
        "tpu.trace_stop"() : () -> ()
        %while3A_81 = arith.subi %mul3A_16, %while3A : i32
        %while3A_82 = arith.addi %while3A, %while3A_81 : i32
        %while3A_83 = arith.constant 1 : i32
        %while3A_84 = arith.divsi %while3A_81, %while3A_83 : i32
        %while3A_85 = arith.muli %while3A_84, %while3A_83 : i32
        %while3A_86 = arith.addi %while3A, %while3A_85 : i32
        %while3A_87 = arith.constant 1 : i32
        %while3A_88:5 = scf.for %while3A_142 = %while3A to %while3A_86 step %while3A_87 iter_args(%while3A_143 = %select_n3A_76, %while3A_144 = %while3A_77, %while3A_145 = %while3A_78, %while3A_146 = %while3A_79, %while3A_147 = %while3A_80) -> (i32, i32, i32, i32, i32)  : i32 {
          %mul3A_148 = arith.constant 1 : i32
          %mul3A_149 = arith.muli %mul3A_148, %select_n3A : i32
          %eq3A_150 = arith.constant 0 : i32
          %eq3A_151 = arith.cmpi eq, %while3A_142, %eq3A_150 : i32
          %sub3A_152 = arith.constant 1 : i32
          %sub3A_153 = arith.subi %mul3A_149, %sub3A_152 : i32
          %eq3A_154 = arith.cmpi eq, %while3A_142, %sub3A_153 : i32
          %add3A_155 = arith.addi %while3A_147, %select_n3A_14 : i32
          %sub3A_156 = arith.constant 1 : i32
          %sub3A_157 = arith.subi %while3A_147, %sub3A_156 : i32
          %select_n3A_158 = arith.constant true
          %select_n3A_159 = arith.select %select_n3A_158, %sub3A_157, %while3A_147 : i32
          %eq3A_160 = arith.constant -1 : i32
          %eq3A_161 = arith.cmpi eq, %select_n3A_159, %eq3A_160 : i32
          %sub3A_162 = arith.constant 1 : i32
          %sub3A_163 = arith.subi %select_n3A, %sub3A_162 : i32
          %select_n3A_164 = arith.select %eq3A_161, %sub3A_163, %select_n3A_159 : i32
          %add3A_165 = arith.addi %select_n3A_164, %select_n3A_14 : i32
          %add3A_166 = arith.constant 1 : i32
          %add3A_167 = arith.addi %while3A_147, %add3A_166 : i32
          %select_n3A_168 = arith.constant true
          %select_n3A_169 = arith.select %select_n3A_168, %add3A_167, %while3A_147 : i32
          %eq3A_170 = arith.cmpi eq, %select_n3A_169, %select_n3A : i32
          %select_n3A_171 = arith.constant 0 : i32
          %select_n3A_172 = arith.select %eq3A_170, %select_n3A_171, %select_n3A_169 : i32
          %add3A_173 = arith.addi %select_n3A_172, %select_n3A_14 : i32
          %add3A_174 = arith.constant 1 : i32
          %add3A_175 = arith.addi %select_n3A_172, %add3A_174 : i32
          %select_n3A_176 = arith.constant true
          %select_n3A_177 = arith.select %select_n3A_176, %add3A_175, %select_n3A_172 : i32
          %eq3A_178 = arith.cmpi eq, %select_n3A_177, %select_n3A : i32
          %select_n3A_179 = arith.constant 0 : i32
          %select_n3A_180 = arith.select %eq3A_178, %select_n3A_179, %select_n3A_177 : i32
          %add3A_181 = arith.addi %select_n3A_180, %select_n3A_14 : i32
          %ne3A = arith.cmpi ne, %add3A_155, %add3A_173 : i32
          %or3A = arith.constant false
          %or3A_182 = arith.ori %or3A, %ne3A : i1
          %sub3A_183 = arith.constant 2 : i32
          %sub3A_184 = arith.subi %mul3A_149, %sub3A_183 : i32
          %add3A_185 = arith.constant 1 : i32
          %add3A_186 = arith.addi %sub3A_184, %add3A_185 : i32
          %ge3A = arith.cmpi sge, %while3A_142, %add3A_186 : i32
          %not3A = arith.constant true
          %not3A_187 = arith.xori %ge3A, %not3A : i1
          %and3A = arith.andi %or3A_182, %not3A_187 : i1
          %convert_element_type3A_188 = arith.extui %and3A : i1 to i32
          %cond3A_189 = arith.constant 0 : i32
          %cond3A_190 = arith.cmpi ne, %convert_element_type3A_188, %cond3A_189 : i32
          scf.if %cond3A_190 {
            "tpu.trace_start"() <{level = 10 : i32, message = "ep_copy_in"}> : () -> ()
            %rem3A_294 = arith.constant 2 : i32
            %rem3A_295 = arith.remui %while3A_143, %rem3A_294 : i32
            %mul3A_296 = arith.constant 480 : i32
            %mul3A_297 = arith.muli %mul3A_296, %add3A_173 : i32
            %dma_start3A_298 = arith.constant 0 : i32
            %dma_start3A_299 = arith.constant 0 : i32
            %dma_start3A_300 = tpu.memref_slice %run_scoped3A[%rem3A_295, %dma_start3A_298, %dma_start3A_299] : memref<2x1x480xi32, #tpu.memory_space<vmem>> -> memref<1x1x480xi32, #tpu.memory_space<vmem>>
            %dma_start3A_301 = tpu.memref_squeeze %dma_start3A_300 : memref<1x1x480xi32, #tpu.memory_space<vmem>> -> memref<1x480xi32, #tpu.memory_space<vmem>>
            %dma_start3A_302 = arith.constant 0 : i32
            %dma_start3A_303 = tpu.memref_slice %arg3[%dma_start3A_302, %mul3A_297] : memref<1x600000xi32, #tpu.memory_space<hbm>> -> memref<1x480xi32, #tpu.memory_space<hbm>>
            %dma_start3A_304 = tpu.memref_slice %run_scoped3A_17[%rem3A_295] : memref<2x!tpu.dma_semaphore, #tpu.memory_space<semaphore_mem>> -> memref<1x!tpu.dma_semaphore, #tpu.memory_space<semaphore_mem>>
            %dma_start3A_305 = tpu.memref_squeeze %dma_start3A_304 : memref<1x!tpu.dma_semaphore, #tpu.memory_space<semaphore_mem>> -> memref<!tpu.dma_semaphore, #tpu.memory_space<semaphore_mem>>
            %dma_start3A_306 = arith.constant 0 : i32
            %dma_start3A_307 = arith.constant 0 : i32
            %dma_start3A_308 = tpu.memref_slice %run_scoped3A[%rem3A_295, %dma_start3A_306, %dma_start3A_307] : memref<2x1x480xi32, #tpu.memory_space<vmem>> -> memref<1x1x480xi32, #tpu.memory_space<vmem>>
            %dma_start3A_309 = tpu.memref_squeeze %dma_start3A_308 : memref<1x1x480xi32, #tpu.memory_space<vmem>> -> memref<1x480xi32, #tpu.memory_space<vmem>>
            %dma_start3A_310 = arith.constant 0 : i32
            %dma_start3A_311 = tpu.memref_slice %arg3[%dma_start3A_310, %mul3A_297] : memref<1x600000xi32, #tpu.memory_space<hbm>> -> memref<1x480xi32, #tpu.memory_space<hbm>>
            tpu.enqueue_dma source(%dma_start3A_311 : memref<1x480xi32, #tpu.memory_space<hbm>>) target(%dma_start3A_309 : memref<1x480xi32, #tpu.memory_space<vmem>>) target_semaphore(%dma_start3A_305 : memref<!tpu.dma_semaphore, #tpu.memory_space<semaphore_mem>>)
            "tpu.trace_stop"() : () -> ()
          } else {
          }
          %and3A_191 = arith.constant true
          %and3A_192 = arith.andi %and3A, %and3A_191 : i1
          %add3A_193 = arith.constant 1 : i32
          %add3A_194 = arith.addi %while3A_143, %add3A_193 : i32
          %select_n3A_195 = arith.select %and3A_192, %add3A_194, %while3A_143 : i32
          %ne3A_196 = arith.cmpi ne, %add3A_155, %add3A_173 : i32
          %or3A_197 = arith.constant false
          %or3A_198 = arith.ori %or3A_197, %ne3A_196 : i1
          %or3A_199 = arith.constant false
          %or3A_200 = arith.ori %or3A_198, %or3A_199 : i1
          %sub3A_201 = arith.constant 2 : i32
          %sub3A_202 = arith.subi %mul3A_149, %sub3A_201 : i32
          %add3A_203 = arith.constant 1 : i32
          %add3A_204 = arith.addi %sub3A_202, %add3A_203 : i32
          %ge3A_205 = arith.cmpi sge, %while3A_142, %add3A_204 : i32
          %not3A_206 = arith.constant true
          %not3A_207 = arith.xori %ge3A_205, %not3A_206 : i1
          %and3A_208 = arith.andi %or3A_200, %not3A_207 : i1
          %ne3A_209 = arith.cmpi ne, %add3A_155, %add3A_165 : i32
          %or3A_210 = arith.constant false
          %or3A_211 = arith.ori %or3A_210, %ne3A_209 : i1
          %or3A_212 = arith.ori %or3A_211, %eq3A_151 : i1
          %convert_element_type3A_213 = arith.extui %or3A_212 : i1 to i32
          %cond3A_214 = arith.constant 0 : i32
          %cond3A_215 = arith.cmpi ne, %convert_element_type3A_213, %cond3A_214 : i32
          scf.if %cond3A_215 {
            "tpu.trace_start"() <{level = 10 : i32, message = "ep_wait_in"}> : () -> ()
            %mul3A_294 = arith.constant 480 : i32
            %mul3A_295 = arith.muli %mul3A_294, %add3A_155 : i32
            %rem3A_296 = arith.constant 2 : i32
            %rem3A_297 = arith.remui %while3A_144, %rem3A_296 : i32
            %dma_wait3A = arith.constant 0 : i32
            %dma_wait3A_298 = arith.constant 0 : i32
            %dma_wait3A_299 = tpu.memref_slice %run_scoped3A[%rem3A_297, %dma_wait3A, %dma_wait3A_298] : memref<2x1x480xi32, #tpu.memory_space<vmem>> -> memref<1x1x480xi32, #tpu.memory_space<vmem>>
            %dma_wait3A_300 = tpu.memref_squeeze %dma_wait3A_299 : memref<1x1x480xi32, #tpu.memory_space<vmem>> -> memref<1x480xi32, #tpu.memory_space<vmem>>
            %dma_wait3A_301 = arith.constant 0 : i32
            %dma_wait3A_302 = tpu.memref_slice %arg3[%dma_wait3A_301, %mul3A_295] : memref<1x600000xi32, #tpu.memory_space<hbm>> -> memref<1x480xi32, #tpu.memory_space<hbm>>
            %dma_wait3A_303 = tpu.memref_slice %run_scoped3A_17[%rem3A_297] : memref<2x!tpu.dma_semaphore, #tpu.memory_space<semaphore_mem>> -> memref<1x!tpu.dma_semaphore, #tpu.memory_space<semaphore_mem>>
            %dma_wait3A_304 = tpu.memref_squeeze %dma_wait3A_303 : memref<1x!tpu.dma_semaphore, #tpu.memory_space<semaphore_mem>> -> memref<!tpu.dma_semaphore, #tpu.memory_space<semaphore_mem>>
            %dma_wait3A_305 = arith.constant 0 : i32
            %dma_wait3A_306 = arith.constant 0 : i32
            %dma_wait3A_307 = tpu.memref_slice %run_scoped3A[%rem3A_297, %dma_wait3A_305, %dma_wait3A_306] : memref<2x1x480xi32, #tpu.memory_space<vmem>> -> memref<1x1x480xi32, #tpu.memory_space<vmem>>
            %dma_wait3A_308 = tpu.memref_squeeze %dma_wait3A_307 : memref<1x1x480xi32, #tpu.memory_space<vmem>> -> memref<1x480xi32, #tpu.memory_space<vmem>>
            %dma_wait3A_309 = arith.constant 0 : i32
            %dma_wait3A_310 = tpu.memref_slice %arg3[%dma_wait3A_309, %mul3A_295] : memref<1x600000xi32, #tpu.memory_space<hbm>> -> memref<1x480xi32, #tpu.memory_space<hbm>>
            tpu.wait_dma2 semaphore(%dma_wait3A_304 : memref<!tpu.dma_semaphore, #tpu.memory_space<semaphore_mem>>) src(%dma_wait3A_310 : memref<1x480xi32, #tpu.memory_space<hbm>>) dst(%dma_wait3A_308 : memref<1x480xi32, #tpu.memory_space<vmem>>)
            "tpu.trace_stop"() : () -> ()
          } else {
          }
          %ne3A_216 = arith.cmpi ne, %add3A_155, %add3A_165 : i32
          %or3A_217 = arith.constant false
          %or3A_218 = arith.ori %or3A_217, %ne3A_216 : i1
          %or3A_219 = arith.constant false
          %or3A_220 = arith.ori %or3A_218, %or3A_219 : i1
          %or3A_221 = arith.ori %or3A_220, %eq3A_151 : i1
          %convert_element_type3A_222 = arith.extui %or3A_221 : i1 to i32
          %cond3A_223 = arith.constant 0 : i32
          %cond3A_224 = arith.cmpi ne, %convert_element_type3A_222, %cond3A_223 : i32
          scf.if %cond3A_224 {
          } else {
          }
          %rem3A_225 = arith.constant 2 : i32
          %rem3A_226 = arith.remui %while3A_144, %rem3A_225 : i32
          %rem3A_227 = arith.constant 2 : i32
          %rem3A_228 = arith.remui %while3A_145, %rem3A_227 : i32
          %run_scoped3A_229 = arith.constant 0 : i32
          "tpu.trace_start"() <{level = 10 : i32, message = "ep_run_kernel"}> : () -> ()
          "tpu.region"() ({
            %run_scoped3A_294 = tpu.sem_alloc : memref<!tpu.dma_semaphore, #tpu.memory_space<semaphore_mem>>
            %dma_start3A_295 = arith.constant 0 : i32
            %dma_start3A_296 = arith.constant 0 : i32
            %dma_start3A_297 = tpu.memref_slice %run_scoped3A_18[%rem3A_228, %dma_start3A_295, %dma_start3A_296] : memref<2x480x64xf32, #tpu.memory_space<vmem>> -> memref<1x480x64xf32, #tpu.memory_space<vmem>>
            %dma_start3A_298 = tpu.memref_squeeze %dma_start3A_297 : memref<1x480x64xf32, #tpu.memory_space<vmem>> -> memref<480x64xf32, #tpu.memory_space<vmem>>
            %dma_start3A_299 = arith.constant 0 : i32
            %dma_start3A_300 = arith.constant 0 : i32
            %dma_start3A_301 = tpu.memref_slice %run_scoped3A[%rem3A_226, %dma_start3A_299, %dma_start3A_300] : memref<2x1x480xi32, #tpu.memory_space<vmem>> -> memref<1x1x480xi32, #tpu.memory_space<vmem>>
            %dma_start3A_302 = tpu.memref_squeeze %dma_start3A_301 : memref<1x1x480xi32, #tpu.memory_space<vmem>> -> memref<1x480xi32, #tpu.memory_space<vmem>>
            %dma_start3A_303 = arith.constant 0 : i32
            %dma_start3A_304 = tpu.memref_slice %dma_start3A_302[%run_scoped3A_229, %dma_start3A_303] : memref<1x480xi32, #tpu.memory_space<vmem>> -> memref<1x480xi32, #tpu.memory_space<vmem>>
            %dma_start3A_305 = tpu.memref_squeeze %dma_start3A_304 : memref<1x480xi32, #tpu.memory_space<vmem>> -> memref<480xi32, #tpu.memory_space<vmem>>
            %dma_start3A_306 = arith.constant 0 : i32
            %dma_start3A_307 = arith.constant 0 : i32
            %dma_start3A_308 = tpu.memref_slice %arg2[%dma_start3A_306, %dma_start3A_307] : memref<50000x64xf32, #tpu.memory_space<hbm>> -> memref<50000x64xf32, #tpu.memory_space<hbm>>
            tpu.enqueue_indirect_dma source(%dma_start3A_308 : memref<50000x64xf32, #tpu.memory_space<hbm>>) target(%dma_start3A_298 : memref<480x64xf32, #tpu.memory_space<vmem>>) offsets(%dma_start3A_305 : memref<480xi32, #tpu.memory_space<vmem>>) semaphore(%run_scoped3A_294 : memref<!tpu.dma_semaphore, #tpu.memory_space<semaphore_mem>>)
            %dma_wait3A = arith.constant 0 : i32
            %dma_wait3A_309 = arith.constant 0 : i32
            %dma_wait3A_310 = tpu.memref_slice %run_scoped3A_18[%rem3A_228, %dma_wait3A, %dma_wait3A_309] : memref<2x480x64xf32, #tpu.memory_space<vmem>> -> memref<1x480x64xf32, #tpu.memory_space<vmem>>
            %dma_wait3A_311 = tpu.memref_squeeze %dma_wait3A_310 : memref<1x480x64xf32, #tpu.memory_space<vmem>> -> memref<480x64xf32, #tpu.memory_space<vmem>>
            %dma_wait3A_312 = arith.constant 0 : i32
            %dma_wait3A_313 = arith.constant 0 : i32
            %dma_wait3A_314 = tpu.memref_slice %run_scoped3A[%rem3A_226, %dma_wait3A_312, %dma_wait3A_313] : memref<2x1x480xi32, #tpu.memory_space<vmem>> -> memref<1x1x480xi32, #tpu.memory_space<vmem>>
            %dma_wait3A_315 = tpu.memref_squeeze %dma_wait3A_314 : memref<1x1x480xi32, #tpu.memory_space<vmem>> -> memref<1x480xi32, #tpu.memory_space<vmem>>
            %dma_wait3A_316 = arith.constant 0 : i32
            %dma_wait3A_317 = tpu.memref_slice %dma_wait3A_315[%run_scoped3A_229, %dma_wait3A_316] : memref<1x480xi32, #tpu.memory_space<vmem>> -> memref<1x480xi32, #tpu.memory_space<vmem>>
            %dma_wait3A_318 = tpu.memref_squeeze %dma_wait3A_317 : memref<1x480xi32, #tpu.memory_space<vmem>> -> memref<480xi32, #tpu.memory_space<vmem>>
            %dma_wait3A_319 = arith.constant 0 : i32
            %dma_wait3A_320 = arith.constant 0 : i32
            %dma_wait3A_321 = tpu.memref_slice %arg2[%dma_wait3A_319, %dma_wait3A_320] : memref<50000x64xf32, #tpu.memory_space<hbm>> -> memref<50000x64xf32, #tpu.memory_space<hbm>>
            tpu.wait_indirect_dma semaphore(%run_scoped3A_294 : memref<!tpu.dma_semaphore, #tpu.memory_space<semaphore_mem>>) src(%dma_wait3A_321 : memref<50000x64xf32, #tpu.memory_space<hbm>>) dst(%dma_wait3A_311 : memref<480x64xf32, #tpu.memory_space<vmem>>)
            tpu.yield
          }) : () -> ()
          "tpu.trace_stop"() : () -> ()
          %ne3A_230 = arith.cmpi ne, %add3A_155, %add3A_173 : i32
          %or3A_231 = arith.constant false
          %or3A_232 = arith.ori %or3A_231, %ne3A_230 : i1
          %or3A_233 = arith.ori %or3A_232, %eq3A_154 : i1
          %convert_element_type3A_234 = arith.extui %or3A_233 : i1 to i32
          %cond3A_235 = arith.constant 0 : i32
          %cond3A_236 = arith.cmpi ne, %convert_element_type3A_234, %cond3A_235 : i32
          scf.if %cond3A_236 {
          } else {
          }
          %and3A_237 = arith.constant false
          %and3A_238 = arith.andi %or3A_233, %and3A_237 : i1
          %ne3A_239 = arith.cmpi ne, %add3A_155, %add3A_173 : i32
          %or3A_240 = arith.constant false
          %or3A_241 = arith.ori %or3A_240, %ne3A_239 : i1
          %or3A_242 = arith.constant false
          %or3A_243 = arith.ori %or3A_241, %or3A_242 : i1
          %or3A_244 = arith.ori %or3A_243, %eq3A_154 : i1
          %convert_element_type3A_245 = arith.extui %or3A_244 : i1 to i32
          %cond3A_246 = arith.constant 0 : i32
          %cond3A_247 = arith.cmpi ne, %convert_element_type3A_245, %cond3A_246 : i32
          scf.if %cond3A_247 {
            "tpu.trace_start"() <{level = 10 : i32, message = "ep_copy_out"}> : () -> ()
            %rem3A_294 = arith.constant 2 : i32
            %rem3A_295 = arith.remui %while3A_145, %rem3A_294 : i32
            %mul3A_296 = arith.constant 480 : i32
            %mul3A_297 = arith.muli %mul3A_296, %add3A_155 : i32
            %dma_start3A_298 = arith.constant 0 : i32
            %dma_start3A_299 = arith.constant 0 : i32
            %dma_start3A_300 = tpu.memref_slice %run_scoped3A_18[%rem3A_295, %dma_start3A_298, %dma_start3A_299] : memref<2x480x64xf32, #tpu.memory_space<vmem>> -> memref<1x480x64xf32, #tpu.memory_space<vmem>>
            %dma_start3A_301 = tpu.memref_squeeze %dma_start3A_300 : memref<1x480x64xf32, #tpu.memory_space<vmem>> -> memref<480x64xf32, #tpu.memory_space<vmem>>
            %dma_start3A_302 = arith.constant 0 : i32
            %dma_start3A_303 = tpu.memref_slice %arg4[%mul3A_297, %dma_start3A_302] : memref<600000x64xf32, #tpu.memory_space<hbm>> -> memref<480x64xf32, #tpu.memory_space<hbm>>
            %dma_start3A_304 = tpu.memref_slice %run_scoped3A_19[%rem3A_295] : memref<2x!tpu.dma_semaphore, #tpu.memory_space<semaphore_mem>> -> memref<1x!tpu.dma_semaphore, #tpu.memory_space<semaphore_mem>>
            %dma_start3A_305 = tpu.memref_squeeze %dma_start3A_304 : memref<1x!tpu.dma_semaphore, #tpu.memory_space<semaphore_mem>> -> memref<!tpu.dma_semaphore, #tpu.memory_space<semaphore_mem>>
            %dma_start3A_306 = arith.constant 0 : i32
            %dma_start3A_307 = tpu.memref_slice %arg4[%mul3A_297, %dma_start3A_306] : memref<600000x64xf32, #tpu.memory_space<hbm>> -> memref<480x64xf32, #tpu.memory_space<hbm>>
            %dma_start3A_308 = arith.constant 0 : i32
            %dma_start3A_309 = arith.constant 0 : i32
            %dma_start3A_310 = tpu.memref_slice %run_scoped3A_18[%rem3A_295, %dma_start3A_308, %dma_start3A_309] : memref<2x480x64xf32, #tpu.memory_space<vmem>> -> memref<1x480x64xf32, #tpu.memory_space<vmem>>
            %dma_start3A_311 = tpu.memref_squeeze %dma_start3A_310 : memref<1x480x64xf32, #tpu.memory_space<vmem>> -> memref<480x64xf32, #tpu.memory_space<vmem>>
            tpu.enqueue_dma source(%dma_start3A_311 : memref<480x64xf32, #tpu.memory_space<vmem>>) target(%dma_start3A_307 : memref<480x64xf32, #tpu.memory_space<hbm>>) target_semaphore(%dma_start3A_305 : memref<!tpu.dma_semaphore, #tpu.memory_space<semaphore_mem>>)
            "tpu.trace_stop"() : () -> ()
          } else {
          }
          %and3A_248 = arith.constant true
          %and3A_249 = arith.andi %or3A_244, %and3A_248 : i1
          %add3A_250 = arith.constant 1 : i32
          %add3A_251 = arith.addi %while3A_145, %add3A_250 : i32
          %select_n3A_252 = arith.select %and3A_249, %add3A_251, %while3A_145 : i32
          %ne3A_253 = arith.cmpi ne, %add3A_155, %add3A_165 : i32
          %or3A_254 = arith.constant false
          %or3A_255 = arith.ori %or3A_254, %ne3A_253 : i1
          %not3A_256 = arith.constant true
          %not3A_257 = arith.xori %eq3A_151, %not3A_256 : i1
          %and3A_258 = arith.andi %or3A_255, %not3A_257 : i1
          %convert_element_type3A_259 = arith.extui %and3A_258 : i1 to i32
          %cond3A_260 = arith.constant 0 : i32
          %cond3A_261 = arith.cmpi ne, %convert_element_type3A_259, %cond3A_260 : i32
          scf.if %cond3A_261 {
          } else {
          }
          %and3A_262 = arith.constant false
          %and3A_263 = arith.andi %and3A_258, %and3A_262 : i1
          %ne3A_264 = arith.cmpi ne, %add3A_155, %add3A_165 : i32
          %or3A_265 = arith.constant false
          %or3A_266 = arith.ori %or3A_265, %ne3A_264 : i1
          %or3A_267 = arith.constant false
          %or3A_268 = arith.ori %or3A_266, %or3A_267 : i1
          %not3A_269 = arith.constant true
          %not3A_270 = arith.xori %eq3A_151, %not3A_269 : i1
          %and3A_271 = arith.andi %or3A_268, %not3A_270 : i1
          %convert_element_type3A_272 = arith.extui %and3A_271 : i1 to i32
          %cond3A_273 = arith.constant 0 : i32
          %cond3A_274 = arith.cmpi ne, %convert_element_type3A_272, %cond3A_273 : i32
          scf.if %cond3A_274 {
            "tpu.trace_start"() <{level = 10 : i32, message = "ep_wait_out"}> : () -> ()
            %rem3A_294 = arith.constant 2 : i32
            %rem3A_295 = arith.remui %while3A_146, %rem3A_294 : i32
            %mul3A_296 = arith.constant 480 : i32
            %mul3A_297 = arith.muli %mul3A_296, %add3A_165 : i32
            %dma_wait3A = arith.constant 0 : i32
            %dma_wait3A_298 = arith.constant 0 : i32
            %dma_wait3A_299 = tpu.memref_slice %run_scoped3A_18[%rem3A_295, %dma_wait3A, %dma_wait3A_298] : memref<2x480x64xf32, #tpu.memory_space<vmem>> -> memref<1x480x64xf32, #tpu.memory_space<vmem>>
            %dma_wait3A_300 = tpu.memref_squeeze %dma_wait3A_299 : memref<1x480x64xf32, #tpu.memory_space<vmem>> -> memref<480x64xf32, #tpu.memory_space<vmem>>
            %dma_wait3A_301 = arith.constant 0 : i32
            %dma_wait3A_302 = tpu.memref_slice %arg4[%mul3A_297, %dma_wait3A_301] : memref<600000x64xf32, #tpu.memory_space<hbm>> -> memref<480x64xf32, #tpu.memory_space<hbm>>
            %dma_wait3A_303 = tpu.memref_slice %run_scoped3A_19[%rem3A_295] : memref<2x!tpu.dma_semaphore, #tpu.memory_space<semaphore_mem>> -> memref<1x!tpu.dma_semaphore, #tpu.memory_space<semaphore_mem>>
            %dma_wait3A_304 = tpu.memref_squeeze %dma_wait3A_303 : memref<1x!tpu.dma_semaphore, #tpu.memory_space<semaphore_mem>> -> memref<!tpu.dma_semaphore, #tpu.memory_space<semaphore_mem>>
            %dma_wait3A_305 = arith.constant 0 : i32
            %dma_wait3A_306 = tpu.memref_slice %arg4[%mul3A_297, %dma_wait3A_305] : memref<600000x64xf32, #tpu.memory_space<hbm>> -> memref<480x64xf32, #tpu.memory_space<hbm>>
            %dma_wait3A_307 = arith.constant 0 : i32
            %dma_wait3A_308 = arith.constant 0 : i32
            %dma_wait3A_309 = tpu.memref_slice %run_scoped3A_18[%rem3A_295, %dma_wait3A_307, %dma_wait3A_308] : memref<2x480x64xf32, #tpu.memory_space<vmem>> -> memref<1x480x64xf32, #tpu.memory_space<vmem>>
            %dma_wait3A_310 = tpu.memref_squeeze %dma_wait3A_309 : memref<1x480x64xf32, #tpu.memory_space<vmem>> -> memref<480x64xf32, #tpu.memory_space<vmem>>
            tpu.wait_dma2 semaphore(%dma_wait3A_304 : memref<!tpu.dma_semaphore, #tpu.memory_space<semaphore_mem>>) src(%dma_wait3A_310 : memref<480x64xf32, #tpu.memory_space<vmem>>) dst(%dma_wait3A_306 : memref<480x64xf32, #tpu.memory_space<hbm>>)
            "tpu.trace_stop"() : () -> ()
          } else {
          }
          %and3A_275 = arith.constant true
          %and3A_276 = arith.andi %and3A_271, %and3A_275 : i1
          %add3A_277 = arith.constant 1 : i32
          %add3A_278 = arith.addi %while3A_146, %add3A_277 : i32
          %select_n3A_279 = arith.select %and3A_276, %add3A_278, %while3A_146 : i32
          %ne3A_280 = arith.cmpi ne, %add3A_155, %add3A_173 : i32
          %or3A_281 = arith.constant false
          %or3A_282 = arith.ori %or3A_281, %ne3A_280 : i1
          %or3A_283 = arith.ori %or3A_282, %eq3A_154 : i1
          %add3A_284 = arith.constant 1 : i32
          %add3A_285 = arith.addi %while3A_144, %add3A_284 : i32
          %select_n3A_286 = arith.select %or3A_283, %add3A_285, %while3A_144 : i32
          %add3A_287 = arith.constant 1 : i32
          %add3A_288 = arith.addi %while3A_147, %add3A_287 : i32
          %select_n3A_289 = arith.constant true
          %select_n3A_290 = arith.select %select_n3A_289, %add3A_288, %while3A_147 : i32
          %eq3A_291 = arith.cmpi eq, %select_n3A_290, %select_n3A : i32
          %select_n3A_292 = arith.constant 0 : i32
          %select_n3A_293 = arith.select %eq3A_291, %select_n3A_292, %select_n3A_290 : i32
          scf.yield %select_n3A_195, %select_n3A_286, %select_n3A_252, %select_n3A_279, %select_n3A_293 : i32, i32, i32, i32, i32
        }
        %while3A_89 = arith.constant 1 : i32
        %while3A_90:5 = scf.for %while3A_142 = %while3A_86 to %while3A_82 step %while3A_89 iter_args(%while3A_143 = %while3A_88#0, %while3A_144 = %while3A_88#1, %while3A_145 = %while3A_88#2, %while3A_146 = %while3A_88#3, %while3A_147 = %while3A_88#4) -> (i32, i32, i32, i32, i32)  : i32 {
          %mul3A_148 = arith.constant 1 : i32
          %mul3A_149 = arith.muli %mul3A_148, %select_n3A : i32
          %eq3A_150 = arith.constant 0 : i32
          %eq3A_151 = arith.cmpi eq, %while3A_142, %eq3A_150 : i32
          %sub3A_152 = arith.constant 1 : i32
          %sub3A_153 = arith.subi %mul3A_149, %sub3A_152 : i32
          %eq3A_154 = arith.cmpi eq, %while3A_142, %sub3A_153 : i32
          %add3A_155 = arith.addi %while3A_147, %select_n3A_14 : i32
          %sub3A_156 = arith.constant 1 : i32
          %sub3A_157 = arith.subi %while3A_147, %sub3A_156 : i32
          %select_n3A_158 = arith.constant true
          %select_n3A_159 = arith.select %select_n3A_158, %sub3A_157, %while3A_147 : i32
          %eq3A_160 = arith.constant -1 : i32
          %eq3A_161 = arith.cmpi eq, %select_n3A_159, %eq3A_160 : i32
          %sub3A_162 = arith.constant 1 : i32
          %sub3A_163 = arith.subi %select_n3A, %sub3A_162 : i32
          %select_n3A_164 = arith.select %eq3A_161, %sub3A_163, %select_n3A_159 : i32
          %add3A_165 = arith.addi %select_n3A_164, %select_n3A_14 : i32
          %add3A_166 = arith.constant 1 : i32
          %add3A_167 = arith.addi %while3A_147, %add3A_166 : i32
          %select_n3A_168 = arith.constant true
          %select_n3A_169 = arith.select %select_n3A_168, %add3A_167, %while3A_147 : i32
          %eq3A_170 = arith.cmpi eq, %select_n3A_169, %select_n3A : i32
          %select_n3A_171 = arith.constant 0 : i32
          %select_n3A_172 = arith.select %eq3A_170, %select_n3A_171, %select_n3A_169 : i32
          %add3A_173 = arith.addi %select_n3A_172, %select_n3A_14 : i32
          %add3A_174 = arith.constant 1 : i32
          %add3A_175 = arith.addi %select_n3A_172, %add3A_174 : i32
          %select_n3A_176 = arith.constant true
          %select_n3A_177 = arith.select %select_n3A_176, %add3A_175, %select_n3A_172 : i32
          %eq3A_178 = arith.cmpi eq, %select_n3A_177, %select_n3A : i32
          %select_n3A_179 = arith.constant 0 : i32
          %select_n3A_180 = arith.select %eq3A_178, %select_n3A_179, %select_n3A_177 : i32
          %add3A_181 = arith.addi %select_n3A_180, %select_n3A_14 : i32
          %ne3A = arith.cmpi ne, %add3A_155, %add3A_173 : i32
          %or3A = arith.constant false
          %or3A_182 = arith.ori %or3A, %ne3A : i1
          %sub3A_183 = arith.constant 2 : i32
          %sub3A_184 = arith.subi %mul3A_149, %sub3A_183 : i32
          %add3A_185 = arith.constant 1 : i32
          %add3A_186 = arith.addi %sub3A_184, %add3A_185 : i32
          %ge3A = arith.cmpi sge, %while3A_142, %add3A_186 : i32
          %not3A = arith.constant true
          %not3A_187 = arith.xori %ge3A, %not3A : i1
          %and3A = arith.andi %or3A_182, %not3A_187 : i1
          %convert_element_type3A_188 = arith.extui %and3A : i1 to i32
          %cond3A_189 = arith.constant 0 : i32
          %cond3A_190 = arith.cmpi ne, %convert_element_type3A_188, %cond3A_189 : i32
          scf.if %cond3A_190 {
            "tpu.trace_start"() <{level = 10 : i32, message = "ep_copy_in"}> : () -> ()
            %rem3A_294 = arith.constant 2 : i32
            %rem3A_295 = arith.remui %while3A_143, %rem3A_294 : i32
            %mul3A_296 = arith.constant 480 : i32
            %mul3A_297 = arith.muli %mul3A_296, %add3A_173 : i32
            %dma_start3A_298 = arith.constant 0 : i32
            %dma_start3A_299 = arith.constant 0 : i32
            %dma_start3A_300 = tpu.memref_slice %run_scoped3A[%rem3A_295, %dma_start3A_298, %dma_start3A_299] : memref<2x1x480xi32, #tpu.memory_space<vmem>> -> memref<1x1x480xi32, #tpu.memory_space<vmem>>
            %dma_start3A_301 = tpu.memref_squeeze %dma_start3A_300 : memref<1x1x480xi32, #tpu.memory_space<vmem>> -> memref<1x480xi32, #tpu.memory_space<vmem>>
            %dma_start3A_302 = arith.constant 0 : i32
            %dma_start3A_303 = tpu.memref_slice %arg3[%dma_start3A_302, %mul3A_297] : memref<1x600000xi32, #tpu.memory_space<hbm>> -> memref<1x480xi32, #tpu.memory_space<hbm>>
            %dma_start3A_304 = tpu.memref_slice %run_scoped3A_17[%rem3A_295] : memref<2x!tpu.dma_semaphore, #tpu.memory_space<semaphore_mem>> -> memref<1x!tpu.dma_semaphore, #tpu.memory_space<semaphore_mem>>
            %dma_start3A_305 = tpu.memref_squeeze %dma_start3A_304 : memref<1x!tpu.dma_semaphore, #tpu.memory_space<semaphore_mem>> -> memref<!tpu.dma_semaphore, #tpu.memory_space<semaphore_mem>>
            %dma_start3A_306 = arith.constant 0 : i32
            %dma_start3A_307 = arith.constant 0 : i32
            %dma_start3A_308 = tpu.memref_slice %run_scoped3A[%rem3A_295, %dma_start3A_306, %dma_start3A_307] : memref<2x1x480xi32, #tpu.memory_space<vmem>> -> memref<1x1x480xi32, #tpu.memory_space<vmem>>
            %dma_start3A_309 = tpu.memref_squeeze %dma_start3A_308 : memref<1x1x480xi32, #tpu.memory_space<vmem>> -> memref<1x480xi32, #tpu.memory_space<vmem>>
            %dma_start3A_310 = arith.constant 0 : i32
            %dma_start3A_311 = tpu.memref_slice %arg3[%dma_start3A_310, %mul3A_297] : memref<1x600000xi32, #tpu.memory_space<hbm>> -> memref<1x480xi32, #tpu.memory_space<hbm>>
            tpu.enqueue_dma source(%dma_start3A_311 : memref<1x480xi32, #tpu.memory_space<hbm>>) target(%dma_start3A_309 : memref<1x480xi32, #tpu.memory_space<vmem>>) target_semaphore(%dma_start3A_305 : memref<!tpu.dma_semaphore, #tpu.memory_space<semaphore_mem>>)
            "tpu.trace_stop"() : () -> ()
          } else {
          }
          %and3A_191 = arith.constant true
          %and3A_192 = arith.andi %and3A, %and3A_191 : i1
          %add3A_193 = arith.constant 1 : i32
          %add3A_194 = arith.addi %while3A_143, %add3A_193 : i32
          %select_n3A_195 = arith.select %and3A_192, %add3A_194, %while3A_143 : i32
          %ne3A_196 = arith.cmpi ne, %add3A_155, %add3A_173 : i32
          %or3A_197 = arith.constant false
          %or3A_198 = arith.ori %or3A_197, %ne3A_196 : i1
          %or3A_199 = arith.constant false
          %or3A_200 = arith.ori %or3A_198, %or3A_199 : i1
          %sub3A_201 = arith.constant 2 : i32
          %sub3A_202 = arith.subi %mul3A_149, %sub3A_201 : i32
          %add3A_203 = arith.constant 1 : i32
          %add3A_204 = arith.addi %sub3A_202, %add3A_203 : i32
          %ge3A_205 = arith.cmpi sge, %while3A_142, %add3A_204 : i32
          %not3A_206 = arith.constant true
          %not3A_207 = arith.xori %ge3A_205, %not3A_206 : i1
          %and3A_208 = arith.andi %or3A_200, %not3A_207 : i1
          %ne3A_209 = arith.cmpi ne, %add3A_155, %add3A_165 : i32
          %or3A_210 = arith.constant false
          %or3A_211 = arith.ori %or3A_210, %ne3A_209 : i1
          %or3A_212 = arith.ori %or3A_211, %eq3A_151 : i1
          %convert_element_type3A_213 = arith.extui %or3A_212 : i1 to i32
          %cond3A_214 = arith.constant 0 : i32
          %cond3A_215 = arith.cmpi ne, %convert_element_type3A_213, %cond3A_214 : i32
          scf.if %cond3A_215 {
            "tpu.trace_start"() <{level = 10 : i32, message = "ep_wait_in"}> : () -> ()
            %mul3A_294 = arith.constant 480 : i32
            %mul3A_295 = arith.muli %mul3A_294, %add3A_155 : i32
            %rem3A_296 = arith.constant 2 : i32
            %rem3A_297 = arith.remui %while3A_144, %rem3A_296 : i32
            %dma_wait3A = arith.constant 0 : i32
            %dma_wait3A_298 = arith.constant 0 : i32
            %dma_wait3A_299 = tpu.memref_slice %run_scoped3A[%rem3A_297, %dma_wait3A, %dma_wait3A_298] : memref<2x1x480xi32, #tpu.memory_space<vmem>> -> memref<1x1x480xi32, #tpu.memory_space<vmem>>
            %dma_wait3A_300 = tpu.memref_squeeze %dma_wait3A_299 : memref<1x1x480xi32, #tpu.memory_space<vmem>> -> memref<1x480xi32, #tpu.memory_space<vmem>>
            %dma_wait3A_301 = arith.constant 0 : i32
            %dma_wait3A_302 = tpu.memref_slice %arg3[%dma_wait3A_301, %mul3A_295] : memref<1x600000xi32, #tpu.memory_space<hbm>> -> memref<1x480xi32, #tpu.memory_space<hbm>>
            %dma_wait3A_303 = tpu.memref_slice %run_scoped3A_17[%rem3A_297] : memref<2x!tpu.dma_semaphore, #tpu.memory_space<semaphore_mem>> -> memref<1x!tpu.dma_semaphore, #tpu.memory_space<semaphore_mem>>
            %dma_wait3A_304 = tpu.memref_squeeze %dma_wait3A_303 : memref<1x!tpu.dma_semaphore, #tpu.memory_space<semaphore_mem>> -> memref<!tpu.dma_semaphore, #tpu.memory_space<semaphore_mem>>
            %dma_wait3A_305 = arith.constant 0 : i32
            %dma_wait3A_306 = arith.constant 0 : i32
            %dma_wait3A_307 = tpu.memref_slice %run_scoped3A[%rem3A_297, %dma_wait3A_305, %dma_wait3A_306] : memref<2x1x480xi32, #tpu.memory_space<vmem>> -> memref<1x1x480xi32, #tpu.memory_space<vmem>>
            %dma_wait3A_308 = tpu.memref_squeeze %dma_wait3A_307 : memref<1x1x480xi32, #tpu.memory_space<vmem>> -> memref<1x480xi32, #tpu.memory_space<vmem>>
            %dma_wait3A_309 = arith.constant 0 : i32
            %dma_wait3A_310 = tpu.memref_slice %arg3[%dma_wait3A_309, %mul3A_295] : memref<1x600000xi32, #tpu.memory_space<hbm>> -> memref<1x480xi32, #tpu.memory_space<hbm>>
            tpu.wait_dma2 semaphore(%dma_wait3A_304 : memref<!tpu.dma_semaphore, #tpu.memory_space<semaphore_mem>>) src(%dma_wait3A_310 : memref<1x480xi32, #tpu.memory_space<hbm>>) dst(%dma_wait3A_308 : memref<1x480xi32, #tpu.memory_space<vmem>>)
            "tpu.trace_stop"() : () -> ()
          } else {
          }
          %ne3A_216 = arith.cmpi ne, %add3A_155, %add3A_165 : i32
          %or3A_217 = arith.constant false
          %or3A_218 = arith.ori %or3A_217, %ne3A_216 : i1
          %or3A_219 = arith.constant false
          %or3A_220 = arith.ori %or3A_218, %or3A_219 : i1
          %or3A_221 = arith.ori %or3A_220, %eq3A_151 : i1
          %convert_element_type3A_222 = arith.extui %or3A_221 : i1 to i32
          %cond3A_223 = arith.constant 0 : i32
          %cond3A_224 = arith.cmpi ne, %convert_element_type3A_222, %cond3A_223 : i32
          scf.if %cond3A_224 {
          } else {
          }
          %rem3A_225 = arith.constant 2 : i32
          %rem3A_226 = arith.remui %while3A_144, %rem3A_225 : i32
          %rem3A_227 = arith.constant 2 : i32
          %rem3A_228 = arith.remui %while3A_145, %rem3A_227 : i32
          %run_scoped3A_229 = arith.constant 0 : i32
          "tpu.trace_start"() <{level = 10 : i32, message = "ep_run_kernel"}> : () -> ()
          "tpu.region"() ({
            %run_scoped3A_294 = tpu.sem_alloc : memref<!tpu.dma_semaphore, #tpu.memory_space<semaphore_mem>>
            %dma_start3A_295 = arith.constant 0 : i32
            %dma_start3A_296 = arith.constant 0 : i32
            %dma_start3A_297 = tpu.memref_slice %run_scoped3A_18[%rem3A_228, %dma_start3A_295, %dma_start3A_296] : memref<2x480x64xf32, #tpu.memory_space<vmem>> -> memref<1x480x64xf32, #tpu.memory_space<vmem>>
            %dma_start3A_298 = tpu.memref_squeeze %dma_start3A_297 : memref<1x480x64xf32, #tpu.memory_space<vmem>> -> memref<480x64xf32, #tpu.memory_space<vmem>>
            %dma_start3A_299 = arith.constant 0 : i32
            %dma_start3A_300 = arith.constant 0 : i32
            %dma_start3A_301 = tpu.memref_slice %run_scoped3A[%rem3A_226, %dma_start3A_299, %dma_start3A_300] : memref<2x1x480xi32, #tpu.memory_space<vmem>> -> memref<1x1x480xi32, #tpu.memory_space<vmem>>
            %dma_start3A_302 = tpu.memref_squeeze %dma_start3A_301 : memref<1x1x480xi32, #tpu.memory_space<vmem>> -> memref<1x480xi32, #tpu.memory_space<vmem>>
            %dma_start3A_303 = arith.constant 0 : i32
            %dma_start3A_304 = tpu.memref_slice %dma_start3A_302[%run_scoped3A_229, %dma_start3A_303] : memref<1x480xi32, #tpu.memory_space<vmem>> -> memref<1x480xi32, #tpu.memory_space<vmem>>
            %dma_start3A_305 = tpu.memref_squeeze %dma_start3A_304 : memref<1x480xi32, #tpu.memory_space<vmem>> -> memref<480xi32, #tpu.memory_space<vmem>>
            %dma_start3A_306 = arith.constant 0 : i32
            %dma_start3A_307 = arith.constant 0 : i32
            %dma_start3A_308 = tpu.memref_slice %arg2[%dma_start3A_306, %dma_start3A_307] : memref<50000x64xf32, #tpu.memory_space<hbm>> -> memref<50000x64xf32, #tpu.memory_space<hbm>>
            tpu.enqueue_indirect_dma source(%dma_start3A_308 : memref<50000x64xf32, #tpu.memory_space<hbm>>) target(%dma_start3A_298 : memref<480x64xf32, #tpu.memory_space<vmem>>) offsets(%dma_start3A_305 : memref<480xi32, #tpu.memory_space<vmem>>) semaphore(%run_scoped3A_294 : memref<!tpu.dma_semaphore, #tpu.memory_space<semaphore_mem>>)
            %dma_wait3A = arith.constant 0 : i32
            %dma_wait3A_309 = arith.constant 0 : i32
            %dma_wait3A_310 = tpu.memref_slice %run_scoped3A_18[%rem3A_228, %dma_wait3A, %dma_wait3A_309] : memref<2x480x64xf32, #tpu.memory_space<vmem>> -> memref<1x480x64xf32, #tpu.memory_space<vmem>>
            %dma_wait3A_311 = tpu.memref_squeeze %dma_wait3A_310 : memref<1x480x64xf32, #tpu.memory_space<vmem>> -> memref<480x64xf32, #tpu.memory_space<vmem>>
            %dma_wait3A_312 = arith.constant 0 : i32
            %dma_wait3A_313 = arith.constant 0 : i32
            %dma_wait3A_314 = tpu.memref_slice %run_scoped3A[%rem3A_226, %dma_wait3A_312, %dma_wait3A_313] : memref<2x1x480xi32, #tpu.memory_space<vmem>> -> memref<1x1x480xi32, #tpu.memory_space<vmem>>
            %dma_wait3A_315 = tpu.memref_squeeze %dma_wait3A_314 : memref<1x1x480xi32, #tpu.memory_space<vmem>> -> memref<1x480xi32, #tpu.memory_space<vmem>>
            %dma_wait3A_316 = arith.constant 0 : i32
            %dma_wait3A_317 = tpu.memref_slice %dma_wait3A_315[%run_scoped3A_229, %dma_wait3A_316] : memref<1x480xi32, #tpu.memory_space<vmem>> -> memref<1x480xi32, #tpu.memory_space<vmem>>
            %dma_wait3A_318 = tpu.memref_squeeze %dma_wait3A_317 : memref<1x480xi32, #tpu.memory_space<vmem>> -> memref<480xi32, #tpu.memory_space<vmem>>
            %dma_wait3A_319 = arith.constant 0 : i32
            %dma_wait3A_320 = arith.constant 0 : i32
            %dma_wait3A_321 = tpu.memref_slice %arg2[%dma_wait3A_319, %dma_wait3A_320] : memref<50000x64xf32, #tpu.memory_space<hbm>> -> memref<50000x64xf32, #tpu.memory_space<hbm>>
            tpu.wait_indirect_dma semaphore(%run_scoped3A_294 : memref<!tpu.dma_semaphore, #tpu.memory_space<semaphore_mem>>) src(%dma_wait3A_321 : memref<50000x64xf32, #tpu.memory_space<hbm>>) dst(%dma_wait3A_311 : memref<480x64xf32, #tpu.memory_space<vmem>>)
            tpu.yield
          }) : () -> ()
          "tpu.trace_stop"() : () -> ()
          %ne3A_230 = arith.cmpi ne, %add3A_155, %add3A_173 : i32
          %or3A_231 = arith.constant false
          %or3A_232 = arith.ori %or3A_231, %ne3A_230 : i1
          %or3A_233 = arith.ori %or3A_232, %eq3A_154 : i1
          %convert_element_type3A_234 = arith.extui %or3A_233 : i1 to i32
          %cond3A_235 = arith.constant 0 : i32
          %cond3A_236 = arith.cmpi ne, %convert_element_type3A_234, %cond3A_235 : i32
          scf.if %cond3A_236 {
          } else {
          }
          %and3A_237 = arith.constant false
          %and3A_238 = arith.andi %or3A_233, %and3A_237 : i1
          %ne3A_239 = arith.cmpi ne, %add3A_155, %add3A_173 : i32
          %or3A_240 = arith.constant false
          %or3A_241 = arith.ori %or3A_240, %ne3A_239 : i1
          %or3A_242 = arith.constant false
          %or3A_243 = arith.ori %or3A_241, %or3A_242 : i1
          %or3A_244 = arith.ori %or3A_243, %eq3A_154 : i1
          %convert_element_type3A_245 = arith.extui %or3A_244 : i1 to i32
          %cond3A_246 = arith.constant 0 : i32
          %cond3A_247 = arith.cmpi ne, %convert_element_type3A_245, %cond3A_246 : i32
          scf.if %cond3A_247 {
            "tpu.trace_start"() <{level = 10 : i32, message = "ep_copy_out"}> : () -> ()
            %rem3A_294 = arith.constant 2 : i32
            %rem3A_295 = arith.remui %while3A_145, %rem3A_294 : i32
            %mul3A_296 = arith.constant 480 : i32
            %mul3A_297 = arith.muli %mul3A_296, %add3A_155 : i32
            %dma_start3A_298 = arith.constant 0 : i32
            %dma_start3A_299 = arith.constant 0 : i32
            %dma_start3A_300 = tpu.memref_slice %run_scoped3A_18[%rem3A_295, %dma_start3A_298, %dma_start3A_299] : memref<2x480x64xf32, #tpu.memory_space<vmem>> -> memref<1x480x64xf32, #tpu.memory_space<vmem>>
            %dma_start3A_301 = tpu.memref_squeeze %dma_start3A_300 : memref<1x480x64xf32, #tpu.memory_space<vmem>> -> memref<480x64xf32, #tpu.memory_space<vmem>>
            %dma_start3A_302 = arith.constant 0 : i32
            %dma_start3A_303 = tpu.memref_slice %arg4[%mul3A_297, %dma_start3A_302] : memref<600000x64xf32, #tpu.memory_space<hbm>> -> memref<480x64xf32, #tpu.memory_space<hbm>>
            %dma_start3A_304 = tpu.memref_slice %run_scoped3A_19[%rem3A_295] : memref<2x!tpu.dma_semaphore, #tpu.memory_space<semaphore_mem>> -> memref<1x!tpu.dma_semaphore, #tpu.memory_space<semaphore_mem>>
            %dma_start3A_305 = tpu.memref_squeeze %dma_start3A_304 : memref<1x!tpu.dma_semaphore, #tpu.memory_space<semaphore_mem>> -> memref<!tpu.dma_semaphore, #tpu.memory_space<semaphore_mem>>
            %dma_start3A_306 = arith.constant 0 : i32
            %dma_start3A_307 = tpu.memref_slice %arg4[%mul3A_297, %dma_start3A_306] : memref<600000x64xf32, #tpu.memory_space<hbm>> -> memref<480x64xf32, #tpu.memory_space<hbm>>
            %dma_start3A_308 = arith.constant 0 : i32
            %dma_start3A_309 = arith.constant 0 : i32
            %dma_start3A_310 = tpu.memref_slice %run_scoped3A_18[%rem3A_295, %dma_start3A_308, %dma_start3A_309] : memref<2x480x64xf32, #tpu.memory_space<vmem>> -> memref<1x480x64xf32, #tpu.memory_space<vmem>>
            %dma_start3A_311 = tpu.memref_squeeze %dma_start3A_310 : memref<1x480x64xf32, #tpu.memory_space<vmem>> -> memref<480x64xf32, #tpu.memory_space<vmem>>
            tpu.enqueue_dma source(%dma_start3A_311 : memref<480x64xf32, #tpu.memory_space<vmem>>) target(%dma_start3A_307 : memref<480x64xf32, #tpu.memory_space<hbm>>) target_semaphore(%dma_start3A_305 : memref<!tpu.dma_semaphore, #tpu.memory_space<semaphore_mem>>)
            "tpu.trace_stop"() : () -> ()
          } else {
          }
          %and3A_248 = arith.constant true
          %and3A_249 = arith.andi %or3A_244, %and3A_248 : i1
          %add3A_250 = arith.constant 1 : i32
          %add3A_251 = arith.addi %while3A_145, %add3A_250 : i32
          %select_n3A_252 = arith.select %and3A_249, %add3A_251, %while3A_145 : i32
          %ne3A_253 = arith.cmpi ne, %add3A_155, %add3A_165 : i32
          %or3A_254 = arith.constant false
          %or3A_255 = arith.ori %or3A_254, %ne3A_253 : i1
          %not3A_256 = arith.constant true
          %not3A_257 = arith.xori %eq3A_151, %not3A_256 : i1
          %and3A_258 = arith.andi %or3A_255, %not3A_257 : i1
          %convert_element_type3A_259 = arith.extui %and3A_258 : i1 to i32
          %cond3A_260 = arith.constant 0 : i32
          %cond3A_261 = arith.cmpi ne, %convert_element_type3A_259, %cond3A_260 : i32
          scf.if %cond3A_261 {
          } else {
          }
          %and3A_262 = arith.constant false
          %and3A_263 = arith.andi %and3A_258, %and3A_262 : i1
          %ne3A_264 = arith.cmpi ne, %add3A_155, %add3A_165 : i32
          %or3A_265 = arith.constant false
          %or3A_266 = arith.ori %or3A_265, %ne3A_264 : i1
          %or3A_267 = arith.constant false
          %or3A_268 = arith.ori %or3A_266, %or3A_267 : i1
          %not3A_269 = arith.constant true
          %not3A_270 = arith.xori %eq3A_151, %not3A_269 : i1
          %and3A_271 = arith.andi %or3A_268, %not3A_270 : i1
          %convert_element_type3A_272 = arith.extui %and3A_271 : i1 to i32
          %cond3A_273 = arith.constant 0 : i32
          %cond3A_274 = arith.cmpi ne, %convert_element_type3A_272, %cond3A_273 : i32
          scf.if %cond3A_274 {
            "tpu.trace_start"() <{level = 10 : i32, message = "ep_wait_out"}> : () -> ()
            %rem3A_294 = arith.constant 2 : i32
            %rem3A_295 = arith.remui %while3A_146, %rem3A_294 : i32
            %mul3A_296 = arith.constant 480 : i32
            %mul3A_297 = arith.muli %mul3A_296, %add3A_165 : i32
            %dma_wait3A = arith.constant 0 : i32
            %dma_wait3A_298 = arith.constant 0 : i32
            %dma_wait3A_299 = tpu.memref_slice %run_scoped3A_18[%rem3A_295, %dma_wait3A, %dma_wait3A_298] : memref<2x480x64xf32, #tpu.memory_space<vmem>> -> memref<1x480x64xf32, #tpu.memory_space<vmem>>
            %dma_wait3A_300 = tpu.memref_squeeze %dma_wait3A_299 : memref<1x480x64xf32, #tpu.memory_space<vmem>> -> memref<480x64xf32, #tpu.memory_space<vmem>>
            %dma_wait3A_301 = arith.constant 0 : i32
            %dma_wait3A_302 = tpu.memref_slice %arg4[%mul3A_297, %dma_wait3A_301] : memref<600000x64xf32, #tpu.memory_space<hbm>> -> memref<480x64xf32, #tpu.memory_space<hbm>>
            %dma_wait3A_303 = tpu.memref_slice %run_scoped3A_19[%rem3A_295] : memref<2x!tpu.dma_semaphore, #tpu.memory_space<semaphore_mem>> -> memref<1x!tpu.dma_semaphore, #tpu.memory_space<semaphore_mem>>
            %dma_wait3A_304 = tpu.memref_squeeze %dma_wait3A_303 : memref<1x!tpu.dma_semaphore, #tpu.memory_space<semaphore_mem>> -> memref<!tpu.dma_semaphore, #tpu.memory_space<semaphore_mem>>
            %dma_wait3A_305 = arith.constant 0 : i32
            %dma_wait3A_306 = tpu.memref_slice %arg4[%mul3A_297, %dma_wait3A_305] : memref<600000x64xf32, #tpu.memory_space<hbm>> -> memref<480x64xf32, #tpu.memory_space<hbm>>
            %dma_wait3A_307 = arith.constant 0 : i32
            %dma_wait3A_308 = arith.constant 0 : i32
            %dma_wait3A_309 = tpu.memref_slice %run_scoped3A_18[%rem3A_295, %dma_wait3A_307, %dma_wait3A_308] : memref<2x480x64xf32, #tpu.memory_space<vmem>> -> memref<1x480x64xf32, #tpu.memory_space<vmem>>
            %dma_wait3A_310 = tpu.memref_squeeze %dma_wait3A_309 : memref<1x480x64xf32, #tpu.memory_space<vmem>> -> memref<480x64xf32, #tpu.memory_space<vmem>>
            tpu.wait_dma2 semaphore(%dma_wait3A_304 : memref<!tpu.dma_semaphore, #tpu.memory_space<semaphore_mem>>) src(%dma_wait3A_310 : memref<480x64xf32, #tpu.memory_space<vmem>>) dst(%dma_wait3A_306 : memref<480x64xf32, #tpu.memory_space<hbm>>)
            "tpu.trace_stop"() : () -> ()
          } else {
          }
          %and3A_275 = arith.constant true
          %and3A_276 = arith.andi %and3A_271, %and3A_275 : i1
          %add3A_277 = arith.constant 1 : i32
          %add3A_278 = arith.addi %while3A_146, %add3A_277 : i32
          %select_n3A_279 = arith.select %and3A_276, %add3A_278, %while3A_146 : i32
          %ne3A_280 = arith.cmpi ne, %add3A_155, %add3A_173 : i32
          %or3A_281 = arith.constant false
          %or3A_282 = arith.ori %or3A_281, %ne3A_280 : i1
          %or3A_283 = arith.ori %or3A_282, %eq3A_154 : i1
          %add3A_284 = arith.constant 1 : i32
          %add3A_285 = arith.addi %while3A_144, %add3A_284 : i32
          %select_n3A_286 = arith.select %or3A_283, %add3A_285, %while3A_144 : i32
          %add3A_287 = arith.constant 1 : i32
          %add3A_288 = arith.addi %while3A_147, %add3A_287 : i32
          %select_n3A_289 = arith.constant true
          %select_n3A_290 = arith.select %select_n3A_289, %add3A_288, %while3A_147 : i32
          %eq3A_291 = arith.cmpi eq, %select_n3A_290, %select_n3A : i32
          %select_n3A_292 = arith.constant 0 : i32
          %select_n3A_293 = arith.select %eq3A_291, %select_n3A_292, %select_n3A_290 : i32
          scf.yield %select_n3A_195, %select_n3A_286, %select_n3A_252, %select_n3A_279, %select_n3A_293 : i32, i32, i32, i32, i32
        }
        %sub3A_91 = arith.constant 1 : i32
        %sub3A_92 = arith.subi %while3A_90#4, %sub3A_91 : i32
        %select_n3A_93 = arith.constant true
        %select_n3A_94 = arith.select %select_n3A_93, %sub3A_92, %while3A_90#4 : i32
        %eq3A_95 = arith.constant -1 : i32
        %eq3A_96 = arith.cmpi eq, %select_n3A_94, %eq3A_95 : i32
        %sub3A_97 = arith.constant 1 : i32
        %sub3A_98 = arith.subi %select_n3A, %sub3A_97 : i32
        %select_n3A_99 = arith.select %eq3A_96, %sub3A_98, %select_n3A_94 : i32
        %sub3A_100 = arith.constant 1 : i32
        %sub3A_101 = arith.subi %mul3A_16, %sub3A_100 : i32
        %mul3A_102 = arith.constant 1 : i32
        %mul3A_103 = arith.muli %mul3A_102, %select_n3A : i32
        %eq3A_104 = arith.constant 0 : i32
        %eq3A_105 = arith.cmpi eq, %sub3A_101, %eq3A_104 : i32
        %sub3A_106 = arith.constant 1 : i32
        %sub3A_107 = arith.subi %mul3A_103, %sub3A_106 : i32
        %eq3A_108 = arith.cmpi eq, %sub3A_101, %sub3A_107 : i32
        %add3A_109 = arith.addi %select_n3A_99, %select_n3A_14 : i32
        %sub3A_110 = arith.constant 1 : i32
        %sub3A_111 = arith.subi %select_n3A_99, %sub3A_110 : i32
        %select_n3A_112 = arith.constant true
        %select_n3A_113 = arith.select %select_n3A_112, %sub3A_111, %select_n3A_99 : i32
        %eq3A_114 = arith.constant -1 : i32
        %eq3A_115 = arith.cmpi eq, %select_n3A_113, %eq3A_114 : i32
        %sub3A_116 = arith.constant 1 : i32
        %sub3A_117 = arith.subi %select_n3A, %sub3A_116 : i32
        %select_n3A_118 = arith.select %eq3A_115, %sub3A_117, %select_n3A_113 : i32
        %add3A_119 = arith.addi %select_n3A_118, %select_n3A_14 : i32
        %add3A_120 = arith.constant 1 : i32
        %add3A_121 = arith.addi %select_n3A_99, %add3A_120 : i32
        %select_n3A_122 = arith.constant true
        %select_n3A_123 = arith.select %select_n3A_122, %add3A_121, %select_n3A_99 : i32
        %eq3A_124 = arith.cmpi eq, %select_n3A_123, %select_n3A : i32
        %select_n3A_125 = arith.constant 0 : i32
        %select_n3A_126 = arith.select %eq3A_124, %select_n3A_125, %select_n3A_123 : i32
        %add3A_127 = arith.addi %select_n3A_126, %select_n3A_14 : i32
        %add3A_128 = arith.constant 1 : i32
        %add3A_129 = arith.addi %select_n3A_126, %add3A_128 : i32
        %select_n3A_130 = arith.constant true
        %select_n3A_131 = arith.select %select_n3A_130, %add3A_129, %select_n3A_126 : i32
        %eq3A_132 = arith.cmpi eq, %select_n3A_131, %select_n3A : i32
        %select_n3A_133 = arith.constant 0 : i32
        %select_n3A_134 = arith.select %eq3A_132, %select_n3A_133, %select_n3A_131 : i32
        %add3A_135 = arith.addi %select_n3A_134, %select_n3A_14 : i32
        %convert_element_type3A_136 = arith.extui %eq3A_108 : i1 to i32
        %cond3A_137 = arith.constant 0 : i32
        %cond3A_138 = arith.cmpi ne, %convert_element_type3A_136, %cond3A_137 : i32
        scf.if %cond3A_138 {
        } else {
        }
        %convert_element_type3A_139 = arith.extui %eq3A_108 : i1 to i32
        %cond3A_140 = arith.constant 0 : i32
        %cond3A_141 = arith.cmpi ne, %convert_element_type3A_139, %cond3A_140 : i32
        scf.if %cond3A_141 {
          "tpu.trace_start"() <{level = 10 : i32, message = "ep_finalize"}> : () -> ()
          %rem3A_142 = arith.constant 2 : i32
          %rem3A_143 = arith.remui %while3A_90#3, %rem3A_142 : i32
          %mul3A_144 = arith.constant 480 : i32
          %mul3A_145 = arith.muli %mul3A_144, %add3A_109 : i32
          %dma_wait3A = arith.constant 0 : i32
          %dma_wait3A_146 = arith.constant 0 : i32
          %dma_wait3A_147 = tpu.memref_slice %run_scoped3A_18[%rem3A_143, %dma_wait3A, %dma_wait3A_146] : memref<2x480x64xf32, #tpu.memory_space<vmem>> -> memref<1x480x64xf32, #tpu.memory_space<vmem>>
          %dma_wait3A_148 = tpu.memref_squeeze %dma_wait3A_147 : memref<1x480x64xf32, #tpu.memory_space<vmem>> -> memref<480x64xf32, #tpu.memory_space<vmem>>
          %dma_wait3A_149 = arith.constant 0 : i32
          %dma_wait3A_150 = tpu.memref_slice %arg4[%mul3A_145, %dma_wait3A_149] : memref<600000x64xf32, #tpu.memory_space<hbm>> -> memref<480x64xf32, #tpu.memory_space<hbm>>
          %dma_wait3A_151 = tpu.memref_slice %run_scoped3A_19[%rem3A_143] : memref<2x!tpu.dma_semaphore, #tpu.memory_space<semaphore_mem>> -> memref<1x!tpu.dma_semaphore, #tpu.memory_space<semaphore_mem>>
          %dma_wait3A_152 = tpu.memref_squeeze %dma_wait3A_151 : memref<1x!tpu.dma_semaphore, #tpu.memory_space<semaphore_mem>> -> memref<!tpu.dma_semaphore, #tpu.memory_space<semaphore_mem>>
          %dma_wait3A_153 = arith.constant 0 : i32
          %dma_wait3A_154 = tpu.memref_slice %arg4[%mul3A_145, %dma_wait3A_153] : memref<600000x64xf32, #tpu.memory_space<hbm>> -> memref<480x64xf32, #tpu.memory_space<hbm>>
          %dma_wait3A_155 = arith.constant 0 : i32
          %dma_wait3A_156 = arith.constant 0 : i32
          %dma_wait3A_157 = tpu.memref_slice %run_scoped3A_18[%rem3A_143, %dma_wait3A_155, %dma_wait3A_156] : memref<2x480x64xf32, #tpu.memory_space<vmem>> -> memref<1x480x64xf32, #tpu.memory_space<vmem>>
          %dma_wait3A_158 = tpu.memref_squeeze %dma_wait3A_157 : memref<1x480x64xf32, #tpu.memory_space<vmem>> -> memref<480x64xf32, #tpu.memory_space<vmem>>
          tpu.wait_dma2 semaphore(%dma_wait3A_152 : memref<!tpu.dma_semaphore, #tpu.memory_space<semaphore_mem>>) src(%dma_wait3A_158 : memref<480x64xf32, #tpu.memory_space<vmem>>) dst(%dma_wait3A_154 : memref<480x64xf32, #tpu.memory_space<hbm>>)
          "tpu.trace_stop"() : () -> ()
        } else {
        }
      } else {
      }
      tpu.yield
    }) : () -> ()
    return
  }
}

#map = affine_map<(d0, d1) -> (0, 0)>
module attributes {stable_mosaic.version = 14 : i64} {
  func.func @gk(%arg0: i32, %arg1: i32, %arg2: memref<50000x64xf32, #tpu.memory_space<hbm>>, %arg3: memref<1x600000xi32, #tpu.memory_space<hbm>>, %arg4: memref<600000x64xf32, #tpu.memory_space<hbm>>) attributes {dimension_semantics = [#tpu.dimension_semantics<core_parallel>, #tpu.dimension_semantics<subcore_parallel>], iteration_bounds = array<i64: 2, 16>, scalar_prefetch = 0 : i64, scratch_operands = 0 : i64, tpu.core_type = #tpu.core_type<sc_vector_subcore>, window_params = [{transform_indices = #map}, {transform_indices = #map}, {transform_indices = #map}]} {
    %mul3A = arith.constant 1 : i32
    %mul3A_0 = arith.muli %arg1, %mul3A : i32
    %add3A = arith.constant 0 : i32
    %add3A_1 = arith.addi %add3A, %mul3A_0 : i32
    %mul3A_2 = arith.constant 16 : i32
    %mul3A_3 = arith.muli %arg0, %mul3A_2 : i32
    %add3A_4 = arith.addi %add3A_1, %mul3A_3 : i32
    %lt3A = arith.constant 2 : i32
    %lt3A_5 = arith.cmpi slt, %add3A_4, %lt3A : i32
    %jit3A = arith.constant 40 : i32
    %jit3A_6 = arith.constant 39 : i32
    %select_n3A = arith.select %lt3A_5, %jit3A, %jit3A_6 : i32
    %lt3A_7 = arith.constant 2 : i32
    %lt3A_8 = arith.cmpi slt, %add3A_4, %lt3A_7 : i32
    %mul3A_9 = arith.muli %add3A_4, %select_n3A : i32
    %mul3A_10 = arith.constant 39 : i32
    %mul3A_11 = arith.muli %add3A_4, %mul3A_10 : i32
    %add3A_12 = arith.constant 2 : i32
    %add3A_13 = arith.addi %mul3A_11, %add3A_12 : i32
    %select_n3A_14 = arith.select %lt3A_8, %mul3A_9, %add3A_13 : i32
    %mul3A_15 = arith.constant 1 : i32
    %mul3A_16 = arith.muli %mul3A_15, %select_n3A : i32
    "tpu.region"() ({
      %run_scoped3A = memref.alloca() : memref<2x1x480xi32, #tpu.memory_space<vmem>>
      %run_scoped3A_17 = tpu.sem_alloc : memref<2x!tpu.dma_semaphore, #tpu.memory_space<semaphore_mem>>
      %run_scoped3A_18 = memref.alloca() : memref<2x480x64xf32, #tpu.memory_space<vmem>>
      %run_scoped3A_19 = tpu.sem_alloc : memref<2x!tpu.dma_semaphore, #tpu.memory_space<semaphore_mem>>
      %gt3A = arith.constant 0 : i32
      %gt3A_20 = arith.cmpi sgt, %mul3A_16, %gt3A : i32
      %convert_element_type3A = arith.extui %gt3A_20 : i1 to i32
      %cond3A = arith.constant 0 : i32
      %cond3A_21 = arith.cmpi ne, %convert_element_type3A, %cond3A : i32
      scf.if %cond3A_21 {
        %mul3A_22 = arith.constant 1 : i32
        %mul3A_23 = arith.muli %mul3A_22, %select_n3A : i32
        %sub3A = arith.constant 1 : i32
        %sub3A_24 = arith.subi %mul3A_23, %sub3A : i32
        %eq3A = arith.constant 0 : i32
        %eq3A_25 = arith.cmpi eq, %sub3A_24, %eq3A : i32
        %add3A_26 = arith.constant 0 : i32
        %add3A_27 = arith.addi %add3A_26, %select_n3A_14 : i32
        %select_n3A_28 = arith.constant true
        %select_n3A_29 = arith.constant 0 : i32
        %select_n3A_30 = arith.constant -1 : i32
        %select_n3A_31 = arith.select %select_n3A_28, %select_n3A_30, %select_n3A_29 : i32
        %eq3A_32 = arith.constant -1 : i32
        %eq3A_33 = arith.cmpi eq, %select_n3A_31, %eq3A_32 : i32
        %sub3A_34 = arith.constant 1 : i32
        %sub3A_35 = arith.subi %select_n3A, %sub3A_34 : i32
        %select_n3A_36 = arith.select %eq3A_33, %sub3A_35, %select_n3A_31 : i32
        %add3A_37 = arith.addi %select_n3A_36, %select_n3A_14 : i32
        %select_n3A_38 = arith.constant true
        %select_n3A_39 = arith.constant 0 : i32
        %select_n3A_40 = arith.constant 1 : i32
        %select_n3A_41 = arith.select %select_n3A_38, %select_n3A_40, %select_n3A_39 : i32
        %eq3A_42 = arith.cmpi eq, %select_n3A_41, %select_n3A : i32
        %select_n3A_43 = arith.constant 0 : i32
        %select_n3A_44 = arith.select %eq3A_42, %select_n3A_43, %select_n3A_41 : i32
        %add3A_45 = arith.addi %select_n3A_44, %select_n3A_14 : i32
        %add3A_46 = arith.constant 1 : i32
        %add3A_47 = arith.addi %select_n3A_44, %add3A_46 : i32
        %select_n3A_48 = arith.constant true
        %select_n3A_49 = arith.select %select_n3A_48, %add3A_47, %select_n3A_44 : i32
        %eq3A_50 = arith.cmpi eq, %select_n3A_49, %select_n3A : i32
        %select_n3A_51 = arith.constant 0 : i32
        %select_n3A_52 = arith.select %eq3A_50, %select_n3A_51, %select_n3A_49 : i32
        %add3A_53 = arith.addi %select_n3A_52, %select_n3A_14 : i32
        "tpu.trace_start"() <{level = 10 : i32, message = "ep_initialize_0"}> : () -> ()
        %rem3A = arith.constant 0 : i32
        %rem3A_54 = arith.constant 2 : i32
        %rem3A_55 = arith.remui %rem3A, %rem3A_54 : i32
        %mul3A_56 = arith.constant 480 : i32
        %mul3A_57 = arith.muli %mul3A_56, %add3A_27 : i32
        %dma_start3A = arith.constant 0 : i32
        %dma_start3A_58 = arith.constant 0 : i32
        %dma_start3A_59 = tpu.memref_slice %run_scoped3A[%rem3A_55, %dma_start3A, %dma_start3A_58] : memref<2x1x480xi32, #tpu.memory_space<vmem>> -> memref<1x1x480xi32, #tpu.memory_space<vmem>>
        %dma_start3A_60 = tpu.memref_squeeze %dma_start3A_59 : memref<1x1x480xi32, #tpu.memory_space<vmem>> -> memref<1x480xi32, #tpu.memory_space<vmem>>
        %dma_start3A_61 = arith.constant 0 : i32
        %dma_start3A_62 = tpu.memref_slice %arg3[%dma_start3A_61, %mul3A_57] : memref<1x600000xi32, #tpu.memory_space<hbm>> -> memref<1x480xi32, #tpu.memory_space<hbm>>
        %dma_start3A_63 = tpu.memref_slice %run_scoped3A_17[%rem3A_55] : memref<2x!tpu.dma_semaphore, #tpu.memory_space<semaphore_mem>> -> memref<1x!tpu.dma_semaphore, #tpu.memory_space<semaphore_mem>>
        %dma_start3A_64 = tpu.memref_squeeze %dma_start3A_63 : memref<1x!tpu.dma_semaphore, #tpu.memory_space<semaphore_mem>> -> memref<!tpu.dma_semaphore, #tpu.memory_space<semaphore_mem>>
        %dma_start3A_65 = arith.constant 0 : i32
        %dma_start3A_66 = arith.constant 0 : i32
        %dma_start3A_67 = tpu.memref_slice %run_scoped3A[%rem3A_55, %dma_start3A_65, %dma_start3A_66] : memref<2x1x480xi32, #tpu.memory_space<vmem>> -> memref<1x1x480xi32, #tpu.memory_space<vmem>>
        %dma_start3A_68 = tpu.memref_squeeze %dma_start3A_67 : memref<1x1x480xi32, #tpu.memory_space<vmem>> -> memref<1x480xi32, #tpu.memory_space<vmem>>
        %dma_start3A_69 = arith.constant 0 : i32
        %dma_start3A_70 = tpu.memref_slice %arg3[%dma_start3A_69, %mul3A_57] : memref<1x600000xi32, #tpu.memory_space<hbm>> -> memref<1x480xi32, #tpu.memory_space<hbm>>
        tpu.enqueue_dma source(%dma_start3A_70 : memref<1x480xi32, #tpu.memory_space<hbm>>) target(%dma_start3A_68 : memref<1x480xi32, #tpu.memory_space<vmem>>) target_semaphore(%dma_start3A_64 : memref<!tpu.dma_semaphore, #tpu.memory_space<semaphore_mem>>)
        %add3A_71 = arith.constant 0 : i32
        %add3A_72 = arith.constant 1 : i32
        %add3A_73 = arith.addi %add3A_71, %add3A_72 : i32
        %select_n3A_74 = arith.constant true
        %select_n3A_75 = arith.constant 0 : i32
        %select_n3A_76 = arith.select %select_n3A_74, %add3A_73, %select_n3A_75 : i32
        %while3A = arith.constant 0 : i32
        %while3A_77 = arith.constant 0 : i32
        %while3A_78 = arith.constant 0 : i32
        %while3A_79 = arith.constant 0 : i32
        %while3A_80 = arith.constant 0 : i32
        "tpu.trace_stop"() : () -> ()
        %while3A_81 = arith.subi %mul3A_16, %while3A : i32
        %while3A_82 = arith.addi %while3A, %while3A_81 : i32
        %while3A_83 = arith.constant 1 : i32
        %while3A_84 = arith.divsi %while3A_81, %while3A_83 : i32
        %while3A_85 = arith.muli %while3A_84, %while3A_83 : i32
        %while3A_86 = arith.addi %while3A, %while3A_85 : i32
        %while3A_87 = arith.constant 1 : i32
        %while3A_88:5 = scf.for %while3A_142 = %while3A to %while3A_86 step %while3A_87 iter_args(%while3A_143 = %select_n3A_76, %while3A_144 = %while3A_77, %while3A_145 = %while3A_78, %while3A_146 = %while3A_79, %while3A_147 = %while3A_80) -> (i32, i32, i32, i32, i32)  : i32 {
          %mul3A_148 = arith.constant 1 : i32
          %mul3A_149 = arith.muli %mul3A_148, %select_n3A : i32
          %eq3A_150 = arith.constant 0 : i32
          %eq3A_151 = arith.cmpi eq, %while3A_142, %eq3A_150 : i32
          %sub3A_152 = arith.constant 1 : i32
          %sub3A_153 = arith.subi %mul3A_149, %sub3A_152 : i32
          %eq3A_154 = arith.cmpi eq, %while3A_142, %sub3A_153 : i32
          %add3A_155 = arith.addi %while3A_147, %select_n3A_14 : i32
          %sub3A_156 = arith.constant 1 : i32
          %sub3A_157 = arith.subi %while3A_147, %sub3A_156 : i32
          %select_n3A_158 = arith.constant true
          %select_n3A_159 = arith.select %select_n3A_158, %sub3A_157, %while3A_147 : i32
          %eq3A_160 = arith.constant -1 : i32
          %eq3A_161 = arith.cmpi eq, %select_n3A_159, %eq3A_160 : i32
          %sub3A_162 = arith.constant 1 : i32
          %sub3A_163 = arith.subi %select_n3A, %sub3A_162 : i32
          %select_n3A_164 = arith.select %eq3A_161, %sub3A_163, %select_n3A_159 : i32
          %add3A_165 = arith.addi %select_n3A_164, %select_n3A_14 : i32
          %add3A_166 = arith.constant 1 : i32
          %add3A_167 = arith.addi %while3A_147, %add3A_166 : i32
          %select_n3A_168 = arith.constant true
          %select_n3A_169 = arith.select %select_n3A_168, %add3A_167, %while3A_147 : i32
          %eq3A_170 = arith.cmpi eq, %select_n3A_169, %select_n3A : i32
          %select_n3A_171 = arith.constant 0 : i32
          %select_n3A_172 = arith.select %eq3A_170, %select_n3A_171, %select_n3A_169 : i32
          %add3A_173 = arith.addi %select_n3A_172, %select_n3A_14 : i32
          %add3A_174 = arith.constant 1 : i32
          %add3A_175 = arith.addi %select_n3A_172, %add3A_174 : i32
          %select_n3A_176 = arith.constant true
          %select_n3A_177 = arith.select %select_n3A_176, %add3A_175, %select_n3A_172 : i32
          %eq3A_178 = arith.cmpi eq, %select_n3A_177, %select_n3A : i32
          %select_n3A_179 = arith.constant 0 : i32
          %select_n3A_180 = arith.select %eq3A_178, %select_n3A_179, %select_n3A_177 : i32
          %add3A_181 = arith.addi %select_n3A_180, %select_n3A_14 : i32
          %ne3A = arith.cmpi ne, %add3A_155, %add3A_173 : i32
          %or3A = arith.constant false
          %or3A_182 = arith.ori %or3A, %ne3A : i1
          %sub3A_183 = arith.constant 2 : i32
          %sub3A_184 = arith.subi %mul3A_149, %sub3A_183 : i32
          %add3A_185 = arith.constant 1 : i32
          %add3A_186 = arith.addi %sub3A_184, %add3A_185 : i32
          %ge3A = arith.cmpi sge, %while3A_142, %add3A_186 : i32
          %not3A = arith.constant true
          %not3A_187 = arith.xori %ge3A, %not3A : i1
          %and3A = arith.andi %or3A_182, %not3A_187 : i1
          %convert_element_type3A_188 = arith.extui %and3A : i1 to i32
          %cond3A_189 = arith.constant 0 : i32
          %cond3A_190 = arith.cmpi ne, %convert_element_type3A_188, %cond3A_189 : i32
          scf.if %cond3A_190 {
            "tpu.trace_start"() <{level = 10 : i32, message = "ep_copy_in"}> : () -> ()
            %rem3A_294 = arith.constant 2 : i32
            %rem3A_295 = arith.remui %while3A_143, %rem3A_294 : i32
            %mul3A_296 = arith.constant 480 : i32
            %mul3A_297 = arith.muli %mul3A_296, %add3A_173 : i32
            %dma_start3A_298 = arith.constant 0 : i32
            %dma_start3A_299 = arith.constant 0 : i32
            %dma_start3A_300 = tpu.memref_slice %run_scoped3A[%rem3A_295, %dma_start3A_298, %dma_start3A_299] : memref<2x1x480xi32, #tpu.memory_space<vmem>> -> memref<1x1x480xi32, #tpu.memory_space<vmem>>
            %dma_start3A_301 = tpu.memref_squeeze %dma_start3A_300 : memref<1x1x480xi32, #tpu.memory_space<vmem>> -> memref<1x480xi32, #tpu.memory_space<vmem>>
            %dma_start3A_302 = arith.constant 0 : i32
            %dma_start3A_303 = tpu.memref_slice %arg3[%dma_start3A_302, %mul3A_297] : memref<1x600000xi32, #tpu.memory_space<hbm>> -> memref<1x480xi32, #tpu.memory_space<hbm>>
            %dma_start3A_304 = tpu.memref_slice %run_scoped3A_17[%rem3A_295] : memref<2x!tpu.dma_semaphore, #tpu.memory_space<semaphore_mem>> -> memref<1x!tpu.dma_semaphore, #tpu.memory_space<semaphore_mem>>
            %dma_start3A_305 = tpu.memref_squeeze %dma_start3A_304 : memref<1x!tpu.dma_semaphore, #tpu.memory_space<semaphore_mem>> -> memref<!tpu.dma_semaphore, #tpu.memory_space<semaphore_mem>>
            %dma_start3A_306 = arith.constant 0 : i32
            %dma_start3A_307 = arith.constant 0 : i32
            %dma_start3A_308 = tpu.memref_slice %run_scoped3A[%rem3A_295, %dma_start3A_306, %dma_start3A_307] : memref<2x1x480xi32, #tpu.memory_space<vmem>> -> memref<1x1x480xi32, #tpu.memory_space<vmem>>
            %dma_start3A_309 = tpu.memref_squeeze %dma_start3A_308 : memref<1x1x480xi32, #tpu.memory_space<vmem>> -> memref<1x480xi32, #tpu.memory_space<vmem>>
            %dma_start3A_310 = arith.constant 0 : i32
            %dma_start3A_311 = tpu.memref_slice %arg3[%dma_start3A_310, %mul3A_297] : memref<1x600000xi32, #tpu.memory_space<hbm>> -> memref<1x480xi32, #tpu.memory_space<hbm>>
            tpu.enqueue_dma source(%dma_start3A_311 : memref<1x480xi32, #tpu.memory_space<hbm>>) target(%dma_start3A_309 : memref<1x480xi32, #tpu.memory_space<vmem>>) target_semaphore(%dma_start3A_305 : memref<!tpu.dma_semaphore, #tpu.memory_space<semaphore_mem>>)
            "tpu.trace_stop"() : () -> ()
          } else {
          }
          %and3A_191 = arith.constant true
          %and3A_192 = arith.andi %and3A, %and3A_191 : i1
          %add3A_193 = arith.constant 1 : i32
          %add3A_194 = arith.addi %while3A_143, %add3A_193 : i32
          %select_n3A_195 = arith.select %and3A_192, %add3A_194, %while3A_143 : i32
          %ne3A_196 = arith.cmpi ne, %add3A_155, %add3A_173 : i32
          %or3A_197 = arith.constant false
          %or3A_198 = arith.ori %or3A_197, %ne3A_196 : i1
          %or3A_199 = arith.constant false
          %or3A_200 = arith.ori %or3A_198, %or3A_199 : i1
          %sub3A_201 = arith.constant 2 : i32
          %sub3A_202 = arith.subi %mul3A_149, %sub3A_201 : i32
          %add3A_203 = arith.constant 1 : i32
          %add3A_204 = arith.addi %sub3A_202, %add3A_203 : i32
          %ge3A_205 = arith.cmpi sge, %while3A_142, %add3A_204 : i32
          %not3A_206 = arith.constant true
          %not3A_207 = arith.xori %ge3A_205, %not3A_206 : i1
          %and3A_208 = arith.andi %or3A_200, %not3A_207 : i1
          %ne3A_209 = arith.cmpi ne, %add3A_155, %add3A_165 : i32
          %or3A_210 = arith.constant false
          %or3A_211 = arith.ori %or3A_210, %ne3A_209 : i1
          %or3A_212 = arith.ori %or3A_211, %eq3A_151 : i1
          %convert_element_type3A_213 = arith.extui %or3A_212 : i1 to i32
          %cond3A_214 = arith.constant 0 : i32
          %cond3A_215 = arith.cmpi ne, %convert_element_type3A_213, %cond3A_214 : i32
          scf.if %cond3A_215 {
            "tpu.trace_start"() <{level = 10 : i32, message = "ep_wait_in"}> : () -> ()
            %mul3A_294 = arith.constant 480 : i32
            %mul3A_295 = arith.muli %mul3A_294, %add3A_155 : i32
            %rem3A_296 = arith.constant 2 : i32
            %rem3A_297 = arith.remui %while3A_144, %rem3A_296 : i32
            %dma_wait3A = arith.constant 0 : i32
            %dma_wait3A_298 = arith.constant 0 : i32
            %dma_wait3A_299 = tpu.memref_slice %run_scoped3A[%rem3A_297, %dma_wait3A, %dma_wait3A_298] : memref<2x1x480xi32, #tpu.memory_space<vmem>> -> memref<1x1x480xi32, #tpu.memory_space<vmem>>
            %dma_wait3A_300 = tpu.memref_squeeze %dma_wait3A_299 : memref<1x1x480xi32, #tpu.memory_space<vmem>> -> memref<1x480xi32, #tpu.memory_space<vmem>>
            %dma_wait3A_301 = arith.constant 0 : i32
            %dma_wait3A_302 = tpu.memref_slice %arg3[%dma_wait3A_301, %mul3A_295] : memref<1x600000xi32, #tpu.memory_space<hbm>> -> memref<1x480xi32, #tpu.memory_space<hbm>>
            %dma_wait3A_303 = tpu.memref_slice %run_scoped3A_17[%rem3A_297] : memref<2x!tpu.dma_semaphore, #tpu.memory_space<semaphore_mem>> -> memref<1x!tpu.dma_semaphore, #tpu.memory_space<semaphore_mem>>
            %dma_wait3A_304 = tpu.memref_squeeze %dma_wait3A_303 : memref<1x!tpu.dma_semaphore, #tpu.memory_space<semaphore_mem>> -> memref<!tpu.dma_semaphore, #tpu.memory_space<semaphore_mem>>
            %dma_wait3A_305 = arith.constant 0 : i32
            %dma_wait3A_306 = arith.constant 0 : i32
            %dma_wait3A_307 = tpu.memref_slice %run_scoped3A[%rem3A_297, %dma_wait3A_305, %dma_wait3A_306] : memref<2x1x480xi32, #tpu.memory_space<vmem>> -> memref<1x1x480xi32, #tpu.memory_space<vmem>>
            %dma_wait3A_308 = tpu.memref_squeeze %dma_wait3A_307 : memref<1x1x480xi32, #tpu.memory_space<vmem>> -> memref<1x480xi32, #tpu.memory_space<vmem>>
            %dma_wait3A_309 = arith.constant 0 : i32
            %dma_wait3A_310 = tpu.memref_slice %arg3[%dma_wait3A_309, %mul3A_295] : memref<1x600000xi32, #tpu.memory_space<hbm>> -> memref<1x480xi32, #tpu.memory_space<hbm>>
            tpu.wait_dma2 semaphore(%dma_wait3A_304 : memref<!tpu.dma_semaphore, #tpu.memory_space<semaphore_mem>>) src(%dma_wait3A_310 : memref<1x480xi32, #tpu.memory_space<hbm>>) dst(%dma_wait3A_308 : memref<1x480xi32, #tpu.memory_space<vmem>>)
            "tpu.trace_stop"() : () -> ()
          } else {
          }
          %ne3A_216 = arith.cmpi ne, %add3A_155, %add3A_165 : i32
          %or3A_217 = arith.constant false
          %or3A_218 = arith.ori %or3A_217, %ne3A_216 : i1
          %or3A_219 = arith.constant false
          %or3A_220 = arith.ori %or3A_218, %or3A_219 : i1
          %or3A_221 = arith.ori %or3A_220, %eq3A_151 : i1
          %convert_element_type3A_222 = arith.extui %or3A_221 : i1 to i32
          %cond3A_223 = arith.constant 0 : i32
          %cond3A_224 = arith.cmpi ne, %convert_element_type3A_222, %cond3A_223 : i32
          scf.if %cond3A_224 {
          } else {
          }
          %rem3A_225 = arith.constant 2 : i32
          %rem3A_226 = arith.remui %while3A_144, %rem3A_225 : i32
          %rem3A_227 = arith.constant 2 : i32
          %rem3A_228 = arith.remui %while3A_145, %rem3A_227 : i32
          %run_scoped3A_229 = arith.constant 0 : i32
          "tpu.trace_start"() <{level = 10 : i32, message = "ep_run_kernel"}> : () -> ()
          "tpu.region"() ({
            %run_scoped3A_294 = tpu.sem_alloc : memref<!tpu.dma_semaphore, #tpu.memory_space<semaphore_mem>>
            %dma_start3A_295 = arith.constant 0 : i32
            %dma_start3A_296 = arith.constant 0 : i32
            %dma_start3A_297 = tpu.memref_slice %run_scoped3A_18[%rem3A_228, %dma_start3A_295, %dma_start3A_296] : memref<2x480x64xf32, #tpu.memory_space<vmem>> -> memref<1x480x64xf32, #tpu.memory_space<vmem>>
            %dma_start3A_298 = tpu.memref_squeeze %dma_start3A_297 : memref<1x480x64xf32, #tpu.memory_space<vmem>> -> memref<480x64xf32, #tpu.memory_space<vmem>>
            %dma_start3A_299 = arith.constant 0 : i32
            %dma_start3A_300 = arith.constant 0 : i32
            %dma_start3A_301 = tpu.memref_slice %run_scoped3A[%rem3A_226, %dma_start3A_299, %dma_start3A_300] : memref<2x1x480xi32, #tpu.memory_space<vmem>> -> memref<1x1x480xi32, #tpu.memory_space<vmem>>
            %dma_start3A_302 = tpu.memref_squeeze %dma_start3A_301 : memref<1x1x480xi32, #tpu.memory_space<vmem>> -> memref<1x480xi32, #tpu.memory_space<vmem>>
            %dma_start3A_303 = arith.constant 0 : i32
            %dma_start3A_304 = tpu.memref_slice %dma_start3A_302[%run_scoped3A_229, %dma_start3A_303] : memref<1x480xi32, #tpu.memory_space<vmem>> -> memref<1x480xi32, #tpu.memory_space<vmem>>
            %dma_start3A_305 = tpu.memref_squeeze %dma_start3A_304 : memref<1x480xi32, #tpu.memory_space<vmem>> -> memref<480xi32, #tpu.memory_space<vmem>>
            %dma_start3A_306 = arith.constant 0 : i32
            %dma_start3A_307 = arith.constant 0 : i32
            %dma_start3A_308 = tpu.memref_slice %arg2[%dma_start3A_306, %dma_start3A_307] : memref<50000x64xf32, #tpu.memory_space<hbm>> -> memref<50000x64xf32, #tpu.memory_space<hbm>>
            tpu.enqueue_indirect_dma source(%dma_start3A_308 : memref<50000x64xf32, #tpu.memory_space<hbm>>) target(%dma_start3A_298 : memref<480x64xf32, #tpu.memory_space<vmem>>) offsets(%dma_start3A_305 : memref<480xi32, #tpu.memory_space<vmem>>) semaphore(%run_scoped3A_294 : memref<!tpu.dma_semaphore, #tpu.memory_space<semaphore_mem>>)
            %dma_wait3A = arith.constant 0 : i32
            %dma_wait3A_309 = arith.constant 0 : i32
            %dma_wait3A_310 = tpu.memref_slice %run_scoped3A_18[%rem3A_228, %dma_wait3A, %dma_wait3A_309] : memref<2x480x64xf32, #tpu.memory_space<vmem>> -> memref<1x480x64xf32, #tpu.memory_space<vmem>>
            %dma_wait3A_311 = tpu.memref_squeeze %dma_wait3A_310 : memref<1x480x64xf32, #tpu.memory_space<vmem>> -> memref<480x64xf32, #tpu.memory_space<vmem>>
            %dma_wait3A_312 = arith.constant 0 : i32
            %dma_wait3A_313 = arith.constant 0 : i32
            %dma_wait3A_314 = tpu.memref_slice %run_scoped3A[%rem3A_226, %dma_wait3A_312, %dma_wait3A_313] : memref<2x1x480xi32, #tpu.memory_space<vmem>> -> memref<1x1x480xi32, #tpu.memory_space<vmem>>
            %dma_wait3A_315 = tpu.memref_squeeze %dma_wait3A_314 : memref<1x1x480xi32, #tpu.memory_space<vmem>> -> memref<1x480xi32, #tpu.memory_space<vmem>>
            %dma_wait3A_316 = arith.constant 0 : i32
            %dma_wait3A_317 = tpu.memref_slice %dma_wait3A_315[%run_scoped3A_229, %dma_wait3A_316] : memref<1x480xi32, #tpu.memory_space<vmem>> -> memref<1x480xi32, #tpu.memory_space<vmem>>
            %dma_wait3A_318 = tpu.memref_squeeze %dma_wait3A_317 : memref<1x480xi32, #tpu.memory_space<vmem>> -> memref<480xi32, #tpu.memory_space<vmem>>
            %dma_wait3A_319 = arith.constant 0 : i32
            %dma_wait3A_320 = arith.constant 0 : i32
            %dma_wait3A_321 = tpu.memref_slice %arg2[%dma_wait3A_319, %dma_wait3A_320] : memref<50000x64xf32, #tpu.memory_space<hbm>> -> memref<50000x64xf32, #tpu.memory_space<hbm>>
            tpu.wait_indirect_dma semaphore(%run_scoped3A_294 : memref<!tpu.dma_semaphore, #tpu.memory_space<semaphore_mem>>) src(%dma_wait3A_321 : memref<50000x64xf32, #tpu.memory_space<hbm>>) dst(%dma_wait3A_311 : memref<480x64xf32, #tpu.memory_space<vmem>>)
            tpu.yield
          }) : () -> ()
          "tpu.trace_stop"() : () -> ()
          %ne3A_230 = arith.cmpi ne, %add3A_155, %add3A_173 : i32
          %or3A_231 = arith.constant false
          %or3A_232 = arith.ori %or3A_231, %ne3A_230 : i1
          %or3A_233 = arith.ori %or3A_232, %eq3A_154 : i1
          %convert_element_type3A_234 = arith.extui %or3A_233 : i1 to i32
          %cond3A_235 = arith.constant 0 : i32
          %cond3A_236 = arith.cmpi ne, %convert_element_type3A_234, %cond3A_235 : i32
          scf.if %cond3A_236 {
          } else {
          }
          %and3A_237 = arith.constant false
          %and3A_238 = arith.andi %or3A_233, %and3A_237 : i1
          %ne3A_239 = arith.cmpi ne, %add3A_155, %add3A_173 : i32
          %or3A_240 = arith.constant false
          %or3A_241 = arith.ori %or3A_240, %ne3A_239 : i1
          %or3A_242 = arith.constant false
          %or3A_243 = arith.ori %or3A_241, %or3A_242 : i1
          %or3A_244 = arith.ori %or3A_243, %eq3A_154 : i1
          %convert_element_type3A_245 = arith.extui %or3A_244 : i1 to i32
          %cond3A_246 = arith.constant 0 : i32
          %cond3A_247 = arith.cmpi ne, %convert_element_type3A_245, %cond3A_246 : i32
          scf.if %cond3A_247 {
            "tpu.trace_start"() <{level = 10 : i32, message = "ep_copy_out"}> : () -> ()
            %rem3A_294 = arith.constant 2 : i32
            %rem3A_295 = arith.remui %while3A_145, %rem3A_294 : i32
            %mul3A_296 = arith.constant 480 : i32
            %mul3A_297 = arith.muli %mul3A_296, %add3A_155 : i32
            %dma_start3A_298 = arith.constant 0 : i32
            %dma_start3A_299 = arith.constant 0 : i32
            %dma_start3A_300 = tpu.memref_slice %run_scoped3A_18[%rem3A_295, %dma_start3A_298, %dma_start3A_299] : memref<2x480x64xf32, #tpu.memory_space<vmem>> -> memref<1x480x64xf32, #tpu.memory_space<vmem>>
            %dma_start3A_301 = tpu.memref_squeeze %dma_start3A_300 : memref<1x480x64xf32, #tpu.memory_space<vmem>> -> memref<480x64xf32, #tpu.memory_space<vmem>>
            %dma_start3A_302 = arith.constant 0 : i32
            %dma_start3A_303 = tpu.memref_slice %arg4[%mul3A_297, %dma_start3A_302] : memref<600000x64xf32, #tpu.memory_space<hbm>> -> memref<480x64xf32, #tpu.memory_space<hbm>>
            %dma_start3A_304 = tpu.memref_slice %run_scoped3A_19[%rem3A_295] : memref<2x!tpu.dma_semaphore, #tpu.memory_space<semaphore_mem>> -> memref<1x!tpu.dma_semaphore, #tpu.memory_space<semaphore_mem>>
            %dma_start3A_305 = tpu.memref_squeeze %dma_start3A_304 : memref<1x!tpu.dma_semaphore, #tpu.memory_space<semaphore_mem>> -> memref<!tpu.dma_semaphore, #tpu.memory_space<semaphore_mem>>
            %dma_start3A_306 = arith.constant 0 : i32
            %dma_start3A_307 = tpu.memref_slice %arg4[%mul3A_297, %dma_start3A_306] : memref<600000x64xf32, #tpu.memory_space<hbm>> -> memref<480x64xf32, #tpu.memory_space<hbm>>
            %dma_start3A_308 = arith.constant 0 : i32
            %dma_start3A_309 = arith.constant 0 : i32
            %dma_start3A_310 = tpu.memref_slice %run_scoped3A_18[%rem3A_295, %dma_start3A_308, %dma_start3A_309] : memref<2x480x64xf32, #tpu.memory_space<vmem>> -> memref<1x480x64xf32, #tpu.memory_space<vmem>>
            %dma_start3A_311 = tpu.memref_squeeze %dma_start3A_310 : memref<1x480x64xf32, #tpu.memory_space<vmem>> -> memref<480x64xf32, #tpu.memory_space<vmem>>
            tpu.enqueue_dma source(%dma_start3A_311 : memref<480x64xf32, #tpu.memory_space<vmem>>) target(%dma_start3A_307 : memref<480x64xf32, #tpu.memory_space<hbm>>) target_semaphore(%dma_start3A_305 : memref<!tpu.dma_semaphore, #tpu.memory_space<semaphore_mem>>)
            "tpu.trace_stop"() : () -> ()
          } else {
          }
          %and3A_248 = arith.constant true
          %and3A_249 = arith.andi %or3A_244, %and3A_248 : i1
          %add3A_250 = arith.constant 1 : i32
          %add3A_251 = arith.addi %while3A_145, %add3A_250 : i32
          %select_n3A_252 = arith.select %and3A_249, %add3A_251, %while3A_145 : i32
          %ne3A_253 = arith.cmpi ne, %add3A_155, %add3A_165 : i32
          %or3A_254 = arith.constant false
          %or3A_255 = arith.ori %or3A_254, %ne3A_253 : i1
          %not3A_256 = arith.constant true
          %not3A_257 = arith.xori %eq3A_151, %not3A_256 : i1
          %and3A_258 = arith.andi %or3A_255, %not3A_257 : i1
          %convert_element_type3A_259 = arith.extui %and3A_258 : i1 to i32
          %cond3A_260 = arith.constant 0 : i32
          %cond3A_261 = arith.cmpi ne, %convert_element_type3A_259, %cond3A_260 : i32
          scf.if %cond3A_261 {
          } else {
          }
          %and3A_262 = arith.constant false
          %and3A_263 = arith.andi %and3A_258, %and3A_262 : i1
          %ne3A_264 = arith.cmpi ne, %add3A_155, %add3A_165 : i32
          %or3A_265 = arith.constant false
          %or3A_266 = arith.ori %or3A_265, %ne3A_264 : i1
          %or3A_267 = arith.constant false
          %or3A_268 = arith.ori %or3A_266, %or3A_267 : i1
          %not3A_269 = arith.constant true
          %not3A_270 = arith.xori %eq3A_151, %not3A_269 : i1
          %and3A_271 = arith.andi %or3A_268, %not3A_270 : i1
          %convert_element_type3A_272 = arith.extui %and3A_271 : i1 to i32
          %cond3A_273 = arith.constant 0 : i32
          %cond3A_274 = arith.cmpi ne, %convert_element_type3A_272, %cond3A_273 : i32
          scf.if %cond3A_274 {
            "tpu.trace_start"() <{level = 10 : i32, message = "ep_wait_out"}> : () -> ()
            %rem3A_294 = arith.constant 2 : i32
            %rem3A_295 = arith.remui %while3A_146, %rem3A_294 : i32
            %mul3A_296 = arith.constant 480 : i32
            %mul3A_297 = arith.muli %mul3A_296, %add3A_165 : i32
            %dma_wait3A = arith.constant 0 : i32
            %dma_wait3A_298 = arith.constant 0 : i32
            %dma_wait3A_299 = tpu.memref_slice %run_scoped3A_18[%rem3A_295, %dma_wait3A, %dma_wait3A_298] : memref<2x480x64xf32, #tpu.memory_space<vmem>> -> memref<1x480x64xf32, #tpu.memory_space<vmem>>
            %dma_wait3A_300 = tpu.memref_squeeze %dma_wait3A_299 : memref<1x480x64xf32, #tpu.memory_space<vmem>> -> memref<480x64xf32, #tpu.memory_space<vmem>>
            %dma_wait3A_301 = arith.constant 0 : i32
            %dma_wait3A_302 = tpu.memref_slice %arg4[%mul3A_297, %dma_wait3A_301] : memref<600000x64xf32, #tpu.memory_space<hbm>> -> memref<480x64xf32, #tpu.memory_space<hbm>>
            %dma_wait3A_303 = tpu.memref_slice %run_scoped3A_19[%rem3A_295] : memref<2x!tpu.dma_semaphore, #tpu.memory_space<semaphore_mem>> -> memref<1x!tpu.dma_semaphore, #tpu.memory_space<semaphore_mem>>
            %dma_wait3A_304 = tpu.memref_squeeze %dma_wait3A_303 : memref<1x!tpu.dma_semaphore, #tpu.memory_space<semaphore_mem>> -> memref<!tpu.dma_semaphore, #tpu.memory_space<semaphore_mem>>
            %dma_wait3A_305 = arith.constant 0 : i32
            %dma_wait3A_306 = tpu.memref_slice %arg4[%mul3A_297, %dma_wait3A_305] : memref<600000x64xf32, #tpu.memory_space<hbm>> -> memref<480x64xf32, #tpu.memory_space<hbm>>
            %dma_wait3A_307 = arith.constant 0 : i32
            %dma_wait3A_308 = arith.constant 0 : i32
            %dma_wait3A_309 = tpu.memref_slice %run_scoped3A_18[%rem3A_295, %dma_wait3A_307, %dma_wait3A_308] : memref<2x480x64xf32, #tpu.memory_space<vmem>> -> memref<1x480x64xf32, #tpu.memory_space<vmem>>
            %dma_wait3A_310 = tpu.memref_squeeze %dma_wait3A_309 : memref<1x480x64xf32, #tpu.memory_space<vmem>> -> memref<480x64xf32, #tpu.memory_space<vmem>>
            tpu.wait_dma2 semaphore(%dma_wait3A_304 : memref<!tpu.dma_semaphore, #tpu.memory_space<semaphore_mem>>) src(%dma_wait3A_310 : memref<480x64xf32, #tpu.memory_space<vmem>>) dst(%dma_wait3A_306 : memref<480x64xf32, #tpu.memory_space<hbm>>)
            "tpu.trace_stop"() : () -> ()
          } else {
          }
          %and3A_275 = arith.constant true
          %and3A_276 = arith.andi %and3A_271, %and3A_275 : i1
          %add3A_277 = arith.constant 1 : i32
          %add3A_278 = arith.addi %while3A_146, %add3A_277 : i32
          %select_n3A_279 = arith.select %and3A_276, %add3A_278, %while3A_146 : i32
          %ne3A_280 = arith.cmpi ne, %add3A_155, %add3A_173 : i32
          %or3A_281 = arith.constant false
          %or3A_282 = arith.ori %or3A_281, %ne3A_280 : i1
          %or3A_283 = arith.ori %or3A_282, %eq3A_154 : i1
          %add3A_284 = arith.constant 1 : i32
          %add3A_285 = arith.addi %while3A_144, %add3A_284 : i32
          %select_n3A_286 = arith.select %or3A_283, %add3A_285, %while3A_144 : i32
          %add3A_287 = arith.constant 1 : i32
          %add3A_288 = arith.addi %while3A_147, %add3A_287 : i32
          %select_n3A_289 = arith.constant true
          %select_n3A_290 = arith.select %select_n3A_289, %add3A_288, %while3A_147 : i32
          %eq3A_291 = arith.cmpi eq, %select_n3A_290, %select_n3A : i32
          %select_n3A_292 = arith.constant 0 : i32
          %select_n3A_293 = arith.select %eq3A_291, %select_n3A_292, %select_n3A_290 : i32
          scf.yield %select_n3A_195, %select_n3A_286, %select_n3A_252, %select_n3A_279, %select_n3A_293 : i32, i32, i32, i32, i32
        }
        %while3A_89 = arith.constant 1 : i32
        %while3A_90:5 = scf.for %while3A_142 = %while3A_86 to %while3A_82 step %while3A_89 iter_args(%while3A_143 = %while3A_88#0, %while3A_144 = %while3A_88#1, %while3A_145 = %while3A_88#2, %while3A_146 = %while3A_88#3, %while3A_147 = %while3A_88#4) -> (i32, i32, i32, i32, i32)  : i32 {
          %mul3A_148 = arith.constant 1 : i32
          %mul3A_149 = arith.muli %mul3A_148, %select_n3A : i32
          %eq3A_150 = arith.constant 0 : i32
          %eq3A_151 = arith.cmpi eq, %while3A_142, %eq3A_150 : i32
          %sub3A_152 = arith.constant 1 : i32
          %sub3A_153 = arith.subi %mul3A_149, %sub3A_152 : i32
          %eq3A_154 = arith.cmpi eq, %while3A_142, %sub3A_153 : i32
          %add3A_155 = arith.addi %while3A_147, %select_n3A_14 : i32
          %sub3A_156 = arith.constant 1 : i32
          %sub3A_157 = arith.subi %while3A_147, %sub3A_156 : i32
          %select_n3A_158 = arith.constant true
          %select_n3A_159 = arith.select %select_n3A_158, %sub3A_157, %while3A_147 : i32
          %eq3A_160 = arith.constant -1 : i32
          %eq3A_161 = arith.cmpi eq, %select_n3A_159, %eq3A_160 : i32
          %sub3A_162 = arith.constant 1 : i32
          %sub3A_163 = arith.subi %select_n3A, %sub3A_162 : i32
          %select_n3A_164 = arith.select %eq3A_161, %sub3A_163, %select_n3A_159 : i32
          %add3A_165 = arith.addi %select_n3A_164, %select_n3A_14 : i32
          %add3A_166 = arith.constant 1 : i32
          %add3A_167 = arith.addi %while3A_147, %add3A_166 : i32
          %select_n3A_168 = arith.constant true
          %select_n3A_169 = arith.select %select_n3A_168, %add3A_167, %while3A_147 : i32
          %eq3A_170 = arith.cmpi eq, %select_n3A_169, %select_n3A : i32
          %select_n3A_171 = arith.constant 0 : i32
          %select_n3A_172 = arith.select %eq3A_170, %select_n3A_171, %select_n3A_169 : i32
          %add3A_173 = arith.addi %select_n3A_172, %select_n3A_14 : i32
          %add3A_174 = arith.constant 1 : i32
          %add3A_175 = arith.addi %select_n3A_172, %add3A_174 : i32
          %select_n3A_176 = arith.constant true
          %select_n3A_177 = arith.select %select_n3A_176, %add3A_175, %select_n3A_172 : i32
          %eq3A_178 = arith.cmpi eq, %select_n3A_177, %select_n3A : i32
          %select_n3A_179 = arith.constant 0 : i32
          %select_n3A_180 = arith.select %eq3A_178, %select_n3A_179, %select_n3A_177 : i32
          %add3A_181 = arith.addi %select_n3A_180, %select_n3A_14 : i32
          %ne3A = arith.cmpi ne, %add3A_155, %add3A_173 : i32
          %or3A = arith.constant false
          %or3A_182 = arith.ori %or3A, %ne3A : i1
          %sub3A_183 = arith.constant 2 : i32
          %sub3A_184 = arith.subi %mul3A_149, %sub3A_183 : i32
          %add3A_185 = arith.constant 1 : i32
          %add3A_186 = arith.addi %sub3A_184, %add3A_185 : i32
          %ge3A = arith.cmpi sge, %while3A_142, %add3A_186 : i32
          %not3A = arith.constant true
          %not3A_187 = arith.xori %ge3A, %not3A : i1
          %and3A = arith.andi %or3A_182, %not3A_187 : i1
          %convert_element_type3A_188 = arith.extui %and3A : i1 to i32
          %cond3A_189 = arith.constant 0 : i32
          %cond3A_190 = arith.cmpi ne, %convert_element_type3A_188, %cond3A_189 : i32
          scf.if %cond3A_190 {
            "tpu.trace_start"() <{level = 10 : i32, message = "ep_copy_in"}> : () -> ()
            %rem3A_294 = arith.constant 2 : i32
            %rem3A_295 = arith.remui %while3A_143, %rem3A_294 : i32
            %mul3A_296 = arith.constant 480 : i32
            %mul3A_297 = arith.muli %mul3A_296, %add3A_173 : i32
            %dma_start3A_298 = arith.constant 0 : i32
            %dma_start3A_299 = arith.constant 0 : i32
            %dma_start3A_300 = tpu.memref_slice %run_scoped3A[%rem3A_295, %dma_start3A_298, %dma_start3A_299] : memref<2x1x480xi32, #tpu.memory_space<vmem>> -> memref<1x1x480xi32, #tpu.memory_space<vmem>>
            %dma_start3A_301 = tpu.memref_squeeze %dma_start3A_300 : memref<1x1x480xi32, #tpu.memory_space<vmem>> -> memref<1x480xi32, #tpu.memory_space<vmem>>
            %dma_start3A_302 = arith.constant 0 : i32
            %dma_start3A_303 = tpu.memref_slice %arg3[%dma_start3A_302, %mul3A_297] : memref<1x600000xi32, #tpu.memory_space<hbm>> -> memref<1x480xi32, #tpu.memory_space<hbm>>
            %dma_start3A_304 = tpu.memref_slice %run_scoped3A_17[%rem3A_295] : memref<2x!tpu.dma_semaphore, #tpu.memory_space<semaphore_mem>> -> memref<1x!tpu.dma_semaphore, #tpu.memory_space<semaphore_mem>>
            %dma_start3A_305 = tpu.memref_squeeze %dma_start3A_304 : memref<1x!tpu.dma_semaphore, #tpu.memory_space<semaphore_mem>> -> memref<!tpu.dma_semaphore, #tpu.memory_space<semaphore_mem>>
            %dma_start3A_306 = arith.constant 0 : i32
            %dma_start3A_307 = arith.constant 0 : i32
            %dma_start3A_308 = tpu.memref_slice %run_scoped3A[%rem3A_295, %dma_start3A_306, %dma_start3A_307] : memref<2x1x480xi32, #tpu.memory_space<vmem>> -> memref<1x1x480xi32, #tpu.memory_space<vmem>>
            %dma_start3A_309 = tpu.memref_squeeze %dma_start3A_308 : memref<1x1x480xi32, #tpu.memory_space<vmem>> -> memref<1x480xi32, #tpu.memory_space<vmem>>
            %dma_start3A_310 = arith.constant 0 : i32
            %dma_start3A_311 = tpu.memref_slice %arg3[%dma_start3A_310, %mul3A_297] : memref<1x600000xi32, #tpu.memory_space<hbm>> -> memref<1x480xi32, #tpu.memory_space<hbm>>
            tpu.enqueue_dma source(%dma_start3A_311 : memref<1x480xi32, #tpu.memory_space<hbm>>) target(%dma_start3A_309 : memref<1x480xi32, #tpu.memory_space<vmem>>) target_semaphore(%dma_start3A_305 : memref<!tpu.dma_semaphore, #tpu.memory_space<semaphore_mem>>)
            "tpu.trace_stop"() : () -> ()
          } else {
          }
          %and3A_191 = arith.constant true
          %and3A_192 = arith.andi %and3A, %and3A_191 : i1
          %add3A_193 = arith.constant 1 : i32
          %add3A_194 = arith.addi %while3A_143, %add3A_193 : i32
          %select_n3A_195 = arith.select %and3A_192, %add3A_194, %while3A_143 : i32
          %ne3A_196 = arith.cmpi ne, %add3A_155, %add3A_173 : i32
          %or3A_197 = arith.constant false
          %or3A_198 = arith.ori %or3A_197, %ne3A_196 : i1
          %or3A_199 = arith.constant false
          %or3A_200 = arith.ori %or3A_198, %or3A_199 : i1
          %sub3A_201 = arith.constant 2 : i32
          %sub3A_202 = arith.subi %mul3A_149, %sub3A_201 : i32
          %add3A_203 = arith.constant 1 : i32
          %add3A_204 = arith.addi %sub3A_202, %add3A_203 : i32
          %ge3A_205 = arith.cmpi sge, %while3A_142, %add3A_204 : i32
          %not3A_206 = arith.constant true
          %not3A_207 = arith.xori %ge3A_205, %not3A_206 : i1
          %and3A_208 = arith.andi %or3A_200, %not3A_207 : i1
          %ne3A_209 = arith.cmpi ne, %add3A_155, %add3A_165 : i32
          %or3A_210 = arith.constant false
          %or3A_211 = arith.ori %or3A_210, %ne3A_209 : i1
          %or3A_212 = arith.ori %or3A_211, %eq3A_151 : i1
          %convert_element_type3A_213 = arith.extui %or3A_212 : i1 to i32
          %cond3A_214 = arith.constant 0 : i32
          %cond3A_215 = arith.cmpi ne, %convert_element_type3A_213, %cond3A_214 : i32
          scf.if %cond3A_215 {
            "tpu.trace_start"() <{level = 10 : i32, message = "ep_wait_in"}> : () -> ()
            %mul3A_294 = arith.constant 480 : i32
            %mul3A_295 = arith.muli %mul3A_294, %add3A_155 : i32
            %rem3A_296 = arith.constant 2 : i32
            %rem3A_297 = arith.remui %while3A_144, %rem3A_296 : i32
            %dma_wait3A = arith.constant 0 : i32
            %dma_wait3A_298 = arith.constant 0 : i32
            %dma_wait3A_299 = tpu.memref_slice %run_scoped3A[%rem3A_297, %dma_wait3A, %dma_wait3A_298] : memref<2x1x480xi32, #tpu.memory_space<vmem>> -> memref<1x1x480xi32, #tpu.memory_space<vmem>>
            %dma_wait3A_300 = tpu.memref_squeeze %dma_wait3A_299 : memref<1x1x480xi32, #tpu.memory_space<vmem>> -> memref<1x480xi32, #tpu.memory_space<vmem>>
            %dma_wait3A_301 = arith.constant 0 : i32
            %dma_wait3A_302 = tpu.memref_slice %arg3[%dma_wait3A_301, %mul3A_295] : memref<1x600000xi32, #tpu.memory_space<hbm>> -> memref<1x480xi32, #tpu.memory_space<hbm>>
            %dma_wait3A_303 = tpu.memref_slice %run_scoped3A_17[%rem3A_297] : memref<2x!tpu.dma_semaphore, #tpu.memory_space<semaphore_mem>> -> memref<1x!tpu.dma_semaphore, #tpu.memory_space<semaphore_mem>>
            %dma_wait3A_304 = tpu.memref_squeeze %dma_wait3A_303 : memref<1x!tpu.dma_semaphore, #tpu.memory_space<semaphore_mem>> -> memref<!tpu.dma_semaphore, #tpu.memory_space<semaphore_mem>>
            %dma_wait3A_305 = arith.constant 0 : i32
            %dma_wait3A_306 = arith.constant 0 : i32
            %dma_wait3A_307 = tpu.memref_slice %run_scoped3A[%rem3A_297, %dma_wait3A_305, %dma_wait3A_306] : memref<2x1x480xi32, #tpu.memory_space<vmem>> -> memref<1x1x480xi32, #tpu.memory_space<vmem>>
            %dma_wait3A_308 = tpu.memref_squeeze %dma_wait3A_307 : memref<1x1x480xi32, #tpu.memory_space<vmem>> -> memref<1x480xi32, #tpu.memory_space<vmem>>
            %dma_wait3A_309 = arith.constant 0 : i32
            %dma_wait3A_310 = tpu.memref_slice %arg3[%dma_wait3A_309, %mul3A_295] : memref<1x600000xi32, #tpu.memory_space<hbm>> -> memref<1x480xi32, #tpu.memory_space<hbm>>
            tpu.wait_dma2 semaphore(%dma_wait3A_304 : memref<!tpu.dma_semaphore, #tpu.memory_space<semaphore_mem>>) src(%dma_wait3A_310 : memref<1x480xi32, #tpu.memory_space<hbm>>) dst(%dma_wait3A_308 : memref<1x480xi32, #tpu.memory_space<vmem>>)
            "tpu.trace_stop"() : () -> ()
          } else {
          }
          %ne3A_216 = arith.cmpi ne, %add3A_155, %add3A_165 : i32
          %or3A_217 = arith.constant false
          %or3A_218 = arith.ori %or3A_217, %ne3A_216 : i1
          %or3A_219 = arith.constant false
          %or3A_220 = arith.ori %or3A_218, %or3A_219 : i1
          %or3A_221 = arith.ori %or3A_220, %eq3A_151 : i1
          %convert_element_type3A_222 = arith.extui %or3A_221 : i1 to i32
          %cond3A_223 = arith.constant 0 : i32
          %cond3A_224 = arith.cmpi ne, %convert_element_type3A_222, %cond3A_223 : i32
          scf.if %cond3A_224 {
          } else {
          }
          %rem3A_225 = arith.constant 2 : i32
          %rem3A_226 = arith.remui %while3A_144, %rem3A_225 : i32
          %rem3A_227 = arith.constant 2 : i32
          %rem3A_228 = arith.remui %while3A_145, %rem3A_227 : i32
          %run_scoped3A_229 = arith.constant 0 : i32
          "tpu.trace_start"() <{level = 10 : i32, message = "ep_run_kernel"}> : () -> ()
          "tpu.region"() ({
            %run_scoped3A_294 = tpu.sem_alloc : memref<!tpu.dma_semaphore, #tpu.memory_space<semaphore_mem>>
            %dma_start3A_295 = arith.constant 0 : i32
            %dma_start3A_296 = arith.constant 0 : i32
            %dma_start3A_297 = tpu.memref_slice %run_scoped3A_18[%rem3A_228, %dma_start3A_295, %dma_start3A_296] : memref<2x480x64xf32, #tpu.memory_space<vmem>> -> memref<1x480x64xf32, #tpu.memory_space<vmem>>
            %dma_start3A_298 = tpu.memref_squeeze %dma_start3A_297 : memref<1x480x64xf32, #tpu.memory_space<vmem>> -> memref<480x64xf32, #tpu.memory_space<vmem>>
            %dma_start3A_299 = arith.constant 0 : i32
            %dma_start3A_300 = arith.constant 0 : i32
            %dma_start3A_301 = tpu.memref_slice %run_scoped3A[%rem3A_226, %dma_start3A_299, %dma_start3A_300] : memref<2x1x480xi32, #tpu.memory_space<vmem>> -> memref<1x1x480xi32, #tpu.memory_space<vmem>>
            %dma_start3A_302 = tpu.memref_squeeze %dma_start3A_301 : memref<1x1x480xi32, #tpu.memory_space<vmem>> -> memref<1x480xi32, #tpu.memory_space<vmem>>
            %dma_start3A_303 = arith.constant 0 : i32
            %dma_start3A_304 = tpu.memref_slice %dma_start3A_302[%run_scoped3A_229, %dma_start3A_303] : memref<1x480xi32, #tpu.memory_space<vmem>> -> memref<1x480xi32, #tpu.memory_space<vmem>>
            %dma_start3A_305 = tpu.memref_squeeze %dma_start3A_304 : memref<1x480xi32, #tpu.memory_space<vmem>> -> memref<480xi32, #tpu.memory_space<vmem>>
            %dma_start3A_306 = arith.constant 0 : i32
            %dma_start3A_307 = arith.constant 0 : i32
            %dma_start3A_308 = tpu.memref_slice %arg2[%dma_start3A_306, %dma_start3A_307] : memref<50000x64xf32, #tpu.memory_space<hbm>> -> memref<50000x64xf32, #tpu.memory_space<hbm>>
            tpu.enqueue_indirect_dma source(%dma_start3A_308 : memref<50000x64xf32, #tpu.memory_space<hbm>>) target(%dma_start3A_298 : memref<480x64xf32, #tpu.memory_space<vmem>>) offsets(%dma_start3A_305 : memref<480xi32, #tpu.memory_space<vmem>>) semaphore(%run_scoped3A_294 : memref<!tpu.dma_semaphore, #tpu.memory_space<semaphore_mem>>)
            %dma_wait3A = arith.constant 0 : i32
            %dma_wait3A_309 = arith.constant 0 : i32
            %dma_wait3A_310 = tpu.memref_slice %run_scoped3A_18[%rem3A_228, %dma_wait3A, %dma_wait3A_309] : memref<2x480x64xf32, #tpu.memory_space<vmem>> -> memref<1x480x64xf32, #tpu.memory_space<vmem>>
            %dma_wait3A_311 = tpu.memref_squeeze %dma_wait3A_310 : memref<1x480x64xf32, #tpu.memory_space<vmem>> -> memref<480x64xf32, #tpu.memory_space<vmem>>
            %dma_wait3A_312 = arith.constant 0 : i32
            %dma_wait3A_313 = arith.constant 0 : i32
            %dma_wait3A_314 = tpu.memref_slice %run_scoped3A[%rem3A_226, %dma_wait3A_312, %dma_wait3A_313] : memref<2x1x480xi32, #tpu.memory_space<vmem>> -> memref<1x1x480xi32, #tpu.memory_space<vmem>>
            %dma_wait3A_315 = tpu.memref_squeeze %dma_wait3A_314 : memref<1x1x480xi32, #tpu.memory_space<vmem>> -> memref<1x480xi32, #tpu.memory_space<vmem>>
            %dma_wait3A_316 = arith.constant 0 : i32
            %dma_wait3A_317 = tpu.memref_slice %dma_wait3A_315[%run_scoped3A_229, %dma_wait3A_316] : memref<1x480xi32, #tpu.memory_space<vmem>> -> memref<1x480xi32, #tpu.memory_space<vmem>>
            %dma_wait3A_318 = tpu.memref_squeeze %dma_wait3A_317 : memref<1x480xi32, #tpu.memory_space<vmem>> -> memref<480xi32, #tpu.memory_space<vmem>>
            %dma_wait3A_319 = arith.constant 0 : i32
            %dma_wait3A_320 = arith.constant 0 : i32
            %dma_wait3A_321 = tpu.memref_slice %arg2[%dma_wait3A_319, %dma_wait3A_320] : memref<50000x64xf32, #tpu.memory_space<hbm>> -> memref<50000x64xf32, #tpu.memory_space<hbm>>
            tpu.wait_indirect_dma semaphore(%run_scoped3A_294 : memref<!tpu.dma_semaphore, #tpu.memory_space<semaphore_mem>>) src(%dma_wait3A_321 : memref<50000x64xf32, #tpu.memory_space<hbm>>) dst(%dma_wait3A_311 : memref<480x64xf32, #tpu.memory_space<vmem>>)
            tpu.yield
          }) : () -> ()
          "tpu.trace_stop"() : () -> ()
          %ne3A_230 = arith.cmpi ne, %add3A_155, %add3A_173 : i32
          %or3A_231 = arith.constant false
          %or3A_232 = arith.ori %or3A_231, %ne3A_230 : i1
          %or3A_233 = arith.ori %or3A_232, %eq3A_154 : i1
          %convert_element_type3A_234 = arith.extui %or3A_233 : i1 to i32
          %cond3A_235 = arith.constant 0 : i32
          %cond3A_236 = arith.cmpi ne, %convert_element_type3A_234, %cond3A_235 : i32
          scf.if %cond3A_236 {
          } else {
          }
          %and3A_237 = arith.constant false
          %and3A_238 = arith.andi %or3A_233, %and3A_237 : i1
          %ne3A_239 = arith.cmpi ne, %add3A_155, %add3A_173 : i32
          %or3A_240 = arith.constant false
          %or3A_241 = arith.ori %or3A_240, %ne3A_239 : i1
          %or3A_242 = arith.constant false
          %or3A_243 = arith.ori %or3A_241, %or3A_242 : i1
          %or3A_244 = arith.ori %or3A_243, %eq3A_154 : i1
          %convert_element_type3A_245 = arith.extui %or3A_244 : i1 to i32
          %cond3A_246 = arith.constant 0 : i32
          %cond3A_247 = arith.cmpi ne, %convert_element_type3A_245, %cond3A_246 : i32
          scf.if %cond3A_247 {
            "tpu.trace_start"() <{level = 10 : i32, message = "ep_copy_out"}> : () -> ()
            %rem3A_294 = arith.constant 2 : i32
            %rem3A_295 = arith.remui %while3A_145, %rem3A_294 : i32
            %mul3A_296 = arith.constant 480 : i32
            %mul3A_297 = arith.muli %mul3A_296, %add3A_155 : i32
            %dma_start3A_298 = arith.constant 0 : i32
            %dma_start3A_299 = arith.constant 0 : i32
            %dma_start3A_300 = tpu.memref_slice %run_scoped3A_18[%rem3A_295, %dma_start3A_298, %dma_start3A_299] : memref<2x480x64xf32, #tpu.memory_space<vmem>> -> memref<1x480x64xf32, #tpu.memory_space<vmem>>
            %dma_start3A_301 = tpu.memref_squeeze %dma_start3A_300 : memref<1x480x64xf32, #tpu.memory_space<vmem>> -> memref<480x64xf32, #tpu.memory_space<vmem>>
            %dma_start3A_302 = arith.constant 0 : i32
            %dma_start3A_303 = tpu.memref_slice %arg4[%mul3A_297, %dma_start3A_302] : memref<600000x64xf32, #tpu.memory_space<hbm>> -> memref<480x64xf32, #tpu.memory_space<hbm>>
            %dma_start3A_304 = tpu.memref_slice %run_scoped3A_19[%rem3A_295] : memref<2x!tpu.dma_semaphore, #tpu.memory_space<semaphore_mem>> -> memref<1x!tpu.dma_semaphore, #tpu.memory_space<semaphore_mem>>
            %dma_start3A_305 = tpu.memref_squeeze %dma_start3A_304 : memref<1x!tpu.dma_semaphore, #tpu.memory_space<semaphore_mem>> -> memref<!tpu.dma_semaphore, #tpu.memory_space<semaphore_mem>>
            %dma_start3A_306 = arith.constant 0 : i32
            %dma_start3A_307 = tpu.memref_slice %arg4[%mul3A_297, %dma_start3A_306] : memref<600000x64xf32, #tpu.memory_space<hbm>> -> memref<480x64xf32, #tpu.memory_space<hbm>>
            %dma_start3A_308 = arith.constant 0 : i32
            %dma_start3A_309 = arith.constant 0 : i32
            %dma_start3A_310 = tpu.memref_slice %run_scoped3A_18[%rem3A_295, %dma_start3A_308, %dma_start3A_309] : memref<2x480x64xf32, #tpu.memory_space<vmem>> -> memref<1x480x64xf32, #tpu.memory_space<vmem>>
            %dma_start3A_311 = tpu.memref_squeeze %dma_start3A_310 : memref<1x480x64xf32, #tpu.memory_space<vmem>> -> memref<480x64xf32, #tpu.memory_space<vmem>>
            tpu.enqueue_dma source(%dma_start3A_311 : memref<480x64xf32, #tpu.memory_space<vmem>>) target(%dma_start3A_307 : memref<480x64xf32, #tpu.memory_space<hbm>>) target_semaphore(%dma_start3A_305 : memref<!tpu.dma_semaphore, #tpu.memory_space<semaphore_mem>>)
            "tpu.trace_stop"() : () -> ()
          } else {
          }
          %and3A_248 = arith.constant true
          %and3A_249 = arith.andi %or3A_244, %and3A_248 : i1
          %add3A_250 = arith.constant 1 : i32
          %add3A_251 = arith.addi %while3A_145, %add3A_250 : i32
          %select_n3A_252 = arith.select %and3A_249, %add3A_251, %while3A_145 : i32
          %ne3A_253 = arith.cmpi ne, %add3A_155, %add3A_165 : i32
          %or3A_254 = arith.constant false
          %or3A_255 = arith.ori %or3A_254, %ne3A_253 : i1
          %not3A_256 = arith.constant true
          %not3A_257 = arith.xori %eq3A_151, %not3A_256 : i1
          %and3A_258 = arith.andi %or3A_255, %not3A_257 : i1
          %convert_element_type3A_259 = arith.extui %and3A_258 : i1 to i32
          %cond3A_260 = arith.constant 0 : i32
          %cond3A_261 = arith.cmpi ne, %convert_element_type3A_259, %cond3A_260 : i32
          scf.if %cond3A_261 {
          } else {
          }
          %and3A_262 = arith.constant false
          %and3A_263 = arith.andi %and3A_258, %and3A_262 : i1
          %ne3A_264 = arith.cmpi ne, %add3A_155, %add3A_165 : i32
          %or3A_265 = arith.constant false
          %or3A_266 = arith.ori %or3A_265, %ne3A_264 : i1
          %or3A_267 = arith.constant false
          %or3A_268 = arith.ori %or3A_266, %or3A_267 : i1
          %not3A_269 = arith.constant true
          %not3A_270 = arith.xori %eq3A_151, %not3A_269 : i1
          %and3A_271 = arith.andi %or3A_268, %not3A_270 : i1
          %convert_element_type3A_272 = arith.extui %and3A_271 : i1 to i32
          %cond3A_273 = arith.constant 0 : i32
          %cond3A_274 = arith.cmpi ne, %convert_element_type3A_272, %cond3A_273 : i32
          scf.if %cond3A_274 {
            "tpu.trace_start"() <{level = 10 : i32, message = "ep_wait_out"}> : () -> ()
            %rem3A_294 = arith.constant 2 : i32
            %rem3A_295 = arith.remui %while3A_146, %rem3A_294 : i32
            %mul3A_296 = arith.constant 480 : i32
            %mul3A_297 = arith.muli %mul3A_296, %add3A_165 : i32
            %dma_wait3A = arith.constant 0 : i32
            %dma_wait3A_298 = arith.constant 0 : i32
            %dma_wait3A_299 = tpu.memref_slice %run_scoped3A_18[%rem3A_295, %dma_wait3A, %dma_wait3A_298] : memref<2x480x64xf32, #tpu.memory_space<vmem>> -> memref<1x480x64xf32, #tpu.memory_space<vmem>>
            %dma_wait3A_300 = tpu.memref_squeeze %dma_wait3A_299 : memref<1x480x64xf32, #tpu.memory_space<vmem>> -> memref<480x64xf32, #tpu.memory_space<vmem>>
            %dma_wait3A_301 = arith.constant 0 : i32
            %dma_wait3A_302 = tpu.memref_slice %arg4[%mul3A_297, %dma_wait3A_301] : memref<600000x64xf32, #tpu.memory_space<hbm>> -> memref<480x64xf32, #tpu.memory_space<hbm>>
            %dma_wait3A_303 = tpu.memref_slice %run_scoped3A_19[%rem3A_295] : memref<2x!tpu.dma_semaphore, #tpu.memory_space<semaphore_mem>> -> memref<1x!tpu.dma_semaphore, #tpu.memory_space<semaphore_mem>>
            %dma_wait3A_304 = tpu.memref_squeeze %dma_wait3A_303 : memref<1x!tpu.dma_semaphore, #tpu.memory_space<semaphore_mem>> -> memref<!tpu.dma_semaphore, #tpu.memory_space<semaphore_mem>>
            %dma_wait3A_305 = arith.constant 0 : i32
            %dma_wait3A_306 = tpu.memref_slice %arg4[%mul3A_297, %dma_wait3A_305] : memref<600000x64xf32, #tpu.memory_space<hbm>> -> memref<480x64xf32, #tpu.memory_space<hbm>>
            %dma_wait3A_307 = arith.constant 0 : i32
            %dma_wait3A_308 = arith.constant 0 : i32
            %dma_wait3A_309 = tpu.memref_slice %run_scoped3A_18[%rem3A_295, %dma_wait3A_307, %dma_wait3A_308] : memref<2x480x64xf32, #tpu.memory_space<vmem>> -> memref<1x480x64xf32, #tpu.memory_space<vmem>>
            %dma_wait3A_310 = tpu.memref_squeeze %dma_wait3A_309 : memref<1x480x64xf32, #tpu.memory_space<vmem>> -> memref<480x64xf32, #tpu.memory_space<vmem>>
            tpu.wait_dma2 semaphore(%dma_wait3A_304 : memref<!tpu.dma_semaphore, #tpu.memory_space<semaphore_mem>>) src(%dma_wait3A_310 : memref<480x64xf32, #tpu.memory_space<vmem>>) dst(%dma_wait3A_306 : memref<480x64xf32, #tpu.memory_space<hbm>>)
            "tpu.trace_stop"() : () -> ()
          } else {
          }
          %and3A_275 = arith.constant true
          %and3A_276 = arith.andi %and3A_271, %and3A_275 : i1
          %add3A_277 = arith.constant 1 : i32
          %add3A_278 = arith.addi %while3A_146, %add3A_277 : i32
          %select_n3A_279 = arith.select %and3A_276, %add3A_278, %while3A_146 : i32
          %ne3A_280 = arith.cmpi ne, %add3A_155, %add3A_173 : i32
          %or3A_281 = arith.constant false
          %or3A_282 = arith.ori %or3A_281, %ne3A_280 : i1
          %or3A_283 = arith.ori %or3A_282, %eq3A_154 : i1
          %add3A_284 = arith.constant 1 : i32
          %add3A_285 = arith.addi %while3A_144, %add3A_284 : i32
          %select_n3A_286 = arith.select %or3A_283, %add3A_285, %while3A_144 : i32
          %add3A_287 = arith.constant 1 : i32
          %add3A_288 = arith.addi %while3A_147, %add3A_287 : i32
          %select_n3A_289 = arith.constant true
          %select_n3A_290 = arith.select %select_n3A_289, %add3A_288, %while3A_147 : i32
          %eq3A_291 = arith.cmpi eq, %select_n3A_290, %select_n3A : i32
          %select_n3A_292 = arith.constant 0 : i32
          %select_n3A_293 = arith.select %eq3A_291, %select_n3A_292, %select_n3A_290 : i32
          scf.yield %select_n3A_195, %select_n3A_286, %select_n3A_252, %select_n3A_279, %select_n3A_293 : i32, i32, i32, i32, i32
        }
        %sub3A_91 = arith.constant 1 : i32
        %sub3A_92 = arith.subi %while3A_90#4, %sub3A_91 : i32
        %select_n3A_93 = arith.constant true
        %select_n3A_94 = arith.select %select_n3A_93, %sub3A_92, %while3A_90#4 : i32
        %eq3A_95 = arith.constant -1 : i32
        %eq3A_96 = arith.cmpi eq, %select_n3A_94, %eq3A_95 : i32
        %sub3A_97 = arith.constant 1 : i32
        %sub3A_98 = arith.subi %select_n3A, %sub3A_97 : i32
        %select_n3A_99 = arith.select %eq3A_96, %sub3A_98, %select_n3A_94 : i32
        %sub3A_100 = arith.constant 1 : i32
        %sub3A_101 = arith.subi %mul3A_16, %sub3A_100 : i32
        %mul3A_102 = arith.constant 1 : i32
        %mul3A_103 = arith.muli %mul3A_102, %select_n3A : i32
        %eq3A_104 = arith.constant 0 : i32
        %eq3A_105 = arith.cmpi eq, %sub3A_101, %eq3A_104 : i32
        %sub3A_106 = arith.constant 1 : i32
        %sub3A_107 = arith.subi %mul3A_103, %sub3A_106 : i32
        %eq3A_108 = arith.cmpi eq, %sub3A_101, %sub3A_107 : i32
        %add3A_109 = arith.addi %select_n3A_99, %select_n3A_14 : i32
        %sub3A_110 = arith.constant 1 : i32
        %sub3A_111 = arith.subi %select_n3A_99, %sub3A_110 : i32
        %select_n3A_112 = arith.constant true
        %select_n3A_113 = arith.select %select_n3A_112, %sub3A_111, %select_n3A_99 : i32
        %eq3A_114 = arith.constant -1 : i32
        %eq3A_115 = arith.cmpi eq, %select_n3A_113, %eq3A_114 : i32
        %sub3A_116 = arith.constant 1 : i32
        %sub3A_117 = arith.subi %select_n3A, %sub3A_116 : i32
        %select_n3A_118 = arith.select %eq3A_115, %sub3A_117, %select_n3A_113 : i32
        %add3A_119 = arith.addi %select_n3A_118, %select_n3A_14 : i32
        %add3A_120 = arith.constant 1 : i32
        %add3A_121 = arith.addi %select_n3A_99, %add3A_120 : i32
        %select_n3A_122 = arith.constant true
        %select_n3A_123 = arith.select %select_n3A_122, %add3A_121, %select_n3A_99 : i32
        %eq3A_124 = arith.cmpi eq, %select_n3A_123, %select_n3A : i32
        %select_n3A_125 = arith.constant 0 : i32
        %select_n3A_126 = arith.select %eq3A_124, %select_n3A_125, %select_n3A_123 : i32
        %add3A_127 = arith.addi %select_n3A_126, %select_n3A_14 : i32
        %add3A_128 = arith.constant 1 : i32
        %add3A_129 = arith.addi %select_n3A_126, %add3A_128 : i32
        %select_n3A_130 = arith.constant true
        %select_n3A_131 = arith.select %select_n3A_130, %add3A_129, %select_n3A_126 : i32
        %eq3A_132 = arith.cmpi eq, %select_n3A_131, %select_n3A : i32
        %select_n3A_133 = arith.constant 0 : i32
        %select_n3A_134 = arith.select %eq3A_132, %select_n3A_133, %select_n3A_131 : i32
        %add3A_135 = arith.addi %select_n3A_134, %select_n3A_14 : i32
        %convert_element_type3A_136 = arith.extui %eq3A_108 : i1 to i32
        %cond3A_137 = arith.constant 0 : i32
        %cond3A_138 = arith.cmpi ne, %convert_element_type3A_136, %cond3A_137 : i32
        scf.if %cond3A_138 {
        } else {
        }
        %convert_element_type3A_139 = arith.extui %eq3A_108 : i1 to i32
        %cond3A_140 = arith.constant 0 : i32
        %cond3A_141 = arith.cmpi ne, %convert_element_type3A_139, %cond3A_140 : i32
        scf.if %cond3A_141 {
          "tpu.trace_start"() <{level = 10 : i32, message = "ep_finalize"}> : () -> ()
          %rem3A_142 = arith.constant 2 : i32
          %rem3A_143 = arith.remui %while3A_90#3, %rem3A_142 : i32
          %mul3A_144 = arith.constant 480 : i32
          %mul3A_145 = arith.muli %mul3A_144, %add3A_109 : i32
          %dma_wait3A = arith.constant 0 : i32
          %dma_wait3A_146 = arith.constant 0 : i32
          %dma_wait3A_147 = tpu.memref_slice %run_scoped3A_18[%rem3A_143, %dma_wait3A, %dma_wait3A_146] : memref<2x480x64xf32, #tpu.memory_space<vmem>> -> memref<1x480x64xf32, #tpu.memory_space<vmem>>
          %dma_wait3A_148 = tpu.memref_squeeze %dma_wait3A_147 : memref<1x480x64xf32, #tpu.memory_space<vmem>> -> memref<480x64xf32, #tpu.memory_space<vmem>>
          %dma_wait3A_149 = arith.constant 0 : i32
          %dma_wait3A_150 = tpu.memref_slice %arg4[%mul3A_145, %dma_wait3A_149] : memref<600000x64xf32, #tpu.memory_space<hbm>> -> memref<480x64xf32, #tpu.memory_space<hbm>>
          %dma_wait3A_151 = tpu.memref_slice %run_scoped3A_19[%rem3A_143] : memref<2x!tpu.dma_semaphore, #tpu.memory_space<semaphore_mem>> -> memref<1x!tpu.dma_semaphore, #tpu.memory_space<semaphore_mem>>
          %dma_wait3A_152 = tpu.memref_squeeze %dma_wait3A_151 : memref<1x!tpu.dma_semaphore, #tpu.memory_space<semaphore_mem>> -> memref<!tpu.dma_semaphore, #tpu.memory_space<semaphore_mem>>
          %dma_wait3A_153 = arith.constant 0 : i32
          %dma_wait3A_154 = tpu.memref_slice %arg4[%mul3A_145, %dma_wait3A_153] : memref<600000x64xf32, #tpu.memory_space<hbm>> -> memref<480x64xf32, #tpu.memory_space<hbm>>
          %dma_wait3A_155 = arith.constant 0 : i32
          %dma_wait3A_156 = arith.constant 0 : i32
          %dma_wait3A_157 = tpu.memref_slice %run_scoped3A_18[%rem3A_143, %dma_wait3A_155, %dma_wait3A_156] : memref<2x480x64xf32, #tpu.memory_space<vmem>> -> memref<1x480x64xf32, #tpu.memory_space<vmem>>
          %dma_wait3A_158 = tpu.memref_squeeze %dma_wait3A_157 : memref<1x480x64xf32, #tpu.memory_space<vmem>> -> memref<480x64xf32, #tpu.memory_space<vmem>>
          tpu.wait_dma2 semaphore(%dma_wait3A_152 : memref<!tpu.dma_semaphore, #tpu.memory_space<semaphore_mem>>) src(%dma_wait3A_158 : memref<480x64xf32, #tpu.memory_space<vmem>>) dst(%dma_wait3A_154 : memref<480x64xf32, #tpu.memory_space<hbm>>)
          "tpu.trace_stop"() : () -> ()
        } else {
        }
      } else {
      }
      tpu.yield
    }) : () -> ()
    return
  }
}

module attributes {stable_mosaic.version = 14 : i64} {
  func.func @kern(%arg0: i32, %arg1: memref<2000x92xf32, #tpu.memory_space<vmem>>, %arg2: memref<92x64xf32, #tpu.memory_space<vmem>>, %arg3: memref<1x64xf32, #tpu.memory_space<vmem>>, %arg4: memref<2000x64xf32, #tpu.memory_space<vmem>>) attributes {dimension_semantics = [#tpu.dimension_semantics<arbitrary>], iteration_bounds = array<i64: 25>, scalar_prefetch = 0 : i64, scratch_operands = 0 : i64, tpu.core_type = #tpu.core_type<tc>, window_params = [{transform_indices = @transform_0, window_bounds = array<i64: 2000, 92>}, {pipeline_mode = #tpu.pipeline_mode<synchronous>, transform_indices = @transform_1, window_bounds = array<i64: 92, 64>}, {pipeline_mode = #tpu.pipeline_mode<synchronous>, transform_indices = @transform_2, window_bounds = array<i64: 1, 64>}, {transform_indices = @transform_3, window_bounds = array<i64: 2000, 64>}]} {
    %get3A = arith.constant 0 : index
    %get3A_0 = arith.constant 0 : index
    %get3A_1 = vector.load %arg1[%get3A, %get3A_0] : memref<2000x92xf32, #tpu.memory_space<vmem>>, vector<2000x92xf32>
    %get3A_2 = arith.constant 0 : index
    %get3A_3 = arith.constant 0 : index
    %get3A_4 = vector.load %arg2[%get3A_2, %get3A_3] : memref<92x64xf32, #tpu.memory_space<vmem>>, vector<92x64xf32>
    %dot_general3A = arith.constant dense<0.000000e+00> : vector<2000x64xf32>
    %dot_general3A_5 = tpu.matmul %get3A_1, %get3A_4, %dot_general3A {dimension_numbers = #tpu.dot_dimension_numbers<[1], [0], [0], [1], [0, 0, 1, 1], [], []>, transpose_lhs_hint = false} : vector<2000x92xf32>, vector<92x64xf32>, vector<2000x64xf32> -> vector<2000x64xf32>
    %get3A_6 = arith.constant 0 : index
    %get3A_7 = arith.constant 0 : index
    %get3A_8 = vector.load %arg3[%get3A_6, %get3A_7] : memref<1x64xf32, #tpu.memory_space<vmem>>, vector<1x64xf32>
    %add3A = vector.broadcast %get3A_8 : vector<1x64xf32> to vector<2000x64xf32>
    %add3A_9 = arith.addf %dot_general3A_5, %add3A : vector<2000x64xf32>
    %swap3A = arith.constant 0 : index
    %swap3A_10 = arith.constant 0 : index
    %swap3A_11 = vector.load %arg4[%swap3A, %swap3A_10] : memref<2000x64xf32, #tpu.memory_space<vmem>>, vector<2000x64xf32>
    tpu.vector_store %arg4[%swap3A, %swap3A_10], %add3A_9 {strides = array<i32>} : memref<2000x64xf32, #tpu.memory_space<vmem>>, vector<2000x64xf32>,
    return
  }
  func.func @transform_0(%arg0: i32) -> (i32, i32) {
    %c0_i32 = arith.constant 0 : i32
    %c0_i32_0 = arith.constant 0 : i32
    return %arg0, %c0_i32 : i32, i32
  }
  func.func @transform_1(%arg0: i32) -> (i32, i32) {
    %c0_i32 = arith.constant 0 : i32
    %c0_i32_0 = arith.constant 0 : i32
    %c0_i32_1 = arith.constant 0 : i32
    return %c0_i32, %c0_i32_0 : i32, i32
  }
  func.func @transform_2(%arg0: i32) -> (i32, i32) {
    %c0_i32 = arith.constant 0 : i32
    %c0_i32_0 = arith.constant 0 : i32
    %c0_i32_1 = arith.constant 0 : i32
    return %c0_i32, %c0_i32_0 : i32, i32
  }
  func.func @transform_3(%arg0: i32) -> (i32, i32) {
    %c0_i32 = arith.constant 0 : i32
    %c0_i32_0 = arith.constant 0 : i32
    return %arg0, %c0_i32 : i32, i32
  }
}

module attributes {stable_mosaic.version = 14 : i64} {
  func.func @kern(%arg0: i32, %arg1: memref<1000x64xf32, #tpu.memory_space<vmem>>, %arg2: memref<12x1000x64xf32, #tpu.memory_space<vmem>>, %arg3: memref<12x1000x41xf32, #tpu.memory_space<vmem>>, %arg4: memref<128x128xf32, #tpu.memory_space<vmem>>, %arg5: memref<41x128xf32, #tpu.memory_space<vmem>>, %arg6: memref<1x128xf32, #tpu.memory_space<vmem>>, %arg7: memref<8x128xf32, #tpu.memory_space<vmem>>, %arg8: memref<8x128xf32, #tpu.memory_space<vmem>>) attributes {dimension_semantics = [#tpu.dimension_semantics<arbitrary>], iteration_bounds = array<i64: 50>, scalar_prefetch = 0 : i64, scratch_operands = 0 : i64, tpu.core_type = #tpu.core_type<tc>, window_params = [{transform_indices = @transform_0, window_bounds = array<i64: 1000, 64>}, {transform_indices = @transform_1, window_bounds = array<i64: 12, 1000, 64>}, {transform_indices = @transform_2, window_bounds = array<i64: 12, 1000, 41>}, {pipeline_mode = #tpu.pipeline_mode<synchronous>, transform_indices = @transform_3, window_bounds = array<i64: 128, 128>}, {pipeline_mode = #tpu.pipeline_mode<synchronous>, transform_indices = @transform_4, window_bounds = array<i64: 41, 128>}, {pipeline_mode = #tpu.pipeline_mode<synchronous>, transform_indices = @transform_5, window_bounds = array<i64: 1, 128>}, {pipeline_mode = #tpu.pipeline_mode<synchronous>, transform_indices = @transform_6, window_bounds = array<i64: 8, 128>}, {pipeline_mode = #tpu.pipeline_mode<synchronous>, transform_indices = @transform_7, window_bounds = array<i64: 8, 128>}]} {
    %get3A = arith.constant 0 : index
    %get3A_0 = arith.constant 0 : index
    %get3A_1 = vector.load %arg1[%get3A, %get3A_0] : memref<1000x64xf32, #tpu.memory_space<vmem>>, vector<1000x64xf32>
    %get3A_2 = arith.constant 0 : index
    %get3A_3 = arith.constant 0 : index
    %get3A_4 = vector.load %arg6[%get3A_2, %get3A_3] : memref<1x128xf32, #tpu.memory_space<vmem>>, vector<1x128xf32>
    %broadcast_in_dim3A = arith.constant 0.000000e+00 : f32
    %broadcast_in_dim3A_5 = vector.broadcast %broadcast_in_dim3A : f32 to vector<8x128xf32>
    %broadcast_in_dim3A_6 = arith.constant 0.000000e+00 : f32
    %broadcast_in_dim3A_7 = vector.broadcast %broadcast_in_dim3A_6 : f32 to vector<8x128xf32>
    %get3A_8 = arith.constant 0 : index
    %get3A_9 = arith.constant 0 : index
    %get3A_10 = arith.constant 0 : index
    %get3A_11 = vector.load %arg2[%get3A_8, %get3A_9, %get3A_10] : memref<12x1000x64xf32, #tpu.memory_space<vmem>>, vector<1x1000x64xf32>
    %get3A_12 = vector.shape_cast %get3A_11 : vector<1x1000x64xf32> to vector<1000x64xf32>
    %concatenate3A = tpu.concatenate %get3A_1, %get3A_12 in 1 : vector<1000x64xf32>, vector<1000x64xf32> -> vector<1000x128xf32>
    %get3A_13 = arith.constant 0 : index
    %get3A_14 = arith.constant 0 : index
    %get3A_15 = vector.load %arg4[%get3A_13, %get3A_14] : memref<128x128xf32, #tpu.memory_space<vmem>>, vector<128x128xf32>
    %dot_general3A = arith.constant dense<0.000000e+00> : vector<1000x128xf32>
    %dot_general3A_16 = tpu.matmul %concatenate3A, %get3A_15, %dot_general3A {dimension_numbers = #tpu.dot_dimension_numbers<[1], [0], [0], [1], [0, 0, 1, 1], [], []>, transpose_lhs_hint = false} : vector<1000x128xf32>, vector<128x128xf32>, vector<1000x128xf32> -> vector<1000x128xf32>
    %get3A_17 = arith.constant 0 : index
    %get3A_18 = arith.constant 0 : index
    %get3A_19 = arith.constant 0 : index
    %get3A_20 = vector.load %arg3[%get3A_17, %get3A_18, %get3A_19] : memref<12x1000x41xf32, #tpu.memory_space<vmem>>, vector<1x1000x41xf32>
    %get3A_21 = vector.shape_cast %get3A_20 : vector<1x1000x41xf32> to vector<1000x41xf32>
    %get3A_22 = arith.constant 0 : index
    %get3A_23 = arith.constant 0 : index
    %get3A_24 = vector.load %arg5[%get3A_22, %get3A_23] : memref<41x128xf32, #tpu.memory_space<vmem>>, vector<41x128xf32>
    %dot_general3A_25 = arith.constant dense<0.000000e+00> : vector<1000x128xf32>
    %dot_general3A_26 = tpu.matmul %get3A_21, %get3A_24, %dot_general3A_25 {dimension_numbers = #tpu.dot_dimension_numbers<[1], [0], [0], [1], [0, 0, 1, 1], [], []>, transpose_lhs_hint = false} : vector<1000x41xf32>, vector<41x128xf32>, vector<1000x128xf32> -> vector<1000x128xf32>
    %add3A = arith.addf %dot_general3A_16, %dot_general3A_26 : vector<1000x128xf32>
    %add3A_27 = vector.broadcast %get3A_4 : vector<1x128xf32> to vector<1000x128xf32>
    %add3A_28 = arith.addf %add3A, %add3A_27 : vector<1000x128xf32>
    %reshape3A = vector.shape_cast %add3A_28 : vector<1000x128xf32> to vector<125x8x128xf32>
    %reduce_sum3A = arith.constant dense<0.000000e+00> : vector<8x128xf32>
    %reduce_sum3A_29 = vector.multi_reduction <add>, %reshape3A, %reduce_sum3A [0] : vector<125x8x128xf32> to vector<8x128xf32>
    %add3A_30 = arith.addf %broadcast_in_dim3A_5, %reduce_sum3A_29 : vector<8x128xf32>
    %mul3A = arith.mulf %reshape3A, %reshape3A : vector<125x8x128xf32>
    %reduce_sum3A_31 = arith.constant dense<0.000000e+00> : vector<8x128xf32>
    %reduce_sum3A_32 = vector.multi_reduction <add>, %mul3A, %reduce_sum3A_31 [0] : vector<125x8x128xf32> to vector<8x128xf32>
    %add3A_33 = arith.addf %broadcast_in_dim3A_7, %reduce_sum3A_32 : vector<8x128xf32>
    %get3A_34 = arith.constant 1 : index
    %get3A_35 = arith.constant 0 : index
    %get3A_36 = arith.constant 0 : index
    %get3A_37 = vector.load %arg2[%get3A_34, %get3A_35, %get3A_36] : memref<12x1000x64xf32, #tpu.memory_space<vmem>>, vector<1x1000x64xf32>
    %get3A_38 = vector.shape_cast %get3A_37 : vector<1x1000x64xf32> to vector<1000x64xf32>
    %concatenate3A_39 = tpu.concatenate %get3A_1, %get3A_38 in 1 : vector<1000x64xf32>, vector<1000x64xf32> -> vector<1000x128xf32>
    %get3A_40 = arith.constant 0 : index
    %get3A_41 = arith.constant 0 : index
    %get3A_42 = vector.load %arg4[%get3A_40, %get3A_41] : memref<128x128xf32, #tpu.memory_space<vmem>>, vector<128x128xf32>
    %dot_general3A_43 = arith.constant dense<0.000000e+00> : vector<1000x128xf32>
    %dot_general3A_44 = tpu.matmul %concatenate3A_39, %get3A_42, %dot_general3A_43 {dimension_numbers = #tpu.dot_dimension_numbers<[1], [0], [0], [1], [0, 0, 1, 1], [], []>, transpose_lhs_hint = false} : vector<1000x128xf32>, vector<128x128xf32>, vector<1000x128xf32> -> vector<1000x128xf32>
    %get3A_45 = arith.constant 1 : index
    %get3A_46 = arith.constant 0 : index
    %get3A_47 = arith.constant 0 : index
    %get3A_48 = vector.load %arg3[%get3A_45, %get3A_46, %get3A_47] : memref<12x1000x41xf32, #tpu.memory_space<vmem>>, vector<1x1000x41xf32>
    %get3A_49 = vector.shape_cast %get3A_48 : vector<1x1000x41xf32> to vector<1000x41xf32>
    %get3A_50 = arith.constant 0 : index
    %get3A_51 = arith.constant 0 : index
    %get3A_52 = vector.load %arg5[%get3A_50, %get3A_51] : memref<41x128xf32, #tpu.memory_space<vmem>>, vector<41x128xf32>
    %dot_general3A_53 = arith.constant dense<0.000000e+00> : vector<1000x128xf32>
    %dot_general3A_54 = tpu.matmul %get3A_49, %get3A_52, %dot_general3A_53 {dimension_numbers = #tpu.dot_dimension_numbers<[1], [0], [0], [1], [0, 0, 1, 1], [], []>, transpose_lhs_hint = false} : vector<1000x41xf32>, vector<41x128xf32>, vector<1000x128xf32> -> vector<1000x128xf32>
    %add3A_55 = arith.addf %dot_general3A_44, %dot_general3A_54 : vector<1000x128xf32>
    %add3A_56 = vector.broadcast %get3A_4 : vector<1x128xf32> to vector<1000x128xf32>
    %add3A_57 = arith.addf %add3A_55, %add3A_56 : vector<1000x128xf32>
    %reshape3A_58 = vector.shape_cast %add3A_57 : vector<1000x128xf32> to vector<125x8x128xf32>
    %reduce_sum3A_59 = arith.constant dense<0.000000e+00> : vector<8x128xf32>
    %reduce_sum3A_60 = vector.multi_reduction <add>, %reshape3A_58, %reduce_sum3A_59 [0] : vector<125x8x128xf32> to vector<8x128xf32>
    %add3A_61 = arith.addf %add3A_30, %reduce_sum3A_60 : vector<8x128xf32>
    %mul3A_62 = arith.mulf %reshape3A_58, %reshape3A_58 : vector<125x8x128xf32>
    %reduce_sum3A_63 = arith.constant dense<0.000000e+00> : vector<8x128xf32>
    %reduce_sum3A_64 = vector.multi_reduction <add>, %mul3A_62, %reduce_sum3A_63 [0] : vector<125x8x128xf32> to vector<8x128xf32>
    %add3A_65 = arith.addf %add3A_33, %reduce_sum3A_64 : vector<8x128xf32>
    %get3A_66 = arith.constant 2 : index
    %get3A_67 = arith.constant 0 : index
    %get3A_68 = arith.constant 0 : index
    %get3A_69 = vector.load %arg2[%get3A_66, %get3A_67, %get3A_68] : memref<12x1000x64xf32, #tpu.memory_space<vmem>>, vector<1x1000x64xf32>
    %get3A_70 = vector.shape_cast %get3A_69 : vector<1x1000x64xf32> to vector<1000x64xf32>
    %concatenate3A_71 = tpu.concatenate %get3A_1, %get3A_70 in 1 : vector<1000x64xf32>, vector<1000x64xf32> -> vector<1000x128xf32>
    %get3A_72 = arith.constant 0 : index
    %get3A_73 = arith.constant 0 : index
    %get3A_74 = vector.load %arg4[%get3A_72, %get3A_73] : memref<128x128xf32, #tpu.memory_space<vmem>>, vector<128x128xf32>
    %dot_general3A_75 = arith.constant dense<0.000000e+00> : vector<1000x128xf32>
    %dot_general3A_76 = tpu.matmul %concatenate3A_71, %get3A_74, %dot_general3A_75 {dimension_numbers = #tpu.dot_dimension_numbers<[1], [0], [0], [1], [0, 0, 1, 1], [], []>, transpose_lhs_hint = false} : vector<1000x128xf32>, vector<128x128xf32>, vector<1000x128xf32> -> vector<1000x128xf32>
    %get3A_77 = arith.constant 2 : index
    %get3A_78 = arith.constant 0 : index
    %get3A_79 = arith.constant 0 : index
    %get3A_80 = vector.load %arg3[%get3A_77, %get3A_78, %get3A_79] : memref<12x1000x41xf32, #tpu.memory_space<vmem>>, vector<1x1000x41xf32>
    %get3A_81 = vector.shape_cast %get3A_80 : vector<1x1000x41xf32> to vector<1000x41xf32>
    %get3A_82 = arith.constant 0 : index
    %get3A_83 = arith.constant 0 : index
    %get3A_84 = vector.load %arg5[%get3A_82, %get3A_83] : memref<41x128xf32, #tpu.memory_space<vmem>>, vector<41x128xf32>
    %dot_general3A_85 = arith.constant dense<0.000000e+00> : vector<1000x128xf32>
    %dot_general3A_86 = tpu.matmul %get3A_81, %get3A_84, %dot_general3A_85 {dimension_numbers = #tpu.dot_dimension_numbers<[1], [0], [0], [1], [0, 0, 1, 1], [], []>, transpose_lhs_hint = false} : vector<1000x41xf32>, vector<41x128xf32>, vector<1000x128xf32> -> vector<1000x128xf32>
    %add3A_87 = arith.addf %dot_general3A_76, %dot_general3A_86 : vector<1000x128xf32>
    %add3A_88 = vector.broadcast %get3A_4 : vector<1x128xf32> to vector<1000x128xf32>
    %add3A_89 = arith.addf %add3A_87, %add3A_88 : vector<1000x128xf32>
    %reshape3A_90 = vector.shape_cast %add3A_89 : vector<1000x128xf32> to vector<125x8x128xf32>
    %reduce_sum3A_91 = arith.constant dense<0.000000e+00> : vector<8x128xf32>
    %reduce_sum3A_92 = vector.multi_reduction <add>, %reshape3A_90, %reduce_sum3A_91 [0] : vector<125x8x128xf32> to vector<8x128xf32>
    %add3A_93 = arith.addf %add3A_61, %reduce_sum3A_92 : vector<8x128xf32>
    %mul3A_94 = arith.mulf %reshape3A_90, %reshape3A_90 : vector<125x8x128xf32>
    %reduce_sum3A_95 = arith.constant dense<0.000000e+00> : vector<8x128xf32>
    %reduce_sum3A_96 = vector.multi_reduction <add>, %mul3A_94, %reduce_sum3A_95 [0] : vector<125x8x128xf32> to vector<8x128xf32>
    %add3A_97 = arith.addf %add3A_65, %reduce_sum3A_96 : vector<8x128xf32>
    %get3A_98 = arith.constant 3 : index
    %get3A_99 = arith.constant 0 : index
    %get3A_100 = arith.constant 0 : index
    %get3A_101 = vector.load %arg2[%get3A_98, %get3A_99, %get3A_100] : memref<12x1000x64xf32, #tpu.memory_space<vmem>>, vector<1x1000x64xf32>
    %get3A_102 = vector.shape_cast %get3A_101 : vector<1x1000x64xf32> to vector<1000x64xf32>
    %concatenate3A_103 = tpu.concatenate %get3A_1, %get3A_102 in 1 : vector<1000x64xf32>, vector<1000x64xf32> -> vector<1000x128xf32>
    %get3A_104 = arith.constant 0 : index
    %get3A_105 = arith.constant 0 : index
    %get3A_106 = vector.load %arg4[%get3A_104, %get3A_105] : memref<128x128xf32, #tpu.memory_space<vmem>>, vector<128x128xf32>
    %dot_general3A_107 = arith.constant dense<0.000000e+00> : vector<1000x128xf32>
    %dot_general3A_108 = tpu.matmul %concatenate3A_103, %get3A_106, %dot_general3A_107 {dimension_numbers = #tpu.dot_dimension_numbers<[1], [0], [0], [1], [0, 0, 1, 1], [], []>, transpose_lhs_hint = false} : vector<1000x128xf32>, vector<128x128xf32>, vector<1000x128xf32> -> vector<1000x128xf32>
    %get3A_109 = arith.constant 3 : index
    %get3A_110 = arith.constant 0 : index
    %get3A_111 = arith.constant 0 : index
    %get3A_112 = vector.load %arg3[%get3A_109, %get3A_110, %get3A_111] : memref<12x1000x41xf32, #tpu.memory_space<vmem>>, vector<1x1000x41xf32>
    %get3A_113 = vector.shape_cast %get3A_112 : vector<1x1000x41xf32> to vector<1000x41xf32>
    %get3A_114 = arith.constant 0 : index
    %get3A_115 = arith.constant 0 : index
    %get3A_116 = vector.load %arg5[%get3A_114, %get3A_115] : memref<41x128xf32, #tpu.memory_space<vmem>>, vector<41x128xf32>
    %dot_general3A_117 = arith.constant dense<0.000000e+00> : vector<1000x128xf32>
    %dot_general3A_118 = tpu.matmul %get3A_113, %get3A_116, %dot_general3A_117 {dimension_numbers = #tpu.dot_dimension_numbers<[1], [0], [0], [1], [0, 0, 1, 1], [], []>, transpose_lhs_hint = false} : vector<1000x41xf32>, vector<41x128xf32>, vector<1000x128xf32> -> vector<1000x128xf32>
    %add3A_119 = arith.addf %dot_general3A_108, %dot_general3A_118 : vector<1000x128xf32>
    %add3A_120 = vector.broadcast %get3A_4 : vector<1x128xf32> to vector<1000x128xf32>
    %add3A_121 = arith.addf %add3A_119, %add3A_120 : vector<1000x128xf32>
    %reshape3A_122 = vector.shape_cast %add3A_121 : vector<1000x128xf32> to vector<125x8x128xf32>
    %reduce_sum3A_123 = arith.constant dense<0.000000e+00> : vector<8x128xf32>
    %reduce_sum3A_124 = vector.multi_reduction <add>, %reshape3A_122, %reduce_sum3A_123 [0] : vector<125x8x128xf32> to vector<8x128xf32>
    %add3A_125 = arith.addf %add3A_93, %reduce_sum3A_124 : vector<8x128xf32>
    %mul3A_126 = arith.mulf %reshape3A_122, %reshape3A_122 : vector<125x8x128xf32>
    %reduce_sum3A_127 = arith.constant dense<0.000000e+00> : vector<8x128xf32>
    %reduce_sum3A_128 = vector.multi_reduction <add>, %mul3A_126, %reduce_sum3A_127 [0] : vector<125x8x128xf32> to vector<8x128xf32>
    %add3A_129 = arith.addf %add3A_97, %reduce_sum3A_128 : vector<8x128xf32>
    %get3A_130 = arith.constant 4 : index
    %get3A_131 = arith.constant 0 : index
    %get3A_132 = arith.constant 0 : index
    %get3A_133 = vector.load %arg2[%get3A_130, %get3A_131, %get3A_132] : memref<12x1000x64xf32, #tpu.memory_space<vmem>>, vector<1x1000x64xf32>
    %get3A_134 = vector.shape_cast %get3A_133 : vector<1x1000x64xf32> to vector<1000x64xf32>
    %concatenate3A_135 = tpu.concatenate %get3A_1, %get3A_134 in 1 : vector<1000x64xf32>, vector<1000x64xf32> -> vector<1000x128xf32>
    %get3A_136 = arith.constant 0 : index
    %get3A_137 = arith.constant 0 : index
    %get3A_138 = vector.load %arg4[%get3A_136, %get3A_137] : memref<128x128xf32, #tpu.memory_space<vmem>>, vector<128x128xf32>
    %dot_general3A_139 = arith.constant dense<0.000000e+00> : vector<1000x128xf32>
    %dot_general3A_140 = tpu.matmul %concatenate3A_135, %get3A_138, %dot_general3A_139 {dimension_numbers = #tpu.dot_dimension_numbers<[1], [0], [0], [1], [0, 0, 1, 1], [], []>, transpose_lhs_hint = false} : vector<1000x128xf32>, vector<128x128xf32>, vector<1000x128xf32> -> vector<1000x128xf32>
    %get3A_141 = arith.constant 4 : index
    %get3A_142 = arith.constant 0 : index
    %get3A_143 = arith.constant 0 : index
    %get3A_144 = vector.load %arg3[%get3A_141, %get3A_142, %get3A_143] : memref<12x1000x41xf32, #tpu.memory_space<vmem>>, vector<1x1000x41xf32>
    %get3A_145 = vector.shape_cast %get3A_144 : vector<1x1000x41xf32> to vector<1000x41xf32>
    %get3A_146 = arith.constant 0 : index
    %get3A_147 = arith.constant 0 : index
    %get3A_148 = vector.load %arg5[%get3A_146, %get3A_147] : memref<41x128xf32, #tpu.memory_space<vmem>>, vector<41x128xf32>
    %dot_general3A_149 = arith.constant dense<0.000000e+00> : vector<1000x128xf32>
    %dot_general3A_150 = tpu.matmul %get3A_145, %get3A_148, %dot_general3A_149 {dimension_numbers = #tpu.dot_dimension_numbers<[1], [0], [0], [1], [0, 0, 1, 1], [], []>, transpose_lhs_hint = false} : vector<1000x41xf32>, vector<41x128xf32>, vector<1000x128xf32> -> vector<1000x128xf32>
    %add3A_151 = arith.addf %dot_general3A_140, %dot_general3A_150 : vector<1000x128xf32>
    %add3A_152 = vector.broadcast %get3A_4 : vector<1x128xf32> to vector<1000x128xf32>
    %add3A_153 = arith.addf %add3A_151, %add3A_152 : vector<1000x128xf32>
    %reshape3A_154 = vector.shape_cast %add3A_153 : vector<1000x128xf32> to vector<125x8x128xf32>
    %reduce_sum3A_155 = arith.constant dense<0.000000e+00> : vector<8x128xf32>
    %reduce_sum3A_156 = vector.multi_reduction <add>, %reshape3A_154, %reduce_sum3A_155 [0] : vector<125x8x128xf32> to vector<8x128xf32>
    %add3A_157 = arith.addf %add3A_125, %reduce_sum3A_156 : vector<8x128xf32>
    %mul3A_158 = arith.mulf %reshape3A_154, %reshape3A_154 : vector<125x8x128xf32>
    %reduce_sum3A_159 = arith.constant dense<0.000000e+00> : vector<8x128xf32>
    %reduce_sum3A_160 = vector.multi_reduction <add>, %mul3A_158, %reduce_sum3A_159 [0] : vector<125x8x128xf32> to vector<8x128xf32>
    %add3A_161 = arith.addf %add3A_129, %reduce_sum3A_160 : vector<8x128xf32>
    %get3A_162 = arith.constant 5 : index
    %get3A_163 = arith.constant 0 : index
    %get3A_164 = arith.constant 0 : index
    %get3A_165 = vector.load %arg2[%get3A_162, %get3A_163, %get3A_164] : memref<12x1000x64xf32, #tpu.memory_space<vmem>>, vector<1x1000x64xf32>
    %get3A_166 = vector.shape_cast %get3A_165 : vector<1x1000x64xf32> to vector<1000x64xf32>
    %concatenate3A_167 = tpu.concatenate %get3A_1, %get3A_166 in 1 : vector<1000x64xf32>, vector<1000x64xf32> -> vector<1000x128xf32>
    %get3A_168 = arith.constant 0 : index
    %get3A_169 = arith.constant 0 : index
    %get3A_170 = vector.load %arg4[%get3A_168, %get3A_169] : memref<128x128xf32, #tpu.memory_space<vmem>>, vector<128x128xf32>
    %dot_general3A_171 = arith.constant dense<0.000000e+00> : vector<1000x128xf32>
    %dot_general3A_172 = tpu.matmul %concatenate3A_167, %get3A_170, %dot_general3A_171 {dimension_numbers = #tpu.dot_dimension_numbers<[1], [0], [0], [1], [0, 0, 1, 1], [], []>, transpose_lhs_hint = false} : vector<1000x128xf32>, vector<128x128xf32>, vector<1000x128xf32> -> vector<1000x128xf32>
    %get3A_173 = arith.constant 5 : index
    %get3A_174 = arith.constant 0 : index
    %get3A_175 = arith.constant 0 : index
    %get3A_176 = vector.load %arg3[%get3A_173, %get3A_174, %get3A_175] : memref<12x1000x41xf32, #tpu.memory_space<vmem>>, vector<1x1000x41xf32>
    %get3A_177 = vector.shape_cast %get3A_176 : vector<1x1000x41xf32> to vector<1000x41xf32>
    %get3A_178 = arith.constant 0 : index
    %get3A_179 = arith.constant 0 : index
    %get3A_180 = vector.load %arg5[%get3A_178, %get3A_179] : memref<41x128xf32, #tpu.memory_space<vmem>>, vector<41x128xf32>
    %dot_general3A_181 = arith.constant dense<0.000000e+00> : vector<1000x128xf32>
    %dot_general3A_182 = tpu.matmul %get3A_177, %get3A_180, %dot_general3A_181 {dimension_numbers = #tpu.dot_dimension_numbers<[1], [0], [0], [1], [0, 0, 1, 1], [], []>, transpose_lhs_hint = false} : vector<1000x41xf32>, vector<41x128xf32>, vector<1000x128xf32> -> vector<1000x128xf32>
    %add3A_183 = arith.addf %dot_general3A_172, %dot_general3A_182 : vector<1000x128xf32>
    %add3A_184 = vector.broadcast %get3A_4 : vector<1x128xf32> to vector<1000x128xf32>
    %add3A_185 = arith.addf %add3A_183, %add3A_184 : vector<1000x128xf32>
    %reshape3A_186 = vector.shape_cast %add3A_185 : vector<1000x128xf32> to vector<125x8x128xf32>
    %reduce_sum3A_187 = arith.constant dense<0.000000e+00> : vector<8x128xf32>
    %reduce_sum3A_188 = vector.multi_reduction <add>, %reshape3A_186, %reduce_sum3A_187 [0] : vector<125x8x128xf32> to vector<8x128xf32>
    %add3A_189 = arith.addf %add3A_157, %reduce_sum3A_188 : vector<8x128xf32>
    %mul3A_190 = arith.mulf %reshape3A_186, %reshape3A_186 : vector<125x8x128xf32>
    %reduce_sum3A_191 = arith.constant dense<0.000000e+00> : vector<8x128xf32>
    %reduce_sum3A_192 = vector.multi_reduction <add>, %mul3A_190, %reduce_sum3A_191 [0] : vector<125x8x128xf32> to vector<8x128xf32>
    %add3A_193 = arith.addf %add3A_161, %reduce_sum3A_192 : vector<8x128xf32>
    %get3A_194 = arith.constant 6 : index
    %get3A_195 = arith.constant 0 : index
    %get3A_196 = arith.constant 0 : index
    %get3A_197 = vector.load %arg2[%get3A_194, %get3A_195, %get3A_196] : memref<12x1000x64xf32, #tpu.memory_space<vmem>>, vector<1x1000x64xf32>
    %get3A_198 = vector.shape_cast %get3A_197 : vector<1x1000x64xf32> to vector<1000x64xf32>
    %concatenate3A_199 = tpu.concatenate %get3A_1, %get3A_198 in 1 : vector<1000x64xf32>, vector<1000x64xf32> -> vector<1000x128xf32>
    %get3A_200 = arith.constant 0 : index
    %get3A_201 = arith.constant 0 : index
    %get3A_202 = vector.load %arg4[%get3A_200, %get3A_201] : memref<128x128xf32, #tpu.memory_space<vmem>>, vector<128x128xf32>
    %dot_general3A_203 = arith.constant dense<0.000000e+00> : vector<1000x128xf32>
    %dot_general3A_204 = tpu.matmul %concatenate3A_199, %get3A_202, %dot_general3A_203 {dimension_numbers = #tpu.dot_dimension_numbers<[1], [0], [0], [1], [0, 0, 1, 1], [], []>, transpose_lhs_hint = false} : vector<1000x128xf32>, vector<128x128xf32>, vector<1000x128xf32> -> vector<1000x128xf32>
    %get3A_205 = arith.constant 6 : index
    %get3A_206 = arith.constant 0 : index
    %get3A_207 = arith.constant 0 : index
    %get3A_208 = vector.load %arg3[%get3A_205, %get3A_206, %get3A_207] : memref<12x1000x41xf32, #tpu.memory_space<vmem>>, vector<1x1000x41xf32>
    %get3A_209 = vector.shape_cast %get3A_208 : vector<1x1000x41xf32> to vector<1000x41xf32>
    %get3A_210 = arith.constant 0 : index
    %get3A_211 = arith.constant 0 : index
    %get3A_212 = vector.load %arg5[%get3A_210, %get3A_211] : memref<41x128xf32, #tpu.memory_space<vmem>>, vector<41x128xf32>
    %dot_general3A_213 = arith.constant dense<0.000000e+00> : vector<1000x128xf32>
    %dot_general3A_214 = tpu.matmul %get3A_209, %get3A_212, %dot_general3A_213 {dimension_numbers = #tpu.dot_dimension_numbers<[1], [0], [0], [1], [0, 0, 1, 1], [], []>, transpose_lhs_hint = false} : vector<1000x41xf32>, vector<41x128xf32>, vector<1000x128xf32> -> vector<1000x128xf32>
    %add3A_215 = arith.addf %dot_general3A_204, %dot_general3A_214 : vector<1000x128xf32>
    %add3A_216 = vector.broadcast %get3A_4 : vector<1x128xf32> to vector<1000x128xf32>
    %add3A_217 = arith.addf %add3A_215, %add3A_216 : vector<1000x128xf32>
    %reshape3A_218 = vector.shape_cast %add3A_217 : vector<1000x128xf32> to vector<125x8x128xf32>
    %reduce_sum3A_219 = arith.constant dense<0.000000e+00> : vector<8x128xf32>
    %reduce_sum3A_220 = vector.multi_reduction <add>, %reshape3A_218, %reduce_sum3A_219 [0] : vector<125x8x128xf32> to vector<8x128xf32>
    %add3A_221 = arith.addf %add3A_189, %reduce_sum3A_220 : vector<8x128xf32>
    %mul3A_222 = arith.mulf %reshape3A_218, %reshape3A_218 : vector<125x8x128xf32>
    %reduce_sum3A_223 = arith.constant dense<0.000000e+00> : vector<8x128xf32>
    %reduce_sum3A_224 = vector.multi_reduction <add>, %mul3A_222, %reduce_sum3A_223 [0] : vector<125x8x128xf32> to vector<8x128xf32>
    %add3A_225 = arith.addf %add3A_193, %reduce_sum3A_224 : vector<8x128xf32>
    %get3A_226 = arith.constant 7 : index
    %get3A_227 = arith.constant 0 : index
    %get3A_228 = arith.constant 0 : index
    %get3A_229 = vector.load %arg2[%get3A_226, %get3A_227, %get3A_228] : memref<12x1000x64xf32, #tpu.memory_space<vmem>>, vector<1x1000x64xf32>
    %get3A_230 = vector.shape_cast %get3A_229 : vector<1x1000x64xf32> to vector<1000x64xf32>
    %concatenate3A_231 = tpu.concatenate %get3A_1, %get3A_230 in 1 : vector<1000x64xf32>, vector<1000x64xf32> -> vector<1000x128xf32>
    %get3A_232 = arith.constant 0 : index
    %get3A_233 = arith.constant 0 : index
    %get3A_234 = vector.load %arg4[%get3A_232, %get3A_233] : memref<128x128xf32, #tpu.memory_space<vmem>>, vector<128x128xf32>
    %dot_general3A_235 = arith.constant dense<0.000000e+00> : vector<1000x128xf32>
    %dot_general3A_236 = tpu.matmul %concatenate3A_231, %get3A_234, %dot_general3A_235 {dimension_numbers = #tpu.dot_dimension_numbers<[1], [0], [0], [1], [0, 0, 1, 1], [], []>, transpose_lhs_hint = false} : vector<1000x128xf32>, vector<128x128xf32>, vector<1000x128xf32> -> vector<1000x128xf32>
    %get3A_237 = arith.constant 7 : index
    %get3A_238 = arith.constant 0 : index
    %get3A_239 = arith.constant 0 : index
    %get3A_240 = vector.load %arg3[%get3A_237, %get3A_238, %get3A_239] : memref<12x1000x41xf32, #tpu.memory_space<vmem>>, vector<1x1000x41xf32>
    %get3A_241 = vector.shape_cast %get3A_240 : vector<1x1000x41xf32> to vector<1000x41xf32>
    %get3A_242 = arith.constant 0 : index
    %get3A_243 = arith.constant 0 : index
    %get3A_244 = vector.load %arg5[%get3A_242, %get3A_243] : memref<41x128xf32, #tpu.memory_space<vmem>>, vector<41x128xf32>
    %dot_general3A_245 = arith.constant dense<0.000000e+00> : vector<1000x128xf32>
    %dot_general3A_246 = tpu.matmul %get3A_241, %get3A_244, %dot_general3A_245 {dimension_numbers = #tpu.dot_dimension_numbers<[1], [0], [0], [1], [0, 0, 1, 1], [], []>, transpose_lhs_hint = false} : vector<1000x41xf32>, vector<41x128xf32>, vector<1000x128xf32> -> vector<1000x128xf32>
    %add3A_247 = arith.addf %dot_general3A_236, %dot_general3A_246 : vector<1000x128xf32>
    %add3A_248 = vector.broadcast %get3A_4 : vector<1x128xf32> to vector<1000x128xf32>
    %add3A_249 = arith.addf %add3A_247, %add3A_248 : vector<1000x128xf32>
    %reshape3A_250 = vector.shape_cast %add3A_249 : vector<1000x128xf32> to vector<125x8x128xf32>
    %reduce_sum3A_251 = arith.constant dense<0.000000e+00> : vector<8x128xf32>
    %reduce_sum3A_252 = vector.multi_reduction <add>, %reshape3A_250, %reduce_sum3A_251 [0] : vector<125x8x128xf32> to vector<8x128xf32>
    %add3A_253 = arith.addf %add3A_221, %reduce_sum3A_252 : vector<8x128xf32>
    %mul3A_254 = arith.mulf %reshape3A_250, %reshape3A_250 : vector<125x8x128xf32>
    %reduce_sum3A_255 = arith.constant dense<0.000000e+00> : vector<8x128xf32>
    %reduce_sum3A_256 = vector.multi_reduction <add>, %mul3A_254, %reduce_sum3A_255 [0] : vector<125x8x128xf32> to vector<8x128xf32>
    %add3A_257 = arith.addf %add3A_225, %reduce_sum3A_256 : vector<8x128xf32>
    %get3A_258 = arith.constant 8 : index
    %get3A_259 = arith.constant 0 : index
    %get3A_260 = arith.constant 0 : index
    %get3A_261 = vector.load %arg2[%get3A_258, %get3A_259, %get3A_260] : memref<12x1000x64xf32, #tpu.memory_space<vmem>>, vector<1x1000x64xf32>
    %get3A_262 = vector.shape_cast %get3A_261 : vector<1x1000x64xf32> to vector<1000x64xf32>
    %concatenate3A_263 = tpu.concatenate %get3A_1, %get3A_262 in 1 : vector<1000x64xf32>, vector<1000x64xf32> -> vector<1000x128xf32>
    %get3A_264 = arith.constant 0 : index
    %get3A_265 = arith.constant 0 : index
    %get3A_266 = vector.load %arg4[%get3A_264, %get3A_265] : memref<128x128xf32, #tpu.memory_space<vmem>>, vector<128x128xf32>
    %dot_general3A_267 = arith.constant dense<0.000000e+00> : vector<1000x128xf32>
    %dot_general3A_268 = tpu.matmul %concatenate3A_263, %get3A_266, %dot_general3A_267 {dimension_numbers = #tpu.dot_dimension_numbers<[1], [0], [0], [1], [0, 0, 1, 1], [], []>, transpose_lhs_hint = false} : vector<1000x128xf32>, vector<128x128xf32>, vector<1000x128xf32> -> vector<1000x128xf32>
    %get3A_269 = arith.constant 8 : index
    %get3A_270 = arith.constant 0 : index
    %get3A_271 = arith.constant 0 : index
    %get3A_272 = vector.load %arg3[%get3A_269, %get3A_270, %get3A_271] : memref<12x1000x41xf32, #tpu.memory_space<vmem>>, vector<1x1000x41xf32>
    %get3A_273 = vector.shape_cast %get3A_272 : vector<1x1000x41xf32> to vector<1000x41xf32>
    %get3A_274 = arith.constant 0 : index
    %get3A_275 = arith.constant 0 : index
    %get3A_276 = vector.load %arg5[%get3A_274, %get3A_275] : memref<41x128xf32, #tpu.memory_space<vmem>>, vector<41x128xf32>
    %dot_general3A_277 = arith.constant dense<0.000000e+00> : vector<1000x128xf32>
    %dot_general3A_278 = tpu.matmul %get3A_273, %get3A_276, %dot_general3A_277 {dimension_numbers = #tpu.dot_dimension_numbers<[1], [0], [0], [1], [0, 0, 1, 1], [], []>, transpose_lhs_hint = false} : vector<1000x41xf32>, vector<41x128xf32>, vector<1000x128xf32> -> vector<1000x128xf32>
    %add3A_279 = arith.addf %dot_general3A_268, %dot_general3A_278 : vector<1000x128xf32>
    %add3A_280 = vector.broadcast %get3A_4 : vector<1x128xf32> to vector<1000x128xf32>
    %add3A_281 = arith.addf %add3A_279, %add3A_280 : vector<1000x128xf32>
    %reshape3A_282 = vector.shape_cast %add3A_281 : vector<1000x128xf32> to vector<125x8x128xf32>
    %reduce_sum3A_283 = arith.constant dense<0.000000e+00> : vector<8x128xf32>
    %reduce_sum3A_284 = vector.multi_reduction <add>, %reshape3A_282, %reduce_sum3A_283 [0] : vector<125x8x128xf32> to vector<8x128xf32>
    %add3A_285 = arith.addf %add3A_253, %reduce_sum3A_284 : vector<8x128xf32>
    %mul3A_286 = arith.mulf %reshape3A_282, %reshape3A_282 : vector<125x8x128xf32>
    %reduce_sum3A_287 = arith.constant dense<0.000000e+00> : vector<8x128xf32>
    %reduce_sum3A_288 = vector.multi_reduction <add>, %mul3A_286, %reduce_sum3A_287 [0] : vector<125x8x128xf32> to vector<8x128xf32>
    %add3A_289 = arith.addf %add3A_257, %reduce_sum3A_288 : vector<8x128xf32>
    %get3A_290 = arith.constant 9 : index
    %get3A_291 = arith.constant 0 : index
    %get3A_292 = arith.constant 0 : index
    %get3A_293 = vector.load %arg2[%get3A_290, %get3A_291, %get3A_292] : memref<12x1000x64xf32, #tpu.memory_space<vmem>>, vector<1x1000x64xf32>
    %get3A_294 = vector.shape_cast %get3A_293 : vector<1x1000x64xf32> to vector<1000x64xf32>
    %concatenate3A_295 = tpu.concatenate %get3A_1, %get3A_294 in 1 : vector<1000x64xf32>, vector<1000x64xf32> -> vector<1000x128xf32>
    %get3A_296 = arith.constant 0 : index
    %get3A_297 = arith.constant 0 : index
    %get3A_298 = vector.load %arg4[%get3A_296, %get3A_297] : memref<128x128xf32, #tpu.memory_space<vmem>>, vector<128x128xf32>
    %dot_general3A_299 = arith.constant dense<0.000000e+00> : vector<1000x128xf32>
    %dot_general3A_300 = tpu.matmul %concatenate3A_295, %get3A_298, %dot_general3A_299 {dimension_numbers = #tpu.dot_dimension_numbers<[1], [0], [0], [1], [0, 0, 1, 1], [], []>, transpose_lhs_hint = false} : vector<1000x128xf32>, vector<128x128xf32>, vector<1000x128xf32> -> vector<1000x128xf32>
    %get3A_301 = arith.constant 9 : index
    %get3A_302 = arith.constant 0 : index
    %get3A_303 = arith.constant 0 : index
    %get3A_304 = vector.load %arg3[%get3A_301, %get3A_302, %get3A_303] : memref<12x1000x41xf32, #tpu.memory_space<vmem>>, vector<1x1000x41xf32>
    %get3A_305 = vector.shape_cast %get3A_304 : vector<1x1000x41xf32> to vector<1000x41xf32>
    %get3A_306 = arith.constant 0 : index
    %get3A_307 = arith.constant 0 : index
    %get3A_308 = vector.load %arg5[%get3A_306, %get3A_307] : memref<41x128xf32, #tpu.memory_space<vmem>>, vector<41x128xf32>
    %dot_general3A_309 = arith.constant dense<0.000000e+00> : vector<1000x128xf32>
    %dot_general3A_310 = tpu.matmul %get3A_305, %get3A_308, %dot_general3A_309 {dimension_numbers = #tpu.dot_dimension_numbers<[1], [0], [0], [1], [0, 0, 1, 1], [], []>, transpose_lhs_hint = false} : vector<1000x41xf32>, vector<41x128xf32>, vector<1000x128xf32> -> vector<1000x128xf32>
    %add3A_311 = arith.addf %dot_general3A_300, %dot_general3A_310 : vector<1000x128xf32>
    %add3A_312 = vector.broadcast %get3A_4 : vector<1x128xf32> to vector<1000x128xf32>
    %add3A_313 = arith.addf %add3A_311, %add3A_312 : vector<1000x128xf32>
    %reshape3A_314 = vector.shape_cast %add3A_313 : vector<1000x128xf32> to vector<125x8x128xf32>
    %reduce_sum3A_315 = arith.constant dense<0.000000e+00> : vector<8x128xf32>
    %reduce_sum3A_316 = vector.multi_reduction <add>, %reshape3A_314, %reduce_sum3A_315 [0] : vector<125x8x128xf32> to vector<8x128xf32>
    %add3A_317 = arith.addf %add3A_285, %reduce_sum3A_316 : vector<8x128xf32>
    %mul3A_318 = arith.mulf %reshape3A_314, %reshape3A_314 : vector<125x8x128xf32>
    %reduce_sum3A_319 = arith.constant dense<0.000000e+00> : vector<8x128xf32>
    %reduce_sum3A_320 = vector.multi_reduction <add>, %mul3A_318, %reduce_sum3A_319 [0] : vector<125x8x128xf32> to vector<8x128xf32>
    %add3A_321 = arith.addf %add3A_289, %reduce_sum3A_320 : vector<8x128xf32>
    %get3A_322 = arith.constant 10 : index
    %get3A_323 = arith.constant 0 : index
    %get3A_324 = arith.constant 0 : index
    %get3A_325 = vector.load %arg2[%get3A_322, %get3A_323, %get3A_324] : memref<12x1000x64xf32, #tpu.memory_space<vmem>>, vector<1x1000x64xf32>
    %get3A_326 = vector.shape_cast %get3A_325 : vector<1x1000x64xf32> to vector<1000x64xf32>
    %concatenate3A_327 = tpu.concatenate %get3A_1, %get3A_326 in 1 : vector<1000x64xf32>, vector<1000x64xf32> -> vector<1000x128xf32>
    %get3A_328 = arith.constant 0 : index
    %get3A_329 = arith.constant 0 : index
    %get3A_330 = vector.load %arg4[%get3A_328, %get3A_329] : memref<128x128xf32, #tpu.memory_space<vmem>>, vector<128x128xf32>
    %dot_general3A_331 = arith.constant dense<0.000000e+00> : vector<1000x128xf32>
    %dot_general3A_332 = tpu.matmul %concatenate3A_327, %get3A_330, %dot_general3A_331 {dimension_numbers = #tpu.dot_dimension_numbers<[1], [0], [0], [1], [0, 0, 1, 1], [], []>, transpose_lhs_hint = false} : vector<1000x128xf32>, vector<128x128xf32>, vector<1000x128xf32> -> vector<1000x128xf32>
    %get3A_333 = arith.constant 10 : index
    %get3A_334 = arith.constant 0 : index
    %get3A_335 = arith.constant 0 : index
    %get3A_336 = vector.load %arg3[%get3A_333, %get3A_334, %get3A_335] : memref<12x1000x41xf32, #tpu.memory_space<vmem>>, vector<1x1000x41xf32>
    %get3A_337 = vector.shape_cast %get3A_336 : vector<1x1000x41xf32> to vector<1000x41xf32>
    %get3A_338 = arith.constant 0 : index
    %get3A_339 = arith.constant 0 : index
    %get3A_340 = vector.load %arg5[%get3A_338, %get3A_339] : memref<41x128xf32, #tpu.memory_space<vmem>>, vector<41x128xf32>
    %dot_general3A_341 = arith.constant dense<0.000000e+00> : vector<1000x128xf32>
    %dot_general3A_342 = tpu.matmul %get3A_337, %get3A_340, %dot_general3A_341 {dimension_numbers = #tpu.dot_dimension_numbers<[1], [0], [0], [1], [0, 0, 1, 1], [], []>, transpose_lhs_hint = false} : vector<1000x41xf32>, vector<41x128xf32>, vector<1000x128xf32> -> vector<1000x128xf32>
    %add3A_343 = arith.addf %dot_general3A_332, %dot_general3A_342 : vector<1000x128xf32>
    %add3A_344 = vector.broadcast %get3A_4 : vector<1x128xf32> to vector<1000x128xf32>
    %add3A_345 = arith.addf %add3A_343, %add3A_344 : vector<1000x128xf32>
    %reshape3A_346 = vector.shape_cast %add3A_345 : vector<1000x128xf32> to vector<125x8x128xf32>
    %reduce_sum3A_347 = arith.constant dense<0.000000e+00> : vector<8x128xf32>
    %reduce_sum3A_348 = vector.multi_reduction <add>, %reshape3A_346, %reduce_sum3A_347 [0] : vector<125x8x128xf32> to vector<8x128xf32>
    %add3A_349 = arith.addf %add3A_317, %reduce_sum3A_348 : vector<8x128xf32>
    %mul3A_350 = arith.mulf %reshape3A_346, %reshape3A_346 : vector<125x8x128xf32>
    %reduce_sum3A_351 = arith.constant dense<0.000000e+00> : vector<8x128xf32>
    %reduce_sum3A_352 = vector.multi_reduction <add>, %mul3A_350, %reduce_sum3A_351 [0] : vector<125x8x128xf32> to vector<8x128xf32>
    %add3A_353 = arith.addf %add3A_321, %reduce_sum3A_352 : vector<8x128xf32>
    %get3A_354 = arith.constant 11 : index
    %get3A_355 = arith.constant 0 : index
    %get3A_356 = arith.constant 0 : index
    %get3A_357 = vector.load %arg2[%get3A_354, %get3A_355, %get3A_356] : memref<12x1000x64xf32, #tpu.memory_space<vmem>>, vector<1x1000x64xf32>
    %get3A_358 = vector.shape_cast %get3A_357 : vector<1x1000x64xf32> to vector<1000x64xf32>
    %concatenate3A_359 = tpu.concatenate %get3A_1, %get3A_358 in 1 : vector<1000x64xf32>, vector<1000x64xf32> -> vector<1000x128xf32>
    %get3A_360 = arith.constant 0 : index
    %get3A_361 = arith.constant 0 : index
    %get3A_362 = vector.load %arg4[%get3A_360, %get3A_361] : memref<128x128xf32, #tpu.memory_space<vmem>>, vector<128x128xf32>
    %dot_general3A_363 = arith.constant dense<0.000000e+00> : vector<1000x128xf32>
    %dot_general3A_364 = tpu.matmul %concatenate3A_359, %get3A_362, %dot_general3A_363 {dimension_numbers = #tpu.dot_dimension_numbers<[1], [0], [0], [1], [0, 0, 1, 1], [], []>, transpose_lhs_hint = false} : vector<1000x128xf32>, vector<128x128xf32>, vector<1000x128xf32> -> vector<1000x128xf32>
    %get3A_365 = arith.constant 11 : index
    %get3A_366 = arith.constant 0 : index
    %get3A_367 = arith.constant 0 : index
    %get3A_368 = vector.load %arg3[%get3A_365, %get3A_366, %get3A_367] : memref<12x1000x41xf32, #tpu.memory_space<vmem>>, vector<1x1000x41xf32>
    %get3A_369 = vector.shape_cast %get3A_368 : vector<1x1000x41xf32> to vector<1000x41xf32>
    %get3A_370 = arith.constant 0 : index
    %get3A_371 = arith.constant 0 : index
    %get3A_372 = vector.load %arg5[%get3A_370, %get3A_371] : memref<41x128xf32, #tpu.memory_space<vmem>>, vector<41x128xf32>
    %dot_general3A_373 = arith.constant dense<0.000000e+00> : vector<1000x128xf32>
    %dot_general3A_374 = tpu.matmul %get3A_369, %get3A_372, %dot_general3A_373 {dimension_numbers = #tpu.dot_dimension_numbers<[1], [0], [0], [1], [0, 0, 1, 1], [], []>, transpose_lhs_hint = false} : vector<1000x41xf32>, vector<41x128xf32>, vector<1000x128xf32> -> vector<1000x128xf32>
    %add3A_375 = arith.addf %dot_general3A_364, %dot_general3A_374 : vector<1000x128xf32>
    %add3A_376 = vector.broadcast %get3A_4 : vector<1x128xf32> to vector<1000x128xf32>
    %add3A_377 = arith.addf %add3A_375, %add3A_376 : vector<1000x128xf32>
    %reshape3A_378 = vector.shape_cast %add3A_377 : vector<1000x128xf32> to vector<125x8x128xf32>
    %reduce_sum3A_379 = arith.constant dense<0.000000e+00> : vector<8x128xf32>
    %reduce_sum3A_380 = vector.multi_reduction <add>, %reshape3A_378, %reduce_sum3A_379 [0] : vector<125x8x128xf32> to vector<8x128xf32>
    %add3A_381 = arith.addf %add3A_349, %reduce_sum3A_380 : vector<8x128xf32>
    %mul3A_382 = arith.mulf %reshape3A_378, %reshape3A_378 : vector<125x8x128xf32>
    %reduce_sum3A_383 = arith.constant dense<0.000000e+00> : vector<8x128xf32>
    %reduce_sum3A_384 = vector.multi_reduction <add>, %mul3A_382, %reduce_sum3A_383 [0] : vector<125x8x128xf32> to vector<8x128xf32>
    %add3A_385 = arith.addf %add3A_353, %reduce_sum3A_384 : vector<8x128xf32>
    %eq3A = arith.constant 0 : i32
    %eq3A_386 = arith.cmpi eq, %arg0, %eq3A : i32
    %convert_element_type3A = arith.extui %eq3A_386 : i1 to i32
    %cond3A = arith.constant 0 : i32
    %cond3A_387 = arith.cmpi ne, %convert_element_type3A, %cond3A : i32
    scf.if %cond3A_387 {
      %broadcast_in_dim3A_401 = arith.constant 0.000000e+00 : f32
      %broadcast_in_dim3A_402 = vector.broadcast %broadcast_in_dim3A_401 : f32 to vector<8x128xf32>
      %swap3A_403 = arith.constant 0 : index
      %swap3A_404 = arith.constant 0 : index
      %swap3A_405 = vector.load %arg7[%swap3A_403, %swap3A_404] : memref<8x128xf32, #tpu.memory_space<vmem>>, vector<8x128xf32>
      tpu.vector_store %arg7[%swap3A_403, %swap3A_404], %broadcast_in_dim3A_402 {strides = array<i32>} : memref<8x128xf32, #tpu.memory_space<vmem>>, vector<8x128xf32>,
      %broadcast_in_dim3A_406 = arith.constant 0.000000e+00 : f32
      %broadcast_in_dim3A_407 = vector.broadcast %broadcast_in_dim3A_406 : f32 to vector<8x128xf32>
      %swap3A_408 = arith.constant 0 : index
      %swap3A_409 = arith.constant 0 : index
      %swap3A_410 = vector.load %arg8[%swap3A_408, %swap3A_409] : memref<8x128xf32, #tpu.memory_space<vmem>>, vector<8x128xf32>
      tpu.vector_store %arg8[%swap3A_408, %swap3A_409], %broadcast_in_dim3A_407 {strides = array<i32>} : memref<8x128xf32, #tpu.memory_space<vmem>>, vector<8x128xf32>,
    } else {
    }
    %get3A_388 = arith.constant 0 : index
    %get3A_389 = arith.constant 0 : index
    %get3A_390 = vector.load %arg7[%get3A_388, %get3A_389] : memref<8x128xf32, #tpu.memory_space<vmem>>, vector<8x128xf32>
    %add3A_391 = arith.addf %get3A_390, %add3A_381 : vector<8x128xf32>
    %swap3A = arith.constant 0 : index
    %swap3A_392 = arith.constant 0 : index
    %swap3A_393 = vector.load %arg7[%swap3A, %swap3A_392] : memref<8x128xf32, #tpu.memory_space<vmem>>, vector<8x128xf32>
    tpu.vector_store %arg7[%swap3A, %swap3A_392], %add3A_391 {strides = array<i32>} : memref<8x128xf32, #tpu.memory_space<vmem>>, vector<8x128xf32>,
    %get3A_394 = arith.constant 0 : index
    %get3A_395 = arith.constant 0 : index
    %get3A_396 = vector.load %arg8[%get3A_394, %get3A_395] : memref<8x128xf32, #tpu.memory_space<vmem>>, vector<8x128xf32>
    %add3A_397 = arith.addf %get3A_396, %add3A_385 : vector<8x128xf32>
    %swap3A_398 = arith.constant 0 : index
    %swap3A_399 = arith.constant 0 : index
    %swap3A_400 = vector.load %arg8[%swap3A_398, %swap3A_399] : memref<8x128xf32, #tpu.memory_space<vmem>>, vector<8x128xf32>
    tpu.vector_store %arg8[%swap3A_398, %swap3A_399], %add3A_397 {strides = array<i32>} : memref<8x128xf32, #tpu.memory_space<vmem>>, vector<8x128xf32>,
    return
  }
  func.func @transform_0(%arg0: i32) -> (i32, i32) {
    %c0_i32 = arith.constant 0 : i32
    %c0_i32_0 = arith.constant 0 : i32
    return %arg0, %c0_i32 : i32, i32
  }
  func.func @transform_1(%arg0: i32) -> (i32, i32, i32) {
    %c0_i32 = arith.constant 0 : i32
    %c0_i32_0 = arith.constant 0 : i32
    %c0_i32_1 = arith.constant 0 : i32
    return %c0_i32, %arg0, %c0_i32_0 : i32, i32, i32
  }
  func.func @transform_2(%arg0: i32) -> (i32, i32, i32) {
    %c0_i32 = arith.constant 0 : i32
    %c0_i32_0 = arith.constant 0 : i32
    %c0_i32_1 = arith.constant 0 : i32
    return %c0_i32, %arg0, %c0_i32_0 : i32, i32, i32
  }
  func.func @transform_3(%arg0: i32) -> (i32, i32) {
    %c0_i32 = arith.constant 0 : i32
    %c0_i32_0 = arith.constant 0 : i32
    %c0_i32_1 = arith.constant 0 : i32
    return %c0_i32, %c0_i32_0 : i32, i32
  }
  func.func @transform_4(%arg0: i32) -> (i32, i32) {
    %c0_i32 = arith.constant 0 : i32
    %c0_i32_0 = arith.constant 0 : i32
    %c0_i32_1 = arith.constant 0 : i32
    return %c0_i32, %c0_i32_0 : i32, i32
  }
  func.func @transform_5(%arg0: i32) -> (i32, i32) {
    %c0_i32 = arith.constant 0 : i32
    %c0_i32_0 = arith.constant 0 : i32
    %c0_i32_1 = arith.constant 0 : i32
    return %c0_i32, %c0_i32_0 : i32, i32
  }
  func.func @transform_6(%arg0: i32) -> (i32, i32) {
    %c0_i32 = arith.constant 0 : i32
    %c0_i32_0 = arith.constant 0 : i32
    %c0_i32_1 = arith.constant 0 : i32
    return %c0_i32, %c0_i32_0 : i32, i32
  }
  func.func @transform_7(%arg0: i32) -> (i32, i32) {
    %c0_i32 = arith.constant 0 : i32
    %c0_i32_0 = arith.constant 0 : i32
    %c0_i32_1 = arith.constant 0 : i32
    return %c0_i32, %c0_i32_0 : i32, i32
  }
}

module attributes {stable_mosaic.version = 14 : i64} {
  func.func @kern(%arg0: i32, %arg1: memref<1000x64xf32, #tpu.memory_space<vmem>>, %arg2: memref<12x1000x64xf32, #tpu.memory_space<vmem>>, %arg3: memref<12x1000x41xf32, #tpu.memory_space<vmem>>, %arg4: memref<128x128xf32, #tpu.memory_space<vmem>>, %arg5: memref<41x128xf32, #tpu.memory_space<vmem>>, %arg6: memref<1x128xf32, #tpu.memory_space<vmem>>, %arg7: memref<8x128xf32, #tpu.memory_space<vmem>>, %arg8: memref<8x128xf32, #tpu.memory_space<vmem>>, %arg9: memref<1x128xf32, #tpu.memory_space<vmem>>, %arg10: memref<1x128xf32, #tpu.memory_space<vmem>>, %arg11: memref<1000x64xf32, #tpu.memory_space<vmem>>, %arg12: memref<8x64xf32, #tpu.memory_space<vmem>>, %arg13: memref<8x64xf32, #tpu.memory_space<vmem>>) attributes {dimension_semantics = [#tpu.dimension_semantics<arbitrary>], iteration_bounds = array<i64: 50>, scalar_prefetch = 0 : i64, scratch_operands = 0 : i64, tpu.core_type = #tpu.core_type<tc>, window_params = [{transform_indices = @transform_0, window_bounds = array<i64: 1000, 64>}, {transform_indices = @transform_1, window_bounds = array<i64: 12, 1000, 64>}, {transform_indices = @transform_2, window_bounds = array<i64: 12, 1000, 41>}, {pipeline_mode = #tpu.pipeline_mode<synchronous>, transform_indices = @transform_3, window_bounds = array<i64: 128, 128>}, {pipeline_mode = #tpu.pipeline_mode<synchronous>, transform_indices = @transform_4, window_bounds = array<i64: 41, 128>}, {pipeline_mode = #tpu.pipeline_mode<synchronous>, transform_indices = @transform_5, window_bounds = array<i64: 1, 128>}, {pipeline_mode = #tpu.pipeline_mode<synchronous>, transform_indices = @transform_6, window_bounds = array<i64: 8, 128>}, {pipeline_mode = #tpu.pipeline_mode<synchronous>, transform_indices = @transform_7, window_bounds = array<i64: 8, 128>}, {pipeline_mode = #tpu.pipeline_mode<synchronous>, transform_indices = @transform_8, window_bounds = array<i64: 1, 128>}, {pipeline_mode = #tpu.pipeline_mode<synchronous>, transform_indices = @transform_9, window_bounds = array<i64: 1, 128>}, {transform_indices = @transform_10, window_bounds = array<i64: 1000, 64>}, {pipeline_mode = #tpu.pipeline_mode<synchronous>, transform_indices = @transform_11, window_bounds = array<i64: 8, 64>}, {pipeline_mode = #tpu.pipeline_mode<synchronous>, transform_indices = @transform_12, window_bounds = array<i64: 8, 64>}]} {
    %get3A = arith.constant 0 : index
    %get3A_0 = arith.constant 0 : index
    %get3A_1 = vector.load %arg7[%get3A, %get3A_0] : memref<8x128xf32, #tpu.memory_space<vmem>>, vector<8x128xf32>
    %reduce_sum3A = arith.constant dense<0.000000e+00> : vector<128xf32>
    %reduce_sum3A_2 = vector.multi_reduction <add>, %get3A_1, %reduce_sum3A [0] : vector<8x128xf32> to vector<128xf32>
    %broadcast_in_dim3A = vector.shape_cast %reduce_sum3A_2 : vector<128xf32> to vector<1x128xf32>
    %div3A = arith.constant 6.000000e+05 : f32
    %div3A_3 = vector.broadcast %div3A : f32 to vector<1x128xf32>
    %div3A_4 = arith.divf %broadcast_in_dim3A, %div3A_3 : vector<1x128xf32>
    %get3A_5 = arith.constant 0 : index
    %get3A_6 = arith.constant 0 : index
    %get3A_7 = vector.load %arg8[%get3A_5, %get3A_6] : memref<8x128xf32, #tpu.memory_space<vmem>>, vector<8x128xf32>
    %reduce_sum3A_8 = arith.constant dense<0.000000e+00> : vector<128xf32>
    %reduce_sum3A_9 = vector.multi_reduction <add>, %get3A_7, %reduce_sum3A_8 [0] : vector<8x128xf32> to vector<128xf32>
    %broadcast_in_dim3A_10 = vector.shape_cast %reduce_sum3A_9 : vector<128xf32> to vector<1x128xf32>
    %div3A_11 = arith.constant 6.000000e+05 : f32
    %div3A_12 = vector.broadcast %div3A_11 : f32 to vector<1x128xf32>
    %div3A_13 = arith.divf %broadcast_in_dim3A_10, %div3A_12 : vector<1x128xf32>
    %mul3A = arith.mulf %div3A_4, %div3A_4 : vector<1x128xf32>
    %sub3A = arith.subf %div3A_13, %mul3A : vector<1x128xf32>
    %get3A_14 = arith.constant 0 : index
    %get3A_15 = arith.constant 0 : index
    %get3A_16 = vector.load %arg9[%get3A_14, %get3A_15] : memref<1x128xf32, #tpu.memory_space<vmem>>, vector<1x128xf32>
    %add3A = arith.constant 9.99999974E-6 : f32
    %add3A_17 = vector.broadcast %add3A : f32 to vector<1x128xf32>
    %add3A_18 = arith.addf %sub3A, %add3A_17 : vector<1x128xf32>
    %rsqrt3A = math.rsqrt %add3A_18 : vector<1x128xf32>
    %mul3A_19 = arith.mulf %get3A_16, %rsqrt3A : vector<1x128xf32>
    %get3A_20 = arith.constant 0 : index
    %get3A_21 = arith.constant 0 : index
    %get3A_22 = vector.load %arg10[%get3A_20, %get3A_21] : memref<1x128xf32, #tpu.memory_space<vmem>>, vector<1x128xf32>
    %mul3A_23 = arith.mulf %div3A_4, %mul3A_19 : vector<1x128xf32>
    %sub3A_24 = arith.subf %get3A_22, %mul3A_23 : vector<1x128xf32>
    %get3A_25 = arith.constant 0 : index
    %get3A_26 = arith.constant 0 : index
    %get3A_27 = vector.load %arg1[%get3A_25, %get3A_26] : memref<1000x64xf32, #tpu.memory_space<vmem>>, vector<1000x64xf32>
    %get3A_28 = arith.constant 0 : index
    %get3A_29 = arith.constant 0 : index
    %get3A_30 = vector.load %arg6[%get3A_28, %get3A_29] : memref<1x128xf32, #tpu.memory_space<vmem>>, vector<1x128xf32>
    %broadcast_in_dim3A_31 = arith.constant 0.000000e+00 : f32
    %broadcast_in_dim3A_32 = vector.broadcast %broadcast_in_dim3A_31 : f32 to vector<1000x64xf32>
    %get3A_33 = arith.constant 0 : index
    %get3A_34 = arith.constant 0 : index
    %get3A_35 = arith.constant 0 : index
    %get3A_36 = vector.load %arg2[%get3A_33, %get3A_34, %get3A_35] : memref<12x1000x64xf32, #tpu.memory_space<vmem>>, vector<1x1000x64xf32>
    %get3A_37 = vector.shape_cast %get3A_36 : vector<1x1000x64xf32> to vector<1000x64xf32>
    %concatenate3A = tpu.concatenate %get3A_27, %get3A_37 in 1 : vector<1000x64xf32>, vector<1000x64xf32> -> vector<1000x128xf32>
    %get3A_38 = arith.constant 0 : index
    %get3A_39 = arith.constant 0 : index
    %get3A_40 = vector.load %arg4[%get3A_38, %get3A_39] : memref<128x128xf32, #tpu.memory_space<vmem>>, vector<128x128xf32>
    %dot_general3A = arith.constant dense<0.000000e+00> : vector<1000x128xf32>
    %dot_general3A_41 = tpu.matmul %concatenate3A, %get3A_40, %dot_general3A {dimension_numbers = #tpu.dot_dimension_numbers<[1], [0], [0], [1], [0, 0, 1, 1], [], []>, transpose_lhs_hint = false} : vector<1000x128xf32>, vector<128x128xf32>, vector<1000x128xf32> -> vector<1000x128xf32>
    %get3A_42 = arith.constant 0 : index
    %get3A_43 = arith.constant 0 : index
    %get3A_44 = arith.constant 0 : index
    %get3A_45 = vector.load %arg3[%get3A_42, %get3A_43, %get3A_44] : memref<12x1000x41xf32, #tpu.memory_space<vmem>>, vector<1x1000x41xf32>
    %get3A_46 = vector.shape_cast %get3A_45 : vector<1x1000x41xf32> to vector<1000x41xf32>
    %get3A_47 = arith.constant 0 : index
    %get3A_48 = arith.constant 0 : index
    %get3A_49 = vector.load %arg5[%get3A_47, %get3A_48] : memref<41x128xf32, #tpu.memory_space<vmem>>, vector<41x128xf32>
    %dot_general3A_50 = arith.constant dense<0.000000e+00> : vector<1000x128xf32>
    %dot_general3A_51 = tpu.matmul %get3A_46, %get3A_49, %dot_general3A_50 {dimension_numbers = #tpu.dot_dimension_numbers<[1], [0], [0], [1], [0, 0, 1, 1], [], []>, transpose_lhs_hint = false} : vector<1000x41xf32>, vector<41x128xf32>, vector<1000x128xf32> -> vector<1000x128xf32>
    %add3A_52 = arith.addf %dot_general3A_41, %dot_general3A_51 : vector<1000x128xf32>
    %add3A_53 = vector.broadcast %get3A_30 : vector<1x128xf32> to vector<1000x128xf32>
    %add3A_54 = arith.addf %add3A_52, %add3A_53 : vector<1000x128xf32>
    %mul3A_55 = vector.broadcast %mul3A_19 : vector<1x128xf32> to vector<1000x128xf32>
    %mul3A_56 = arith.mulf %add3A_54, %mul3A_55 : vector<1000x128xf32>
    %add3A_57 = vector.broadcast %sub3A_24 : vector<1x128xf32> to vector<1000x128xf32>
    %add3A_58 = arith.addf %mul3A_56, %add3A_57 : vector<1000x128xf32>
    %slice3A = vector.extract_strided_slice %add3A_58 {offsets = [0, 0], sizes = [1000, 64], strides = [1, 1]} : vector<1000x128xf32> to vector<1000x64xf32>
    %mul3A_59 = arith.constant 5.000000e-01 : f32
    %mul3A_60 = vector.broadcast %mul3A_59 : f32 to vector<1000x64xf32>
    %mul3A_61 = arith.mulf %mul3A_60, %slice3A : vector<1000x64xf32>
    %tanh3A = math.tanh %mul3A_61 : vector<1000x64xf32>
    %mul3A_62 = arith.constant 5.000000e-01 : f32
    %mul3A_63 = vector.broadcast %mul3A_62 : f32 to vector<1000x64xf32>
    %mul3A_64 = arith.mulf %mul3A_63, %tanh3A : vector<1000x64xf32>
    %add3A_65 = arith.constant 5.000000e-01 : f32
    %add3A_66 = vector.broadcast %add3A_65 : f32 to vector<1000x64xf32>
    %add3A_67 = arith.addf %add3A_66, %mul3A_64 : vector<1000x64xf32>
    %slice3A_68 = vector.extract_strided_slice %add3A_58 {offsets = [0, 64], sizes = [1000, 64], strides = [1, 1]} : vector<1000x128xf32> to vector<1000x64xf32>
    %ge3A = arith.constant 0.000000e+00 : f32
    %ge3A_69 = vector.broadcast %ge3A : f32 to vector<1000x64xf32>
    %ge3A_70 = arith.cmpf oge, %slice3A_68, %ge3A_69 : vector<1000x64xf32>
    %mul3A_71 = arith.constant 0.00999999977 : f32
    %mul3A_72 = vector.broadcast %mul3A_71 : f32 to vector<1000x64xf32>
    %mul3A_73 = arith.mulf %mul3A_72, %slice3A_68 : vector<1000x64xf32>
    %select_n3A = arith.select %ge3A_70, %slice3A_68, %mul3A_73 : vector<1000x64xi1>, vector<1000x64xf32>
    %mul3A_74 = arith.mulf %add3A_67, %select_n3A : vector<1000x64xf32>
    %add3A_75 = arith.addf %broadcast_in_dim3A_32, %mul3A_74 : vector<1000x64xf32>
    %get3A_76 = arith.constant 1 : index
    %get3A_77 = arith.constant 0 : index
    %get3A_78 = arith.constant 0 : index
    %get3A_79 = vector.load %arg2[%get3A_76, %get3A_77, %get3A_78] : memref<12x1000x64xf32, #tpu.memory_space<vmem>>, vector<1x1000x64xf32>
    %get3A_80 = vector.shape_cast %get3A_79 : vector<1x1000x64xf32> to vector<1000x64xf32>
    %concatenate3A_81 = tpu.concatenate %get3A_27, %get3A_80 in 1 : vector<1000x64xf32>, vector<1000x64xf32> -> vector<1000x128xf32>
    %get3A_82 = arith.constant 0 : index
    %get3A_83 = arith.constant 0 : index
    %get3A_84 = vector.load %arg4[%get3A_82, %get3A_83] : memref<128x128xf32, #tpu.memory_space<vmem>>, vector<128x128xf32>
    %dot_general3A_85 = arith.constant dense<0.000000e+00> : vector<1000x128xf32>
    %dot_general3A_86 = tpu.matmul %concatenate3A_81, %get3A_84, %dot_general3A_85 {dimension_numbers = #tpu.dot_dimension_numbers<[1], [0], [0], [1], [0, 0, 1, 1], [], []>, transpose_lhs_hint = false} : vector<1000x128xf32>, vector<128x128xf32>, vector<1000x128xf32> -> vector<1000x128xf32>
    %get3A_87 = arith.constant 1 : index
    %get3A_88 = arith.constant 0 : index
    %get3A_89 = arith.constant 0 : index
    %get3A_90 = vector.load %arg3[%get3A_87, %get3A_88, %get3A_89] : memref<12x1000x41xf32, #tpu.memory_space<vmem>>, vector<1x1000x41xf32>
    %get3A_91 = vector.shape_cast %get3A_90 : vector<1x1000x41xf32> to vector<1000x41xf32>
    %get3A_92 = arith.constant 0 : index
    %get3A_93 = arith.constant 0 : index
    %get3A_94 = vector.load %arg5[%get3A_92, %get3A_93] : memref<41x128xf32, #tpu.memory_space<vmem>>, vector<41x128xf32>
    %dot_general3A_95 = arith.constant dense<0.000000e+00> : vector<1000x128xf32>
    %dot_general3A_96 = tpu.matmul %get3A_91, %get3A_94, %dot_general3A_95 {dimension_numbers = #tpu.dot_dimension_numbers<[1], [0], [0], [1], [0, 0, 1, 1], [], []>, transpose_lhs_hint = false} : vector<1000x41xf32>, vector<41x128xf32>, vector<1000x128xf32> -> vector<1000x128xf32>
    %add3A_97 = arith.addf %dot_general3A_86, %dot_general3A_96 : vector<1000x128xf32>
    %add3A_98 = vector.broadcast %get3A_30 : vector<1x128xf32> to vector<1000x128xf32>
    %add3A_99 = arith.addf %add3A_97, %add3A_98 : vector<1000x128xf32>
    %mul3A_100 = vector.broadcast %mul3A_19 : vector<1x128xf32> to vector<1000x128xf32>
    %mul3A_101 = arith.mulf %add3A_99, %mul3A_100 : vector<1000x128xf32>
    %add3A_102 = vector.broadcast %sub3A_24 : vector<1x128xf32> to vector<1000x128xf32>
    %add3A_103 = arith.addf %mul3A_101, %add3A_102 : vector<1000x128xf32>
    %slice3A_104 = vector.extract_strided_slice %add3A_103 {offsets = [0, 0], sizes = [1000, 64], strides = [1, 1]} : vector<1000x128xf32> to vector<1000x64xf32>
    %mul3A_105 = arith.constant 5.000000e-01 : f32
    %mul3A_106 = vector.broadcast %mul3A_105 : f32 to vector<1000x64xf32>
    %mul3A_107 = arith.mulf %mul3A_106, %slice3A_104 : vector<1000x64xf32>
    %tanh3A_108 = math.tanh %mul3A_107 : vector<1000x64xf32>
    %mul3A_109 = arith.constant 5.000000e-01 : f32
    %mul3A_110 = vector.broadcast %mul3A_109 : f32 to vector<1000x64xf32>
    %mul3A_111 = arith.mulf %mul3A_110, %tanh3A_108 : vector<1000x64xf32>
    %add3A_112 = arith.constant 5.000000e-01 : f32
    %add3A_113 = vector.broadcast %add3A_112 : f32 to vector<1000x64xf32>
    %add3A_114 = arith.addf %add3A_113, %mul3A_111 : vector<1000x64xf32>
    %slice3A_115 = vector.extract_strided_slice %add3A_103 {offsets = [0, 64], sizes = [1000, 64], strides = [1, 1]} : vector<1000x128xf32> to vector<1000x64xf32>
    %ge3A_116 = arith.constant 0.000000e+00 : f32
    %ge3A_117 = vector.broadcast %ge3A_116 : f32 to vector<1000x64xf32>
    %ge3A_118 = arith.cmpf oge, %slice3A_115, %ge3A_117 : vector<1000x64xf32>
    %mul3A_119 = arith.constant 0.00999999977 : f32
    %mul3A_120 = vector.broadcast %mul3A_119 : f32 to vector<1000x64xf32>
    %mul3A_121 = arith.mulf %mul3A_120, %slice3A_115 : vector<1000x64xf32>
    %select_n3A_122 = arith.select %ge3A_118, %slice3A_115, %mul3A_121 : vector<1000x64xi1>, vector<1000x64xf32>
    %mul3A_123 = arith.mulf %add3A_114, %select_n3A_122 : vector<1000x64xf32>
    %add3A_124 = arith.addf %add3A_75, %mul3A_123 : vector<1000x64xf32>
    %get3A_125 = arith.constant 2 : index
    %get3A_126 = arith.constant 0 : index
    %get3A_127 = arith.constant 0 : index
    %get3A_128 = vector.load %arg2[%get3A_125, %get3A_126, %get3A_127] : memref<12x1000x64xf32, #tpu.memory_space<vmem>>, vector<1x1000x64xf32>
    %get3A_129 = vector.shape_cast %get3A_128 : vector<1x1000x64xf32> to vector<1000x64xf32>
    %concatenate3A_130 = tpu.concatenate %get3A_27, %get3A_129 in 1 : vector<1000x64xf32>, vector<1000x64xf32> -> vector<1000x128xf32>
    %get3A_131 = arith.constant 0 : index
    %get3A_132 = arith.constant 0 : index
    %get3A_133 = vector.load %arg4[%get3A_131, %get3A_132] : memref<128x128xf32, #tpu.memory_space<vmem>>, vector<128x128xf32>
    %dot_general3A_134 = arith.constant dense<0.000000e+00> : vector<1000x128xf32>
    %dot_general3A_135 = tpu.matmul %concatenate3A_130, %get3A_133, %dot_general3A_134 {dimension_numbers = #tpu.dot_dimension_numbers<[1], [0], [0], [1], [0, 0, 1, 1], [], []>, transpose_lhs_hint = false} : vector<1000x128xf32>, vector<128x128xf32>, vector<1000x128xf32> -> vector<1000x128xf32>
    %get3A_136 = arith.constant 2 : index
    %get3A_137 = arith.constant 0 : index
    %get3A_138 = arith.constant 0 : index
    %get3A_139 = vector.load %arg3[%get3A_136, %get3A_137, %get3A_138] : memref<12x1000x41xf32, #tpu.memory_space<vmem>>, vector<1x1000x41xf32>
    %get3A_140 = vector.shape_cast %get3A_139 : vector<1x1000x41xf32> to vector<1000x41xf32>
    %get3A_141 = arith.constant 0 : index
    %get3A_142 = arith.constant 0 : index
    %get3A_143 = vector.load %arg5[%get3A_141, %get3A_142] : memref<41x128xf32, #tpu.memory_space<vmem>>, vector<41x128xf32>
    %dot_general3A_144 = arith.constant dense<0.000000e+00> : vector<1000x128xf32>
    %dot_general3A_145 = tpu.matmul %get3A_140, %get3A_143, %dot_general3A_144 {dimension_numbers = #tpu.dot_dimension_numbers<[1], [0], [0], [1], [0, 0, 1, 1], [], []>, transpose_lhs_hint = false} : vector<1000x41xf32>, vector<41x128xf32>, vector<1000x128xf32> -> vector<1000x128xf32>
    %add3A_146 = arith.addf %dot_general3A_135, %dot_general3A_145 : vector<1000x128xf32>
    %add3A_147 = vector.broadcast %get3A_30 : vector<1x128xf32> to vector<1000x128xf32>
    %add3A_148 = arith.addf %add3A_146, %add3A_147 : vector<1000x128xf32>
    %mul3A_149 = vector.broadcast %mul3A_19 : vector<1x128xf32> to vector<1000x128xf32>
    %mul3A_150 = arith.mulf %add3A_148, %mul3A_149 : vector<1000x128xf32>
    %add3A_151 = vector.broadcast %sub3A_24 : vector<1x128xf32> to vector<1000x128xf32>
    %add3A_152 = arith.addf %mul3A_150, %add3A_151 : vector<1000x128xf32>
    %slice3A_153 = vector.extract_strided_slice %add3A_152 {offsets = [0, 0], sizes = [1000, 64], strides = [1, 1]} : vector<1000x128xf32> to vector<1000x64xf32>
    %mul3A_154 = arith.constant 5.000000e-01 : f32
    %mul3A_155 = vector.broadcast %mul3A_154 : f32 to vector<1000x64xf32>
    %mul3A_156 = arith.mulf %mul3A_155, %slice3A_153 : vector<1000x64xf32>
    %tanh3A_157 = math.tanh %mul3A_156 : vector<1000x64xf32>
    %mul3A_158 = arith.constant 5.000000e-01 : f32
    %mul3A_159 = vector.broadcast %mul3A_158 : f32 to vector<1000x64xf32>
    %mul3A_160 = arith.mulf %mul3A_159, %tanh3A_157 : vector<1000x64xf32>
    %add3A_161 = arith.constant 5.000000e-01 : f32
    %add3A_162 = vector.broadcast %add3A_161 : f32 to vector<1000x64xf32>
    %add3A_163 = arith.addf %add3A_162, %mul3A_160 : vector<1000x64xf32>
    %slice3A_164 = vector.extract_strided_slice %add3A_152 {offsets = [0, 64], sizes = [1000, 64], strides = [1, 1]} : vector<1000x128xf32> to vector<1000x64xf32>
    %ge3A_165 = arith.constant 0.000000e+00 : f32
    %ge3A_166 = vector.broadcast %ge3A_165 : f32 to vector<1000x64xf32>
    %ge3A_167 = arith.cmpf oge, %slice3A_164, %ge3A_166 : vector<1000x64xf32>
    %mul3A_168 = arith.constant 0.00999999977 : f32
    %mul3A_169 = vector.broadcast %mul3A_168 : f32 to vector<1000x64xf32>
    %mul3A_170 = arith.mulf %mul3A_169, %slice3A_164 : vector<1000x64xf32>
    %select_n3A_171 = arith.select %ge3A_167, %slice3A_164, %mul3A_170 : vector<1000x64xi1>, vector<1000x64xf32>
    %mul3A_172 = arith.mulf %add3A_163, %select_n3A_171 : vector<1000x64xf32>
    %add3A_173 = arith.addf %add3A_124, %mul3A_172 : vector<1000x64xf32>
    %get3A_174 = arith.constant 3 : index
    %get3A_175 = arith.constant 0 : index
    %get3A_176 = arith.constant 0 : index
    %get3A_177 = vector.load %arg2[%get3A_174, %get3A_175, %get3A_176] : memref<12x1000x64xf32, #tpu.memory_space<vmem>>, vector<1x1000x64xf32>
    %get3A_178 = vector.shape_cast %get3A_177 : vector<1x1000x64xf32> to vector<1000x64xf32>
    %concatenate3A_179 = tpu.concatenate %get3A_27, %get3A_178 in 1 : vector<1000x64xf32>, vector<1000x64xf32> -> vector<1000x128xf32>
    %get3A_180 = arith.constant 0 : index
    %get3A_181 = arith.constant 0 : index
    %get3A_182 = vector.load %arg4[%get3A_180, %get3A_181] : memref<128x128xf32, #tpu.memory_space<vmem>>, vector<128x128xf32>
    %dot_general3A_183 = arith.constant dense<0.000000e+00> : vector<1000x128xf32>
    %dot_general3A_184 = tpu.matmul %concatenate3A_179, %get3A_182, %dot_general3A_183 {dimension_numbers = #tpu.dot_dimension_numbers<[1], [0], [0], [1], [0, 0, 1, 1], [], []>, transpose_lhs_hint = false} : vector<1000x128xf32>, vector<128x128xf32>, vector<1000x128xf32> -> vector<1000x128xf32>
    %get3A_185 = arith.constant 3 : index
    %get3A_186 = arith.constant 0 : index
    %get3A_187 = arith.constant 0 : index
    %get3A_188 = vector.load %arg3[%get3A_185, %get3A_186, %get3A_187] : memref<12x1000x41xf32, #tpu.memory_space<vmem>>, vector<1x1000x41xf32>
    %get3A_189 = vector.shape_cast %get3A_188 : vector<1x1000x41xf32> to vector<1000x41xf32>
    %get3A_190 = arith.constant 0 : index
    %get3A_191 = arith.constant 0 : index
    %get3A_192 = vector.load %arg5[%get3A_190, %get3A_191] : memref<41x128xf32, #tpu.memory_space<vmem>>, vector<41x128xf32>
    %dot_general3A_193 = arith.constant dense<0.000000e+00> : vector<1000x128xf32>
    %dot_general3A_194 = tpu.matmul %get3A_189, %get3A_192, %dot_general3A_193 {dimension_numbers = #tpu.dot_dimension_numbers<[1], [0], [0], [1], [0, 0, 1, 1], [], []>, transpose_lhs_hint = false} : vector<1000x41xf32>, vector<41x128xf32>, vector<1000x128xf32> -> vector<1000x128xf32>
    %add3A_195 = arith.addf %dot_general3A_184, %dot_general3A_194 : vector<1000x128xf32>
    %add3A_196 = vector.broadcast %get3A_30 : vector<1x128xf32> to vector<1000x128xf32>
    %add3A_197 = arith.addf %add3A_195, %add3A_196 : vector<1000x128xf32>
    %mul3A_198 = vector.broadcast %mul3A_19 : vector<1x128xf32> to vector<1000x128xf32>
    %mul3A_199 = arith.mulf %add3A_197, %mul3A_198 : vector<1000x128xf32>
    %add3A_200 = vector.broadcast %sub3A_24 : vector<1x128xf32> to vector<1000x128xf32>
    %add3A_201 = arith.addf %mul3A_199, %add3A_200 : vector<1000x128xf32>
    %slice3A_202 = vector.extract_strided_slice %add3A_201 {offsets = [0, 0], sizes = [1000, 64], strides = [1, 1]} : vector<1000x128xf32> to vector<1000x64xf32>
    %mul3A_203 = arith.constant 5.000000e-01 : f32
    %mul3A_204 = vector.broadcast %mul3A_203 : f32 to vector<1000x64xf32>
    %mul3A_205 = arith.mulf %mul3A_204, %slice3A_202 : vector<1000x64xf32>
    %tanh3A_206 = math.tanh %mul3A_205 : vector<1000x64xf32>
    %mul3A_207 = arith.constant 5.000000e-01 : f32
    %mul3A_208 = vector.broadcast %mul3A_207 : f32 to vector<1000x64xf32>
    %mul3A_209 = arith.mulf %mul3A_208, %tanh3A_206 : vector<1000x64xf32>
    %add3A_210 = arith.constant 5.000000e-01 : f32
    %add3A_211 = vector.broadcast %add3A_210 : f32 to vector<1000x64xf32>
    %add3A_212 = arith.addf %add3A_211, %mul3A_209 : vector<1000x64xf32>
    %slice3A_213 = vector.extract_strided_slice %add3A_201 {offsets = [0, 64], sizes = [1000, 64], strides = [1, 1]} : vector<1000x128xf32> to vector<1000x64xf32>
    %ge3A_214 = arith.constant 0.000000e+00 : f32
    %ge3A_215 = vector.broadcast %ge3A_214 : f32 to vector<1000x64xf32>
    %ge3A_216 = arith.cmpf oge, %slice3A_213, %ge3A_215 : vector<1000x64xf32>
    %mul3A_217 = arith.constant 0.00999999977 : f32
    %mul3A_218 = vector.broadcast %mul3A_217 : f32 to vector<1000x64xf32>
    %mul3A_219 = arith.mulf %mul3A_218, %slice3A_213 : vector<1000x64xf32>
    %select_n3A_220 = arith.select %ge3A_216, %slice3A_213, %mul3A_219 : vector<1000x64xi1>, vector<1000x64xf32>
    %mul3A_221 = arith.mulf %add3A_212, %select_n3A_220 : vector<1000x64xf32>
    %add3A_222 = arith.addf %add3A_173, %mul3A_221 : vector<1000x64xf32>
    %get3A_223 = arith.constant 4 : index
    %get3A_224 = arith.constant 0 : index
    %get3A_225 = arith.constant 0 : index
    %get3A_226 = vector.load %arg2[%get3A_223, %get3A_224, %get3A_225] : memref<12x1000x64xf32, #tpu.memory_space<vmem>>, vector<1x1000x64xf32>
    %get3A_227 = vector.shape_cast %get3A_226 : vector<1x1000x64xf32> to vector<1000x64xf32>
    %concatenate3A_228 = tpu.concatenate %get3A_27, %get3A_227 in 1 : vector<1000x64xf32>, vector<1000x64xf32> -> vector<1000x128xf32>
    %get3A_229 = arith.constant 0 : index
    %get3A_230 = arith.constant 0 : index
    %get3A_231 = vector.load %arg4[%get3A_229, %get3A_230] : memref<128x128xf32, #tpu.memory_space<vmem>>, vector<128x128xf32>
    %dot_general3A_232 = arith.constant dense<0.000000e+00> : vector<1000x128xf32>
    %dot_general3A_233 = tpu.matmul %concatenate3A_228, %get3A_231, %dot_general3A_232 {dimension_numbers = #tpu.dot_dimension_numbers<[1], [0], [0], [1], [0, 0, 1, 1], [], []>, transpose_lhs_hint = false} : vector<1000x128xf32>, vector<128x128xf32>, vector<1000x128xf32> -> vector<1000x128xf32>
    %get3A_234 = arith.constant 4 : index
    %get3A_235 = arith.constant 0 : index
    %get3A_236 = arith.constant 0 : index
    %get3A_237 = vector.load %arg3[%get3A_234, %get3A_235, %get3A_236] : memref<12x1000x41xf32, #tpu.memory_space<vmem>>, vector<1x1000x41xf32>
    %get3A_238 = vector.shape_cast %get3A_237 : vector<1x1000x41xf32> to vector<1000x41xf32>
    %get3A_239 = arith.constant 0 : index
    %get3A_240 = arith.constant 0 : index
    %get3A_241 = vector.load %arg5[%get3A_239, %get3A_240] : memref<41x128xf32, #tpu.memory_space<vmem>>, vector<41x128xf32>
    %dot_general3A_242 = arith.constant dense<0.000000e+00> : vector<1000x128xf32>
    %dot_general3A_243 = tpu.matmul %get3A_238, %get3A_241, %dot_general3A_242 {dimension_numbers = #tpu.dot_dimension_numbers<[1], [0], [0], [1], [0, 0, 1, 1], [], []>, transpose_lhs_hint = false} : vector<1000x41xf32>, vector<41x128xf32>, vector<1000x128xf32> -> vector<1000x128xf32>
    %add3A_244 = arith.addf %dot_general3A_233, %dot_general3A_243 : vector<1000x128xf32>
    %add3A_245 = vector.broadcast %get3A_30 : vector<1x128xf32> to vector<1000x128xf32>
    %add3A_246 = arith.addf %add3A_244, %add3A_245 : vector<1000x128xf32>
    %mul3A_247 = vector.broadcast %mul3A_19 : vector<1x128xf32> to vector<1000x128xf32>
    %mul3A_248 = arith.mulf %add3A_246, %mul3A_247 : vector<1000x128xf32>
    %add3A_249 = vector.broadcast %sub3A_24 : vector<1x128xf32> to vector<1000x128xf32>
    %add3A_250 = arith.addf %mul3A_248, %add3A_249 : vector<1000x128xf32>
    %slice3A_251 = vector.extract_strided_slice %add3A_250 {offsets = [0, 0], sizes = [1000, 64], strides = [1, 1]} : vector<1000x128xf32> to vector<1000x64xf32>
    %mul3A_252 = arith.constant 5.000000e-01 : f32
    %mul3A_253 = vector.broadcast %mul3A_252 : f32 to vector<1000x64xf32>
    %mul3A_254 = arith.mulf %mul3A_253, %slice3A_251 : vector<1000x64xf32>
    %tanh3A_255 = math.tanh %mul3A_254 : vector<1000x64xf32>
    %mul3A_256 = arith.constant 5.000000e-01 : f32
    %mul3A_257 = vector.broadcast %mul3A_256 : f32 to vector<1000x64xf32>
    %mul3A_258 = arith.mulf %mul3A_257, %tanh3A_255 : vector<1000x64xf32>
    %add3A_259 = arith.constant 5.000000e-01 : f32
    %add3A_260 = vector.broadcast %add3A_259 : f32 to vector<1000x64xf32>
    %add3A_261 = arith.addf %add3A_260, %mul3A_258 : vector<1000x64xf32>
    %slice3A_262 = vector.extract_strided_slice %add3A_250 {offsets = [0, 64], sizes = [1000, 64], strides = [1, 1]} : vector<1000x128xf32> to vector<1000x64xf32>
    %ge3A_263 = arith.constant 0.000000e+00 : f32
    %ge3A_264 = vector.broadcast %ge3A_263 : f32 to vector<1000x64xf32>
    %ge3A_265 = arith.cmpf oge, %slice3A_262, %ge3A_264 : vector<1000x64xf32>
    %mul3A_266 = arith.constant 0.00999999977 : f32
    %mul3A_267 = vector.broadcast %mul3A_266 : f32 to vector<1000x64xf32>
    %mul3A_268 = arith.mulf %mul3A_267, %slice3A_262 : vector<1000x64xf32>
    %select_n3A_269 = arith.select %ge3A_265, %slice3A_262, %mul3A_268 : vector<1000x64xi1>, vector<1000x64xf32>
    %mul3A_270 = arith.mulf %add3A_261, %select_n3A_269 : vector<1000x64xf32>
    %add3A_271 = arith.addf %add3A_222, %mul3A_270 : vector<1000x64xf32>
    %get3A_272 = arith.constant 5 : index
    %get3A_273 = arith.constant 0 : index
    %get3A_274 = arith.constant 0 : index
    %get3A_275 = vector.load %arg2[%get3A_272, %get3A_273, %get3A_274] : memref<12x1000x64xf32, #tpu.memory_space<vmem>>, vector<1x1000x64xf32>
    %get3A_276 = vector.shape_cast %get3A_275 : vector<1x1000x64xf32> to vector<1000x64xf32>
    %concatenate3A_277 = tpu.concatenate %get3A_27, %get3A_276 in 1 : vector<1000x64xf32>, vector<1000x64xf32> -> vector<1000x128xf32>
    %get3A_278 = arith.constant 0 : index
    %get3A_279 = arith.constant 0 : index
    %get3A_280 = vector.load %arg4[%get3A_278, %get3A_279] : memref<128x128xf32, #tpu.memory_space<vmem>>, vector<128x128xf32>
    %dot_general3A_281 = arith.constant dense<0.000000e+00> : vector<1000x128xf32>
    %dot_general3A_282 = tpu.matmul %concatenate3A_277, %get3A_280, %dot_general3A_281 {dimension_numbers = #tpu.dot_dimension_numbers<[1], [0], [0], [1], [0, 0, 1, 1], [], []>, transpose_lhs_hint = false} : vector<1000x128xf32>, vector<128x128xf32>, vector<1000x128xf32> -> vector<1000x128xf32>
    %get3A_283 = arith.constant 5 : index
    %get3A_284 = arith.constant 0 : index
    %get3A_285 = arith.constant 0 : index
    %get3A_286 = vector.load %arg3[%get3A_283, %get3A_284, %get3A_285] : memref<12x1000x41xf32, #tpu.memory_space<vmem>>, vector<1x1000x41xf32>
    %get3A_287 = vector.shape_cast %get3A_286 : vector<1x1000x41xf32> to vector<1000x41xf32>
    %get3A_288 = arith.constant 0 : index
    %get3A_289 = arith.constant 0 : index
    %get3A_290 = vector.load %arg5[%get3A_288, %get3A_289] : memref<41x128xf32, #tpu.memory_space<vmem>>, vector<41x128xf32>
    %dot_general3A_291 = arith.constant dense<0.000000e+00> : vector<1000x128xf32>
    %dot_general3A_292 = tpu.matmul %get3A_287, %get3A_290, %dot_general3A_291 {dimension_numbers = #tpu.dot_dimension_numbers<[1], [0], [0], [1], [0, 0, 1, 1], [], []>, transpose_lhs_hint = false} : vector<1000x41xf32>, vector<41x128xf32>, vector<1000x128xf32> -> vector<1000x128xf32>
    %add3A_293 = arith.addf %dot_general3A_282, %dot_general3A_292 : vector<1000x128xf32>
    %add3A_294 = vector.broadcast %get3A_30 : vector<1x128xf32> to vector<1000x128xf32>
    %add3A_295 = arith.addf %add3A_293, %add3A_294 : vector<1000x128xf32>
    %mul3A_296 = vector.broadcast %mul3A_19 : vector<1x128xf32> to vector<1000x128xf32>
    %mul3A_297 = arith.mulf %add3A_295, %mul3A_296 : vector<1000x128xf32>
    %add3A_298 = vector.broadcast %sub3A_24 : vector<1x128xf32> to vector<1000x128xf32>
    %add3A_299 = arith.addf %mul3A_297, %add3A_298 : vector<1000x128xf32>
    %slice3A_300 = vector.extract_strided_slice %add3A_299 {offsets = [0, 0], sizes = [1000, 64], strides = [1, 1]} : vector<1000x128xf32> to vector<1000x64xf32>
    %mul3A_301 = arith.constant 5.000000e-01 : f32
    %mul3A_302 = vector.broadcast %mul3A_301 : f32 to vector<1000x64xf32>
    %mul3A_303 = arith.mulf %mul3A_302, %slice3A_300 : vector<1000x64xf32>
    %tanh3A_304 = math.tanh %mul3A_303 : vector<1000x64xf32>
    %mul3A_305 = arith.constant 5.000000e-01 : f32
    %mul3A_306 = vector.broadcast %mul3A_305 : f32 to vector<1000x64xf32>
    %mul3A_307 = arith.mulf %mul3A_306, %tanh3A_304 : vector<1000x64xf32>
    %add3A_308 = arith.constant 5.000000e-01 : f32
    %add3A_309 = vector.broadcast %add3A_308 : f32 to vector<1000x64xf32>
    %add3A_310 = arith.addf %add3A_309, %mul3A_307 : vector<1000x64xf32>
    %slice3A_311 = vector.extract_strided_slice %add3A_299 {offsets = [0, 64], sizes = [1000, 64], strides = [1, 1]} : vector<1000x128xf32> to vector<1000x64xf32>
    %ge3A_312 = arith.constant 0.000000e+00 : f32
    %ge3A_313 = vector.broadcast %ge3A_312 : f32 to vector<1000x64xf32>
    %ge3A_314 = arith.cmpf oge, %slice3A_311, %ge3A_313 : vector<1000x64xf32>
    %mul3A_315 = arith.constant 0.00999999977 : f32
    %mul3A_316 = vector.broadcast %mul3A_315 : f32 to vector<1000x64xf32>
    %mul3A_317 = arith.mulf %mul3A_316, %slice3A_311 : vector<1000x64xf32>
    %select_n3A_318 = arith.select %ge3A_314, %slice3A_311, %mul3A_317 : vector<1000x64xi1>, vector<1000x64xf32>
    %mul3A_319 = arith.mulf %add3A_310, %select_n3A_318 : vector<1000x64xf32>
    %add3A_320 = arith.addf %add3A_271, %mul3A_319 : vector<1000x64xf32>
    %get3A_321 = arith.constant 6 : index
    %get3A_322 = arith.constant 0 : index
    %get3A_323 = arith.constant 0 : index
    %get3A_324 = vector.load %arg2[%get3A_321, %get3A_322, %get3A_323] : memref<12x1000x64xf32, #tpu.memory_space<vmem>>, vector<1x1000x64xf32>
    %get3A_325 = vector.shape_cast %get3A_324 : vector<1x1000x64xf32> to vector<1000x64xf32>
    %concatenate3A_326 = tpu.concatenate %get3A_27, %get3A_325 in 1 : vector<1000x64xf32>, vector<1000x64xf32> -> vector<1000x128xf32>
    %get3A_327 = arith.constant 0 : index
    %get3A_328 = arith.constant 0 : index
    %get3A_329 = vector.load %arg4[%get3A_327, %get3A_328] : memref<128x128xf32, #tpu.memory_space<vmem>>, vector<128x128xf32>
    %dot_general3A_330 = arith.constant dense<0.000000e+00> : vector<1000x128xf32>
    %dot_general3A_331 = tpu.matmul %concatenate3A_326, %get3A_329, %dot_general3A_330 {dimension_numbers = #tpu.dot_dimension_numbers<[1], [0], [0], [1], [0, 0, 1, 1], [], []>, transpose_lhs_hint = false} : vector<1000x128xf32>, vector<128x128xf32>, vector<1000x128xf32> -> vector<1000x128xf32>
    %get3A_332 = arith.constant 6 : index
    %get3A_333 = arith.constant 0 : index
    %get3A_334 = arith.constant 0 : index
    %get3A_335 = vector.load %arg3[%get3A_332, %get3A_333, %get3A_334] : memref<12x1000x41xf32, #tpu.memory_space<vmem>>, vector<1x1000x41xf32>
    %get3A_336 = vector.shape_cast %get3A_335 : vector<1x1000x41xf32> to vector<1000x41xf32>
    %get3A_337 = arith.constant 0 : index
    %get3A_338 = arith.constant 0 : index
    %get3A_339 = vector.load %arg5[%get3A_337, %get3A_338] : memref<41x128xf32, #tpu.memory_space<vmem>>, vector<41x128xf32>
    %dot_general3A_340 = arith.constant dense<0.000000e+00> : vector<1000x128xf32>
    %dot_general3A_341 = tpu.matmul %get3A_336, %get3A_339, %dot_general3A_340 {dimension_numbers = #tpu.dot_dimension_numbers<[1], [0], [0], [1], [0, 0, 1, 1], [], []>, transpose_lhs_hint = false} : vector<1000x41xf32>, vector<41x128xf32>, vector<1000x128xf32> -> vector<1000x128xf32>
    %add3A_342 = arith.addf %dot_general3A_331, %dot_general3A_341 : vector<1000x128xf32>
    %add3A_343 = vector.broadcast %get3A_30 : vector<1x128xf32> to vector<1000x128xf32>
    %add3A_344 = arith.addf %add3A_342, %add3A_343 : vector<1000x128xf32>
    %mul3A_345 = vector.broadcast %mul3A_19 : vector<1x128xf32> to vector<1000x128xf32>
    %mul3A_346 = arith.mulf %add3A_344, %mul3A_345 : vector<1000x128xf32>
    %add3A_347 = vector.broadcast %sub3A_24 : vector<1x128xf32> to vector<1000x128xf32>
    %add3A_348 = arith.addf %mul3A_346, %add3A_347 : vector<1000x128xf32>
    %slice3A_349 = vector.extract_strided_slice %add3A_348 {offsets = [0, 0], sizes = [1000, 64], strides = [1, 1]} : vector<1000x128xf32> to vector<1000x64xf32>
    %mul3A_350 = arith.constant 5.000000e-01 : f32
    %mul3A_351 = vector.broadcast %mul3A_350 : f32 to vector<1000x64xf32>
    %mul3A_352 = arith.mulf %mul3A_351, %slice3A_349 : vector<1000x64xf32>
    %tanh3A_353 = math.tanh %mul3A_352 : vector<1000x64xf32>
    %mul3A_354 = arith.constant 5.000000e-01 : f32
    %mul3A_355 = vector.broadcast %mul3A_354 : f32 to vector<1000x64xf32>
    %mul3A_356 = arith.mulf %mul3A_355, %tanh3A_353 : vector<1000x64xf32>
    %add3A_357 = arith.constant 5.000000e-01 : f32
    %add3A_358 = vector.broadcast %add3A_357 : f32 to vector<1000x64xf32>
    %add3A_359 = arith.addf %add3A_358, %mul3A_356 : vector<1000x64xf32>
    %slice3A_360 = vector.extract_strided_slice %add3A_348 {offsets = [0, 64], sizes = [1000, 64], strides = [1, 1]} : vector<1000x128xf32> to vector<1000x64xf32>
    %ge3A_361 = arith.constant 0.000000e+00 : f32
    %ge3A_362 = vector.broadcast %ge3A_361 : f32 to vector<1000x64xf32>
    %ge3A_363 = arith.cmpf oge, %slice3A_360, %ge3A_362 : vector<1000x64xf32>
    %mul3A_364 = arith.constant 0.00999999977 : f32
    %mul3A_365 = vector.broadcast %mul3A_364 : f32 to vector<1000x64xf32>
    %mul3A_366 = arith.mulf %mul3A_365, %slice3A_360 : vector<1000x64xf32>
    %select_n3A_367 = arith.select %ge3A_363, %slice3A_360, %mul3A_366 : vector<1000x64xi1>, vector<1000x64xf32>
    %mul3A_368 = arith.mulf %add3A_359, %select_n3A_367 : vector<1000x64xf32>
    %add3A_369 = arith.addf %add3A_320, %mul3A_368 : vector<1000x64xf32>
    %get3A_370 = arith.constant 7 : index
    %get3A_371 = arith.constant 0 : index
    %get3A_372 = arith.constant 0 : index
    %get3A_373 = vector.load %arg2[%get3A_370, %get3A_371, %get3A_372] : memref<12x1000x64xf32, #tpu.memory_space<vmem>>, vector<1x1000x64xf32>
    %get3A_374 = vector.shape_cast %get3A_373 : vector<1x1000x64xf32> to vector<1000x64xf32>
    %concatenate3A_375 = tpu.concatenate %get3A_27, %get3A_374 in 1 : vector<1000x64xf32>, vector<1000x64xf32> -> vector<1000x128xf32>
    %get3A_376 = arith.constant 0 : index
    %get3A_377 = arith.constant 0 : index
    %get3A_378 = vector.load %arg4[%get3A_376, %get3A_377] : memref<128x128xf32, #tpu.memory_space<vmem>>, vector<128x128xf32>
    %dot_general3A_379 = arith.constant dense<0.000000e+00> : vector<1000x128xf32>
    %dot_general3A_380 = tpu.matmul %concatenate3A_375, %get3A_378, %dot_general3A_379 {dimension_numbers = #tpu.dot_dimension_numbers<[1], [0], [0], [1], [0, 0, 1, 1], [], []>, transpose_lhs_hint = false} : vector<1000x128xf32>, vector<128x128xf32>, vector<1000x128xf32> -> vector<1000x128xf32>
    %get3A_381 = arith.constant 7 : index
    %get3A_382 = arith.constant 0 : index
    %get3A_383 = arith.constant 0 : index
    %get3A_384 = vector.load %arg3[%get3A_381, %get3A_382, %get3A_383] : memref<12x1000x41xf32, #tpu.memory_space<vmem>>, vector<1x1000x41xf32>
    %get3A_385 = vector.shape_cast %get3A_384 : vector<1x1000x41xf32> to vector<1000x41xf32>
    %get3A_386 = arith.constant 0 : index
    %get3A_387 = arith.constant 0 : index
    %get3A_388 = vector.load %arg5[%get3A_386, %get3A_387] : memref<41x128xf32, #tpu.memory_space<vmem>>, vector<41x128xf32>
    %dot_general3A_389 = arith.constant dense<0.000000e+00> : vector<1000x128xf32>
    %dot_general3A_390 = tpu.matmul %get3A_385, %get3A_388, %dot_general3A_389 {dimension_numbers = #tpu.dot_dimension_numbers<[1], [0], [0], [1], [0, 0, 1, 1], [], []>, transpose_lhs_hint = false} : vector<1000x41xf32>, vector<41x128xf32>, vector<1000x128xf32> -> vector<1000x128xf32>
    %add3A_391 = arith.addf %dot_general3A_380, %dot_general3A_390 : vector<1000x128xf32>
    %add3A_392 = vector.broadcast %get3A_30 : vector<1x128xf32> to vector<1000x128xf32>
    %add3A_393 = arith.addf %add3A_391, %add3A_392 : vector<1000x128xf32>
    %mul3A_394 = vector.broadcast %mul3A_19 : vector<1x128xf32> to vector<1000x128xf32>
    %mul3A_395 = arith.mulf %add3A_393, %mul3A_394 : vector<1000x128xf32>
    %add3A_396 = vector.broadcast %sub3A_24 : vector<1x128xf32> to vector<1000x128xf32>
    %add3A_397 = arith.addf %mul3A_395, %add3A_396 : vector<1000x128xf32>
    %slice3A_398 = vector.extract_strided_slice %add3A_397 {offsets = [0, 0], sizes = [1000, 64], strides = [1, 1]} : vector<1000x128xf32> to vector<1000x64xf32>
    %mul3A_399 = arith.constant 5.000000e-01 : f32
    %mul3A_400 = vector.broadcast %mul3A_399 : f32 to vector<1000x64xf32>
    %mul3A_401 = arith.mulf %mul3A_400, %slice3A_398 : vector<1000x64xf32>
    %tanh3A_402 = math.tanh %mul3A_401 : vector<1000x64xf32>
    %mul3A_403 = arith.constant 5.000000e-01 : f32
    %mul3A_404 = vector.broadcast %mul3A_403 : f32 to vector<1000x64xf32>
    %mul3A_405 = arith.mulf %mul3A_404, %tanh3A_402 : vector<1000x64xf32>
    %add3A_406 = arith.constant 5.000000e-01 : f32
    %add3A_407 = vector.broadcast %add3A_406 : f32 to vector<1000x64xf32>
    %add3A_408 = arith.addf %add3A_407, %mul3A_405 : vector<1000x64xf32>
    %slice3A_409 = vector.extract_strided_slice %add3A_397 {offsets = [0, 64], sizes = [1000, 64], strides = [1, 1]} : vector<1000x128xf32> to vector<1000x64xf32>
    %ge3A_410 = arith.constant 0.000000e+00 : f32
    %ge3A_411 = vector.broadcast %ge3A_410 : f32 to vector<1000x64xf32>
    %ge3A_412 = arith.cmpf oge, %slice3A_409, %ge3A_411 : vector<1000x64xf32>
    %mul3A_413 = arith.constant 0.00999999977 : f32
    %mul3A_414 = vector.broadcast %mul3A_413 : f32 to vector<1000x64xf32>
    %mul3A_415 = arith.mulf %mul3A_414, %slice3A_409 : vector<1000x64xf32>
    %select_n3A_416 = arith.select %ge3A_412, %slice3A_409, %mul3A_415 : vector<1000x64xi1>, vector<1000x64xf32>
    %mul3A_417 = arith.mulf %add3A_408, %select_n3A_416 : vector<1000x64xf32>
    %add3A_418 = arith.addf %add3A_369, %mul3A_417 : vector<1000x64xf32>
    %get3A_419 = arith.constant 8 : index
    %get3A_420 = arith.constant 0 : index
    %get3A_421 = arith.constant 0 : index
    %get3A_422 = vector.load %arg2[%get3A_419, %get3A_420, %get3A_421] : memref<12x1000x64xf32, #tpu.memory_space<vmem>>, vector<1x1000x64xf32>
    %get3A_423 = vector.shape_cast %get3A_422 : vector<1x1000x64xf32> to vector<1000x64xf32>
    %concatenate3A_424 = tpu.concatenate %get3A_27, %get3A_423 in 1 : vector<1000x64xf32>, vector<1000x64xf32> -> vector<1000x128xf32>
    %get3A_425 = arith.constant 0 : index
    %get3A_426 = arith.constant 0 : index
    %get3A_427 = vector.load %arg4[%get3A_425, %get3A_426] : memref<128x128xf32, #tpu.memory_space<vmem>>, vector<128x128xf32>
    %dot_general3A_428 = arith.constant dense<0.000000e+00> : vector<1000x128xf32>
    %dot_general3A_429 = tpu.matmul %concatenate3A_424, %get3A_427, %dot_general3A_428 {dimension_numbers = #tpu.dot_dimension_numbers<[1], [0], [0], [1], [0, 0, 1, 1], [], []>, transpose_lhs_hint = false} : vector<1000x128xf32>, vector<128x128xf32>, vector<1000x128xf32> -> vector<1000x128xf32>
    %get3A_430 = arith.constant 8 : index
    %get3A_431 = arith.constant 0 : index
    %get3A_432 = arith.constant 0 : index
    %get3A_433 = vector.load %arg3[%get3A_430, %get3A_431, %get3A_432] : memref<12x1000x41xf32, #tpu.memory_space<vmem>>, vector<1x1000x41xf32>
    %get3A_434 = vector.shape_cast %get3A_433 : vector<1x1000x41xf32> to vector<1000x41xf32>
    %get3A_435 = arith.constant 0 : index
    %get3A_436 = arith.constant 0 : index
    %get3A_437 = vector.load %arg5[%get3A_435, %get3A_436] : memref<41x128xf32, #tpu.memory_space<vmem>>, vector<41x128xf32>
    %dot_general3A_438 = arith.constant dense<0.000000e+00> : vector<1000x128xf32>
    %dot_general3A_439 = tpu.matmul %get3A_434, %get3A_437, %dot_general3A_438 {dimension_numbers = #tpu.dot_dimension_numbers<[1], [0], [0], [1], [0, 0, 1, 1], [], []>, transpose_lhs_hint = false} : vector<1000x41xf32>, vector<41x128xf32>, vector<1000x128xf32> -> vector<1000x128xf32>
    %add3A_440 = arith.addf %dot_general3A_429, %dot_general3A_439 : vector<1000x128xf32>
    %add3A_441 = vector.broadcast %get3A_30 : vector<1x128xf32> to vector<1000x128xf32>
    %add3A_442 = arith.addf %add3A_440, %add3A_441 : vector<1000x128xf32>
    %mul3A_443 = vector.broadcast %mul3A_19 : vector<1x128xf32> to vector<1000x128xf32>
    %mul3A_444 = arith.mulf %add3A_442, %mul3A_443 : vector<1000x128xf32>
    %add3A_445 = vector.broadcast %sub3A_24 : vector<1x128xf32> to vector<1000x128xf32>
    %add3A_446 = arith.addf %mul3A_444, %add3A_445 : vector<1000x128xf32>
    %slice3A_447 = vector.extract_strided_slice %add3A_446 {offsets = [0, 0], sizes = [1000, 64], strides = [1, 1]} : vector<1000x128xf32> to vector<1000x64xf32>
    %mul3A_448 = arith.constant 5.000000e-01 : f32
    %mul3A_449 = vector.broadcast %mul3A_448 : f32 to vector<1000x64xf32>
    %mul3A_450 = arith.mulf %mul3A_449, %slice3A_447 : vector<1000x64xf32>
    %tanh3A_451 = math.tanh %mul3A_450 : vector<1000x64xf32>
    %mul3A_452 = arith.constant 5.000000e-01 : f32
    %mul3A_453 = vector.broadcast %mul3A_452 : f32 to vector<1000x64xf32>
    %mul3A_454 = arith.mulf %mul3A_453, %tanh3A_451 : vector<1000x64xf32>
    %add3A_455 = arith.constant 5.000000e-01 : f32
    %add3A_456 = vector.broadcast %add3A_455 : f32 to vector<1000x64xf32>
    %add3A_457 = arith.addf %add3A_456, %mul3A_454 : vector<1000x64xf32>
    %slice3A_458 = vector.extract_strided_slice %add3A_446 {offsets = [0, 64], sizes = [1000, 64], strides = [1, 1]} : vector<1000x128xf32> to vector<1000x64xf32>
    %ge3A_459 = arith.constant 0.000000e+00 : f32
    %ge3A_460 = vector.broadcast %ge3A_459 : f32 to vector<1000x64xf32>
    %ge3A_461 = arith.cmpf oge, %slice3A_458, %ge3A_460 : vector<1000x64xf32>
    %mul3A_462 = arith.constant 0.00999999977 : f32
    %mul3A_463 = vector.broadcast %mul3A_462 : f32 to vector<1000x64xf32>
    %mul3A_464 = arith.mulf %mul3A_463, %slice3A_458 : vector<1000x64xf32>
    %select_n3A_465 = arith.select %ge3A_461, %slice3A_458, %mul3A_464 : vector<1000x64xi1>, vector<1000x64xf32>
    %mul3A_466 = arith.mulf %add3A_457, %select_n3A_465 : vector<1000x64xf32>
    %add3A_467 = arith.addf %add3A_418, %mul3A_466 : vector<1000x64xf32>
    %get3A_468 = arith.constant 9 : index
    %get3A_469 = arith.constant 0 : index
    %get3A_470 = arith.constant 0 : index
    %get3A_471 = vector.load %arg2[%get3A_468, %get3A_469, %get3A_470] : memref<12x1000x64xf32, #tpu.memory_space<vmem>>, vector<1x1000x64xf32>
    %get3A_472 = vector.shape_cast %get3A_471 : vector<1x1000x64xf32> to vector<1000x64xf32>
    %concatenate3A_473 = tpu.concatenate %get3A_27, %get3A_472 in 1 : vector<1000x64xf32>, vector<1000x64xf32> -> vector<1000x128xf32>
    %get3A_474 = arith.constant 0 : index
    %get3A_475 = arith.constant 0 : index
    %get3A_476 = vector.load %arg4[%get3A_474, %get3A_475] : memref<128x128xf32, #tpu.memory_space<vmem>>, vector<128x128xf32>
    %dot_general3A_477 = arith.constant dense<0.000000e+00> : vector<1000x128xf32>
    %dot_general3A_478 = tpu.matmul %concatenate3A_473, %get3A_476, %dot_general3A_477 {dimension_numbers = #tpu.dot_dimension_numbers<[1], [0], [0], [1], [0, 0, 1, 1], [], []>, transpose_lhs_hint = false} : vector<1000x128xf32>, vector<128x128xf32>, vector<1000x128xf32> -> vector<1000x128xf32>
    %get3A_479 = arith.constant 9 : index
    %get3A_480 = arith.constant 0 : index
    %get3A_481 = arith.constant 0 : index
    %get3A_482 = vector.load %arg3[%get3A_479, %get3A_480, %get3A_481] : memref<12x1000x41xf32, #tpu.memory_space<vmem>>, vector<1x1000x41xf32>
    %get3A_483 = vector.shape_cast %get3A_482 : vector<1x1000x41xf32> to vector<1000x41xf32>
    %get3A_484 = arith.constant 0 : index
    %get3A_485 = arith.constant 0 : index
    %get3A_486 = vector.load %arg5[%get3A_484, %get3A_485] : memref<41x128xf32, #tpu.memory_space<vmem>>, vector<41x128xf32>
    %dot_general3A_487 = arith.constant dense<0.000000e+00> : vector<1000x128xf32>
    %dot_general3A_488 = tpu.matmul %get3A_483, %get3A_486, %dot_general3A_487 {dimension_numbers = #tpu.dot_dimension_numbers<[1], [0], [0], [1], [0, 0, 1, 1], [], []>, transpose_lhs_hint = false} : vector<1000x41xf32>, vector<41x128xf32>, vector<1000x128xf32> -> vector<1000x128xf32>
    %add3A_489 = arith.addf %dot_general3A_478, %dot_general3A_488 : vector<1000x128xf32>
    %add3A_490 = vector.broadcast %get3A_30 : vector<1x128xf32> to vector<1000x128xf32>
    %add3A_491 = arith.addf %add3A_489, %add3A_490 : vector<1000x128xf32>
    %mul3A_492 = vector.broadcast %mul3A_19 : vector<1x128xf32> to vector<1000x128xf32>
    %mul3A_493 = arith.mulf %add3A_491, %mul3A_492 : vector<1000x128xf32>
    %add3A_494 = vector.broadcast %sub3A_24 : vector<1x128xf32> to vector<1000x128xf32>
    %add3A_495 = arith.addf %mul3A_493, %add3A_494 : vector<1000x128xf32>
    %slice3A_496 = vector.extract_strided_slice %add3A_495 {offsets = [0, 0], sizes = [1000, 64], strides = [1, 1]} : vector<1000x128xf32> to vector<1000x64xf32>
    %mul3A_497 = arith.constant 5.000000e-01 : f32
    %mul3A_498 = vector.broadcast %mul3A_497 : f32 to vector<1000x64xf32>
    %mul3A_499 = arith.mulf %mul3A_498, %slice3A_496 : vector<1000x64xf32>
    %tanh3A_500 = math.tanh %mul3A_499 : vector<1000x64xf32>
    %mul3A_501 = arith.constant 5.000000e-01 : f32
    %mul3A_502 = vector.broadcast %mul3A_501 : f32 to vector<1000x64xf32>
    %mul3A_503 = arith.mulf %mul3A_502, %tanh3A_500 : vector<1000x64xf32>
    %add3A_504 = arith.constant 5.000000e-01 : f32
    %add3A_505 = vector.broadcast %add3A_504 : f32 to vector<1000x64xf32>
    %add3A_506 = arith.addf %add3A_505, %mul3A_503 : vector<1000x64xf32>
    %slice3A_507 = vector.extract_strided_slice %add3A_495 {offsets = [0, 64], sizes = [1000, 64], strides = [1, 1]} : vector<1000x128xf32> to vector<1000x64xf32>
    %ge3A_508 = arith.constant 0.000000e+00 : f32
    %ge3A_509 = vector.broadcast %ge3A_508 : f32 to vector<1000x64xf32>
    %ge3A_510 = arith.cmpf oge, %slice3A_507, %ge3A_509 : vector<1000x64xf32>
    %mul3A_511 = arith.constant 0.00999999977 : f32
    %mul3A_512 = vector.broadcast %mul3A_511 : f32 to vector<1000x64xf32>
    %mul3A_513 = arith.mulf %mul3A_512, %slice3A_507 : vector<1000x64xf32>
    %select_n3A_514 = arith.select %ge3A_510, %slice3A_507, %mul3A_513 : vector<1000x64xi1>, vector<1000x64xf32>
    %mul3A_515 = arith.mulf %add3A_506, %select_n3A_514 : vector<1000x64xf32>
    %add3A_516 = arith.addf %add3A_467, %mul3A_515 : vector<1000x64xf32>
    %get3A_517 = arith.constant 10 : index
    %get3A_518 = arith.constant 0 : index
    %get3A_519 = arith.constant 0 : index
    %get3A_520 = vector.load %arg2[%get3A_517, %get3A_518, %get3A_519] : memref<12x1000x64xf32, #tpu.memory_space<vmem>>, vector<1x1000x64xf32>
    %get3A_521 = vector.shape_cast %get3A_520 : vector<1x1000x64xf32> to vector<1000x64xf32>
    %concatenate3A_522 = tpu.concatenate %get3A_27, %get3A_521 in 1 : vector<1000x64xf32>, vector<1000x64xf32> -> vector<1000x128xf32>
    %get3A_523 = arith.constant 0 : index
    %get3A_524 = arith.constant 0 : index
    %get3A_525 = vector.load %arg4[%get3A_523, %get3A_524] : memref<128x128xf32, #tpu.memory_space<vmem>>, vector<128x128xf32>
    %dot_general3A_526 = arith.constant dense<0.000000e+00> : vector<1000x128xf32>
    %dot_general3A_527 = tpu.matmul %concatenate3A_522, %get3A_525, %dot_general3A_526 {dimension_numbers = #tpu.dot_dimension_numbers<[1], [0], [0], [1], [0, 0, 1, 1], [], []>, transpose_lhs_hint = false} : vector<1000x128xf32>, vector<128x128xf32>, vector<1000x128xf32> -> vector<1000x128xf32>
    %get3A_528 = arith.constant 10 : index
    %get3A_529 = arith.constant 0 : index
    %get3A_530 = arith.constant 0 : index
    %get3A_531 = vector.load %arg3[%get3A_528, %get3A_529, %get3A_530] : memref<12x1000x41xf32, #tpu.memory_space<vmem>>, vector<1x1000x41xf32>
    %get3A_532 = vector.shape_cast %get3A_531 : vector<1x1000x41xf32> to vector<1000x41xf32>
    %get3A_533 = arith.constant 0 : index
    %get3A_534 = arith.constant 0 : index
    %get3A_535 = vector.load %arg5[%get3A_533, %get3A_534] : memref<41x128xf32, #tpu.memory_space<vmem>>, vector<41x128xf32>
    %dot_general3A_536 = arith.constant dense<0.000000e+00> : vector<1000x128xf32>
    %dot_general3A_537 = tpu.matmul %get3A_532, %get3A_535, %dot_general3A_536 {dimension_numbers = #tpu.dot_dimension_numbers<[1], [0], [0], [1], [0, 0, 1, 1], [], []>, transpose_lhs_hint = false} : vector<1000x41xf32>, vector<41x128xf32>, vector<1000x128xf32> -> vector<1000x128xf32>
    %add3A_538 = arith.addf %dot_general3A_527, %dot_general3A_537 : vector<1000x128xf32>
    %add3A_539 = vector.broadcast %get3A_30 : vector<1x128xf32> to vector<1000x128xf32>
    %add3A_540 = arith.addf %add3A_538, %add3A_539 : vector<1000x128xf32>
    %mul3A_541 = vector.broadcast %mul3A_19 : vector<1x128xf32> to vector<1000x128xf32>
    %mul3A_542 = arith.mulf %add3A_540, %mul3A_541 : vector<1000x128xf32>
    %add3A_543 = vector.broadcast %sub3A_24 : vector<1x128xf32> to vector<1000x128xf32>
    %add3A_544 = arith.addf %mul3A_542, %add3A_543 : vector<1000x128xf32>
    %slice3A_545 = vector.extract_strided_slice %add3A_544 {offsets = [0, 0], sizes = [1000, 64], strides = [1, 1]} : vector<1000x128xf32> to vector<1000x64xf32>
    %mul3A_546 = arith.constant 5.000000e-01 : f32
    %mul3A_547 = vector.broadcast %mul3A_546 : f32 to vector<1000x64xf32>
    %mul3A_548 = arith.mulf %mul3A_547, %slice3A_545 : vector<1000x64xf32>
    %tanh3A_549 = math.tanh %mul3A_548 : vector<1000x64xf32>
    %mul3A_550 = arith.constant 5.000000e-01 : f32
    %mul3A_551 = vector.broadcast %mul3A_550 : f32 to vector<1000x64xf32>
    %mul3A_552 = arith.mulf %mul3A_551, %tanh3A_549 : vector<1000x64xf32>
    %add3A_553 = arith.constant 5.000000e-01 : f32
    %add3A_554 = vector.broadcast %add3A_553 : f32 to vector<1000x64xf32>
    %add3A_555 = arith.addf %add3A_554, %mul3A_552 : vector<1000x64xf32>
    %slice3A_556 = vector.extract_strided_slice %add3A_544 {offsets = [0, 64], sizes = [1000, 64], strides = [1, 1]} : vector<1000x128xf32> to vector<1000x64xf32>
    %ge3A_557 = arith.constant 0.000000e+00 : f32
    %ge3A_558 = vector.broadcast %ge3A_557 : f32 to vector<1000x64xf32>
    %ge3A_559 = arith.cmpf oge, %slice3A_556, %ge3A_558 : vector<1000x64xf32>
    %mul3A_560 = arith.constant 0.00999999977 : f32
    %mul3A_561 = vector.broadcast %mul3A_560 : f32 to vector<1000x64xf32>
    %mul3A_562 = arith.mulf %mul3A_561, %slice3A_556 : vector<1000x64xf32>
    %select_n3A_563 = arith.select %ge3A_559, %slice3A_556, %mul3A_562 : vector<1000x64xi1>, vector<1000x64xf32>
    %mul3A_564 = arith.mulf %add3A_555, %select_n3A_563 : vector<1000x64xf32>
    %add3A_565 = arith.addf %add3A_516, %mul3A_564 : vector<1000x64xf32>
    %get3A_566 = arith.constant 11 : index
    %get3A_567 = arith.constant 0 : index
    %get3A_568 = arith.constant 0 : index
    %get3A_569 = vector.load %arg2[%get3A_566, %get3A_567, %get3A_568] : memref<12x1000x64xf32, #tpu.memory_space<vmem>>, vector<1x1000x64xf32>
    %get3A_570 = vector.shape_cast %get3A_569 : vector<1x1000x64xf32> to vector<1000x64xf32>
    %concatenate3A_571 = tpu.concatenate %get3A_27, %get3A_570 in 1 : vector<1000x64xf32>, vector<1000x64xf32> -> vector<1000x128xf32>
    %get3A_572 = arith.constant 0 : index
    %get3A_573 = arith.constant 0 : index
    %get3A_574 = vector.load %arg4[%get3A_572, %get3A_573] : memref<128x128xf32, #tpu.memory_space<vmem>>, vector<128x128xf32>
    %dot_general3A_575 = arith.constant dense<0.000000e+00> : vector<1000x128xf32>
    %dot_general3A_576 = tpu.matmul %concatenate3A_571, %get3A_574, %dot_general3A_575 {dimension_numbers = #tpu.dot_dimension_numbers<[1], [0], [0], [1], [0, 0, 1, 1], [], []>, transpose_lhs_hint = false} : vector<1000x128xf32>, vector<128x128xf32>, vector<1000x128xf32> -> vector<1000x128xf32>
    %get3A_577 = arith.constant 11 : index
    %get3A_578 = arith.constant 0 : index
    %get3A_579 = arith.constant 0 : index
    %get3A_580 = vector.load %arg3[%get3A_577, %get3A_578, %get3A_579] : memref<12x1000x41xf32, #tpu.memory_space<vmem>>, vector<1x1000x41xf32>
    %get3A_581 = vector.shape_cast %get3A_580 : vector<1x1000x41xf32> to vector<1000x41xf32>
    %get3A_582 = arith.constant 0 : index
    %get3A_583 = arith.constant 0 : index
    %get3A_584 = vector.load %arg5[%get3A_582, %get3A_583] : memref<41x128xf32, #tpu.memory_space<vmem>>, vector<41x128xf32>
    %dot_general3A_585 = arith.constant dense<0.000000e+00> : vector<1000x128xf32>
    %dot_general3A_586 = tpu.matmul %get3A_581, %get3A_584, %dot_general3A_585 {dimension_numbers = #tpu.dot_dimension_numbers<[1], [0], [0], [1], [0, 0, 1, 1], [], []>, transpose_lhs_hint = false} : vector<1000x41xf32>, vector<41x128xf32>, vector<1000x128xf32> -> vector<1000x128xf32>
    %add3A_587 = arith.addf %dot_general3A_576, %dot_general3A_586 : vector<1000x128xf32>
    %add3A_588 = vector.broadcast %get3A_30 : vector<1x128xf32> to vector<1000x128xf32>
    %add3A_589 = arith.addf %add3A_587, %add3A_588 : vector<1000x128xf32>
    %mul3A_590 = vector.broadcast %mul3A_19 : vector<1x128xf32> to vector<1000x128xf32>
    %mul3A_591 = arith.mulf %add3A_589, %mul3A_590 : vector<1000x128xf32>
    %add3A_592 = vector.broadcast %sub3A_24 : vector<1x128xf32> to vector<1000x128xf32>
    %add3A_593 = arith.addf %mul3A_591, %add3A_592 : vector<1000x128xf32>
    %slice3A_594 = vector.extract_strided_slice %add3A_593 {offsets = [0, 0], sizes = [1000, 64], strides = [1, 1]} : vector<1000x128xf32> to vector<1000x64xf32>
    %mul3A_595 = arith.constant 5.000000e-01 : f32
    %mul3A_596 = vector.broadcast %mul3A_595 : f32 to vector<1000x64xf32>
    %mul3A_597 = arith.mulf %mul3A_596, %slice3A_594 : vector<1000x64xf32>
    %tanh3A_598 = math.tanh %mul3A_597 : vector<1000x64xf32>
    %mul3A_599 = arith.constant 5.000000e-01 : f32
    %mul3A_600 = vector.broadcast %mul3A_599 : f32 to vector<1000x64xf32>
    %mul3A_601 = arith.mulf %mul3A_600, %tanh3A_598 : vector<1000x64xf32>
    %add3A_602 = arith.constant 5.000000e-01 : f32
    %add3A_603 = vector.broadcast %add3A_602 : f32 to vector<1000x64xf32>
    %add3A_604 = arith.addf %add3A_603, %mul3A_601 : vector<1000x64xf32>
    %slice3A_605 = vector.extract_strided_slice %add3A_593 {offsets = [0, 64], sizes = [1000, 64], strides = [1, 1]} : vector<1000x128xf32> to vector<1000x64xf32>
    %ge3A_606 = arith.constant 0.000000e+00 : f32
    %ge3A_607 = vector.broadcast %ge3A_606 : f32 to vector<1000x64xf32>
    %ge3A_608 = arith.cmpf oge, %slice3A_605, %ge3A_607 : vector<1000x64xf32>
    %mul3A_609 = arith.constant 0.00999999977 : f32
    %mul3A_610 = vector.broadcast %mul3A_609 : f32 to vector<1000x64xf32>
    %mul3A_611 = arith.mulf %mul3A_610, %slice3A_605 : vector<1000x64xf32>
    %select_n3A_612 = arith.select %ge3A_608, %slice3A_605, %mul3A_611 : vector<1000x64xi1>, vector<1000x64xf32>
    %mul3A_613 = arith.mulf %add3A_604, %select_n3A_612 : vector<1000x64xf32>
    %add3A_614 = arith.addf %add3A_565, %mul3A_613 : vector<1000x64xf32>
    %swap3A = arith.constant 0 : index
    %swap3A_615 = arith.constant 0 : index
    %swap3A_616 = vector.load %arg11[%swap3A, %swap3A_615] : memref<1000x64xf32, #tpu.memory_space<vmem>>, vector<1000x64xf32>
    tpu.vector_store %arg11[%swap3A, %swap3A_615], %add3A_614 {strides = array<i32>} : memref<1000x64xf32, #tpu.memory_space<vmem>>, vector<1000x64xf32>,
    %reshape3A = vector.shape_cast %add3A_614 : vector<1000x64xf32> to vector<125x8x64xf32>
    %eq3A = arith.constant 0 : i32
    %eq3A_617 = arith.cmpi eq, %arg0, %eq3A : i32
    %convert_element_type3A = arith.extui %eq3A_617 : i1 to i32
    %cond3A = arith.constant 0 : i32
    %cond3A_618 = arith.cmpi ne, %convert_element_type3A, %cond3A : i32
    scf.if %cond3A_618 {
      %broadcast_in_dim3A_638 = arith.constant 0.000000e+00 : f32
      %broadcast_in_dim3A_639 = vector.broadcast %broadcast_in_dim3A_638 : f32 to vector<8x64xf32>
      %swap3A_640 = arith.constant 0 : index
      %swap3A_641 = arith.constant 0 : index
      %swap3A_642 = vector.load %arg12[%swap3A_640, %swap3A_641] : memref<8x64xf32, #tpu.memory_space<vmem>>, vector<8x64xf32>
      tpu.vector_store %arg12[%swap3A_640, %swap3A_641], %broadcast_in_dim3A_639 {strides = array<i32>} : memref<8x64xf32, #tpu.memory_space<vmem>>, vector<8x64xf32>,
      %broadcast_in_dim3A_643 = arith.constant 0.000000e+00 : f32
      %broadcast_in_dim3A_644 = vector.broadcast %broadcast_in_dim3A_643 : f32 to vector<8x64xf32>
      %swap3A_645 = arith.constant 0 : index
      %swap3A_646 = arith.constant 0 : index
      %swap3A_647 = vector.load %arg13[%swap3A_645, %swap3A_646] : memref<8x64xf32, #tpu.memory_space<vmem>>, vector<8x64xf32>
      tpu.vector_store %arg13[%swap3A_645, %swap3A_646], %broadcast_in_dim3A_644 {strides = array<i32>} : memref<8x64xf32, #tpu.memory_space<vmem>>, vector<8x64xf32>,
    } else {
    }
    %get3A_619 = arith.constant 0 : index
    %get3A_620 = arith.constant 0 : index
    %get3A_621 = vector.load %arg12[%get3A_619, %get3A_620] : memref<8x64xf32, #tpu.memory_space<vmem>>, vector<8x64xf32>
    %reduce_sum3A_622 = arith.constant dense<0.000000e+00> : vector<8x64xf32>
    %reduce_sum3A_623 = vector.multi_reduction <add>, %reshape3A, %reduce_sum3A_622 [0] : vector<125x8x64xf32> to vector<8x64xf32>
    %add3A_624 = arith.addf %get3A_621, %reduce_sum3A_623 : vector<8x64xf32>
    %swap3A_625 = arith.constant 0 : index
    %swap3A_626 = arith.constant 0 : index
    %swap3A_627 = vector.load %arg12[%swap3A_625, %swap3A_626] : memref<8x64xf32, #tpu.memory_space<vmem>>, vector<8x64xf32>
    tpu.vector_store %arg12[%swap3A_625, %swap3A_626], %add3A_624 {strides = array<i32>} : memref<8x64xf32, #tpu.memory_space<vmem>>, vector<8x64xf32>,
    %get3A_628 = arith.constant 0 : index
    %get3A_629 = arith.constant 0 : index
    %get3A_630 = vector.load %arg13[%get3A_628, %get3A_629] : memref<8x64xf32, #tpu.memory_space<vmem>>, vector<8x64xf32>
    %mul3A_631 = arith.mulf %reshape3A, %reshape3A : vector<125x8x64xf32>
    %reduce_sum3A_632 = arith.constant dense<0.000000e+00> : vector<8x64xf32>
    %reduce_sum3A_633 = vector.multi_reduction <add>, %mul3A_631, %reduce_sum3A_632 [0] : vector<125x8x64xf32> to vector<8x64xf32>
    %add3A_634 = arith.addf %get3A_630, %reduce_sum3A_633 : vector<8x64xf32>
    %swap3A_635 = arith.constant 0 : index
    %swap3A_636 = arith.constant 0 : index
    %swap3A_637 = vector.load %arg13[%swap3A_635, %swap3A_636] : memref<8x64xf32, #tpu.memory_space<vmem>>, vector<8x64xf32>
    tpu.vector_store %arg13[%swap3A_635, %swap3A_636], %add3A_634 {strides = array<i32>} : memref<8x64xf32, #tpu.memory_space<vmem>>, vector<8x64xf32>,
    return
  }
  func.func @transform_0(%arg0: i32) -> (i32, i32) {
    %c0_i32 = arith.constant 0 : i32
    %c0_i32_0 = arith.constant 0 : i32
    return %arg0, %c0_i32 : i32, i32
  }
  func.func @transform_1(%arg0: i32) -> (i32, i32, i32) {
    %c0_i32 = arith.constant 0 : i32
    %c0_i32_0 = arith.constant 0 : i32
    %c0_i32_1 = arith.constant 0 : i32
    return %c0_i32, %arg0, %c0_i32_0 : i32, i32, i32
  }
  func.func @transform_2(%arg0: i32) -> (i32, i32, i32) {
    %c0_i32 = arith.constant 0 : i32
    %c0_i32_0 = arith.constant 0 : i32
    %c0_i32_1 = arith.constant 0 : i32
    return %c0_i32, %arg0, %c0_i32_0 : i32, i32, i32
  }
  func.func @transform_3(%arg0: i32) -> (i32, i32) {
    %c0_i32 = arith.constant 0 : i32
    %c0_i32_0 = arith.constant 0 : i32
    %c0_i32_1 = arith.constant 0 : i32
    return %c0_i32, %c0_i32_0 : i32, i32
  }
  func.func @transform_4(%arg0: i32) -> (i32, i32) {
    %c0_i32 = arith.constant 0 : i32
    %c0_i32_0 = arith.constant 0 : i32
    %c0_i32_1 = arith.constant 0 : i32
    return %c0_i32, %c0_i32_0 : i32, i32
  }
  func.func @transform_5(%arg0: i32) -> (i32, i32) {
    %c0_i32 = arith.constant 0 : i32
    %c0_i32_0 = arith.constant 0 : i32
    %c0_i32_1 = arith.constant 0 : i32
    return %c0_i32, %c0_i32_0 : i32, i32
  }
  func.func @transform_6(%arg0: i32) -> (i32, i32) {
    %c0_i32 = arith.constant 0 : i32
    %c0_i32_0 = arith.constant 0 : i32
    %c0_i32_1 = arith.constant 0 : i32
    return %c0_i32, %c0_i32_0 : i32, i32
  }
  func.func @transform_7(%arg0: i32) -> (i32, i32) {
    %c0_i32 = arith.constant 0 : i32
    %c0_i32_0 = arith.constant 0 : i32
    %c0_i32_1 = arith.constant 0 : i32
    return %c0_i32, %c0_i32_0 : i32, i32
  }
  func.func @transform_8(%arg0: i32) -> (i32, i32) {
    %c0_i32 = arith.constant 0 : i32
    %c0_i32_0 = arith.constant 0 : i32
    %c0_i32_1 = arith.constant 0 : i32
    return %c0_i32, %c0_i32_0 : i32, i32
  }
  func.func @transform_9(%arg0: i32) -> (i32, i32) {
    %c0_i32 = arith.constant 0 : i32
    %c0_i32_0 = arith.constant 0 : i32
    %c0_i32_1 = arith.constant 0 : i32
    return %c0_i32, %c0_i32_0 : i32, i32
  }
  func.func @transform_10(%arg0: i32) -> (i32, i32) {
    %c0_i32 = arith.constant 0 : i32
    %c0_i32_0 = arith.constant 0 : i32
    return %arg0, %c0_i32 : i32, i32
  }
  func.func @transform_11(%arg0: i32) -> (i32, i32) {
    %c0_i32 = arith.constant 0 : i32
    %c0_i32_0 = arith.constant 0 : i32
    %c0_i32_1 = arith.constant 0 : i32
    return %c0_i32, %c0_i32_0 : i32, i32
  }
  func.func @transform_12(%arg0: i32) -> (i32, i32) {
    %c0_i32 = arith.constant 0 : i32
    %c0_i32_0 = arith.constant 0 : i32
    %c0_i32_1 = arith.constant 0 : i32
    return %c0_i32, %c0_i32_0 : i32, i32
  }
}

module attributes {stable_mosaic.version = 14 : i64} {
  func.func @kern(%arg0: i32, %arg1: memref<2000x64xf32, #tpu.memory_space<vmem>>, %arg2: memref<2000x64xf32, #tpu.memory_space<vmem>>, %arg3: memref<8x64xf32, #tpu.memory_space<vmem>>, %arg4: memref<8x64xf32, #tpu.memory_space<vmem>>, %arg5: memref<1x64xf32, #tpu.memory_space<vmem>>, %arg6: memref<1x64xf32, #tpu.memory_space<vmem>>, %arg7: memref<2000x64xf32, #tpu.memory_space<vmem>>) attributes {dimension_semantics = [#tpu.dimension_semantics<arbitrary>], iteration_bounds = array<i64: 25>, scalar_prefetch = 0 : i64, scratch_operands = 0 : i64, tpu.core_type = #tpu.core_type<tc>, window_params = [{transform_indices = @transform_0, window_bounds = array<i64: 2000, 64>}, {transform_indices = @transform_1, window_bounds = array<i64: 2000, 64>}, {pipeline_mode = #tpu.pipeline_mode<synchronous>, transform_indices = @transform_2, window_bounds = array<i64: 8, 64>}, {pipeline_mode = #tpu.pipeline_mode<synchronous>, transform_indices = @transform_3, window_bounds = array<i64: 8, 64>}, {pipeline_mode = #tpu.pipeline_mode<synchronous>, transform_indices = @transform_4, window_bounds = array<i64: 1, 64>}, {pipeline_mode = #tpu.pipeline_mode<synchronous>, transform_indices = @transform_5, window_bounds = array<i64: 1, 64>}, {transform_indices = @transform_6, window_bounds = array<i64: 2000, 64>}]} {
    %get3A = arith.constant 0 : index
    %get3A_0 = arith.constant 0 : index
    %get3A_1 = vector.load %arg3[%get3A, %get3A_0] : memref<8x64xf32, #tpu.memory_space<vmem>>, vector<8x64xf32>
    %reduce_sum3A = arith.constant dense<0.000000e+00> : vector<64xf32>
    %reduce_sum3A_2 = vector.multi_reduction <add>, %get3A_1, %reduce_sum3A [0] : vector<8x64xf32> to vector<64xf32>
    %broadcast_in_dim3A = vector.shape_cast %reduce_sum3A_2 : vector<64xf32> to vector<1x64xf32>
    %div3A = arith.constant 5.000000e+04 : f32
    %div3A_3 = vector.broadcast %div3A : f32 to vector<1x64xf32>
    %div3A_4 = arith.divf %broadcast_in_dim3A, %div3A_3 : vector<1x64xf32>
    %get3A_5 = arith.constant 0 : index
    %get3A_6 = arith.constant 0 : index
    %get3A_7 = vector.load %arg4[%get3A_5, %get3A_6] : memref<8x64xf32, #tpu.memory_space<vmem>>, vector<8x64xf32>
    %reduce_sum3A_8 = arith.constant dense<0.000000e+00> : vector<64xf32>
    %reduce_sum3A_9 = vector.multi_reduction <add>, %get3A_7, %reduce_sum3A_8 [0] : vector<8x64xf32> to vector<64xf32>
    %broadcast_in_dim3A_10 = vector.shape_cast %reduce_sum3A_9 : vector<64xf32> to vector<1x64xf32>
    %div3A_11 = arith.constant 5.000000e+04 : f32
    %div3A_12 = vector.broadcast %div3A_11 : f32 to vector<1x64xf32>
    %div3A_13 = arith.divf %broadcast_in_dim3A_10, %div3A_12 : vector<1x64xf32>
    %mul3A = arith.mulf %div3A_4, %div3A_4 : vector<1x64xf32>
    %sub3A = arith.subf %div3A_13, %mul3A : vector<1x64xf32>
    %get3A_14 = arith.constant 0 : index
    %get3A_15 = arith.constant 0 : index
    %get3A_16 = vector.load %arg5[%get3A_14, %get3A_15] : memref<1x64xf32, #tpu.memory_space<vmem>>, vector<1x64xf32>
    %add3A = arith.constant 9.99999974E-6 : f32
    %add3A_17 = vector.broadcast %add3A : f32 to vector<1x64xf32>
    %add3A_18 = arith.addf %sub3A, %add3A_17 : vector<1x64xf32>
    %rsqrt3A = math.rsqrt %add3A_18 : vector<1x64xf32>
    %mul3A_19 = arith.mulf %get3A_16, %rsqrt3A : vector<1x64xf32>
    %get3A_20 = arith.constant 0 : index
    %get3A_21 = arith.constant 0 : index
    %get3A_22 = vector.load %arg6[%get3A_20, %get3A_21] : memref<1x64xf32, #tpu.memory_space<vmem>>, vector<1x64xf32>
    %mul3A_23 = arith.mulf %div3A_4, %mul3A_19 : vector<1x64xf32>
    %sub3A_24 = arith.subf %get3A_22, %mul3A_23 : vector<1x64xf32>
    %get3A_25 = arith.constant 0 : index
    %get3A_26 = arith.constant 0 : index
    %get3A_27 = vector.load %arg1[%get3A_25, %get3A_26] : memref<2000x64xf32, #tpu.memory_space<vmem>>, vector<2000x64xf32>
    %get3A_28 = arith.constant 0 : index
    %get3A_29 = arith.constant 0 : index
    %get3A_30 = vector.load %arg2[%get3A_28, %get3A_29] : memref<2000x64xf32, #tpu.memory_space<vmem>>, vector<2000x64xf32>
    %mul3A_31 = vector.broadcast %mul3A_19 : vector<1x64xf32> to vector<2000x64xf32>
    %mul3A_32 = arith.mulf %get3A_30, %mul3A_31 : vector<2000x64xf32>
    %add3A_33 = arith.addf %get3A_27, %mul3A_32 : vector<2000x64xf32>
    %add3A_34 = vector.broadcast %sub3A_24 : vector<1x64xf32> to vector<2000x64xf32>
    %add3A_35 = arith.addf %add3A_33, %add3A_34 : vector<2000x64xf32>
    %ge3A = arith.constant 0.000000e+00 : f32
    %ge3A_36 = vector.broadcast %ge3A : f32 to vector<2000x64xf32>
    %ge3A_37 = arith.cmpf oge, %add3A_35, %ge3A_36 : vector<2000x64xf32>
    %mul3A_38 = arith.constant 0.00999999977 : f32
    %mul3A_39 = vector.broadcast %mul3A_38 : f32 to vector<2000x64xf32>
    %mul3A_40 = arith.mulf %mul3A_39, %add3A_35 : vector<2000x64xf32>
    %select_n3A = arith.select %ge3A_37, %add3A_35, %mul3A_40 : vector<2000x64xi1>, vector<2000x64xf32>
    %swap3A = arith.constant 0 : index
    %swap3A_41 = arith.constant 0 : index
    %swap3A_42 = vector.load %arg7[%swap3A, %swap3A_41] : memref<2000x64xf32, #tpu.memory_space<vmem>>, vector<2000x64xf32>
    tpu.vector_store %arg7[%swap3A, %swap3A_41], %select_n3A {strides = array<i32>} : memref<2000x64xf32, #tpu.memory_space<vmem>>, vector<2000x64xf32>,
    return
  }
  func.func @transform_0(%arg0: i32) -> (i32, i32) {
    %c0_i32 = arith.constant 0 : i32
    %c0_i32_0 = arith.constant 0 : i32
    return %arg0, %c0_i32 : i32, i32
  }
  func.func @transform_1(%arg0: i32) -> (i32, i32) {
    %c0_i32 = arith.constant 0 : i32
    %c0_i32_0 = arith.constant 0 : i32
    return %arg0, %c0_i32 : i32, i32
  }
  func.func @transform_2(%arg0: i32) -> (i32, i32) {
    %c0_i32 = arith.constant 0 : i32
    %c0_i32_0 = arith.constant 0 : i32
    %c0_i32_1 = arith.constant 0 : i32
    return %c0_i32, %c0_i32_0 : i32, i32
  }
  func.func @transform_3(%arg0: i32) -> (i32, i32) {
    %c0_i32 = arith.constant 0 : i32
    %c0_i32_0 = arith.constant 0 : i32
    %c0_i32_1 = arith.constant 0 : i32
    return %c0_i32, %c0_i32_0 : i32, i32
  }
  func.func @transform_4(%arg0: i32) -> (i32, i32) {
    %c0_i32 = arith.constant 0 : i32
    %c0_i32_0 = arith.constant 0 : i32
    %c0_i32_1 = arith.constant 0 : i32
    return %c0_i32, %c0_i32_0 : i32, i32
  }
  func.func @transform_5(%arg0: i32) -> (i32, i32) {
    %c0_i32 = arith.constant 0 : i32
    %c0_i32_0 = arith.constant 0 : i32
    %c0_i32_1 = arith.constant 0 : i32
    return %c0_i32, %c0_i32_0 : i32, i32
  }
  func.func @transform_6(%arg0: i32) -> (i32, i32) {
    %c0_i32 = arith.constant 0 : i32
    %c0_i32_0 = arith.constant 0 : i32
    return %arg0, %c0_i32 : i32, i32
  }
}

</mosaic_0001>

<sc_bundles>
// kernel: kernel.15.cloned.1.call-start
scs
__scs_entry_jumppad:
0x0: {  	(pc) =	sbr.rel $0x88, $3  }
0x1: {  	(tag) =	ssettag $0x0;
	lr =	simm.s32 $0x1  }
0x2: {  	[smem:$0x3F8A] =	sst lr;
	_ =	strace $0xD0000000  }
0x3: {  	_ = 	snop  }
0x4: {  	_ = 	snop  }
0x5: {  	_ = 	snop  }
0x6: {  	_ = 	snop  }
0x7: {  	_ = 	snop  }
__scs_overlays_trampoline_lowered:
0x8: {  	[smem:$0x3F99] =	sst s0  }
0x9: {  	[smem:$0x3F9A] =	sst s1  }
0xa: {  	[smem:$0x3F9B] =	sst s2  }
0xb: {  	[smem:$0x3F9C] =	sst s3  }
0xc: {  	[smem:$0x3F9D] =	sst s4  }
0xd: {  	[smem:$0x3F9E] =	sst s5  }
0xe: {  	[smem:$0x3F9F] =	sst s6  }
0xf: {  	[smem:$0x3FA0] =	sst s7  }
0x10: {  	[smem:$0x3FA1] =	sst s8  }
0x11: {  	[smem:$0x3FA2] =	sst s9;
	s0 =	simm.s32 @!p0 $0x0  }
0x12: {  	s1 =	sld [smem:$0x3F88];
	s0 =	simm.s32 @p0 $0x1  }
0x13: {  	[smem:$0x3FA3] =	sst s0;
	s0 =	simm.s32 @!p1 $0x0  }
0x14: {  	s2 =	sld [smem:$0x3F87];
	s0 =	simm.s32 @p1 $0x1  }
0x15: {  	[smem:$0x3FA4] =	sst s0;
	s0 =	simm.s32 @!p2 $0x0  }
0x16: {  	s3 =	sld [smem:$0x3FDB];
	s0 =	simm.s32 @p2 $0x1  }
0x17: {  	s4 =	simm.s32 $0x1BF5;
	[smem:$0x3FA6] =	sst s0  }
0x18: {  	s0 =	sld [smem:$0x3F89];
	_ =	swait.ge [sflag:s4], $0x0  }
0x19: {  	s7 =	sld [smem:$0x3F8A]  }
0x1a: {  	s8 =	sadd.s32 $0xFFFFE003, lr  }
0x1b: {  	s9 =	sadd.s32 $0xFFFFFEF7, lr;
	s5 =	simm.s32 $0xFFFFFFFF;
	p2 =	slt.u32 s8, $0xFFFFF086  }
0x1c: {  	p1 =	slt.u32 s9, $0xF7A;
	s5 =	simm.s32 @!p2 $0x0  }
0x1d: {  	s5 =	simm.s32 @p1 $0x1;
	p0 =	seq.s32 s7, s2  }
0x1e: {  	s7 =	smul.u32 @!p0 $0xF7A, s2;
	p2 =	seq.s32 @!p0 s5, $0x0  }
0x1f: {  	s9 =	smul.u32 $0xF7A, s1;
	s8 =	simm.s32 @!p0 $0x1BF5;
	p2 =	por !p2, p0  }
0x20: {  	[sflag:s8] =	ssyncset.s32 @!p0 $0xFFFFF086;
	s6 =	sadd.s32 @!p0 s3, s7;
	s7 =	simm.s32 @!p0 $0x108  }
0x21: {  	s3 =	sadd.s32 s3, s9;
	s6 =	sadd.s32 @!p0 $0x88, s6;
	s7 =	simm.s32 @p2 $0x1082  }
0x22: {  	[simem:s7], [sflag:s8] =	dma.local @!p0 [hbm:s6], $0xF7A  }
0x23: {  	s9 =	sor.u32 $0xD0000000, s2;
	s6 =	simm.s32 $0x108;
	_ =	swait.ge @!p0 [sflag:s8], $0x0  }
0x24: {  	s3 =	sadd.s32 $0x88, s3;
	s6 =	simm.s32 @!p1 $0x1082;
	[sflag:s4] =	ssyncset.s32 $0xFFFFF086  }
0x25: {  	[simem:s6], [sflag:s4] =	dma.local [hbm:s3], $0xF7A  }
0x26: {  	[smem:$0x3F8A] =	sst s1;
	(tag) =	ssettag s2;
	_ =	strace s9  }
0x27: {  	s1 =	sld [smem:$0x3F9A]  }
0x28: {  	s2 =	sld [smem:$0x3F9B]  }
0x29: {  	s4 =	sld [smem:$0x3F9D]  }
0x2a: {  	p0 =	seq.s32 s5, $0x0;
	s5 =	sld [smem:$0x3F9E]  }
0x2b: {  	s6 =	sld [smem:$0x3F9F]  }
0x2c: {  	s7 =	sld [smem:$0x3FA0]  }
0x2d: {  	s3 =	simm.s32 $0x108;
	s8 =	sld [smem:$0x3FA1]  }
0x2e: {  	s3 =	simm.s32 @!p0 $0x1082;
	s9 =	sld [smem:$0x3FA2]  }
0x2f: {  	lr =	sadd.s32 s0, s3;
	s0 =	sld [smem:$0x3F99]  }
0x30: {  	s3 =	sld [smem:$0x3F9C]  }
0x31: {  	[smem:$0x3FA5] =	sst s10  }
0x32: {  	s10 =	sld [smem:$0x3FA3];
	_ =	sdelay $0x3  }
0x33: {  	p0 =	seq.s32 s10, $0x1;
	s10 =	sld [smem:$0x3FA5];
	_ =	sdelay $0x3  }
0x34: {  	[smem:$0x3FA5] =	sst s10  }
0x35: {  	s10 =	sld [smem:$0x3FA4];
	_ =	sdelay $0x3  }
0x36: {  	p1 =	seq.s32 s10, $0x1;
	s10 =	sld [smem:$0x3FA5];
	_ =	sdelay $0x3  }
0x37: {  	[smem:$0x3FA5] =	sst s10  }
0x38: {  	s10 =	sld [smem:$0x3FA6]  }
0x39: {  	_ = 	snop;
	(pc) =	sbr.ind lr, $3  }
0x3a: {  	_ = 	snop  }
0x3b: {  	_ = 	snop  }
0x3c: {  	p2 =	seq.s32 s10, $0x1;
	s10 =	sld [smem:$0x3FA5]  }
0x3d: {  	_ =	shalt  }
0x3e: {  	_ =	shalt  }
0x3f: {  	_ =	shalt  }
0x40: {  	_ =	shalt  }
0x41: {  	_ =	shalt  }
0x42: {  	_ =	shalt  }
0x43: {  	_ =	shalt  }
0x44: {  	_ =	shalt  }
0x45: {  	_ =	shalt  }
0x46: {  	_ =	shalt  }
0x47: {  	_ =	shalt  }
0x48: {  	_ =	shalt  }
0x49: {  	_ =	shalt  }
0x4a: {  	_ =	shalt  }
0x4b: {  	_ =	shalt  }
0x4c: {  	_ =	shalt  }
0x4d: {  	_ =	shalt  }
0x4e: {  	_ =	shalt  }
0x4f: {  	_ =	shalt  }
0x50: {  	_ =	shalt  }
0x51: {  	_ =	shalt  }
0x52: {  	_ =	shalt  }
0x53: {  	_ =	shalt  }
0x54: {  	_ =	shalt  }
0x55: {  	_ =	shalt  }
0x56: {  	_ =	shalt  }
0x57: {  	_ =	shalt  }
0x58: {  	_ =	shalt  }
0x59: {  	_ =	shalt  }
0x5a: {  	_ =	shalt  }
0x5b: {  	_ =	shalt  }
0x5c: {  	_ =	shalt  }
0x5d: {  	_ =	shalt  }
0x5e: {  	_ =	shalt  }
0x5f: {  	_ =	shalt  }
0x60: {  	_ =	shalt  }
0x61: {  	_ =	shalt  }
0x62: {  	_ =	shalt  }
0x63: {  	_ =	shalt  }
0x64: {  	_ =	shalt  }
0x65: {  	_ =	shalt  }
0x66: {  	_ =	shalt  }
0x67: {  	_ =	shalt  }
0x68: {  	_ =	shalt  }
0x69: {  	_ =	shalt  }
0x6a: {  	_ =	shalt  }
0x6b: {  	_ =	shalt  }
0x6c: {  	_ =	shalt  }
0x6d: {  	_ =	shalt  }
0x6e: {  	_ =	shalt  }
0x6f: {  	_ =	shalt  }
0x70: {  	_ =	shalt  }
0x71: {  	_ =	shalt  }
0x72: {  	_ =	shalt  }
0x73: {  	_ =	shalt  }
0x74: {  	_ =	shalt  }
0x75: {  	_ =	shalt  }
0x76: {  	_ =	shalt  }
0x77: {  	_ =	shalt  }
0x78: {  	_ =	shalt  }
0x79: {  	_ =	shalt  }
0x7a: {  	_ =	shalt  }
0x7b: {  	_ =	shalt  }
0x7c: {  	_ =	shalt  }
0x7d: {  	_ =	shalt  }
0x7e: {  	_ =	shalt  }
0x7f: {  	_ =	shalt  }
0x80: {  	_ =	shalt  }
0x81: {  	_ =	shalt  }
0x82: {  	_ =	shalt  }
0x83: {  	_ =	shalt  }
0x84: {  	_ =	shalt  }
0x85: {  	_ =	shalt  }
0x86: {  	_ =	shalt  }
0x87: {  	_ =	shalt  }
.Lfunc_end0:
.L_simem_size_0:
called_computation_lowered:
.L_overlay_start_0:
0x88: {  	s2 =	sld [smem:$0x3FD9]  }
0x89: {  	s3 =	sld [smem:$0x3FFE];
	_ =	sdelay $0x1  }
0x8a: {  	s1 =	srdreg.scid  }
0x8b: {  	s0 =	sand.u32 $0x1, s1  }
0x8c: {  	s17 =	sshll.u32 s0, $0xA;
	s2 =	sadd.s32 s3, s2  }
0x8d: {  	s2 =	sadd.s32 s2, s17  }
0x8e: {  	[smem:$0x3FB1] =	sst s2  }
0x8f: {  	_ = 	snop  }
0x90: {  	s2 =	sld [smem:$0x3FD0];
	(tm) =	ssettm $0x1  }
0x91: {  	s18 =	sld [smem:$0x3FFB];
	_ =	sdelay $0x3  }
0x92: {  	_ =	strace s18  }
0x93: {  	s3 =	sld [smem:$0x3FFC];
	_ =	sdelay $0x3  }
0x94: {  	_ =	strace s3  }
0x95: {  	s3 =	sld [smem:$0x3FFD];
	_ =	sdelay $0x3  }
0x96: {  	_ =	strace s3  }
0x97: {  	_ =	strace $0x8FFFFFFF  }
0x98: {  	s19 =	sld [smem:$0x3FDB];
	_ =	sdelay $0x1  }
0x99: {  	s4 =	simm.s32 $_scs_section_size  }
0x9a: {  	s5 =	simm.s32 $_size__tile_overlayer_lowered;
	s6 =	simm.s32 $_tile_overlayer_lowered  }
0x9b: {  	s22 =	simm.s32 $0x1BFF;
	s21 =	sshll.u32 s6, $0x1;
	s3 =	sadd.s32 s4, s19  }
0x9c: {  	s7 =	simm.s32 $0x0;
	s20 =	sshll.u32 s5, $0x1;
	s5 =	sadd.s32 s21, s3  }
0x9d: {  	[timem:s7], [sflag:s22] =	dma.local [hbm:s5], s20  }
0x9e: {  	_ =	swait.ge [sflag:s22], s20  }
0x9f: {  	s4 =	ssub.s32 $0x0, s20;
	[sflag:s22] =	ssyncset.done $0x0  }
0xa0: {  	[sflag:s22] =	ssyncadd.s32 s4;
	_ =	sdelay $0x1  }
0xa1: {  	s23 =	simm.s32 $0x1B8B  }
0xa2: {  	_ =	swait.ge [sflag:s23], $0x1  }
0xa3: {  	[sflag:s23] =	ssyncset.done $0x0  }
0xa4: {  	s25 =	simm.s32 $0x1B8E;
	s24 =	sld [smem:$0x3FFE];
	[sflag:s23] =	ssyncadd.s32 $0xFFFFFFFF  }
0xa5: {  	s26 =	simm.s32 $execute0_lowered;
	[smem:$0x3FD2] =	sst s25  }
0xa6: {  	s5 =	sshll.u32 s26, $0x1;
	_ =	strace $0x80000046;
	[dreg:$0x1] =	wrdreg $0xFFFFFFFF  }
0xa7: {  	s28 =	simm.s32 $_size_execute0_lowered;
	s3 =	sadd.s32 s3, s5;
	[dreg:$0x0] =	wrdreg $0x0  }
0xa8: {  	s5 =	sshll.u32 s28, $0x1;
	[dreg:$0x2] =	wrdreg s3  }
0xa9: {  	[dreg:$0x3] =	wrdreg s5  }
0xaa: {  	[dreg:$0x4] =	wrdreg $0xC0  }
0xab: {  	_ =	task [dreg:s7], $0x5FFFF  }
0xac: {  	[dreg:$0x1] =	wrdreg $0xFFFFFFFF  }
0xad: {  	[dreg:$0x0] =	wrdreg $0x60  }
0xae: {  	[dreg:$0x2] =	wrdreg s2  }
0xaf: {  	[dreg:$0x3] =	wrdreg s24  }
0xb0: {  	[dreg:$0x4] =	wrdreg $0x9  }
0xb1: {  	_ =	task.clear_ibuf [dreg:s7], $0x5FFFF;
	_ =	strace $0x90000046  }
0xb2: {  	s29 =	simm.s32 $0x9;
	_ =	strace $0x8000004F  }
0xb3: {  	_ =	swait.ge [sflag:s29], $0x1  }
0xb4: {  	[sflag:s29] =	ssyncadd.s32 $0xFFFFFFFF  }
0xb5: {  	_ =	strace $0x9000004F  }
0xb6: {  	_ =	sfence  }
0xb7: {  	s30 =	sld [smem:$0x0];
	_ =	sdelay $0x2  }
0xb8: {  	s31 =	sshll.u32 s1, $0xD;
	s1 =	sshrl.u32 s1, $0x2  }
0xb9: {  	s3 =	sand.u32 $0x4000, s31;
	s1 =	sadd.s32 s1, s30  }
0xba: {  	s0 =	sor.u32 s3, s0;
	s1 =	sshll.u32 s1, $0x11  }
0xbb: {  	s0 =	sor.u32 s1, s0  }
0xbc: {  	s0 =	sadd.s32 $0x8F2B, s0  }
0xbd: {  	[sflag:s0] =	ssyncadd.remote.s32 $0x1  }
0xbe: {  	_ =	sfence.sel $0xFFFF  }
0xbf: {  	[dreg:$0x0] =	wrdreg $0xFFFFFFFF;
	(pc) =	sbr.abs _section_cstart, $3  }
0xc0: {  	[dreg:$0x1] =	wrdreg $0xFFFFFFFF  }
0xc1: {  	_ =	task.clear_ibuf [dreg:s7], $0x2FFFF;
	_ =	strace $0x9FFFFFFF  }
0xc2: {  	(tm) =	ssettm $0x7FFFFFFF  }
0xc3: {  	_ =	shalt  }
tec
execute0_lowered:
.L_overlay_start_1:
0x0: {  	(tag) =	ssettag $0x1  }
0x1: {  	s0 =	srdreg.scid;
	s1 =	rddreg [dreg:$0x0]  }
0x2: {  	s29 =	stileid.u32;
	s6 =	rddreg [dreg:$0x1];
	s5 =	sand.u32 $0x1, s0  }
0x3: {  	s10 =	simm.s32 $0x1E0;
	s11 =	simm.s32 $0x5;
	s2 =	sshll.u32 s5, $0x4  }
0x4: {  	s12 =	simm.s32 $0x0;
	[dreg:$0x3] =	wrdreg s1;
	s3 =	sor.u32 s29, s2  }
0x5: {  	s30 =	ssub.s32 $0x2, s5;
	s5 =	simm.s32 $0x28;
	s4 =	smul.u32 $0x27, s3  }
0x6: {  	s2 =	simm.s32 $0x0;
	s31 =	sshrl.u32 s30, $0x1;
	s7 =	smul.u32 $0x28, s3  }
0x7: {  	[smem:$0x7FF] =	sst s2;
	p0 =	slt.u32 s3, $0x2;
	s3 =	sadd.s32 $0x2, s4  }
0x8: {  	s9 =	ssub.s32 s30, s31;
	s5 =	simm.s32 @!p0 $0x27;
	s3 =	smov.u32 @p0 s7  }
0x9: {  	s4 =	sadd.s32 $0x4600, s6;
	s6 =	sadd.s32 $0x18B200, s6;
	s8 =	smul.u32 $0x3C, s3  }
0xa: {  	_ =	strace $0x80000047;
	[dreg:$0x4] =	wrdreg s6;
	s7 =	sadd.s32 $0xFFFFFFFF, s5  }
0xb: {  	s6 =	sadd.s32 s4, s8;
	s8 =	smax.u32 s9, $0x1;
	s9 =	simm.s32 $0x1  }
.LBB2_1:
0xc: {  	_ =	strace $0x80000048  }
0xd: {  	p0 =	seq.s32 s5, $0x1;
	s14 =	simm.s32 $0x1;
	p1 =	sne.s32 s5, $0x1  }
0xe: {  	[tilespmem:s2], [sflag:$0x1] =	stream.linear.gather [hbm4b:s6+s2], $0x1E0, $0x200038;
	[tilespmem:$0xF3C0] =	vst v63  }
.Ltmp0:
0xf: {  	s14 =	simm.s32 @p0 $0x0;
	(pc) =	sbr.rel @!p1 .LBB2_2-.Ltmp0, $4  }
0x10: {  	p6 =	sgt.u32 s7, $0x0;
	s13 =	simm.s32 $0x1;
	p3 =	sne.s32 s14, $0x0  }
0x11: {  	s15 =	simm.s32 $0x1;
	_ =	strace $0x90000048;
	p0 =	por !p6, !p3  }
0x12: {  	p6 =	por $0x0, $0x0;
	p4 =	por !p0, !p0;
	p0 =	por $0x1, $0x1  }
0x13: {  	s25 =	sadd.s32 @p4 s3, s14;
	s15 =	simm.s32 @!p4 $0x0;
	s24 =	sand.u32 @p4 $0x1, s9  }
0x14: {  	s16 =	smul.u32 @p4 $0x1E0, s25  }
0x15: {  	s17 =	smul.u32 @p4 $0x780, s24;
	s18 =	sadd.s32 @p4 $0x1, s24;
	s19 =	simm.s32 @p4 $0x0  }
0x16: {  	_ =	strace @p4 $0x80000049;
	s22 =	sand.u32 $0x1, s2;
	p1 =	por p3, p3  }
0x17: {  	p5 =	sne.s32 s5, $0x2;
	p2 =	por p0, p0;
	s24 =	simm.s32 $0x1E0  }
0x18: {  	p6 =	seq.s32 s7, $0x0;
	s31 =	simm.s32 $0x1;
	s25 =	sadd.s32 $0x1, s22  }
0x19: {  	p3 =	seq.s32 s22, $0x1;
	s26 =	smul.u32 $0x1E000, s22;
	s16 =	sshrl.u32 @p4 s16, $0x3  }
0x1a: {  	p1 =	por p6, p1;
	s17 =	sshrl.u32 @p4 s17, $0x2;
	s16 =	sadd.s32 @p4 s4, s16  }
0x1b: {  	[tilespmem:s17], [sflag:s18] =	stream.linear.gather @p4 [hbm4b:s16+s19], $0x1E0, $0x200038;
	[tilespmem:$0xF3C0] =	vst v63  }
0x1c: {  	s24 =	simm.s32 @!p3 $0x0;
	s28 =	simm.s32 @p1 $0x0;
	_ =	strace @p4 $0x90000049  }
0x1d: {  	s19 =	sand.u32 @!p0 $0x1, s2;
	s16 =	sadd.s32 $0x1, s15;
	_ =	strace $0x8000004A  }
0x1e: {  	s17 =	simm.s32 $0x2;
	s18 =	sadd.s32 $0x0, s3;
	_ =	swait.ge [sflag:s25], $0x1E0  }
0x1f: {  	s15 =	sshrl.u32 s26, $0x2;
	p0 =	por $0x0, $0x0;
	[sflag:s25] =	ssyncset.done $0x0  }
0x20: {  	s20 =	sadd.s32 @!p2 $0x3, s19;
	s19 =	sadd.s32 $0x1, s14;
	[sflag:s25] =	ssyncadd.s32 $0xFFFFFE20  }
0x21: {  	s23 =	sor.u32 $0x3C0, s15;
	s15 =	simm.s32 $0x1;
	_ =	strace $0x9000004A  }
0x22: {  	s30 =	smul.u32 @p1 $0x7800, s18;
	s18 =	simm.s32 $0x0;
	_ =	strace $0x8000004B  }
0x23: {  	s15 =	simm.s32 @!p0 $0x0;
	p4 =	seq.s32 s19, s5;
	s21 =	rddreg [dreg:$0x3]  }
0x24: {  	[tilespmem:s23], [sflag:$0x5] =	stream.indirect.gather [hbm4b:s21+s10], $0x40, s24, s10, $0x2000b8;
	[tilespmem:$0xF3C0] =	vst v63  }
0x25: {  	s19 =	simm.s32 @p4 $0x0;
	p4 =	sgt.u32 s7, $0x1;
	_ =	swait.ge [sflag:s11], $0x7800  }
.Ltmp1:
0x26: {  	p3 =	sne.s32 s14, s19;
	[sflag:s11] =	ssyncset.done $0x0;
	(pc) =	sbr.rel @!p5 .LBB2_4-.Ltmp1, $4  }
0x27: {  	p0 =	por $0x0, $0x0;
	p4 =	por !p4, !p3;
	[sflag:s11] =	ssyncadd.s32 $0xFFFF8800  }
0x28: {  	s15 =	sadd.s32 $0x0, s15;
	p4 =	por !p4, !p4;
	_ =	strace $0x9000004B  }
0x29: {  	s25 =	sadd.s32 @p4 s3, s19;
	s31 =	simm.s32 @!p4 $0x0;
	_ =	strace @p1 $0x8000004C  }
0x2a: {  	s24 =	sand.u32 @p4 $0x1, s16;
	s21 =	simm.s32 $0x0;
	s29 =	rddreg [dreg:$0x4]  }
.LBB2_5:
0x2b: {  	s1 =	smul.u32 @p4 $0x1E0, s25;
	s26 =	sand.u32 @!p0 $0x1, s15  }
0x2c: {  	s22 =	sadd.s32 @p1 $0x3, s22;
	s25 =	smov.u32 s13;
	s30 =	sshrl.u32 @p1 s30, $0x3  }
0x2d: {  	s13 =	smov.u32 s17;
	s0 =	smov.u32 s14;
	s29 =	sadd.s32 @p1 s29, s30  }
0x2e: {  	[hbm4b:s29+s28] =	stream.linear.scatter @p1 [tilespmem:s23], [sflag:s22], $0x7800, $0x200038;
	[tilespmem:$0xF3C0] =	vst v63  }
0x2f: {  	p5 =	por p3, p3;
	s14 =	smul.u32 @p4 $0x780, s24;
	_ =	strace @p1 $0x9000004C  }
0x30: {  	s16 =	sadd.s32 s31, s16;
	s17 =	sadd.s32 $0x1, s17;
	_ =	strace @!p2 $0x8000004D  }
0x31: {  	s31 =	simm.s32 $0x1;
	p6 =	sne.s32 s5, s17;
	_ =	swait.ge @!p2 [sflag:s20], $0x7800  }
0x32: {  	s1 =	sshrl.u32 @p4 s1, $0x3;
	s30 =	simm.s32 $0x1;
	[sflag:s20] =	ssyncset.done @!p2 $0x0  }
0x33: {  	s30 =	simm.s32 @!p1 $0x0;
	s23 =	sshrl.u32 @p4 s14, $0x2;
	[sflag:s20] =	ssyncadd.s32 @!p2 $0xFFFF8800  }
0x34: {  	s1 =	sadd.s32 @p4 s4, s1;
	s21 =	sadd.s32 s30, s21;
	_ =	strace @!p2 $0x9000004D  }
0x35: {  	s20 =	sadd.s32 @p4 $0x1, s24;
	s24 =	simm.s32 @p4 $0x0;
	_ =	strace @p4 $0x80000049  }
0x36: {  	[tilespmem:s23], [sflag:s20] =	stream.linear.gather @p4 [hbm4b:s1+s24], $0x1E0, $0x200038;
	[tilespmem:$0xF3C0] =	vst v63  }
0x37: {  	s0 =	sadd.s32 s3, s0;
	s22 =	sand.u32 $0x1, s21;
	_ =	strace @p4 $0x90000049  }
0x38: {  	p1 =	seq.s32 s22, $0x1;
	s22 =	sadd.s32 $0x1, s22;
	_ =	strace $0x8000004A  }
0x39: {  	p3 =	sne.s32 s25, $0x0;
	s14 =	smov.u32 s19;
	_ =	swait.ge [sflag:s22], $0x1E0  }
0x3a: {  	s19 =	sadd.s32 $0x1, s19;
	s18 =	sadd.s32 s30, s18;
	[sflag:s22] =	ssyncset.done $0x0  }
0x3b: {  	p2 =	por p0, p0;
	[sflag:s22] =	ssyncadd.s32 $0xFFFFFE20;
	s22 =	sand.u32 $0x1, s18  }
0x3c: {  	s20 =	sadd.s32 @!p2 $0x3, s26;
	s26 =	simm.s32 $0x1E0;
	s23 =	smul.u32 $0x1E000, s22  }
0x3d: {  	p0 =	seq.s32 s13, $0x0;
	s26 =	simm.s32 @!p1 $0x0;
	p1 =	seq.s32 s7, s25  }
0x3e: {  	p4 =	slt.u32 s13, s7;
	_ =	strace $0x9000004A;
	s1 =	sshrl.u32 s23, $0x2  }
0x3f: {  	_ =	strace $0x8000004B;
	s23 =	sor.u32 $0x3C0, s1;
	s1 =	simm.s32 $0x1  }
0x40: {  	s24 =	rddreg [dreg:$0x3];
	s1 =	simm.s32 @!p3 $0x0;
	p3 =	seq.s32 s19, s5  }
0x41: {  	[tilespmem:s23], [sflag:$0x5] =	stream.indirect.gather [hbm4b:s24+s10], $0x40, s26, s10, $0x2000b8;
	[tilespmem:$0xF3C0] =	vst v63  }
0x42: {  	p1 =	por p1, p5;
	s19 =	simm.s32 @p3 $0x0;
	_ =	swait.ge [sflag:s11], $0x7800  }
.Ltmp2:
0x43: {  	p3 =	sne.s32 s14, s19;
	[sflag:s11] =	ssyncset.done $0x0;
	(pc) =	sbr.rel @p6 .LBB2_5-.Ltmp2, $4  }
0x44: {  	s28 =	simm.s32 @p1 $0x0;
	p4 =	por !p4, !p3;
	[sflag:s11] =	ssyncadd.s32 $0xFFFF8800  }
0x45: {  	s30 =	smul.u32 @p1 $0x7800, s0;
	p4 =	por !p4, !p4;
	_ =	strace $0x9000004B  }
0x46: {  	s15 =	sadd.s32 s1, s15;
	s25 =	sadd.s32 @p4 s3, s19;
	_ =	strace @p1 $0x8000004C  }
0x47: {  	s31 =	simm.s32 @!p4 $0x0;
	s24 =	sand.u32 @p4 $0x1, s16;
	s29 =	rddreg [dreg:$0x4]  }
0x48: {  	p6 =	por $0x1, $0x1  }
.LBB2_7:
0x49: {  	p5 =	por !p1, !p6  }
0x4a: {  	s0 =	sshrl.u32 @!p5 s30, $0x3  }
0x4b: {  	s1 =	sadd.s32 @!p5 $0x3, s22;
	s0 =	sadd.s32 @!p5 s29, s0  }
0x4c: {  	[hbm4b:s0+s28] =	stream.linear.scatter @!p5 [tilespmem:s23], [sflag:s1], $0x7800, $0x200038;
	[tilespmem:$0xF3C0] =	vst v63  }
0x4d: {  	p1 =	por p2, !p6;
	_ =	strace @!p5 $0x9000004C  }
0x4e: {  	s16 =	smul.u32 @p4 $0x780, s24;
	s19 =	simm.s32 $0x0;
	_ =	strace @!p1 $0x8000004D  }
0x4f: {  	s0 =	smul.u32 @p4 $0x1E0, s25;
	s1 =	simm.s32 $0x1;
	_ =	swait.ge @!p1 [sflag:s20], $0x7800  }
0x50: {  	s16 =	sshrl.u32 @p4 s16, $0x2;
	s1 =	simm.s32 @p5 $0x0;
	[sflag:s20] =	ssyncset.done @!p1 $0x0  }
0x51: {  	s17 =	sadd.s32 @p6 s1, s21;
	s0 =	sshrl.u32 @p4 s0, $0x3;
	[sflag:s20] =	ssyncadd.s32 @!p1 $0xFFFF8800  }
0x52: {  	s19 =	smov.u32 @p6 s17;
	s0 =	sadd.s32 @p4 s4, s0;
	_ =	strace @!p1 $0x9000004D  }
0x53: {  	s17 =	sadd.s32 @p4 $0x1, s24;
	s20 =	simm.s32 @p4 $0x0;
	_ =	strace @p4 $0x80000049  }
0x54: {  	[tilespmem:s16], [sflag:s17] =	stream.linear.gather @p4 [hbm4b:s0+s20], $0x1E0, $0x200038;
	[tilespmem:$0xF3C0] =	vst v63  }
0x55: {  	s1 =	sadd.s32 @p6 s1, s18;
	s25 =	sand.u32 $0x1, s19;
	_ =	strace @p4 $0x90000049  }
0x56: {  	s26 =	sadd.s32 $0x1, s25;
	s17 =	simm.s32 $0x0;
	_ =	strace $0x8000004A  }
0x57: {  	s17 =	smov.u32 @p6 s1;
	_ =	swait.ge [sflag:s26], $0x1E0  }
0x58: {  	s1 =	sand.u32 $0x1, s17;
	[sflag:s26] =	ssyncset.done $0x0  }
0x59: {  	s28 =	smul.u32 $0x1E000, s1;
	[sflag:s26] =	ssyncadd.s32 $0xFFFFFE20  }
0x5a: {  	p1 =	seq.s32 s25, $0x1;
	_ =	strace $0x9000004A  }
0x5b: {  	s16 =	simm.s32 $0x1E0;
	s30 =	sshrl.u32 s28, $0x2;
	_ =	strace $0x8000004B  }
0x5c: {  	s16 =	simm.s32 @!p1 $0x0;
	s0 =	sor.u32 $0x3C0, s30;
	s29 =	rddreg [dreg:$0x3]  }
0x5d: {  	[tilespmem:s0], [sflag:$0x5] =	stream.indirect.gather [hbm4b:s29+s10], $0x40, s16, s10, $0x2000b8;
	[tilespmem:$0xF3C0] =	vst v63  }
0x5e: {  	_ =	swait.ge [sflag:s11], $0x7800  }
0x5f: {  	p5 =	por p3, p3;
	p6 =	seq.s32 s7, s13;
	[sflag:s11] =	ssyncset.done $0x0  }
0x60: {  	s14 =	sadd.s32 s3, s14;
	p1 =	por p6, p5;
	[sflag:s11] =	ssyncadd.s32 $0xFFFF8800  }
0x61: {  	s14 =	smul.u32 @p1 $0x7800, s14;
	_ =	strace $0x9000004B  }
0x62: {  	_ =	strace @p1 $0x8000004C  }
0x63: {  	s14 =	sshrl.u32 @p1 s14, $0x3;
	s16 =	rddreg [dreg:$0x4]  }
0x64: {  	s17 =	simm.s32 @p1 $0x0;
	s1 =	sadd.s32 @p1 $0x3, s1;
	s14 =	sadd.s32 @p1 s16, s14  }
0x65: {  	[hbm4b:s14+s17] =	stream.linear.scatter @p1 [tilespmem:s0], [sflag:s1], $0x7800, $0x200038;
	[tilespmem:$0xF3C0] =	vst v63  }
0x66: {  	s0 =	sand.u32 @!p0 $0x1, s15;
	p0 =	por p0, p0;
	_ =	strace @p1 $0x9000004C  }
0x67: {  	s0 =	sadd.s32 @!p0 $0x3, s0;
	_ =	strace @!p0 $0x8000004D  }
0x68: {  	s1 =	simm.s32 $0x1;
	p1 =	sne.s32 s13, $0x0;
	_ =	swait.ge @!p0 [sflag:s0], $0x7800  }
0x69: {  	s1 =	simm.s32 @!p1 $0x0;
	[sflag:s0] =	ssyncset.done @!p0 $0x0  }
0x6a: {  	s12 =	sadd.s32 $0x1, s12;
	s1 =	sadd.s32 s1, s15;
	[sflag:s0] =	ssyncadd.s32 @!p0 $0xFFFF8800  }
0x6b: {  	s31 =	sand.u32 $0x1, s1;
	_ =	strace @!p0 $0x9000004D;
	p0 =	sne.s32 s12, s8  }
.Ltmp3:
0x6c: {  	s0 =	sadd.s32 $0x3, s31;
	_ =	strace $0x8000004E;
	(pc) =	sbr.rel @p0 .LBB2_1-.Ltmp3, $4  }
.Ltmp4:
0x6d: {  	_ =	swait.ge [sflag:s0], $0x7800;
	(pc) =	sbr.rel @!p0 .LBB2_8-.Ltmp4, $4  }
0x6e: {  	[sflag:s0] =	ssyncset.done $0x0  }
0x6f: {  	[sflag:s0] =	ssyncadd.s32 $0xFFFF8800  }
0x70: {  	_ =	strace $0x9000004E  }
0x71: {  	_ = 	snop  }
.LBB2_2:
.Ltmp5:
0x72: {  	(pc) =	sbr.rel .LBB2_7-.Ltmp5, $3  }
0x73: {  	_ =	sdelay $0x1  }
0x74: {  	s15 =	simm.s32 $0x0;
	s13 =	simm.s32 $0x0  }
0x75: {  	s14 =	simm.s32 $0x0;
	s18 =	simm.s32 $0x0;
	s21 =	simm.s32 $0x0  }
.LBB2_4:
.Ltmp6:
0x76: {  	(pc) =	sbr.rel .LBB2_7-.Ltmp6, $2  }
0x77: {  	_ =	sdelay $0x2  }
0x78: {  	s18 =	simm.s32 $0x0;
	s21 =	simm.s32 $0x0;
	p6 =	por $0x1, $0x1  }
.LBB2_8:
0x79: {  	_ =	sfence.sel $0x180000  }
0x7a: {  	[bflag:$0x0] =	sbarrier.arrive $0xFFFF  }
0x7b: {  	_ =	strace $0x90000047  }
0x7c: {  	s0 =	stileid.u32;
	[bflag:$0x2] =	sbarrier.arrive $0xFFFF  }
0x7d: {  	p0 =	sne.s32 s0, $0x0;
	s0 =	rddreg [dreg:$0x2]  }
0x7e: {  	s0 =	sadd.s32 @!p0 $0x100000, s0  }
0x7f: {  	[sflag:s0] =	ssyncadd.tile.s32 @!p0 $0x1;
	_ =	shalt  }
.Lfunc_end2:
_tile_overlayer_lowered:
.L_overlay_start_2:
0x80: {  	(tag) =	ssettag $0x2  }
0x81: {  	s0 =	rddreg [dreg:$0x0];
	s2 =	stileid.u32  }
0x82: {  	s1 =	rddreg [dreg:$0x1];
	p0 =	sne.s32 s2, $0x0  }
0x83: {  	s3 =	rddreg [dreg:$0x2];
	[bflag:$0x3] =	sbarrier.arrive $0xFFFF;
	s2 =	simm.s32 @!p0 $0x1C01  }
0x84: {  	[timem:s3], [sflag:s2] =	dma.local @!p0 [hbm:s0], s1  }
0x85: {  	s0 =	simm.s32 @!p0 $0x1  }
0x86: {  	_ =	swait.ge @!p0 [sflag:s0], s1  }
0x87: {  	s1 =	ssub.s32 @!p0 $0x0, s1;
	[sflag:s0] =	ssyncset.done @!p0 $0x0  }
0x88: {  	[sflag:s0] =	ssyncadd.s32 @!p0 s1  }
0x89: {  	[bflag:$0x3] =	sbarrier.arrive $0xFFFF  }
0x8a: {  	_ =	shalt  }

// kernel: kernel.18.cloned.1.call-start
scs
__scs_entry_jumppad:
0x0: {  	(pc) =	sbr.rel $0x88, $3  }
0x1: {  	(tag) =	ssettag $0x0;
	lr =	simm.s32 $0x1  }
0x2: {  	[smem:$0x3F8A] =	sst lr;
	_ =	strace $0xD0000000  }
0x3: {  	_ = 	snop  }
0x4: {  	_ = 	snop  }
0x5: {  	_ = 	snop  }
0x6: {  	_ = 	snop  }
0x7: {  	_ = 	snop  }
__scs_overlays_trampoline_lowered:
0x8: {  	[smem:$0x3F99] =	sst s0  }
0x9: {  	[smem:$0x3F9A] =	sst s1  }
0xa: {  	[smem:$0x3F9B] =	sst s2  }
0xb: {  	[smem:$0x3F9C] =	sst s3  }
0xc: {  	[smem:$0x3F9D] =	sst s4  }
0xd: {  	[smem:$0x3F9E] =	sst s5  }
0xe: {  	[smem:$0x3F9F] =	sst s6  }
0xf: {  	[smem:$0x3FA0] =	sst s7  }
0x10: {  	[smem:$0x3FA1] =	sst s8  }
0x11: {  	[smem:$0x3FA2] =	sst s9;
	s0 =	simm.s32 @!p0 $0x0  }
0x12: {  	s1 =	sld [smem:$0x3F88];
	s0 =	simm.s32 @p0 $0x1  }
0x13: {  	[smem:$0x3FA3] =	sst s0;
	s0 =	simm.s32 @!p1 $0x0  }
0x14: {  	s2 =	sld [smem:$0x3F87];
	s0 =	simm.s32 @p1 $0x1  }
0x15: {  	[smem:$0x3FA4] =	sst s0;
	s0 =	simm.s32 @!p2 $0x0  }
0x16: {  	s3 =	sld [smem:$0x3FDB];
	s0 =	simm.s32 @p2 $0x1  }
0x17: {  	s4 =	simm.s32 $0x1BF5;
	[smem:$0x3FA6] =	sst s0  }
0x18: {  	s0 =	sld [smem:$0x3F89];
	_ =	swait.ge [sflag:s4], $0x0  }
0x19: {  	s7 =	sld [smem:$0x3F8A]  }
0x1a: {  	s8 =	sadd.s32 $0xFFFFE003, lr  }
0x1b: {  	s9 =	sadd.s32 $0xFFFFFEF7, lr;
	s5 =	simm.s32 $0xFFFFFFFF;
	p2 =	slt.u32 s8, $0xFFFFF086  }
0x1c: {  	p1 =	slt.u32 s9, $0xF7A;
	s5 =	simm.s32 @!p2 $0x0  }
0x1d: {  	s5 =	simm.s32 @p1 $0x1;
	p0 =	seq.s32 s7, s2  }
0x1e: {  	s7 =	smul.u32 @!p0 $0xF7A, s2;
	p2 =	seq.s32 @!p0 s5, $0x0  }
0x1f: {  	s9 =	smul.u32 $0xF7A, s1;
	s8 =	simm.s32 @!p0 $0x1BF5;
	p2 =	por !p2, p0  }
0x20: {  	[sflag:s8] =	ssyncset.s32 @!p0 $0xFFFFF086;
	s6 =	sadd.s32 @!p0 s3, s7;
	s7 =	simm.s32 @!p0 $0x108  }
0x21: {  	s3 =	sadd.s32 s3, s9;
	s6 =	sadd.s32 @!p0 $0x88, s6;
	s7 =	simm.s32 @p2 $0x1082  }
0x22: {  	[simem:s7], [sflag:s8] =	dma.local @!p0 [hbm:s6], $0xF7A  }
0x23: {  	s9 =	sor.u32 $0xD0000000, s2;
	s6 =	simm.s32 $0x108;
	_ =	swait.ge @!p0 [sflag:s8], $0x0  }
0x24: {  	s3 =	sadd.s32 $0x88, s3;
	s6 =	simm.s32 @!p1 $0x1082;
	[sflag:s4] =	ssyncset.s32 $0xFFFFF086  }
0x25: {  	[simem:s6], [sflag:s4] =	dma.local [hbm:s3], $0xF7A  }
0x26: {  	[smem:$0x3F8A] =	sst s1;
	(tag) =	ssettag s2;
	_ =	strace s9  }
0x27: {  	s1 =	sld [smem:$0x3F9A]  }
0x28: {  	s2 =	sld [smem:$0x3F9B]  }
0x29: {  	s4 =	sld [smem:$0x3F9D]  }
0x2a: {  	p0 =	seq.s32 s5, $0x0;
	s5 =	sld [smem:$0x3F9E]  }
0x2b: {  	s6 =	sld [smem:$0x3F9F]  }
0x2c: {  	s7 =	sld [smem:$0x3FA0]  }
0x2d: {  	s3 =	simm.s32 $0x108;
	s8 =	sld [smem:$0x3FA1]  }
0x2e: {  	s3 =	simm.s32 @!p0 $0x1082;
	s9 =	sld [smem:$0x3FA2]  }
0x2f: {  	lr =	sadd.s32 s0, s3;
	s0 =	sld [smem:$0x3F99]  }
0x30: {  	s3 =	sld [smem:$0x3F9C]  }
0x31: {  	[smem:$0x3FA5] =	sst s10  }
0x32: {  	s10 =	sld [smem:$0x3FA3];
	_ =	sdelay $0x3  }
0x33: {  	p0 =	seq.s32 s10, $0x1;
	s10 =	sld [smem:$0x3FA5];
	_ =	sdelay $0x3  }
0x34: {  	[smem:$0x3FA5] =	sst s10  }
0x35: {  	s10 =	sld [smem:$0x3FA4];
	_ =	sdelay $0x3  }
0x36: {  	p1 =	seq.s32 s10, $0x1;
	s10 =	sld [smem:$0x3FA5];
	_ =	sdelay $0x3  }
0x37: {  	[smem:$0x3FA5] =	sst s10  }
0x38: {  	s10 =	sld [smem:$0x3FA6]  }
0x39: {  	_ = 	snop;
	(pc) =	sbr.ind lr, $3  }
0x3a: {  	_ = 	snop  }
0x3b: {  	_ = 	snop  }
0x3c: {  	p2 =	seq.s32 s10, $0x1;
	s10 =	sld [smem:$0x3FA5]  }
0x3d: {  	_ =	shalt  }
0x3e: {  	_ =	shalt  }
0x3f: {  	_ =	shalt  }
0x40: {  	_ =	shalt  }
0x41: {  	_ =	shalt  }
0x42: {  	_ =	shalt  }
0x43: {  	_ =	shalt  }
0x44: {  	_ =	shalt  }
0x45: {  	_ =	shalt  }
0x46: {  	_ =	shalt  }
0x47: {  	_ =	shalt  }
0x48: {  	_ =	shalt  }
0x49: {  	_ =	shalt  }
0x4a: {  	_ =	shalt  }
0x4b: {  	_ =	shalt  }
0x4c: {  	_ =	shalt  }
0x4d: {  	_ =	shalt  }
0x4e: {  	_ =	shalt  }
0x4f: {  	_ =	shalt  }
0x50: {  	_ =	shalt  }
0x51: {  	_ =	shalt  }
0x52: {  	_ =	shalt  }
0x53: {  	_ =	shalt  }
0x54: {  	_ =	shalt  }
0x55: {  	_ =	shalt  }
0x56: {  	_ =	shalt  }
0x57: {  	_ =	shalt  }
0x58: {  	_ =	shalt  }
0x59: {  	_ =	shalt  }
0x5a: {  	_ =	shalt  }
0x5b: {  	_ =	shalt  }
0x5c: {  	_ =	shalt  }
0x5d: {  	_ =	shalt  }
0x5e: {  	_ =	shalt  }
0x5f: {  	_ =	shalt  }
0x60: {  	_ =	shalt  }
0x61: {  	_ =	shalt  }
0x62: {  	_ =	shalt  }
0x63: {  	_ =	shalt  }
0x64: {  	_ =	shalt  }
0x65: {  	_ =	shalt  }
0x66: {  	_ =	shalt  }
0x67: {  	_ =	shalt  }
0x68: {  	_ =	shalt  }
0x69: {  	_ =	shalt  }
0x6a: {  	_ =	shalt  }
0x6b: {  	_ =	shalt  }
0x6c: {  	_ =	shalt  }
0x6d: {  	_ =	shalt  }
0x6e: {  	_ =	shalt  }
0x6f: {  	_ =	shalt  }
0x70: {  	_ =	shalt  }
0x71: {  	_ =	shalt  }
0x72: {  	_ =	shalt  }
0x73: {  	_ =	shalt  }
0x74: {  	_ =	shalt  }
0x75: {  	_ =	shalt  }
0x76: {  	_ =	shalt  }
0x77: {  	_ =	shalt  }
0x78: {  	_ =	shalt  }
0x79: {  	_ =	shalt  }
0x7a: {  	_ =	shalt  }
0x7b: {  	_ =	shalt  }
0x7c: {  	_ =	shalt  }
0x7d: {  	_ =	shalt  }
0x7e: {  	_ =	shalt  }
0x7f: {  	_ =	shalt  }
0x80: {  	_ =	shalt  }
0x81: {  	_ =	shalt  }
0x82: {  	_ =	shalt  }
0x83: {  	_ =	shalt  }
0x84: {  	_ =	shalt  }
0x85: {  	_ =	shalt  }
0x86: {  	_ =	shalt  }
0x87: {  	_ =	shalt  }
.Lfunc_end0:
.L_simem_size_0:
called_computation.1_lowered:
.L_overlay_start_0:
0x88: {  	s2 =	sld [smem:$0x3FD9]  }
0x89: {  	s3 =	sld [smem:$0x3FFE];
	_ =	sdelay $0x1  }
0x8a: {  	s1 =	srdreg.scid  }
0x8b: {  	s0 =	sand.u32 $0x1, s1  }
0x8c: {  	s17 =	sshll.u32 s0, $0xA;
	s2 =	sadd.s32 s3, s2  }
0x8d: {  	s2 =	sadd.s32 s2, s17  }
0x8e: {  	[smem:$0x3FB1] =	sst s2  }
0x8f: {  	_ = 	snop  }
0x90: {  	s2 =	sld [smem:$0x3FD0];
	(tm) =	ssettm $0x1  }
0x91: {  	s18 =	sld [smem:$0x3FFB];
	_ =	sdelay $0x3  }
0x92: {  	_ =	strace s18  }
0x93: {  	s3 =	sld [smem:$0x3FFC];
	_ =	sdelay $0x3  }
0x94: {  	_ =	strace s3  }
0x95: {  	s3 =	sld [smem:$0x3FFD];
	_ =	sdelay $0x3  }
0x96: {  	_ =	strace s3  }
0x97: {  	_ =	strace $0x8FFFFFFF  }
0x98: {  	s19 =	sld [smem:$0x3FDB];
	_ =	sdelay $0x1  }
0x99: {  	s4 =	simm.s32 $_scs_section_size  }
0x9a: {  	s5 =	simm.s32 $_size__tile_overlayer_lowered;
	s6 =	simm.s32 $_tile_overlayer_lowered  }
0x9b: {  	s22 =	simm.s32 $0x1BFF;
	s21 =	sshll.u32 s6, $0x1;
	s3 =	sadd.s32 s4, s19  }
0x9c: {  	s7 =	simm.s32 $0x0;
	s20 =	sshll.u32 s5, $0x1;
	s5 =	sadd.s32 s21, s3  }
0x9d: {  	[timem:s7], [sflag:s22] =	dma.local [hbm:s5], s20  }
0x9e: {  	_ =	swait.ge [sflag:s22], s20  }
0x9f: {  	s4 =	ssub.s32 $0x0, s20;
	[sflag:s22] =	ssyncset.done $0x0  }
0xa0: {  	[sflag:s22] =	ssyncadd.s32 s4;
	_ =	sdelay $0x1  }
0xa1: {  	s23 =	simm.s32 $0x1B8B  }
0xa2: {  	_ =	swait.ge [sflag:s23], $0x1  }
0xa3: {  	[sflag:s23] =	ssyncset.done $0x0  }
0xa4: {  	s25 =	simm.s32 $0x1B8E;
	s24 =	sld [smem:$0x3FFE];
	[sflag:s23] =	ssyncadd.s32 $0xFFFFFFFF  }
0xa5: {  	s26 =	simm.s32 $execute0_lowered;
	[smem:$0x3FD2] =	sst s25  }
0xa6: {  	s5 =	sshll.u32 s26, $0x1;
	_ =	strace $0x80000050;
	[dreg:$0x1] =	wrdreg $0xFFFFFFFF  }
0xa7: {  	s28 =	simm.s32 $_size_execute0_lowered;
	s3 =	sadd.s32 s3, s5;
	[dreg:$0x0] =	wrdreg $0x0  }
0xa8: {  	s5 =	sshll.u32 s28, $0x1;
	[dreg:$0x2] =	wrdreg s3  }
0xa9: {  	[dreg:$0x3] =	wrdreg s5  }
0xaa: {  	[dreg:$0x4] =	wrdreg $0xC0  }
0xab: {  	_ =	task [dreg:s7], $0x5FFFF  }
0xac: {  	[dreg:$0x1] =	wrdreg $0xFFFFFFFF  }
0xad: {  	[dreg:$0x0] =	wrdreg $0x60  }
0xae: {  	[dreg:$0x2] =	wrdreg s2  }
0xaf: {  	[dreg:$0x3] =	wrdreg s24  }
0xb0: {  	[dreg:$0x4] =	wrdreg $0x9  }
0xb1: {  	_ =	task.clear_ibuf [dreg:s7], $0x5FFFF;
	_ =	strace $0x90000050  }
0xb2: {  	s29 =	simm.s32 $0x9;
	_ =	strace $0x80000059  }
0xb3: {  	_ =	swait.ge [sflag:s29], $0x1  }
0xb4: {  	[sflag:s29] =	ssyncadd.s32 $0xFFFFFFFF  }
0xb5: {  	_ =	strace $0x90000059  }
0xb6: {  	_ =	sfence  }
0xb7: {  	s30 =	sld [smem:$0x0];
	_ =	sdelay $0x2  }
0xb8: {  	s31 =	sshll.u32 s1, $0xD;
	s1 =	sshrl.u32 s1, $0x2  }
0xb9: {  	s3 =	sand.u32 $0x4000, s31;
	s1 =	sadd.s32 s1, s30  }
0xba: {  	s0 =	sor.u32 s3, s0;
	s1 =	sshll.u32 s1, $0x11  }
0xbb: {  	s0 =	sor.u32 s1, s0  }
0xbc: {  	s0 =	sadd.s32 $0x8F2B, s0  }
0xbd: {  	[sflag:s0] =	ssyncadd.remote.s32 $0x1  }
0xbe: {  	_ =	sfence.sel $0xFFFF  }
0xbf: {  	[dreg:$0x0] =	wrdreg $0xFFFFFFFF;
	(pc) =	sbr.abs _section_cstart, $3  }
0xc0: {  	[dreg:$0x1] =	wrdreg $0xFFFFFFFF  }
0xc1: {  	_ =	task.clear_ibuf [dreg:s7], $0x2FFFF;
	_ =	strace $0x9FFFFFFF  }
0xc2: {  	(tm) =	ssettm $0x7FFFFFFF  }
0xc3: {  	_ =	shalt  }
tec
execute0_lowered:
.L_overlay_start_1:
0x0: {  	(tag) =	ssettag $0x1  }
0x1: {  	s0 =	srdreg.scid;
	s1 =	rddreg [dreg:$0x0]  }
0x2: {  	s29 =	stileid.u32;
	s6 =	rddreg [dreg:$0x1];
	s5 =	sand.u32 $0x1, s0  }
0x3: {  	s10 =	simm.s32 $0x1E0;
	s11 =	simm.s32 $0x5;
	s2 =	sshll.u32 s5, $0x4  }
0x4: {  	s12 =	simm.s32 $0x0;
	[dreg:$0x3] =	wrdreg s1;
	s3 =	sor.u32 s29, s2  }
0x5: {  	s30 =	ssub.s32 $0x2, s5;
	s5 =	simm.s32 $0x28;
	s4 =	smul.u32 $0x27, s3  }
0x6: {  	s2 =	simm.s32 $0x0;
	s31 =	sshrl.u32 s30, $0x1;
	s7 =	smul.u32 $0x28, s3  }
0x7: {  	[smem:$0x7FF] =	sst s2;
	p0 =	slt.u32 s3, $0x2;
	s3 =	sadd.s32 $0x2, s4  }
0x8: {  	s9 =	ssub.s32 s30, s31;
	s5 =	simm.s32 @!p0 $0x27;
	s3 =	smov.u32 @p0 s7  }
0x9: {  	s4 =	sadd.s32 $0x4600, s6;
	s6 =	sadd.s32 $0xF46C00, s6;
	s8 =	smul.u32 $0x3C, s3  }
0xa: {  	_ =	strace $0x80000051;
	[dreg:$0x4] =	wrdreg s6;
	s7 =	sadd.s32 $0xFFFFFFFF, s5  }
0xb: {  	s6 =	sadd.s32 s4, s8;
	s8 =	smax.u32 s9, $0x1;
	s9 =	simm.s32 $0x1  }
.LBB2_1:
0xc: {  	_ =	strace $0x80000052  }
0xd: {  	p0 =	seq.s32 s5, $0x1;
	s14 =	simm.s32 $0x1;
	p1 =	sne.s32 s5, $0x1  }
0xe: {  	[tilespmem:s2], [sflag:$0x1] =	stream.linear.gather [hbm4b:s6+s2], $0x1E0, $0x200038;
	[tilespmem:$0xF3C0] =	vst v63  }
.Ltmp0:
0xf: {  	s14 =	simm.s32 @p0 $0x0;
	(pc) =	sbr.rel @!p1 .LBB2_2-.Ltmp0, $4  }
0x10: {  	p6 =	sgt.u32 s7, $0x0;
	s13 =	simm.s32 $0x1;
	p3 =	sne.s32 s14, $0x0  }
0x11: {  	s15 =	simm.s32 $0x1;
	_ =	strace $0x90000052;
	p0 =	por !p6, !p3  }
0x12: {  	p6 =	por $0x0, $0x0;
	p4 =	por !p0, !p0;
	p0 =	por $0x1, $0x1  }
0x13: {  	s25 =	sadd.s32 @p4 s3, s14;
	s15 =	simm.s32 @!p4 $0x0;
	s24 =	sand.u32 @p4 $0x1, s9  }
0x14: {  	s16 =	smul.u32 @p4 $0x1E0, s25  }
0x15: {  	s17 =	smul.u32 @p4 $0x780, s24;
	s18 =	sadd.s32 @p4 $0x1, s24;
	s19 =	simm.s32 @p4 $0x0  }
0x16: {  	_ =	strace @p4 $0x80000053;
	s22 =	sand.u32 $0x1, s2;
	p1 =	por p3, p3  }
0x17: {  	p5 =	sne.s32 s5, $0x2;
	p2 =	por p0, p0;
	s24 =	simm.s32 $0x1E0  }
0x18: {  	p6 =	seq.s32 s7, $0x0;
	s31 =	simm.s32 $0x1;
	s25 =	sadd.s32 $0x1, s22  }
0x19: {  	p3 =	seq.s32 s22, $0x1;
	s26 =	smul.u32 $0x1E000, s22;
	s16 =	sshrl.u32 @p4 s16, $0x3  }
0x1a: {  	p1 =	por p6, p1;
	s17 =	sshrl.u32 @p4 s17, $0x2;
	s16 =	sadd.s32 @p4 s4, s16  }
0x1b: {  	[tilespmem:s17], [sflag:s18] =	stream.linear.gather @p4 [hbm4b:s16+s19], $0x1E0, $0x200038;
	[tilespmem:$0xF3C0] =	vst v63  }
0x1c: {  	s24 =	simm.s32 @!p3 $0x0;
	s28 =	simm.s32 @p1 $0x0;
	_ =	strace @p4 $0x90000053  }
0x1d: {  	s19 =	sand.u32 @!p0 $0x1, s2;
	s16 =	sadd.s32 $0x1, s15;
	_ =	strace $0x80000054  }
0x1e: {  	s17 =	simm.s32 $0x2;
	s18 =	sadd.s32 $0x0, s3;
	_ =	swait.ge [sflag:s25], $0x1E0  }
0x1f: {  	s15 =	sshrl.u32 s26, $0x2;
	p0 =	por $0x0, $0x0;
	[sflag:s25] =	ssyncset.done $0x0  }
0x20: {  	s20 =	sadd.s32 @!p2 $0x3, s19;
	s19 =	sadd.s32 $0x1, s14;
	[sflag:s25] =	ssyncadd.s32 $0xFFFFFE20  }
0x21: {  	s23 =	sor.u32 $0x3C0, s15;
	s15 =	simm.s32 $0x1;
	_ =	strace $0x90000054  }
0x22: {  	s30 =	smul.u32 @p1 $0x7800, s18;
	s18 =	simm.s32 $0x0;
	_ =	strace $0x80000055  }
0x23: {  	s15 =	simm.s32 @!p0 $0x0;
	p4 =	seq.s32 s19, s5;
	s21 =	rddreg [dreg:$0x3]  }
0x24: {  	[tilespmem:s23], [sflag:$0x5] =	stream.indirect.gather [hbm4b:s21+s10], $0x40, s24, s10, $0x2000b8;
	[tilespmem:$0xF3C0] =	vst v63  }
0x25: {  	s19 =	simm.s32 @p4 $0x0;
	p4 =	sgt.u32 s7, $0x1;
	_ =	swait.ge [sflag:s11], $0x7800  }
.Ltmp1:
0x26: {  	p3 =	sne.s32 s14, s19;
	[sflag:s11] =	ssyncset.done $0x0;
	(pc) =	sbr.rel @!p5 .LBB2_4-.Ltmp1, $4  }
0x27: {  	p0 =	por $0x0, $0x0;
	p4 =	por !p4, !p3;
	[sflag:s11] =	ssyncadd.s32 $0xFFFF8800  }
0x28: {  	s15 =	sadd.s32 $0x0, s15;
	p4 =	por !p4, !p4;
	_ =	strace $0x90000055  }
0x29: {  	s25 =	sadd.s32 @p4 s3, s19;
	s31 =	simm.s32 @!p4 $0x0;
	_ =	strace @p1 $0x80000056  }
0x2a: {  	s24 =	sand.u32 @p4 $0x1, s16;
	s21 =	simm.s32 $0x0;
	s29 =	rddreg [dreg:$0x4]  }
.LBB2_5:
0x2b: {  	s1 =	smul.u32 @p4 $0x1E0, s25;
	s26 =	sand.u32 @!p0 $0x1, s15  }
0x2c: {  	s22 =	sadd.s32 @p1 $0x3, s22;
	s25 =	smov.u32 s13;
	s30 =	sshrl.u32 @p1 s30, $0x3  }
0x2d: {  	s13 =	smov.u32 s17;
	s0 =	smov.u32 s14;
	s29 =	sadd.s32 @p1 s29, s30  }
0x2e: {  	[hbm4b:s29+s28] =	stream.linear.scatter @p1 [tilespmem:s23], [sflag:s22], $0x7800, $0x200038;
	[tilespmem:$0xF3C0] =	vst v63  }
0x2f: {  	p5 =	por p3, p3;
	s14 =	smul.u32 @p4 $0x780, s24;
	_ =	strace @p1 $0x90000056  }
0x30: {  	s16 =	sadd.s32 s31, s16;
	s17 =	sadd.s32 $0x1, s17;
	_ =	strace @!p2 $0x80000057  }
0x31: {  	s31 =	simm.s32 $0x1;
	p6 =	sne.s32 s5, s17;
	_ =	swait.ge @!p2 [sflag:s20], $0x7800  }
0x32: {  	s1 =	sshrl.u32 @p4 s1, $0x3;
	s30 =	simm.s32 $0x1;
	[sflag:s20] =	ssyncset.done @!p2 $0x0  }
0x33: {  	s30 =	simm.s32 @!p1 $0x0;
	s23 =	sshrl.u32 @p4 s14, $0x2;
	[sflag:s20] =	ssyncadd.s32 @!p2 $0xFFFF8800  }
0x34: {  	s1 =	sadd.s32 @p4 s4, s1;
	s21 =	sadd.s32 s30, s21;
	_ =	strace @!p2 $0x90000057  }
0x35: {  	s20 =	sadd.s32 @p4 $0x1, s24;
	s24 =	simm.s32 @p4 $0x0;
	_ =	strace @p4 $0x80000053  }
0x36: {  	[tilespmem:s23], [sflag:s20] =	stream.linear.gather @p4 [hbm4b:s1+s24], $0x1E0, $0x200038;
	[tilespmem:$0xF3C0] =	vst v63  }
0x37: {  	s0 =	sadd.s32 s3, s0;
	s22 =	sand.u32 $0x1, s21;
	_ =	strace @p4 $0x90000053  }
0x38: {  	p1 =	seq.s32 s22, $0x1;
	s22 =	sadd.s32 $0x1, s22;
	_ =	strace $0x80000054  }
0x39: {  	p3 =	sne.s32 s25, $0x0;
	s14 =	smov.u32 s19;
	_ =	swait.ge [sflag:s22], $0x1E0  }
0x3a: {  	s19 =	sadd.s32 $0x1, s19;
	s18 =	sadd.s32 s30, s18;
	[sflag:s22] =	ssyncset.done $0x0  }
0x3b: {  	p2 =	por p0, p0;
	[sflag:s22] =	ssyncadd.s32 $0xFFFFFE20;
	s22 =	sand.u32 $0x1, s18  }
0x3c: {  	s20 =	sadd.s32 @!p2 $0x3, s26;
	s26 =	simm.s32 $0x1E0;
	s23 =	smul.u32 $0x1E000, s22  }
0x3d: {  	p0 =	seq.s32 s13, $0x0;
	s26 =	simm.s32 @!p1 $0x0;
	p1 =	seq.s32 s7, s25  }
0x3e: {  	p4 =	slt.u32 s13, s7;
	_ =	strace $0x90000054;
	s1 =	sshrl.u32 s23, $0x2  }
0x3f: {  	_ =	strace $0x80000055;
	s23 =	sor.u32 $0x3C0, s1;
	s1 =	simm.s32 $0x1  }
0x40: {  	s24 =	rddreg [dreg:$0x3];
	s1 =	simm.s32 @!p3 $0x0;
	p3 =	seq.s32 s19, s5  }
0x41: {  	[tilespmem:s23], [sflag:$0x5] =	stream.indirect.gather [hbm4b:s24+s10], $0x40, s26, s10, $0x2000b8;
	[tilespmem:$0xF3C0] =	vst v63  }
0x42: {  	p1 =	por p1, p5;
	s19 =	simm.s32 @p3 $0x0;
	_ =	swait.ge [sflag:s11], $0x7800  }
.Ltmp2:
0x43: {  	p3 =	sne.s32 s14, s19;
	[sflag:s11] =	ssyncset.done $0x0;
	(pc) =	sbr.rel @p6 .LBB2_5-.Ltmp2, $4  }
0x44: {  	s28 =	simm.s32 @p1 $0x0;
	p4 =	por !p4, !p3;
	[sflag:s11] =	ssyncadd.s32 $0xFFFF8800  }
0x45: {  	s30 =	smul.u32 @p1 $0x7800, s0;
	p4 =	por !p4, !p4;
	_ =	strace $0x90000055  }
0x46: {  	s15 =	sadd.s32 s1, s15;
	s25 =	sadd.s32 @p4 s3, s19;
	_ =	strace @p1 $0x80000056  }
0x47: {  	s31 =	simm.s32 @!p4 $0x0;
	s24 =	sand.u32 @p4 $0x1, s16;
	s29 =	rddreg [dreg:$0x4]  }
0x48: {  	p6 =	por $0x1, $0x1  }
.LBB2_7:
0x49: {  	p5 =	por !p1, !p6  }
0x4a: {  	s0 =	sshrl.u32 @!p5 s30, $0x3  }
0x4b: {  	s1 =	sadd.s32 @!p5 $0x3, s22;
	s0 =	sadd.s32 @!p5 s29, s0  }
0x4c: {  	[hbm4b:s0+s28] =	stream.linear.scatter @!p5 [tilespmem:s23], [sflag:s1], $0x7800, $0x200038;
	[tilespmem:$0xF3C0] =	vst v63  }
0x4d: {  	p1 =	por p2, !p6;
	_ =	strace @!p5 $0x90000056  }
0x4e: {  	s16 =	smul.u32 @p4 $0x780, s24;
	s19 =	simm.s32 $0x0;
	_ =	strace @!p1 $0x80000057  }
0x4f: {  	s0 =	smul.u32 @p4 $0x1E0, s25;
	s1 =	simm.s32 $0x1;
	_ =	swait.ge @!p1 [sflag:s20], $0x7800  }
0x50: {  	s16 =	sshrl.u32 @p4 s16, $0x2;
	s1 =	simm.s32 @p5 $0x0;
	[sflag:s20] =	ssyncset.done @!p1 $0x0  }
0x51: {  	s17 =	sadd.s32 @p6 s1, s21;
	s0 =	sshrl.u32 @p4 s0, $0x3;
	[sflag:s20] =	ssyncadd.s32 @!p1 $0xFFFF8800  }
0x52: {  	s19 =	smov.u32 @p6 s17;
	s0 =	sadd.s32 @p4 s4, s0;
	_ =	strace @!p1 $0x90000057  }
0x53: {  	s17 =	sadd.s32 @p4 $0x1, s24;
	s20 =	simm.s32 @p4 $0x0;
	_ =	strace @p4 $0x80000053  }
0x54: {  	[tilespmem:s16], [sflag:s17] =	stream.linear.gather @p4 [hbm4b:s0+s20], $0x1E0, $0x200038;
	[tilespmem:$0xF3C0] =	vst v63  }
0x55: {  	s1 =	sadd.s32 @p6 s1, s18;
	s25 =	sand.u32 $0x1, s19;
	_ =	strace @p4 $0x90000053  }
0x56: {  	s26 =	sadd.s32 $0x1, s25;
	s17 =	simm.s32 $0x0;
	_ =	strace $0x80000054  }
0x57: {  	s17 =	smov.u32 @p6 s1;
	_ =	swait.ge [sflag:s26], $0x1E0  }
0x58: {  	s1 =	sand.u32 $0x1, s17;
	[sflag:s26] =	ssyncset.done $0x0  }
0x59: {  	s28 =	smul.u32 $0x1E000, s1;
	[sflag:s26] =	ssyncadd.s32 $0xFFFFFE20  }
0x5a: {  	p1 =	seq.s32 s25, $0x1;
	_ =	strace $0x90000054  }
0x5b: {  	s16 =	simm.s32 $0x1E0;
	s30 =	sshrl.u32 s28, $0x2;
	_ =	strace $0x80000055  }
0x5c: {  	s16 =	simm.s32 @!p1 $0x0;
	s0 =	sor.u32 $0x3C0, s30;
	s29 =	rddreg [dreg:$0x3]  }
0x5d: {  	[tilespmem:s0], [sflag:$0x5] =	stream.indirect.gather [hbm4b:s29+s10], $0x40, s16, s10, $0x2000b8;
	[tilespmem:$0xF3C0] =	vst v63  }
0x5e: {  	_ =	swait.ge [sflag:s11], $0x7800  }
0x5f: {  	p5 =	por p3, p3;
	p6 =	seq.s32 s7, s13;
	[sflag:s11] =	ssyncset.done $0x0  }
0x60: {  	s14 =	sadd.s32 s3, s14;
	p1 =	por p6, p5;
	[sflag:s11] =	ssyncadd.s32 $0xFFFF8800  }
0x61: {  	s14 =	smul.u32 @p1 $0x7800, s14;
	_ =	strace $0x90000055  }
0x62: {  	_ =	strace @p1 $0x80000056  }
0x63: {  	s14 =	sshrl.u32 @p1 s14, $0x3;
	s16 =	rddreg [dreg:$0x4]  }
0x64: {  	s17 =	simm.s32 @p1 $0x0;
	s1 =	sadd.s32 @p1 $0x3, s1;
	s14 =	sadd.s32 @p1 s16, s14  }
0x65: {  	[hbm4b:s14+s17] =	stream.linear.scatter @p1 [tilespmem:s0], [sflag:s1], $0x7800, $0x200038;
	[tilespmem:$0xF3C0] =	vst v63  }
0x66: {  	s0 =	sand.u32 @!p0 $0x1, s15;
	p0 =	por p0, p0;
	_ =	strace @p1 $0x90000056  }
0x67: {  	s0 =	sadd.s32 @!p0 $0x3, s0;
	_ =	strace @!p0 $0x80000057  }
0x68: {  	s1 =	simm.s32 $0x1;
	p1 =	sne.s32 s13, $0x0;
	_ =	swait.ge @!p0 [sflag:s0], $0x7800  }
0x69: {  	s1 =	simm.s32 @!p1 $0x0;
	[sflag:s0] =	ssyncset.done @!p0 $0x0  }
0x6a: {  	s12 =	sadd.s32 $0x1, s12;
	s1 =	sadd.s32 s1, s15;
	[sflag:s0] =	ssyncadd.s32 @!p0 $0xFFFF8800  }
0x6b: {  	s31 =	sand.u32 $0x1, s1;
	_ =	strace @!p0 $0x90000057;
	p0 =	sne.s32 s12, s8  }
.Ltmp3:
0x6c: {  	s0 =	sadd.s32 $0x3, s31;
	_ =	strace $0x80000058;
	(pc) =	sbr.rel @p0 .LBB2_1-.Ltmp3, $4  }
.Ltmp4:
0x6d: {  	_ =	swait.ge [sflag:s0], $0x7800;
	(pc) =	sbr.rel @!p0 .LBB2_8-.Ltmp4, $4  }
0x6e: {  	[sflag:s0] =	ssyncset.done $0x0  }
0x6f: {  	[sflag:s0] =	ssyncadd.s32 $0xFFFF8800  }
0x70: {  	_ =	strace $0x90000058  }
0x71: {  	_ = 	snop  }
.LBB2_2:
.Ltmp5:
0x72: {  	(pc) =	sbr.rel .LBB2_7-.Ltmp5, $3  }
0x73: {  	_ =	sdelay $0x1  }
0x74: {  	s15 =	simm.s32 $0x0;
	s13 =	simm.s32 $0x0  }
0x75: {  	s14 =	simm.s32 $0x0;
	s18 =	simm.s32 $0x0;
	s21 =	simm.s32 $0x0  }
.LBB2_4:
.Ltmp6:
0x76: {  	(pc) =	sbr.rel .LBB2_7-.Ltmp6, $2  }
0x77: {  	_ =	sdelay $0x2  }
0x78: {  	s18 =	simm.s32 $0x0;
	s21 =	simm.s32 $0x0;
	p6 =	por $0x1, $0x1  }
.LBB2_8:
0x79: {  	_ =	sfence.sel $0x180000  }
0x7a: {  	[bflag:$0x0] =	sbarrier.arrive $0xFFFF  }
0x7b: {  	_ =	strace $0x90000051  }
0x7c: {  	s0 =	stileid.u32;
	[bflag:$0x2] =	sbarrier.arrive $0xFFFF  }
0x7d: {  	p0 =	sne.s32 s0, $0x0;
	s0 =	rddreg [dreg:$0x2]  }
0x7e: {  	s0 =	sadd.s32 @!p0 $0x100000, s0  }
0x7f: {  	[sflag:s0] =	ssyncadd.tile.s32 @!p0 $0x1;
	_ =	shalt  }
.Lfunc_end2:
_tile_overlayer_lowered:
.L_overlay_start_2:
0x80: {  	(tag) =	ssettag $0x2  }
0x81: {  	s0 =	rddreg [dreg:$0x0];
	s2 =	stileid.u32  }
0x82: {  	s1 =	rddreg [dreg:$0x1];
	p0 =	sne.s32 s2, $0x0  }
0x83: {  	s3 =	rddreg [dreg:$0x2];
	[bflag:$0x3] =	sbarrier.arrive $0xFFFF;
	s2 =	simm.s32 @!p0 $0x1C01  }
0x84: {  	[timem:s3], [sflag:s2] =	dma.local @!p0 [hbm:s0], s1  }
0x85: {  	s0 =	simm.s32 @!p0 $0x1  }
0x86: {  	_ =	swait.ge @!p0 [sflag:s0], s1  }
0x87: {  	s1 =	ssub.s32 @!p0 $0x0, s1;
	[sflag:s0] =	ssyncset.done @!p0 $0x0  }
0x88: {  	[sflag:s0] =	ssyncadd.s32 @!p0 s1  }
0x89: {  	[bflag:$0x3] =	sbarrier.arrive $0xFFFF  }
0x8a: {  	_ =	shalt  }

// kernel: kernel.21.cloned.1.call-start
scs
__scs_entry_jumppad:
0x0: {  	(pc) =	sbr.rel $0x88, $3  }
0x1: {  	(tag) =	ssettag $0x0;
	lr =	simm.s32 $0x1  }
0x2: {  	[smem:$0x3F8A] =	sst lr;
	_ =	strace $0xD0000000  }
0x3: {  	_ = 	snop  }
0x4: {  	_ = 	snop  }
0x5: {  	_ = 	snop  }
0x6: {  	_ = 	snop  }
0x7: {  	_ = 	snop  }
__scs_overlays_trampoline_lowered:
0x8: {  	[smem:$0x3F99] =	sst s0  }
0x9: {  	[smem:$0x3F9A] =	sst s1  }
0xa: {  	[smem:$0x3F9B] =	sst s2  }
0xb: {  	[smem:$0x3F9C] =	sst s3  }
0xc: {  	[smem:$0x3F9D] =	sst s4  }
0xd: {  	[smem:$0x3F9E] =	sst s5  }
0xe: {  	[smem:$0x3F9F] =	sst s6  }
0xf: {  	[smem:$0x3FA0] =	sst s7  }
0x10: {  	[smem:$0x3FA1] =	sst s8  }
0x11: {  	[smem:$0x3FA2] =	sst s9;
	s0 =	simm.s32 @!p0 $0x0  }
0x12: {  	s1 =	sld [smem:$0x3F88];
	s0 =	simm.s32 @p0 $0x1  }
0x13: {  	[smem:$0x3FA3] =	sst s0;
	s0 =	simm.s32 @!p1 $0x0  }
0x14: {  	s2 =	sld [smem:$0x3F87];
	s0 =	simm.s32 @p1 $0x1  }
0x15: {  	[smem:$0x3FA4] =	sst s0;
	s0 =	simm.s32 @!p2 $0x0  }
0x16: {  	s3 =	sld [smem:$0x3FDB];
	s0 =	simm.s32 @p2 $0x1  }
0x17: {  	s4 =	simm.s32 $0x1BF5;
	[smem:$0x3FA6] =	sst s0  }
0x18: {  	s0 =	sld [smem:$0x3F89];
	_ =	swait.ge [sflag:s4], $0x0  }
0x19: {  	s7 =	sld [smem:$0x3F8A]  }
0x1a: {  	s8 =	sadd.s32 $0xFFFFE003, lr  }
0x1b: {  	s9 =	sadd.s32 $0xFFFFFEF7, lr;
	s5 =	simm.s32 $0xFFFFFFFF;
	p2 =	slt.u32 s8, $0xFFFFF086  }
0x1c: {  	p1 =	slt.u32 s9, $0xF7A;
	s5 =	simm.s32 @!p2 $0x0  }
0x1d: {  	s5 =	simm.s32 @p1 $0x1;
	p0 =	seq.s32 s7, s2  }
0x1e: {  	s7 =	smul.u32 @!p0 $0xF7A, s2;
	p2 =	seq.s32 @!p0 s5, $0x0  }
0x1f: {  	s9 =	smul.u32 $0xF7A, s1;
	s8 =	simm.s32 @!p0 $0x1BF5;
	p2 =	por !p2, p0  }
0x20: {  	[sflag:s8] =	ssyncset.s32 @!p0 $0xFFFFF086;
	s6 =	sadd.s32 @!p0 s3, s7;
	s7 =	simm.s32 @!p0 $0x108  }
0x21: {  	s3 =	sadd.s32 s3, s9;
	s6 =	sadd.s32 @!p0 $0x88, s6;
	s7 =	simm.s32 @p2 $0x1082  }
0x22: {  	[simem:s7], [sflag:s8] =	dma.local @!p0 [hbm:s6], $0xF7A  }
0x23: {  	s9 =	sor.u32 $0xD0000000, s2;
	s6 =	simm.s32 $0x108;
	_ =	swait.ge @!p0 [sflag:s8], $0x0  }
0x24: {  	s3 =	sadd.s32 $0x88, s3;
	s6 =	simm.s32 @!p1 $0x1082;
	[sflag:s4] =	ssyncset.s32 $0xFFFFF086  }
0x25: {  	[simem:s6], [sflag:s4] =	dma.local [hbm:s3], $0xF7A  }
0x26: {  	[smem:$0x3F8A] =	sst s1;
	(tag) =	ssettag s2;
	_ =	strace s9  }
0x27: {  	s1 =	sld [smem:$0x3F9A]  }
0x28: {  	s2 =	sld [smem:$0x3F9B]  }
0x29: {  	s4 =	sld [smem:$0x3F9D]  }
0x2a: {  	p0 =	seq.s32 s5, $0x0;
	s5 =	sld [smem:$0x3F9E]  }
0x2b: {  	s6 =	sld [smem:$0x3F9F]  }
0x2c: {  	s7 =	sld [smem:$0x3FA0]  }
0x2d: {  	s3 =	simm.s32 $0x108;
	s8 =	sld [smem:$0x3FA1]  }
0x2e: {  	s3 =	simm.s32 @!p0 $0x1082;
	s9 =	sld [smem:$0x3FA2]  }
0x2f: {  	lr =	sadd.s32 s0, s3;
	s0 =	sld [smem:$0x3F99]  }
0x30: {  	s3 =	sld [smem:$0x3F9C]  }
0x31: {  	[smem:$0x3FA5] =	sst s10  }
0x32: {  	s10 =	sld [smem:$0x3FA3];
	_ =	sdelay $0x3  }
0x33: {  	p0 =	seq.s32 s10, $0x1;
	s10 =	sld [smem:$0x3FA5];
	_ =	sdelay $0x3  }
0x34: {  	[smem:$0x3FA5] =	sst s10  }
0x35: {  	s10 =	sld [smem:$0x3FA4];
	_ =	sdelay $0x3  }
0x36: {  	p1 =	seq.s32 s10, $0x1;
	s10 =	sld [smem:$0x3FA5];
	_ =	sdelay $0x3  }
0x37: {  	[smem:$0x3FA5] =	sst s10  }
0x38: {  	s10 =	sld [smem:$0x3FA6]  }
0x39: {  	_ = 	snop;
	(pc) =	sbr.ind lr, $3  }
0x3a: {  	_ = 	snop  }
0x3b: {  	_ = 	snop  }
0x3c: {  	p2 =	seq.s32 s10, $0x1;
	s10 =	sld [smem:$0x3FA5]  }
0x3d: {  	_ =	shalt  }
0x3e: {  	_ =	shalt  }
0x3f: {  	_ =	shalt  }
0x40: {  	_ =	shalt  }
0x41: {  	_ =	shalt  }
0x42: {  	_ =	shalt  }
0x43: {  	_ =	shalt  }
0x44: {  	_ =	shalt  }
0x45: {  	_ =	shalt  }
0x46: {  	_ =	shalt  }
0x47: {  	_ =	shalt  }
0x48: {  	_ =	shalt  }
0x49: {  	_ =	shalt  }
0x4a: {  	_ =	shalt  }
0x4b: {  	_ =	shalt  }
0x4c: {  	_ =	shalt  }
0x4d: {  	_ =	shalt  }
0x4e: {  	_ =	shalt  }
0x4f: {  	_ =	shalt  }
0x50: {  	_ =	shalt  }
0x51: {  	_ =	shalt  }
0x52: {  	_ =	shalt  }
0x53: {  	_ =	shalt  }
0x54: {  	_ =	shalt  }
0x55: {  	_ =	shalt  }
0x56: {  	_ =	shalt  }
0x57: {  	_ =	shalt  }
0x58: {  	_ =	shalt  }
0x59: {  	_ =	shalt  }
0x5a: {  	_ =	shalt  }
0x5b: {  	_ =	shalt  }
0x5c: {  	_ =	shalt  }
0x5d: {  	_ =	shalt  }
0x5e: {  	_ =	shalt  }
0x5f: {  	_ =	shalt  }
0x60: {  	_ =	shalt  }
0x61: {  	_ =	shalt  }
0x62: {  	_ =	shalt  }
0x63: {  	_ =	shalt  }
0x64: {  	_ =	shalt  }
0x65: {  	_ =	shalt  }
0x66: {  	_ =	shalt  }
0x67: {  	_ =	shalt  }
0x68: {  	_ =	shalt  }
0x69: {  	_ =	shalt  }
0x6a: {  	_ =	shalt  }
0x6b: {  	_ =	shalt  }
0x6c: {  	_ =	shalt  }
0x6d: {  	_ =	shalt  }
0x6e: {  	_ =	shalt  }
0x6f: {  	_ =	shalt  }
0x70: {  	_ =	shalt  }
0x71: {  	_ =	shalt  }
0x72: {  	_ =	shalt  }
0x73: {  	_ =	shalt  }
0x74: {  	_ =	shalt  }
0x75: {  	_ =	shalt  }
0x76: {  	_ =	shalt  }
0x77: {  	_ =	shalt  }
0x78: {  	_ =	shalt  }
0x79: {  	_ =	shalt  }
0x7a: {  	_ =	shalt  }
0x7b: {  	_ =	shalt  }
0x7c: {  	_ =	shalt  }
0x7d: {  	_ =	shalt  }
0x7e: {  	_ =	shalt  }
0x7f: {  	_ =	shalt  }
0x80: {  	_ =	shalt  }
0x81: {  	_ =	shalt  }
0x82: {  	_ =	shalt  }
0x83: {  	_ =	shalt  }
0x84: {  	_ =	shalt  }
0x85: {  	_ =	shalt  }
0x86: {  	_ =	shalt  }
0x87: {  	_ =	shalt  }
.Lfunc_end0:
.L_simem_size_0:
called_computation.2_lowered:
.L_overlay_start_0:
0x88: {  	s2 =	sld [smem:$0x3FD9]  }
0x89: {  	s3 =	sld [smem:$0x3FFE];
	_ =	sdelay $0x1  }
0x8a: {  	s1 =	srdreg.scid  }
0x8b: {  	s0 =	sand.u32 $0x1, s1  }
0x8c: {  	s17 =	sshll.u32 s0, $0xA;
	s2 =	sadd.s32 s3, s2  }
0x8d: {  	s2 =	sadd.s32 s2, s17  }
0x8e: {  	[smem:$0x3FB1] =	sst s2  }
0x8f: {  	_ = 	snop  }
0x90: {  	s2 =	sld [smem:$0x3FD0];
	(tm) =	ssettm $0x1  }
0x91: {  	s18 =	sld [smem:$0x3FFB];
	_ =	sdelay $0x3  }
0x92: {  	_ =	strace s18  }
0x93: {  	s3 =	sld [smem:$0x3FFC];
	_ =	sdelay $0x3  }
0x94: {  	_ =	strace s3  }
0x95: {  	s3 =	sld [smem:$0x3FFD];
	_ =	sdelay $0x3  }
0x96: {  	_ =	strace s3  }
0x97: {  	_ =	strace $0x8FFFFFFF  }
0x98: {  	s19 =	sld [smem:$0x3FDB];
	_ =	sdelay $0x1  }
0x99: {  	s4 =	simm.s32 $_scs_section_size  }
0x9a: {  	s5 =	simm.s32 $_size__tile_overlayer_lowered;
	s6 =	simm.s32 $_tile_overlayer_lowered  }
0x9b: {  	s22 =	simm.s32 $0x1BFF;
	s21 =	sshll.u32 s6, $0x1;
	s3 =	sadd.s32 s4, s19  }
0x9c: {  	s7 =	simm.s32 $0x0;
	s20 =	sshll.u32 s5, $0x1;
	s5 =	sadd.s32 s21, s3  }
0x9d: {  	[timem:s7], [sflag:s22] =	dma.local [hbm:s5], s20  }
0x9e: {  	_ =	swait.ge [sflag:s22], s20  }
0x9f: {  	s4 =	ssub.s32 $0x0, s20;
	[sflag:s22] =	ssyncset.done $0x0  }
0xa0: {  	[sflag:s22] =	ssyncadd.s32 s4;
	_ =	sdelay $0x1  }
0xa1: {  	s23 =	simm.s32 $0x1B8B  }
0xa2: {  	_ =	swait.ge [sflag:s23], $0x1  }
0xa3: {  	[sflag:s23] =	ssyncset.done $0x0  }
0xa4: {  	s25 =	simm.s32 $0x1B8E;
	s24 =	sld [smem:$0x3FFE];
	[sflag:s23] =	ssyncadd.s32 $0xFFFFFFFF  }
0xa5: {  	s26 =	simm.s32 $execute0_lowered;
	[smem:$0x3FD2] =	sst s25  }
0xa6: {  	s5 =	sshll.u32 s26, $0x1;
	_ =	strace $0x8000005A;
	[dreg:$0x1] =	wrdreg $0xFFFFFFFF  }
0xa7: {  	s28 =	simm.s32 $_size_execute0_lowered;
	s3 =	sadd.s32 s3, s5;
	[dreg:$0x0] =	wrdreg $0x0  }
0xa8: {  	s5 =	sshll.u32 s28, $0x1;
	[dreg:$0x2] =	wrdreg s3  }
0xa9: {  	[dreg:$0x3] =	wrdreg s5  }
0xaa: {  	[dreg:$0x4] =	wrdreg $0xC0  }
0xab: {  	_ =	task [dreg:s7], $0x5FFFF  }
0xac: {  	[dreg:$0x1] =	wrdreg $0xFFFFFFFF  }
0xad: {  	[dreg:$0x0] =	wrdreg $0x60  }
0xae: {  	[dreg:$0x2] =	wrdreg s2  }
0xaf: {  	[dreg:$0x3] =	wrdreg s24  }
0xb0: {  	[dreg:$0x4] =	wrdreg $0x9  }
0xb1: {  	_ =	task.clear_ibuf [dreg:s7], $0x5FFFF;
	_ =	strace $0x9000005A  }
0xb2: {  	s29 =	simm.s32 $0x9;
	_ =	strace $0x80000063  }
0xb3: {  	_ =	swait.ge [sflag:s29], $0x1  }
0xb4: {  	[sflag:s29] =	ssyncadd.s32 $0xFFFFFFFF  }
0xb5: {  	_ =	strace $0x90000063  }
0xb6: {  	_ =	sfence  }
0xb7: {  	s30 =	sld [smem:$0x0];
	_ =	sdelay $0x2  }
0xb8: {  	s31 =	sshll.u32 s1, $0xD;
	s1 =	sshrl.u32 s1, $0x2  }
0xb9: {  	s3 =	sand.u32 $0x4000, s31;
	s1 =	sadd.s32 s1, s30  }
0xba: {  	s0 =	sor.u32 s3, s0;
	s1 =	sshll.u32 s1, $0x11  }
0xbb: {  	s0 =	sor.u32 s1, s0  }
0xbc: {  	s0 =	sadd.s32 $0x8F2B, s0  }
0xbd: {  	[sflag:s0] =	ssyncadd.remote.s32 $0x1  }
0xbe: {  	_ =	sfence.sel $0xFFFF  }
0xbf: {  	[dreg:$0x0] =	wrdreg $0xFFFFFFFF;
	(pc) =	sbr.abs _section_cstart, $3  }
0xc0: {  	[dreg:$0x1] =	wrdreg $0xFFFFFFFF  }
0xc1: {  	_ =	task.clear_ibuf [dreg:s7], $0x2FFFF;
	_ =	strace $0x9FFFFFFF  }
0xc2: {  	(tm) =	ssettm $0x7FFFFFFF  }
0xc3: {  	_ =	shalt  }
tec
execute0_lowered:
.L_overlay_start_1:
0x0: {  	(tag) =	ssettag $0x1  }
0x1: {  	s0 =	srdreg.scid;
	s1 =	rddreg [dreg:$0x0]  }
0x2: {  	s29 =	stileid.u32;
	s6 =	rddreg [dreg:$0x1];
	s5 =	sand.u32 $0x1, s0  }
0x3: {  	s10 =	simm.s32 $0x1E0;
	s11 =	simm.s32 $0x5;
	s2 =	sshll.u32 s5, $0x4  }
0x4: {  	s12 =	simm.s32 $0x0;
	[dreg:$0x3] =	wrdreg s1;
	s3 =	sor.u32 s29, s2  }
0x5: {  	s30 =	ssub.s32 $0x2, s5;
	s5 =	simm.s32 $0x28;
	s4 =	smul.u32 $0x27, s3  }
0x6: {  	s2 =	simm.s32 $0x0;
	s31 =	sshrl.u32 s30, $0x1;
	s7 =	smul.u32 $0x28, s3  }
0x7: {  	[smem:$0x7FF] =	sst s2;
	p0 =	slt.u32 s3, $0x2;
	s3 =	sadd.s32 $0x2, s4  }
0x8: {  	s9 =	ssub.s32 s30, s31;
	s5 =	simm.s32 @!p0 $0x27;
	s3 =	smov.u32 @p0 s7  }
0x9: {  	s4 =	sadd.s32 $0x4600, s6;
	s6 =	sadd.s32 $0xF46C00, s6;
	s8 =	smul.u32 $0x3C, s3  }
0xa: {  	_ =	strace $0x8000005B;
	[dreg:$0x4] =	wrdreg s6;
	s7 =	sadd.s32 $0xFFFFFFFF, s5  }
0xb: {  	s6 =	sadd.s32 s4, s8;
	s8 =	smax.u32 s9, $0x1;
	s9 =	simm.s32 $0x1  }
.LBB2_1:
0xc: {  	_ =	strace $0x8000005C  }
0xd: {  	p0 =	seq.s32 s5, $0x1;
	s14 =	simm.s32 $0x1;
	p1 =	sne.s32 s5, $0x1  }
0xe: {  	[tilespmem:s2], [sflag:$0x1] =	stream.linear.gather [hbm4b:s6+s2], $0x1E0, $0x200038;
	[tilespmem:$0xF3C0] =	vst v63  }
.Ltmp0:
0xf: {  	s14 =	simm.s32 @p0 $0x0;
	(pc) =	sbr.rel @!p1 .LBB2_2-.Ltmp0, $4  }
0x10: {  	p6 =	sgt.u32 s7, $0x0;
	s13 =	simm.s32 $0x1;
	p3 =	sne.s32 s14, $0x0  }
0x11: {  	s15 =	simm.s32 $0x1;
	_ =	strace $0x9000005C;
	p0 =	por !p6, !p3  }
0x12: {  	p6 =	por $0x0, $0x0;
	p4 =	por !p0, !p0;
	p0 =	por $0x1, $0x1  }
0x13: {  	s25 =	sadd.s32 @p4 s3, s14;
	s15 =	simm.s32 @!p4 $0x0;
	s24 =	sand.u32 @p4 $0x1, s9  }
0x14: {  	s16 =	smul.u32 @p4 $0x1E0, s25  }
0x15: {  	s17 =	smul.u32 @p4 $0x780, s24;
	s18 =	sadd.s32 @p4 $0x1, s24;
	s19 =	simm.s32 @p4 $0x0  }
0x16: {  	_ =	strace @p4 $0x8000005D;
	s22 =	sand.u32 $0x1, s2;
	p1 =	por p3, p3  }
0x17: {  	p5 =	sne.s32 s5, $0x2;
	p2 =	por p0, p0;
	s24 =	simm.s32 $0x1E0  }
0x18: {  	p6 =	seq.s32 s7, $0x0;
	s31 =	simm.s32 $0x1;
	s25 =	sadd.s32 $0x1, s22  }
0x19: {  	p3 =	seq.s32 s22, $0x1;
	s26 =	smul.u32 $0x1E000, s22;
	s16 =	sshrl.u32 @p4 s16, $0x3  }
0x1a: {  	p1 =	por p6, p1;
	s17 =	sshrl.u32 @p4 s17, $0x2;
	s16 =	sadd.s32 @p4 s4, s16  }
0x1b: {  	[tilespmem:s17], [sflag:s18] =	stream.linear.gather @p4 [hbm4b:s16+s19], $0x1E0, $0x200038;
	[tilespmem:$0xF3C0] =	vst v63  }
0x1c: {  	s24 =	simm.s32 @!p3 $0x0;
	s28 =	simm.s32 @p1 $0x0;
	_ =	strace @p4 $0x9000005D  }
0x1d: {  	s19 =	sand.u32 @!p0 $0x1, s2;
	s16 =	sadd.s32 $0x1, s15;
	_ =	strace $0x8000005E  }
0x1e: {  	s17 =	simm.s32 $0x2;
	s18 =	sadd.s32 $0x0, s3;
	_ =	swait.ge [sflag:s25], $0x1E0  }
0x1f: {  	s15 =	sshrl.u32 s26, $0x2;
	p0 =	por $0x0, $0x0;
	[sflag:s25] =	ssyncset.done $0x0  }
0x20: {  	s20 =	sadd.s32 @!p2 $0x3, s19;
	s19 =	sadd.s32 $0x1, s14;
	[sflag:s25] =	ssyncadd.s32 $0xFFFFFE20  }
0x21: {  	s23 =	sor.u32 $0x3C0, s15;
	s15 =	simm.s32 $0x1;
	_ =	strace $0x9000005E  }
0x22: {  	s30 =	smul.u32 @p1 $0x7800, s18;
	s18 =	simm.s32 $0x0;
	_ =	strace $0x8000005F  }
0x23: {  	s15 =	simm.s32 @!p0 $0x0;
	p4 =	seq.s32 s19, s5;
	s21 =	rddreg [dreg:$0x3]  }
0x24: {  	[tilespmem:s23], [sflag:$0x5] =	stream.indirect.gather [hbm4b:s21+s10], $0x40, s24, s10, $0x2000b8;
	[tilespmem:$0xF3C0] =	vst v63  }
0x25: {  	s19 =	simm.s32 @p4 $0x0;
	p4 =	sgt.u32 s7, $0x1;
	_ =	swait.ge [sflag:s11], $0x7800  }
.Ltmp1:
0x26: {  	p3 =	sne.s32 s14, s19;
	[sflag:s11] =	ssyncset.done $0x0;
	(pc) =	sbr.rel @!p5 .LBB2_4-.Ltmp1, $4  }
0x27: {  	p0 =	por $0x0, $0x0;
	p4 =	por !p4, !p3;
	[sflag:s11] =	ssyncadd.s32 $0xFFFF8800  }
0x28: {  	s15 =	sadd.s32 $0x0, s15;
	p4 =	por !p4, !p4;
	_ =	strace $0x9000005F  }
0x29: {  	s25 =	sadd.s32 @p4 s3, s19;
	s31 =	simm.s32 @!p4 $0x0;
	_ =	strace @p1 $0x80000060  }
0x2a: {  	s24 =	sand.u32 @p4 $0x1, s16;
	s21 =	simm.s32 $0x0;
	s29 =	rddreg [dreg:$0x4]  }
.LBB2_5:
0x2b: {  	s1 =	smul.u32 @p4 $0x1E0, s25;
	s26 =	sand.u32 @!p0 $0x1, s15  }
0x2c: {  	s22 =	sadd.s32 @p1 $0x3, s22;
	s25 =	smov.u32 s13;
	s30 =	sshrl.u32 @p1 s30, $0x3  }
0x2d: {  	s13 =	smov.u32 s17;
	s0 =	smov.u32 s14;
	s29 =	sadd.s32 @p1 s29, s30  }
0x2e: {  	[hbm4b:s29+s28] =	stream.linear.scatter @p1 [tilespmem:s23], [sflag:s22], $0x7800, $0x200038;
	[tilespmem:$0xF3C0] =	vst v63  }
0x2f: {  	p5 =	por p3, p3;
	s14 =	smul.u32 @p4 $0x780, s24;
	_ =	strace @p1 $0x90000060  }
0x30: {  	s16 =	sadd.s32 s31, s16;
	s17 =	sadd.s32 $0x1, s17;
	_ =	strace @!p2 $0x80000061  }
0x31: {  	s31 =	simm.s32 $0x1;
	p6 =	sne.s32 s5, s17;
	_ =	swait.ge @!p2 [sflag:s20], $0x7800  }
0x32: {  	s1 =	sshrl.u32 @p4 s1, $0x3;
	s30 =	simm.s32 $0x1;
	[sflag:s20] =	ssyncset.done @!p2 $0x0  }
0x33: {  	s30 =	simm.s32 @!p1 $0x0;
	s23 =	sshrl.u32 @p4 s14, $0x2;
	[sflag:s20] =	ssyncadd.s32 @!p2 $0xFFFF8800  }
0x34: {  	s1 =	sadd.s32 @p4 s4, s1;
	s21 =	sadd.s32 s30, s21;
	_ =	strace @!p2 $0x90000061  }
0x35: {  	s20 =	sadd.s32 @p4 $0x1, s24;
	s24 =	simm.s32 @p4 $0x0;
	_ =	strace @p4 $0x8000005D  }
0x36: {  	[tilespmem:s23], [sflag:s20] =	stream.linear.gather @p4 [hbm4b:s1+s24], $0x1E0, $0x200038;
	[tilespmem:$0xF3C0] =	vst v63  }
0x37: {  	s0 =	sadd.s32 s3, s0;
	s22 =	sand.u32 $0x1, s21;
	_ =	strace @p4 $0x9000005D  }
0x38: {  	p1 =	seq.s32 s22, $0x1;
	s22 =	sadd.s32 $0x1, s22;
	_ =	strace $0x8000005E  }
0x39: {  	p3 =	sne.s32 s25, $0x0;
	s14 =	smov.u32 s19;
	_ =	swait.ge [sflag:s22], $0x1E0  }
0x3a: {  	s19 =	sadd.s32 $0x1, s19;
	s18 =	sadd.s32 s30, s18;
	[sflag:s22] =	ssyncset.done $0x0  }
0x3b: {  	p2 =	por p0, p0;
	[sflag:s22] =	ssyncadd.s32 $0xFFFFFE20;
	s22 =	sand.u32 $0x1, s18  }
0x3c: {  	s20 =	sadd.s32 @!p2 $0x3, s26;
	s26 =	simm.s32 $0x1E0;
	s23 =	smul.u32 $0x1E000, s22  }
0x3d: {  	p0 =	seq.s32 s13, $0x0;
	s26 =	simm.s32 @!p1 $0x0;
	p1 =	seq.s32 s7, s25  }
0x3e: {  	p4 =	slt.u32 s13, s7;
	_ =	strace $0x9000005E;
	s1 =	sshrl.u32 s23, $0x2  }
0x3f: {  	_ =	strace $0x8000005F;
	s23 =	sor.u32 $0x3C0, s1;
	s1 =	simm.s32 $0x1  }
0x40: {  	s24 =	rddreg [dreg:$0x3];
	s1 =	simm.s32 @!p3 $0x0;
	p3 =	seq.s32 s19, s5  }
0x41: {  	[tilespmem:s23], [sflag:$0x5] =	stream.indirect.gather [hbm4b:s24+s10], $0x40, s26, s10, $0x2000b8;
	[tilespmem:$0xF3C0] =	vst v63  }
0x42: {  	p1 =	por p1, p5;
	s19 =	simm.s32 @p3 $0x0;
	_ =	swait.ge [sflag:s11], $0x7800  }
.Ltmp2:
0x43: {  	p3 =	sne.s32 s14, s19;
	[sflag:s11] =	ssyncset.done $0x0;
	(pc) =	sbr.rel @p6 .LBB2_5-.Ltmp2, $4  }
0x44: {  	s28 =	simm.s32 @p1 $0x0;
	p4 =	por !p4, !p3;
	[sflag:s11] =	ssyncadd.s32 $0xFFFF8800  }
0x45: {  	s30 =	smul.u32 @p1 $0x7800, s0;
	p4 =	por !p4, !p4;
	_ =	strace $0x9000005F  }
0x46: {  	s15 =	sadd.s32 s1, s15;
	s25 =	sadd.s32 @p4 s3, s19;
	_ =	strace @p1 $0x80000060  }
0x47: {  	s31 =	simm.s32 @!p4 $0x0;
	s24 =	sand.u32 @p4 $0x1, s16;
	s29 =	rddreg [dreg:$0x4]  }
0x48: {  	p6 =	por $0x1, $0x1  }
.LBB2_7:
0x49: {  	p5 =	por !p1, !p6  }
0x4a: {  	s0 =	sshrl.u32 @!p5 s30, $0x3  }
0x4b: {  	s1 =	sadd.s32 @!p5 $0x3, s22;
	s0 =	sadd.s32 @!p5 s29, s0  }
0x4c: {  	[hbm4b:s0+s28] =	stream.linear.scatter @!p5 [tilespmem:s23], [sflag:s1], $0x7800, $0x200038;
	[tilespmem:$0xF3C0] =	vst v63  }
0x4d: {  	p1 =	por p2, !p6;
	_ =	strace @!p5 $0x90000060  }
0x4e: {  	s16 =	smul.u32 @p4 $0x780, s24;
	s19 =	simm.s32 $0x0;
	_ =	strace @!p1 $0x80000061  }
0x4f: {  	s0 =	smul.u32 @p4 $0x1E0, s25;
	s1 =	simm.s32 $0x1;
	_ =	swait.ge @!p1 [sflag:s20], $0x7800  }
0x50: {  	s16 =	sshrl.u32 @p4 s16, $0x2;
	s1 =	simm.s32 @p5 $0x0;
	[sflag:s20] =	ssyncset.done @!p1 $0x0  }
0x51: {  	s17 =	sadd.s32 @p6 s1, s21;
	s0 =	sshrl.u32 @p4 s0, $0x3;
	[sflag:s20] =	ssyncadd.s32 @!p1 $0xFFFF8800  }
0x52: {  	s19 =	smov.u32 @p6 s17;
	s0 =	sadd.s32 @p4 s4, s0;
	_ =	strace @!p1 $0x90000061  }
0x53: {  	s17 =	sadd.s32 @p4 $0x1, s24;
	s20 =	simm.s32 @p4 $0x0;
	_ =	strace @p4 $0x8000005D  }
0x54: {  	[tilespmem:s16], [sflag:s17] =	stream.linear.gather @p4 [hbm4b:s0+s20], $0x1E0, $0x200038;
	[tilespmem:$0xF3C0] =	vst v63  }
0x55: {  	s1 =	sadd.s32 @p6 s1, s18;
	s25 =	sand.u32 $0x1, s19;
	_ =	strace @p4 $0x9000005D  }
0x56: {  	s26 =	sadd.s32 $0x1, s25;
	s17 =	simm.s32 $0x0;
	_ =	strace $0x8000005E  }
0x57: {  	s17 =	smov.u32 @p6 s1;
	_ =	swait.ge [sflag:s26], $0x1E0  }
0x58: {  	s1 =	sand.u32 $0x1, s17;
	[sflag:s26] =	ssyncset.done $0x0  }
0x59: {  	s28 =	smul.u32 $0x1E000, s1;
	[sflag:s26] =	ssyncadd.s32 $0xFFFFFE20  }
0x5a: {  	p1 =	seq.s32 s25, $0x1;
	_ =	strace $0x9000005E  }
0x5b: {  	s16 =	simm.s32 $0x1E0;
	s30 =	sshrl.u32 s28, $0x2;
	_ =	strace $0x8000005F  }
0x5c: {  	s16 =	simm.s32 @!p1 $0x0;
	s0 =	sor.u32 $0x3C0, s30;
	s29 =	rddreg [dreg:$0x3]  }
0x5d: {  	[tilespmem:s0], [sflag:$0x5] =	stream.indirect.gather [hbm4b:s29+s10], $0x40, s16, s10, $0x2000b8;
	[tilespmem:$0xF3C0] =	vst v63  }
0x5e: {  	_ =	swait.ge [sflag:s11], $0x7800  }
0x5f: {  	p5 =	por p3, p3;
	p6 =	seq.s32 s7, s13;
	[sflag:s11] =	ssyncset.done $0x0  }
0x60: {  	s14 =	sadd.s32 s3, s14;
	p1 =	por p6, p5;
	[sflag:s11] =	ssyncadd.s32 $0xFFFF8800  }
0x61: {  	s14 =	smul.u32 @p1 $0x7800, s14;
	_ =	strace $0x9000005F  }
0x62: {  	_ =	strace @p1 $0x80000060  }
0x63: {  	s14 =	sshrl.u32 @p1 s14, $0x3;
	s16 =	rddreg [dreg:$0x4]  }
0x64: {  	s17 =	simm.s32 @p1 $0x0;
	s1 =	sadd.s32 @p1 $0x3, s1;
	s14 =	sadd.s32 @p1 s16, s14  }
0x65: {  	[hbm4b:s14+s17] =	stream.linear.scatter @p1 [tilespmem:s0], [sflag:s1], $0x7800, $0x200038;
	[tilespmem:$0xF3C0] =	vst v63  }
0x66: {  	s0 =	sand.u32 @!p0 $0x1, s15;
	p0 =	por p0, p0;
	_ =	strace @p1 $0x90000060  }
0x67: {  	s0 =	sadd.s32 @!p0 $0x3, s0;
	_ =	strace @!p0 $0x80000061  }
0x68: {  	s1 =	simm.s32 $0x1;
	p1 =	sne.s32 s13, $0x0;
	_ =	swait.ge @!p0 [sflag:s0], $0x7800  }
0x69: {  	s1 =	simm.s32 @!p1 $0x0;
	[sflag:s0] =	ssyncset.done @!p0 $0x0  }
0x6a: {  	s12 =	sadd.s32 $0x1, s12;
	s1 =	sadd.s32 s1, s15;
	[sflag:s0] =	ssyncadd.s32 @!p0 $0xFFFF8800  }
0x6b: {  	s31 =	sand.u32 $0x1, s1;
	_ =	strace @!p0 $0x90000061;
	p0 =	sne.s32 s12, s8  }
.Ltmp3:
0x6c: {  	s0 =	sadd.s32 $0x3, s31;
	_ =	strace $0x80000062;
	(pc) =	sbr.rel @p0 .LBB2_1-.Ltmp3, $4  }
.Ltmp4:
0x6d: {  	_ =	swait.ge [sflag:s0], $0x7800;
	(pc) =	sbr.rel @!p0 .LBB2_8-.Ltmp4, $4  }
0x6e: {  	[sflag:s0] =	ssyncset.done $0x0  }
0x6f: {  	[sflag:s0] =	ssyncadd.s32 $0xFFFF8800  }
0x70: {  	_ =	strace $0x90000062  }
0x71: {  	_ = 	snop  }
.LBB2_2:
.Ltmp5:
0x72: {  	(pc) =	sbr.rel .LBB2_7-.Ltmp5, $3  }
0x73: {  	_ =	sdelay $0x1  }
0x74: {  	s15 =	simm.s32 $0x0;
	s13 =	simm.s32 $0x0  }
0x75: {  	s14 =	simm.s32 $0x0;
	s18 =	simm.s32 $0x0;
	s21 =	simm.s32 $0x0  }
.LBB2_4:
.Ltmp6:
0x76: {  	(pc) =	sbr.rel .LBB2_7-.Ltmp6, $2  }
0x77: {  	_ =	sdelay $0x2  }
0x78: {  	s18 =	simm.s32 $0x0;
	s21 =	simm.s32 $0x0;
	p6 =	por $0x1, $0x1  }
.LBB2_8:
0x79: {  	_ =	sfence.sel $0x180000  }
0x7a: {  	[bflag:$0x0] =	sbarrier.arrive $0xFFFF  }
0x7b: {  	_ =	strace $0x9000005B  }
0x7c: {  	s0 =	stileid.u32;
	[bflag:$0x2] =	sbarrier.arrive $0xFFFF  }
0x7d: {  	p0 =	sne.s32 s0, $0x0;
	s0 =	rddreg [dreg:$0x2]  }
0x7e: {  	s0 =	sadd.s32 @!p0 $0x100000, s0  }
0x7f: {  	[sflag:s0] =	ssyncadd.tile.s32 @!p0 $0x1;
	_ =	shalt  }
.Lfunc_end2:
_tile_overlayer_lowered:
.L_overlay_start_2:
0x80: {  	(tag) =	ssettag $0x2  }
0x81: {  	s0 =	rddreg [dreg:$0x0];
	s2 =	stileid.u32  }
0x82: {  	s1 =	rddreg [dreg:$0x1];
	p0 =	sne.s32 s2, $0x0  }
0x83: {  	s3 =	rddreg [dreg:$0x2];
	[bflag:$0x3] =	sbarrier.arrive $0xFFFF;
	s2 =	simm.s32 @!p0 $0x1C01  }
0x84: {  	[timem:s3], [sflag:s2] =	dma.local @!p0 [hbm:s0], s1  }
0x85: {  	s0 =	simm.s32 @!p0 $0x1  }
0x86: {  	_ =	swait.ge @!p0 [sflag:s0], s1  }
0x87: {  	s1 =	ssub.s32 @!p0 $0x0, s1;
	[sflag:s0] =	ssyncset.done @!p0 $0x0  }
0x88: {  	[sflag:s0] =	ssyncadd.s32 @!p0 s1  }
0x89: {  	[bflag:$0x3] =	sbarrier.arrive $0xFFFF  }
0x8a: {  	_ =	shalt  }

</sc_bundles>
